<compile_context>
chip_gen: v7x
topology: tpu7x:2x2x1
jax: 0.10.2.dev20260603
libtpu: 0.0.44.dev20260713+nightly
codegen_flags: <defaults>
</compile_context>

<pallas_src>
import functools
import jax
import jax.numpy as jnp
from jax.experimental import pallas as pl
from jax.experimental.pallas import tpu as pltpu
from jax.experimental.pallas import tpu_sc as plsc

_K = 16
_MS = [1000, 100]
_BIGF = 3e38
_BIGI = 2**31 - 1



def _fps_body(m, n, R, px_ref, py_ref, pz_ref, out_ref, mind_ref):
    flat = jax.lax.broadcasted_iota(jnp.int32, (R, 128), 0) * 128 + \
           jax.lax.broadcasted_iota(jnp.int32, (R, 128), 1)
    valid = flat < n
    mind_ref[...] = jnp.where(valid, jnp.float32(jnp.inf), -jnp.float32(jnp.inf))
    out_ref[0] = 0
    px = px_ref[...]
    py = py_ref[...]
    pz = pz_ref[...]

    def step(i, last):
        lx, ly, lz = last
        d = (px - lx) ** 2 + (py - ly) ** 2 + (pz - lz) ** 2
        mind = jnp.minimum(mind_ref[...], d)
        mind_ref[...] = mind
        mx = jnp.max(mind)
        eq = mind == mx
        idx = jnp.min(jnp.where(eq, flat, jnp.int32(_BIGI)))
        out_ref[i] = idx
        sel = flat == idx
        nlx = jnp.max(jnp.where(sel, px, -jnp.float32(jnp.inf)))
        nly = jnp.max(jnp.where(sel, py, -jnp.float32(jnp.inf)))
        nlz = jnp.max(jnp.where(sel, pz, -jnp.float32(jnp.inf)))
        return (nlx, nly, nlz)

    zsel = flat == 0
    init = (jnp.max(jnp.where(zsel, px, -jnp.float32(jnp.inf))),
            jnp.max(jnp.where(zsel, py, -jnp.float32(jnp.inf))),
            jnp.max(jnp.where(zsel, pz, -jnp.float32(jnp.inf))))
    jax.lax.fori_loop(1, m, step, init)


def _fps_pallas(pos, m):
    n = pos.shape[0]
    npad = ((n + 127) // 128) * 128
    R = npad // 128
    comp = [jnp.pad(pos[:, c], (0, npad - n)).reshape(R, 128) for c in range(3)]
    return pl.pallas_call(
        functools.partial(_fps_body, m, n, R),
        out_shape=jax.ShapeDtypeStruct((m,), jnp.int32),
        out_specs=pl.BlockSpec(memory_space=pltpu.SMEM),
        scratch_shapes=[pltpu.VMEM((R, 128), jnp.float32)],
    )(*comp)



def _knn_body(k, B, self_excl, q_ref, pT_ref, pn_ref, oi_ref, ov_ref):
    pid = pl.program_id(0)
    q = q_ref[...]
    qn = jnp.sum(q * q, axis=1, keepdims=True)
    pT = pT_ref[...]
    d = jax.lax.dot_general(q, pT, (((1,), (0,)), ((), ())),
                            preferred_element_type=jnp.float32)
    Npad = d.shape[1]
    ciota = jax.lax.broadcasted_iota(jnp.int32, (B, Npad), 1)
    d = qn + pn_ref[...] - 2.0 * d
    if self_excl:
        rows = pid * B + jax.lax.broadcasted_iota(jnp.int32, (B, Npad), 0)
        d = d + jnp.where(ciota == rows, jnp.float32(1e12), jnp.float32(0.0))
    for j in range(k):
        mv = jnp.min(d, axis=1, keepdims=True)
        eq = d == mv
        iv = jnp.min(jnp.where(eq, ciota, jnp.int32(_BIGI)), axis=1, keepdims=True)
        oi_ref[:, j:j + 1] = iv
        ov_ref[:, j:j + 1] = mv
        if j + 1 < k:
            d = jnp.where(ciota == iv, jnp.float32(_BIGF), d)


def _knn_pallas(ypos, xpos, k, self_excl=False):
    nq, nc = ypos.shape[0], xpos.shape[0]
    npad = ((nc + 127) // 128) * 128
    if nq >= 4000:
        B = 128
    elif nq >= 800:
        B = 200
    else:
        B = 104
    qpad = ((nq + B - 1) // B) * B
    q = jnp.pad(ypos, ((0, qpad - nq), (0, 5)))
    pT = jnp.pad(xpos.T, ((0, 5), (0, npad - nc)))
    pn = jnp.sum(xpos * xpos, axis=1)
    pn = jnp.pad(pn, (0, npad - nc), constant_values=1e30).reshape(1, npad)
    oi, ov = pl.pallas_call(
        functools.partial(_knn_body, k, B, self_excl),
        grid=(qpad // B,),
        in_specs=[
            pl.BlockSpec((B, 8), lambda i: (i, 0)),
            pl.BlockSpec((8, npad), lambda i: (0, 0)),
            pl.BlockSpec((1, npad), lambda i: (0, 0)),
        ],
        out_specs=[
            pl.BlockSpec((B, k), lambda i: (i, 0)),
            pl.BlockSpec((B, k), lambda i: (i, 0)),
        ],
        out_shape=[
            jax.ShapeDtypeStruct((qpad, k), jnp.int32),
            jax.ShapeDtypeStruct((qpad, k), jnp.float32),
        ],
    )(q, pT, pn)
    return oi[:nq], ov[:nq]







def _sc_gather(T, idx):
    n, D = T.shape
    E = idx.shape[0]
    CH = 128
    NW = 32
    step = NW * CH
    e_pad = ((E + step - 1) // step) * step
    idx_p = jnp.pad(idx, (0, e_pad - E))
    per_w = e_pad // NW
    n_chunks = per_w // CH
    mesh = plsc.VectorSubcoreMesh(core_axis_name="c", subcore_axis_name="s")

    @functools.partial(
        pl.kernel, mesh=mesh,
        out_type=jax.ShapeDtypeStruct((e_pad, D), jnp.float32),
        scratch_types=[
            pltpu.VMEM((CH,), jnp.int32),
            pltpu.VMEM((CH, D), jnp.float32),
            pltpu.SemaphoreType.DMA,
        ],
    )
    def k(t_hbm, i_hbm, o_hbm, idx_v, rows_v, sem):
        wid = jax.lax.axis_index("s") * 2 + jax.lax.axis_index("c")
        base0 = wid * per_w

        def chunk(c, _):
            base = base0 + c * CH
            pltpu.sync_copy(i_hbm.at[pl.ds(base, CH)], idx_v)
            pltpu.async_copy(t_hbm.at[idx_v], rows_v, sem).wait()
            pltpu.sync_copy(rows_v, o_hbm.at[pl.ds(base, CH)])
            return 0

        jax.lax.fori_loop(0, n_chunks, chunk, 0)

    return k(T, idx_p)


_K2 = 24


def _attn_body(B, d, D, q_ref, pd_ref, g_ref,
               wlin_ref, wsrc_ref, wdst_ref,
               w1_ref, b1_ref, w2_ref, b2_ref,
               w3_ref, b3_ref, w4_ref, b4_ref,
               wout_ref, bout_ref, o_ref):
    R = B * _K2
    g3 = g_ref[...]
    xg = g3.reshape(R, d)
    xv = jnp.dot(xg, wlin_ref[...], preferred_element_type=jnp.float32)
    asr = jnp.dot(xg, wsrc_ref[...], preferred_element_type=jnp.float32)
    q = q_ref[...]
    adst = jnp.dot(q, wdst_ref[...], preferred_element_type=jnp.float32)
    pd = pd_ref[...].reshape(R, 16)
    h = jnp.maximum(jnp.dot(pd, w1_ref[...], preferred_element_type=jnp.float32) + b1_ref[...], 0.0)
    delta = jnp.maximum(jnp.dot(h, w2_ref[...], preferred_element_type=jnp.float32) + b2_ref[...], 0.0)
    adst2 = jnp.broadcast_to(adst[:, None, :], (B, _K2, d)).reshape(R, d)
    alpha = adst2 - asr + delta
    h2 = jnp.maximum(jnp.dot(alpha, w3_ref[...], preferred_element_type=jnp.float32) + b3_ref[...], 0.0)
    alpha = jnp.maximum(jnp.dot(h2, w4_ref[...], preferred_element_type=jnp.float32) + b4_ref[...], 0.0)
    alpha3 = alpha.reshape(B, _K2, d)
    jmask = jax.lax.broadcasted_iota(jnp.int32, (B, _K2, 1), 1) < 17
    alpha3 = jnp.where(jmask, alpha3, jnp.float32(-1e30))
    amax = jnp.max(alpha3, axis=1, keepdims=True)
    ex = jnp.exp(alpha3 - amax)
    esum = jnp.sum(ex, axis=1, keepdims=True)
    attn3 = ex / (esum + 1e-16)
    contrib3 = (xv + delta).reshape(B, _K2, d)
    o = jnp.sum(attn3 * contrib3, axis=1)
    out = jnp.maximum(jnp.dot(o, wout_ref[...], preferred_element_type=jnp.float32) + bout_ref[...], 0.0)
    o_ref[...] = out


def _attn_pallas(p, x_in, pos_pad, nbr):
    n, d = x_in.shape
    D = d + 16
    B = 200 if n >= 1000 else n
    self_idx = jnp.arange(n, dtype=jnp.int32)[:, None]
    nbr2 = jnp.concatenate([nbr.astype(jnp.int32), jnp.broadcast_to(self_idx, (n, _K2 - 16))], 1)
    Gf = _sc_gather(x_in, nbr2.reshape(-1))
    G = Gf[:n * _K2].reshape(n, _K2, d)
    PD = pos_pad[:, None, :] - pos_pad[nbr2]
    w1 = jnp.pad(p["pos_nn"][0]["w"].T, ((0, 13), (0, 0)))
    args = (x_in, PD, G,
            p["lin"]["w"].T, p["lin_src"]["w"].T, p["lin_dst"]["w"].T,
            w1, p["pos_nn"][0]["b"].reshape(1, -1),
            p["pos_nn"][1]["w"].T, p["pos_nn"][1]["b"].reshape(1, -1),
            p["attn_nn"][0]["w"].T, p["attn_nn"][0]["b"].reshape(1, -1),
            p["attn_nn"][1]["w"].T, p["attn_nn"][1]["b"].reshape(1, -1),
            p["lin_out"]["w"].T, p["lin_out"]["b"].reshape(1, -1))
    const = lambda i: (0, 0)
    return pl.pallas_call(
        functools.partial(_attn_body, B, d, D),
        grid=(n // B,),
        in_specs=[
            pl.BlockSpec((B, d), lambda i: (i, 0)),
            pl.BlockSpec((B, _K2, 16), lambda i: (i, 0, 0)),
            pl.BlockSpec((B, _K2, d), lambda i: (i, 0, 0)),
            pl.BlockSpec((d, d), const), pl.BlockSpec((d, d), const),
            pl.BlockSpec((d, d), const),
            pl.BlockSpec((16, 64), const), pl.BlockSpec((1, 64), const),
            pl.BlockSpec((64, d), const), pl.BlockSpec((1, d), const),
            pl.BlockSpec((d, 64), const), pl.BlockSpec((1, 64), const),
            pl.BlockSpec((64, d), const), pl.BlockSpec((1, d), const),
            pl.BlockSpec((d, d), const), pl.BlockSpec((1, d), const),
        ],
        out_specs=pl.BlockSpec((B, d), lambda i: (i, 0)),
        out_shape=jax.ShapeDtypeStruct((n, d), jnp.float32),
    )(*args)


def _linear(p, x):
    y = x @ p["w"].T
    if "b" in p:
        y = y + p["b"]
    return y


def _bn(p, x, eps=1e-5):
    mu = jnp.mean(x, 0)
    var = jnp.var(x, 0)
    return (x - mu) / jnp.sqrt(var + eps) * p["g"] + p["bta"]


def _mlp(layers, x):
    for p in layers:
        x = _linear(p, x)
        if "bn" in p:
            x = _bn(p["bn"], x)
        x = jax.nn.relu(x)
    return x


def _tf_block_dense(p, x, pos, nbr):
    x_in = jax.nn.relu(_linear(p["lin_in"], x))
    pos_pad = jnp.pad(pos, ((0, 0), (0, 13)))
    return _attn_pallas(p, x_in, pos_pad, nbr)


def _t_down_dense(p, x, pos, m, k):
    idc = _fps_pallas(pos, m)
    sub_pos = pos[idc]
    col, _ = _knn_pallas(sub_pos, pos, k)
    x = _mlp(p, x)
    xo = jnp.max(x[col], 1)
    return xo, sub_pos


def _knn_interp_dense(x, pos_x, pos_y, k=3):
    col, d2 = _knn_pallas(pos_y, pos_x, k)
    w = 1.0 / jnp.maximum(d2, 1e-16)
    return jnp.sum(x[col] * w[..., None], 1) / jnp.sum(w, 1, keepdims=True)


def _t_up_dense(p, x, x_sub, pos, pos_sub):
    x_sub = _mlp(p["mlp_sub"], x_sub)
    xi = _knn_interp_dense(x_sub, pos_sub, pos, 3)
    return _mlp(p["mlp"], x) + xi


def kernel(x, pos, params):
    x = _mlp(params["mlp_input"], x)
    nbr0, _ = _knn_pallas(pos, pos, _K, self_excl=True)
    x = _tf_block_dense(params["t_in"], x, pos, nbr0)
    out_x = [x]
    out_pos = [pos]
    nbrs = [nbr0]
    for i in range(2):
        x, pos = _t_down_dense(params["down"][i], x, pos, _MS[i], _K)
        nbr, _ = _knn_pallas(pos, pos, _K, self_excl=True)
        x = _tf_block_dense(params["t_down"][i], x, pos, nbr)
        out_x.append(x)
        out_pos.append(pos)
        nbrs.append(nbr)
    x = _mlp(params["mlp_summit"], x)
    x = _tf_block_dense(params["t_summit"], x, pos, nbrs[-1])
    for i in range(2):
        x = _t_up_dense(params["up"][-(1 + i)], out_x[-(2 + i)], x, out_pos[-(2 + i)], out_pos[-(1 + i)])
        x = _tf_block_dense(params["t_up"][-(1 + i)], x, out_pos[-(2 + i)], nbrs[-(2 + i)])
    h = jax.nn.relu(_linear(params["out"][0], x))
    h = jax.nn.relu(_linear(params["out"][1], h))
    h = _linear(params["out"][2], h)
    return jax.nn.log_softmax(h, -1)

# --- scband reference (transcript-rebuilt; emitter-appended) ---
"""Pipeline reference for scband-segmentation-gnn-54778012893613 (READ-ONLY COPY).

The authoritative reference and input builder live on the scoring server;
editing this copy changes nothing except your own understanding.
"""

import jax, jax.numpy as jnp
import numpy as np

K = 16
N0 = 10000
IN_CH = 6
OUT_CH = 13
DIMS = [128, 256, 512]
MS = [1000, 100]


def _lin_p(key, din, dout, bias=True):
    k1, k2 = jax.random.split(key)
    p = {"w": jax.random.normal(k1, (dout, din), jnp.float32) / np.sqrt(din)}
    if bias:
        p["b"] = jax.random.normal(k2, (dout,), jnp.float32) * 0.01
    return p


def _bn_p(d):
    return {"g": jnp.ones((d,), jnp.float32), "bta": jnp.zeros((d,), jnp.float32)}


def _tf_p(nk, din, dout):
    return {
        "lin_in": _lin_p(nk(), din, din),
        "lin_out": _lin_p(nk(), dout, dout),
        "lin": _lin_p(nk(), din, dout, bias=False),
        "lin_src": _lin_p(nk(), din, dout, bias=False),
        "lin_dst": _lin_p(nk(), din, dout, bias=False),
        "pos_nn": [_lin_p(nk(), 3, 64), _lin_p(nk(), 64, dout)],
        "attn_nn": [_lin_p(nk(), dout, 64), _lin_p(nk(), 64, dout)],
    }


def make_params(key):
    cnt = [0]
    def nk():
        cnt[0] += 1
        return jax.random.fold_in(key, cnt[0])
    p = {}
    p["mlp_input"] = [dict(_lin_p(nk(), IN_CH, DIMS[0]), bn=_bn_p(DIMS[0]))]
    p["t_in"] = _tf_p(nk, DIMS[0], DIMS[0])
    p["down"] = [[dict(_lin_p(nk(), DIMS[i], DIMS[i + 1]), bn=_bn_p(DIMS[i + 1]))] for i in range(2)]
    p["t_down"] = [_tf_p(nk, DIMS[i + 1], DIMS[i + 1]) for i in range(2)]
    p["mlp_summit"] = [_lin_p(nk(), DIMS[-1], DIMS[-1])]
    p["t_summit"] = _tf_p(nk, DIMS[-1], DIMS[-1])
    p["up"] = [{"mlp_sub": [dict(_lin_p(nk(), DIMS[i + 1], DIMS[i]), bn=_bn_p(DIMS[i]))], "mlp": [dict(_lin_p(nk(), DIMS[i], DIMS[i]), bn=_bn_p(DIMS[i]))]} for i in range(2)]
    p["t_up"] = [_tf_p(nk, DIMS[i], DIMS[i]) for i in range(2)]
    p["out"] = [_lin_p(nk(), DIMS[0], 64), _lin_p(nk(), 64, 64), _lin_p(nk(), 64, OUT_CH)]
    return p


def _linear(p, x):
    y = x @ p["w"].T
    if "b" in p:
        y = y + p["b"]
    return y


def _bn(p, x, eps=1e-5):
    mu = jnp.mean(x, 0)
    var = jnp.var(x, 0)
    return (x - mu) / jnp.sqrt(var + eps) * p["g"] + p["bta"]


def _mlp(layers, x):
    for p in layers:
        x = _linear(p, x)
        if "bn" in p:
            x = _bn(p["bn"], x)
        x = jax.nn.relu(x)
    return x


def _pdist2(a, b):
    return jnp.sum(a * a, -1)[:, None] + jnp.sum(b * b, -1)[None, :] - 2.0 * (a @ b.T)


def _knn_graph(pos, k):
    pos = jax.lax.stop_gradient(pos)
    n = pos.shape[0]
    d = _pdist2(pos, pos) + jnp.eye(n, dtype=pos.dtype) * 1e12
    _, src = jax.lax.top_k(-d, k)
    dst = jnp.repeat(jnp.arange(n), k)
    return src.reshape(-1), dst


def _fps(pos, m):
    pos = jax.lax.stop_gradient(pos)
    n = pos.shape[0]
    idxs = jnp.zeros((m,), jnp.int32)
    mind = jnp.full((n,), jnp.inf, pos.dtype)
    def body(i, st):
        idxs, mind = st
        last = pos[idxs[i - 1]]
        d = jnp.sum((pos - last) ** 2, -1)
        mind = jnp.minimum(mind, d)
        idxs = idxs.at[i].set(jnp.argmax(mind).astype(jnp.int32))
        return idxs, mind
    idxs, _ = jax.lax.fori_loop(1, m, body, (idxs, mind))
    return idxs


def _knn(xpos, ypos, k):
    d = _pdist2(jax.lax.stop_gradient(ypos), jax.lax.stop_gradient(xpos))
    _, col = jax.lax.top_k(-d, k)
    row = jnp.repeat(jnp.arange(ypos.shape[0]), k)
    return row, col.reshape(-1)


def _pt_conv(p, x, pos, src, dst):
    n = x.shape[0]
    loop = jnp.arange(n)
    src = jnp.concatenate([src, loop])
    dst = jnp.concatenate([dst, loop])
    xv = _linear(p["lin"], x)
    a_src = _linear(p["lin_src"], x)
    a_dst = _linear(p["lin_dst"], x)
    delta = _mlp(p["pos_nn"], pos[dst] - pos[src])
    alpha = a_dst[dst] - a_src[src] + delta
    alpha = _mlp(p["attn_nn"], alpha)
    amax = jax.lax.stop_gradient(jax.ops.segment_max(alpha, dst, num_segments=n))
    ex = jnp.exp(alpha - amax[dst])
    esum = jax.ops.segment_sum(ex, dst, num_segments=n)
    attn = ex / (esum[dst] + 1e-16)
    return jax.ops.segment_sum(attn * (xv[src] + delta), dst, num_segments=n)


def _tf_block(p, x, pos, src, dst):
    x = jax.nn.relu(_linear(p["lin_in"], x))
    x = _pt_conv(p, x, pos, src, dst)
    return jax.nn.relu(_linear(p["lin_out"], x))


def _t_down(p, x, pos, m, k):
    idc = _fps(pos, m)
    sub_pos = pos[idc]
    row, col = _knn(pos, sub_pos, k)
    x = _mlp(p, x)
    xo = jax.ops.segment_max(x[col], row, num_segments=m)
    return xo, sub_pos


def _knn_interp(x, pos_x, pos_y, k=3):
    d = _pdist2(jax.lax.stop_gradient(pos_y), jax.lax.stop_gradient(pos_x))
    nd, col = jax.lax.top_k(-d, k)
    w = 1.0 / jnp.maximum(-nd, 1e-16)
    return jnp.sum(x[col] * w[..., None], 1) / jnp.sum(w, 1, keepdims=True)


def _t_up(p, x, x_sub, pos, pos_sub):
    x_sub = _mlp(p["mlp_sub"], x_sub)
    xi = _knn_interp(x_sub, pos_sub, pos, 3)
    return _mlp(p["mlp"], x) + xi


def _forward(params, x, pos):
    x = _mlp(params["mlp_input"], x)
    src, dst = _knn_graph(pos, K)
    x = _tf_block(params["t_in"], x, pos, src, dst)
    out_x = [x]
    out_pos = [pos]
    for i in range(2):
        x, pos = _t_down(params["down"][i], x, pos, MS[i], K)
        src, dst = _knn_graph(pos, K)
        x = _tf_block(params["t_down"][i], x, pos, src, dst)
        out_x.append(x)
        out_pos.append(pos)
    x = _mlp(params["mlp_summit"], x)
    src, dst = _knn_graph(pos, K)
    x = _tf_block(params["t_summit"], x, pos, src, dst)
    for i in range(2):
        x = _t_up(params["up"][-(1 + i)], out_x[-(2 + i)], x, out_pos[-(2 + i)], out_pos[-(1 + i)])
        src, dst = _knn_graph(out_pos[-(2 + i)], K)
        x = _tf_block(params["t_up"][-(1 + i)], x, out_pos[-(2 + i)], src, dst)
    h = jax.nn.relu(_linear(params["out"][0], x))
    h = jax.nn.relu(_linear(params["out"][1], h))
    h = _linear(params["out"][2], h)
    return jax.nn.log_softmax(h, -1)


def setup_inputs(seed: int = 0):
    key = jax.random.key(seed)
    x = jax.random.normal(jax.random.fold_in(key, 1), (N0, IN_CH), jnp.float32)
    pos = jax.random.normal(jax.random.fold_in(key, 2), (N0, 3), jnp.float32)
    params = make_params(jax.random.fold_in(key, 3))
    return {"x": x, "pos": pos, "params": params}


def reference(x, pos, params):
    return _forward(params, x, pos)

if __name__ == "__main__":
    import jax
    _d = setup_inputs()
    print(jax.jit(kernel)(*tuple(_d.values())))

</pallas_src>

<mosaic_0001>
#map = affine_map<(d0, d1) -> (0, 0)>
#map1 = affine_map<(d0, d1) -> (0)>
module attributes {stable_mosaic.version = 14 : i64} {
  func.func @k(%arg0: i32, %arg1: i32, %arg2: memref<10000x128xf32, #tpu.memory_space<hbm>>, %arg3: memref<241664xi32, #tpu.memory_space<hbm>>, %arg4: memref<241664x128xf32, #tpu.memory_space<hbm>>, %arg5: memref<128xi32, #tpu.memory_space<vmem>>, %arg6: memref<128x128xf32, #tpu.memory_space<vmem>>, %arg7: memref<!tpu.dma_semaphore, #tpu.memory_space<semaphore_mem>>) attributes {dimension_semantics = [#tpu.dimension_semantics<core_parallel>, #tpu.dimension_semantics<subcore_parallel>], iteration_bounds = array<i64: 2, 16>, scalar_prefetch = 0 : i64, scratch_operands = 3 : i64, tpu.core_type = #tpu.core_type<sc_vector_subcore>, window_params = [{transform_indices = #map}, {transform_indices = #map1}, {transform_indices = #map}]} {
    %mul3A = arith.constant 2 : i32
    %mul3A_0 = arith.muli %arg1, %mul3A : i32
    %add3A = arith.addi %mul3A_0, %arg0 : i32
    %mul3A_1 = arith.constant 7552 : i32
    %mul3A_2 = arith.muli %add3A, %mul3A_1 : i32
    %scan3A = arith.constant 0 : i32
    %scan3A_3 = arith.constant 0 : i32
    %scan3A_4 = arith.constant 59 : i32
    %scan3A_5 = arith.addi %scan3A_3, %scan3A_4 : i32
    %scan3A_6 = arith.constant 1 : i32
    %scan3A_7 = scf.for %scan3A_9 = %scan3A_3 to %scan3A_5 step %scan3A_6 iter_args(%scan3A_10 = %scan3A) -> (i32)  : i32 {
      %mul3A_11 = arith.constant 128 : i32
      %mul3A_12 = arith.muli %scan3A_9, %mul3A_11 : i32
      %add3A_13 = arith.addi %mul3A_2, %mul3A_12 : i32
      "tpu.region"() ({
        %run_scoped3A = tpu.sem_alloc : memref<!tpu.dma_semaphore, #tpu.memory_space<semaphore_mem>>
        %dma_start3A_19 = tpu.memref_slice %arg3[%add3A_13] : memref<241664xi32, #tpu.memory_space<hbm>> -> memref<128xi32, #tpu.memory_space<hbm>>
        %dma_start3A_20 = tpu.memref_slice %arg3[%add3A_13] : memref<241664xi32, #tpu.memory_space<hbm>> -> memref<128xi32, #tpu.memory_space<hbm>>
        tpu.enqueue_dma source(%dma_start3A_20 : memref<128xi32, #tpu.memory_space<hbm>>) target(%arg5 : memref<128xi32, #tpu.memory_space<vmem>>) target_semaphore(%run_scoped3A : memref<!tpu.dma_semaphore, #tpu.memory_space<semaphore_mem>>)
        %dma_wait3A_21 = tpu.memref_slice %arg3[%add3A_13] : memref<241664xi32, #tpu.memory_space<hbm>> -> memref<128xi32, #tpu.memory_space<hbm>>
        %dma_wait3A_22 = tpu.memref_slice %arg3[%add3A_13] : memref<241664xi32, #tpu.memory_space<hbm>> -> memref<128xi32, #tpu.memory_space<hbm>>
        tpu.wait_dma2 semaphore(%run_scoped3A : memref<!tpu.dma_semaphore, #tpu.memory_space<semaphore_mem>>) src(%dma_wait3A_22 : memref<128xi32, #tpu.memory_space<hbm>>) dst(%arg5 : memref<128xi32, #tpu.memory_space<vmem>>)
        tpu.yield
      }) : () -> ()
      %dma_start3A = arith.constant 0 : i32
      %dma_start3A_14 = arith.constant 0 : i32
      %dma_start3A_15 = tpu.memref_slice %arg2[%dma_start3A, %dma_start3A_14] : memref<10000x128xf32, #tpu.memory_space<hbm>> -> memref<10000x128xf32, #tpu.memory_space<hbm>>
      tpu.enqueue_indirect_dma source(%dma_start3A_15 : memref<10000x128xf32, #tpu.memory_space<hbm>>) target(%arg6 : memref<128x128xf32, #tpu.memory_space<vmem>>) offsets(%arg5 : memref<128xi32, #tpu.memory_space<vmem>>) semaphore(%arg7 : memref<!tpu.dma_semaphore, #tpu.memory_space<semaphore_mem>>)
      %dma_wait3A = arith.constant 0 : i32
      %dma_wait3A_16 = arith.constant 0 : i32
      %dma_wait3A_17 = tpu.memref_slice %arg2[%dma_wait3A, %dma_wait3A_16] : memref<10000x128xf32, #tpu.memory_space<hbm>> -> memref<10000x128xf32, #tpu.memory_space<hbm>>
      tpu.wait_indirect_dma semaphore(%arg7 : memref<!tpu.dma_semaphore, #tpu.memory_space<semaphore_mem>>) src(%dma_wait3A_17 : memref<10000x128xf32, #tpu.memory_space<hbm>>) dst(%arg6 : memref<128x128xf32, #tpu.memory_space<vmem>>)
      "tpu.region"() ({
        %run_scoped3A = tpu.sem_alloc : memref<!tpu.dma_semaphore, #tpu.memory_space<semaphore_mem>>
        %dma_start3A_19 = arith.constant 0 : i32
        %dma_start3A_20 = tpu.memref_slice %arg4[%add3A_13, %dma_start3A_19] : memref<241664x128xf32, #tpu.memory_space<hbm>> -> memref<128x128xf32, #tpu.memory_space<hbm>>
        %dma_start3A_21 = arith.constant 0 : i32
        %dma_start3A_22 = tpu.memref_slice %arg4[%add3A_13, %dma_start3A_21] : memref<241664x128xf32, #tpu.memory_space<hbm>> -> memref<128x128xf32, #tpu.memory_space<hbm>>
        tpu.enqueue_dma source(%arg6 : memref<128x128xf32, #tpu.memory_space<vmem>>) target(%dma_start3A_22 : memref<128x128xf32, #tpu.memory_space<hbm>>) target_semaphore(%run_scoped3A : memref<!tpu.dma_semaphore, #tpu.memory_space<semaphore_mem>>)
        %dma_wait3A_23 = arith.constant 0 : i32
        %dma_wait3A_24 = tpu.memref_slice %arg4[%add3A_13, %dma_wait3A_23] : memref<241664x128xf32, #tpu.memory_space<hbm>> -> memref<128x128xf32, #tpu.memory_space<hbm>>
        %dma_wait3A_25 = arith.constant 0 : i32
        %dma_wait3A_26 = tpu.memref_slice %arg4[%add3A_13, %dma_wait3A_25] : memref<241664x128xf32, #tpu.memory_space<hbm>> -> memref<128x128xf32, #tpu.memory_space<hbm>>
        tpu.wait_dma2 semaphore(%run_scoped3A : memref<!tpu.dma_semaphore, #tpu.memory_space<semaphore_mem>>) src(%arg6 : memref<128x128xf32, #tpu.memory_space<vmem>>) dst(%dma_wait3A_26 : memref<128x128xf32, #tpu.memory_space<hbm>>)
        tpu.yield
      }) : () -> ()
      %scan3A_18 = arith.constant 0 : i32
      scf.yield %scan3A_18 : i32
    }
    %scan3A_8 = arith.constant 59 : i32
    return
  }
}

#map = affine_map<(d0, d1) -> (0, 0)>
#map1 = affine_map<(d0, d1) -> (0)>
module attributes {stable_mosaic.version = 14 : i64} {
  func.func @k(%arg0: i32, %arg1: i32, %arg2: memref<100x512xf32, #tpu.memory_space<hbm>>, %arg3: memref<4096xi32, #tpu.memory_space<hbm>>, %arg4: memref<4096x512xf32, #tpu.memory_space<hbm>>, %arg5: memref<128xi32, #tpu.memory_space<vmem>>, %arg6: memref<128x512xf32, #tpu.memory_space<vmem>>, %arg7: memref<!tpu.dma_semaphore, #tpu.memory_space<semaphore_mem>>) attributes {dimension_semantics = [#tpu.dimension_semantics<core_parallel>, #tpu.dimension_semantics<subcore_parallel>], iteration_bounds = array<i64: 2, 16>, scalar_prefetch = 0 : i64, scratch_operands = 3 : i64, tpu.core_type = #tpu.core_type<sc_vector_subcore>, window_params = [{transform_indices = #map}, {transform_indices = #map1}, {transform_indices = #map}]} {
    %mul3A = arith.constant 2 : i32
    %mul3A_0 = arith.muli %arg1, %mul3A : i32
    %add3A = arith.addi %mul3A_0, %arg0 : i32
    %mul3A_1 = arith.constant 128 : i32
    %mul3A_2 = arith.muli %add3A, %mul3A_1 : i32
    %scan3A = arith.constant 0 : i32
    %scan3A_3 = arith.constant 0 : i32
    %mul3A_4 = arith.constant 128 : i32
    %mul3A_5 = arith.muli %scan3A_3, %mul3A_4 : i32
    %add3A_6 = arith.addi %mul3A_2, %mul3A_5 : i32
    "tpu.region"() ({
      %run_scoped3A = tpu.sem_alloc : memref<!tpu.dma_semaphore, #tpu.memory_space<semaphore_mem>>
      %dma_start3A_13 = tpu.memref_slice %arg3[%add3A_6] : memref<4096xi32, #tpu.memory_space<hbm>> -> memref<128xi32, #tpu.memory_space<hbm>>
      %dma_start3A_14 = tpu.memref_slice %arg3[%add3A_6] : memref<4096xi32, #tpu.memory_space<hbm>> -> memref<128xi32, #tpu.memory_space<hbm>>
      tpu.enqueue_dma source(%dma_start3A_14 : memref<128xi32, #tpu.memory_space<hbm>>) target(%arg5 : memref<128xi32, #tpu.memory_space<vmem>>) target_semaphore(%run_scoped3A : memref<!tpu.dma_semaphore, #tpu.memory_space<semaphore_mem>>)
      %dma_wait3A_15 = tpu.memref_slice %arg3[%add3A_6] : memref<4096xi32, #tpu.memory_space<hbm>> -> memref<128xi32, #tpu.memory_space<hbm>>
      %dma_wait3A_16 = tpu.memref_slice %arg3[%add3A_6] : memref<4096xi32, #tpu.memory_space<hbm>> -> memref<128xi32, #tpu.memory_space<hbm>>
      tpu.wait_dma2 semaphore(%run_scoped3A : memref<!tpu.dma_semaphore, #tpu.memory_space<semaphore_mem>>) src(%dma_wait3A_16 : memref<128xi32, #tpu.memory_space<hbm>>) dst(%arg5 : memref<128xi32, #tpu.memory_space<vmem>>)
      tpu.yield
    }) : () -> ()
    %dma_start3A = arith.constant 0 : i32
    %dma_start3A_7 = arith.constant 0 : i32
    %dma_start3A_8 = tpu.memref_slice %arg2[%dma_start3A, %dma_start3A_7] : memref<100x512xf32, #tpu.memory_space<hbm>> -> memref<100x512xf32, #tpu.memory_space<hbm>>
    tpu.enqueue_indirect_dma source(%dma_start3A_8 : memref<100x512xf32, #tpu.memory_space<hbm>>) target(%arg6 : memref<128x512xf32, #tpu.memory_space<vmem>>) offsets(%arg5 : memref<128xi32, #tpu.memory_space<vmem>>) semaphore(%arg7 : memref<!tpu.dma_semaphore, #tpu.memory_space<semaphore_mem>>)
    %dma_wait3A = arith.constant 0 : i32
    %dma_wait3A_9 = arith.constant 0 : i32
    %dma_wait3A_10 = tpu.memref_slice %arg2[%dma_wait3A, %dma_wait3A_9] : memref<100x512xf32, #tpu.memory_space<hbm>> -> memref<100x512xf32, #tpu.memory_space<hbm>>
    tpu.wait_indirect_dma semaphore(%arg7 : memref<!tpu.dma_semaphore, #tpu.memory_space<semaphore_mem>>) src(%dma_wait3A_10 : memref<100x512xf32, #tpu.memory_space<hbm>>) dst(%arg6 : memref<128x512xf32, #tpu.memory_space<vmem>>)
    "tpu.region"() ({
      %run_scoped3A = tpu.sem_alloc : memref<!tpu.dma_semaphore, #tpu.memory_space<semaphore_mem>>
      %dma_start3A_13 = arith.constant 0 : i32
      %dma_start3A_14 = tpu.memref_slice %arg4[%add3A_6, %dma_start3A_13] : memref<4096x512xf32, #tpu.memory_space<hbm>> -> memref<128x512xf32, #tpu.memory_space<hbm>>
      %dma_start3A_15 = arith.constant 0 : i32
      %dma_start3A_16 = tpu.memref_slice %arg4[%add3A_6, %dma_start3A_15] : memref<4096x512xf32, #tpu.memory_space<hbm>> -> memref<128x512xf32, #tpu.memory_space<hbm>>
      tpu.enqueue_dma source(%arg6 : memref<128x512xf32, #tpu.memory_space<vmem>>) target(%dma_start3A_16 : memref<128x512xf32, #tpu.memory_space<hbm>>) target_semaphore(%run_scoped3A : memref<!tpu.dma_semaphore, #tpu.memory_space<semaphore_mem>>)
      %dma_wait3A_17 = arith.constant 0 : i32
      %dma_wait3A_18 = tpu.memref_slice %arg4[%add3A_6, %dma_wait3A_17] : memref<4096x512xf32, #tpu.memory_space<hbm>> -> memref<128x512xf32, #tpu.memory_space<hbm>>
      %dma_wait3A_19 = arith.constant 0 : i32
      %dma_wait3A_20 = tpu.memref_slice %arg4[%add3A_6, %dma_wait3A_19] : memref<4096x512xf32, #tpu.memory_space<hbm>> -> memref<128x512xf32, #tpu.memory_space<hbm>>
      tpu.wait_dma2 semaphore(%run_scoped3A : memref<!tpu.dma_semaphore, #tpu.memory_space<semaphore_mem>>) src(%arg6 : memref<128x512xf32, #tpu.memory_space<vmem>>) dst(%dma_wait3A_20 : memref<128x512xf32, #tpu.memory_space<hbm>>)
      tpu.yield
    }) : () -> ()
    %scan3A_11 = arith.constant 0 : i32
    %scan3A_12 = arith.constant 1 : i32
    return
  }
}

#map = affine_map<(d0, d1) -> (0, 0)>
#map1 = affine_map<(d0, d1) -> (0)>
module attributes {stable_mosaic.version = 14 : i64} {
  func.func @k(%arg0: i32, %arg1: i32, %arg2: memref<100x512xf32, #tpu.memory_space<hbm>>, %arg3: memref<4096xi32, #tpu.memory_space<hbm>>, %arg4: memref<4096x512xf32, #tpu.memory_space<hbm>>, %arg5: memref<128xi32, #tpu.memory_space<vmem>>, %arg6: memref<128x512xf32, #tpu.memory_space<vmem>>, %arg7: memref<!tpu.dma_semaphore, #tpu.memory_space<semaphore_mem>>) attributes {dimension_semantics = [#tpu.dimension_semantics<core_parallel>, #tpu.dimension_semantics<subcore_parallel>], iteration_bounds = array<i64: 2, 16>, scalar_prefetch = 0 : i64, scratch_operands = 3 : i64, tpu.core_type = #tpu.core_type<sc_vector_subcore>, window_params = [{transform_indices = #map}, {transform_indices = #map1}, {transform_indices = #map}]} {
    %mul3A = arith.constant 2 : i32
    %mul3A_0 = arith.muli %arg1, %mul3A : i32
    %add3A = arith.addi %mul3A_0, %arg0 : i32
    %mul3A_1 = arith.constant 128 : i32
    %mul3A_2 = arith.muli %add3A, %mul3A_1 : i32
    %scan3A = arith.constant 0 : i32
    %scan3A_3 = arith.constant 0 : i32
    %mul3A_4 = arith.constant 128 : i32
    %mul3A_5 = arith.muli %scan3A_3, %mul3A_4 : i32
    %add3A_6 = arith.addi %mul3A_2, %mul3A_5 : i32
    "tpu.region"() ({
      %run_scoped3A = tpu.sem_alloc : memref<!tpu.dma_semaphore, #tpu.memory_space<semaphore_mem>>
      %dma_start3A_13 = tpu.memref_slice %arg3[%add3A_6] : memref<4096xi32, #tpu.memory_space<hbm>> -> memref<128xi32, #tpu.memory_space<hbm>>
      %dma_start3A_14 = tpu.memref_slice %arg3[%add3A_6] : memref<4096xi32, #tpu.memory_space<hbm>> -> memref<128xi32, #tpu.memory_space<hbm>>
      tpu.enqueue_dma source(%dma_start3A_14 : memref<128xi32, #tpu.memory_space<hbm>>) target(%arg5 : memref<128xi32, #tpu.memory_space<vmem>>) target_semaphore(%run_scoped3A : memref<!tpu.dma_semaphore, #tpu.memory_space<semaphore_mem>>)
      %dma_wait3A_15 = tpu.memref_slice %arg3[%add3A_6] : memref<4096xi32, #tpu.memory_space<hbm>> -> memref<128xi32, #tpu.memory_space<hbm>>
      %dma_wait3A_16 = tpu.memref_slice %arg3[%add3A_6] : memref<4096xi32, #tpu.memory_space<hbm>> -> memref<128xi32, #tpu.memory_space<hbm>>
      tpu.wait_dma2 semaphore(%run_scoped3A : memref<!tpu.dma_semaphore, #tpu.memory_space<semaphore_mem>>) src(%dma_wait3A_16 : memref<128xi32, #tpu.memory_space<hbm>>) dst(%arg5 : memref<128xi32, #tpu.memory_space<vmem>>)
      tpu.yield
    }) : () -> ()
    %dma_start3A = arith.constant 0 : i32
    %dma_start3A_7 = arith.constant 0 : i32
    %dma_start3A_8 = tpu.memref_slice %arg2[%dma_start3A, %dma_start3A_7] : memref<100x512xf32, #tpu.memory_space<hbm>> -> memref<100x512xf32, #tpu.memory_space<hbm>>
    tpu.enqueue_indirect_dma source(%dma_start3A_8 : memref<100x512xf32, #tpu.memory_space<hbm>>) target(%arg6 : memref<128x512xf32, #tpu.memory_space<vmem>>) offsets(%arg5 : memref<128xi32, #tpu.memory_space<vmem>>) semaphore(%arg7 : memref<!tpu.dma_semaphore, #tpu.memory_space<semaphore_mem>>)
    %dma_wait3A = arith.constant 0 : i32
    %dma_wait3A_9 = arith.constant 0 : i32
    %dma_wait3A_10 = tpu.memref_slice %arg2[%dma_wait3A, %dma_wait3A_9] : memref<100x512xf32, #tpu.memory_space<hbm>> -> memref<100x512xf32, #tpu.memory_space<hbm>>
    tpu.wait_indirect_dma semaphore(%arg7 : memref<!tpu.dma_semaphore, #tpu.memory_space<semaphore_mem>>) src(%dma_wait3A_10 : memref<100x512xf32, #tpu.memory_space<hbm>>) dst(%arg6 : memref<128x512xf32, #tpu.memory_space<vmem>>)
    "tpu.region"() ({
      %run_scoped3A = tpu.sem_alloc : memref<!tpu.dma_semaphore, #tpu.memory_space<semaphore_mem>>
      %dma_start3A_13 = arith.constant 0 : i32
      %dma_start3A_14 = tpu.memref_slice %arg4[%add3A_6, %dma_start3A_13] : memref<4096x512xf32, #tpu.memory_space<hbm>> -> memref<128x512xf32, #tpu.memory_space<hbm>>
      %dma_start3A_15 = arith.constant 0 : i32
      %dma_start3A_16 = tpu.memref_slice %arg4[%add3A_6, %dma_start3A_15] : memref<4096x512xf32, #tpu.memory_space<hbm>> -> memref<128x512xf32, #tpu.memory_space<hbm>>
      tpu.enqueue_dma source(%arg6 : memref<128x512xf32, #tpu.memory_space<vmem>>) target(%dma_start3A_16 : memref<128x512xf32, #tpu.memory_space<hbm>>) target_semaphore(%run_scoped3A : memref<!tpu.dma_semaphore, #tpu.memory_space<semaphore_mem>>)
      %dma_wait3A_17 = arith.constant 0 : i32
      %dma_wait3A_18 = tpu.memref_slice %arg4[%add3A_6, %dma_wait3A_17] : memref<4096x512xf32, #tpu.memory_space<hbm>> -> memref<128x512xf32, #tpu.memory_space<hbm>>
      %dma_wait3A_19 = arith.constant 0 : i32
      %dma_wait3A_20 = tpu.memref_slice %arg4[%add3A_6, %dma_wait3A_19] : memref<4096x512xf32, #tpu.memory_space<hbm>> -> memref<128x512xf32, #tpu.memory_space<hbm>>
      tpu.wait_dma2 semaphore(%run_scoped3A : memref<!tpu.dma_semaphore, #tpu.memory_space<semaphore_mem>>) src(%arg6 : memref<128x512xf32, #tpu.memory_space<vmem>>) dst(%dma_wait3A_20 : memref<128x512xf32, #tpu.memory_space<hbm>>)
      tpu.yield
    }) : () -> ()
    %scan3A_11 = arith.constant 0 : i32
    %scan3A_12 = arith.constant 1 : i32
    return
  }
}

#map = affine_map<(d0, d1) -> (0, 0)>
#map1 = affine_map<(d0, d1) -> (0)>
module attributes {stable_mosaic.version = 14 : i64} {
  func.func @k(%arg0: i32, %arg1: i32, %arg2: memref<1000x256xf32, #tpu.memory_space<hbm>>, %arg3: memref<24576xi32, #tpu.memory_space<hbm>>, %arg4: memref<24576x256xf32, #tpu.memory_space<hbm>>, %arg5: memref<128xi32, #tpu.memory_space<vmem>>, %arg6: memref<128x256xf32, #tpu.memory_space<vmem>>, %arg7: memref<!tpu.dma_semaphore, #tpu.memory_space<semaphore_mem>>) attributes {dimension_semantics = [#tpu.dimension_semantics<core_parallel>, #tpu.dimension_semantics<subcore_parallel>], iteration_bounds = array<i64: 2, 16>, scalar_prefetch = 0 : i64, scratch_operands = 3 : i64, tpu.core_type = #tpu.core_type<sc_vector_subcore>, window_params = [{transform_indices = #map}, {transform_indices = #map1}, {transform_indices = #map}]} {
    %mul3A = arith.constant 2 : i32
    %mul3A_0 = arith.muli %arg1, %mul3A : i32
    %add3A = arith.addi %mul3A_0, %arg0 : i32
    %mul3A_1 = arith.constant 768 : i32
    %mul3A_2 = arith.muli %add3A, %mul3A_1 : i32
    %scan3A = arith.constant 0 : i32
    %scan3A_3 = arith.constant 0 : i32
    %scan3A_4 = arith.constant 6 : i32
    %scan3A_5 = arith.addi %scan3A_3, %scan3A_4 : i32
    %scan3A_6 = arith.constant 1 : i32
    %scan3A_7 = scf.for %scan3A_9 = %scan3A_3 to %scan3A_5 step %scan3A_6 iter_args(%scan3A_10 = %scan3A) -> (i32)  : i32 {
      %mul3A_11 = arith.constant 128 : i32
      %mul3A_12 = arith.muli %scan3A_9, %mul3A_11 : i32
      %add3A_13 = arith.addi %mul3A_2, %mul3A_12 : i32
      "tpu.region"() ({
        %run_scoped3A = tpu.sem_alloc : memref<!tpu.dma_semaphore, #tpu.memory_space<semaphore_mem>>
        %dma_start3A_19 = tpu.memref_slice %arg3[%add3A_13] : memref<24576xi32, #tpu.memory_space<hbm>> -> memref<128xi32, #tpu.memory_space<hbm>>
        %dma_start3A_20 = tpu.memref_slice %arg3[%add3A_13] : memref<24576xi32, #tpu.memory_space<hbm>> -> memref<128xi32, #tpu.memory_space<hbm>>
        tpu.enqueue_dma source(%dma_start3A_20 : memref<128xi32, #tpu.memory_space<hbm>>) target(%arg5 : memref<128xi32, #tpu.memory_space<vmem>>) target_semaphore(%run_scoped3A : memref<!tpu.dma_semaphore, #tpu.memory_space<semaphore_mem>>)
        %dma_wait3A_21 = tpu.memref_slice %arg3[%add3A_13] : memref<24576xi32, #tpu.memory_space<hbm>> -> memref<128xi32, #tpu.memory_space<hbm>>
        %dma_wait3A_22 = tpu.memref_slice %arg3[%add3A_13] : memref<24576xi32, #tpu.memory_space<hbm>> -> memref<128xi32, #tpu.memory_space<hbm>>
        tpu.wait_dma2 semaphore(%run_scoped3A : memref<!tpu.dma_semaphore, #tpu.memory_space<semaphore_mem>>) src(%dma_wait3A_22 : memref<128xi32, #tpu.memory_space<hbm>>) dst(%arg5 : memref<128xi32, #tpu.memory_space<vmem>>)
        tpu.yield
      }) : () -> ()
      %dma_start3A = arith.constant 0 : i32
      %dma_start3A_14 = arith.constant 0 : i32
      %dma_start3A_15 = tpu.memref_slice %arg2[%dma_start3A, %dma_start3A_14] : memref<1000x256xf32, #tpu.memory_space<hbm>> -> memref<1000x256xf32, #tpu.memory_space<hbm>>
      tpu.enqueue_indirect_dma source(%dma_start3A_15 : memref<1000x256xf32, #tpu.memory_space<hbm>>) target(%arg6 : memref<128x256xf32, #tpu.memory_space<vmem>>) offsets(%arg5 : memref<128xi32, #tpu.memory_space<vmem>>) semaphore(%arg7 : memref<!tpu.dma_semaphore, #tpu.memory_space<semaphore_mem>>)
      %dma_wait3A = arith.constant 0 : i32
      %dma_wait3A_16 = arith.constant 0 : i32
      %dma_wait3A_17 = tpu.memref_slice %arg2[%dma_wait3A, %dma_wait3A_16] : memref<1000x256xf32, #tpu.memory_space<hbm>> -> memref<1000x256xf32, #tpu.memory_space<hbm>>
      tpu.wait_indirect_dma semaphore(%arg7 : memref<!tpu.dma_semaphore, #tpu.memory_space<semaphore_mem>>) src(%dma_wait3A_17 : memref<1000x256xf32, #tpu.memory_space<hbm>>) dst(%arg6 : memref<128x256xf32, #tpu.memory_space<vmem>>)
      "tpu.region"() ({
        %run_scoped3A = tpu.sem_alloc : memref<!tpu.dma_semaphore, #tpu.memory_space<semaphore_mem>>
        %dma_start3A_19 = arith.constant 0 : i32
        %dma_start3A_20 = tpu.memref_slice %arg4[%add3A_13, %dma_start3A_19] : memref<24576x256xf32, #tpu.memory_space<hbm>> -> memref<128x256xf32, #tpu.memory_space<hbm>>
        %dma_start3A_21 = arith.constant 0 : i32
        %dma_start3A_22 = tpu.memref_slice %arg4[%add3A_13, %dma_start3A_21] : memref<24576x256xf32, #tpu.memory_space<hbm>> -> memref<128x256xf32, #tpu.memory_space<hbm>>
        tpu.enqueue_dma source(%arg6 : memref<128x256xf32, #tpu.memory_space<vmem>>) target(%dma_start3A_22 : memref<128x256xf32, #tpu.memory_space<hbm>>) target_semaphore(%run_scoped3A : memref<!tpu.dma_semaphore, #tpu.memory_space<semaphore_mem>>)
        %dma_wait3A_23 = arith.constant 0 : i32
        %dma_wait3A_24 = tpu.memref_slice %arg4[%add3A_13, %dma_wait3A_23] : memref<24576x256xf32, #tpu.memory_space<hbm>> -> memref<128x256xf32, #tpu.memory_space<hbm>>
        %dma_wait3A_25 = arith.constant 0 : i32
        %dma_wait3A_26 = tpu.memref_slice %arg4[%add3A_13, %dma_wait3A_25] : memref<24576x256xf32, #tpu.memory_space<hbm>> -> memref<128x256xf32, #tpu.memory_space<hbm>>
        tpu.wait_dma2 semaphore(%run_scoped3A : memref<!tpu.dma_semaphore, #tpu.memory_space<semaphore_mem>>) src(%arg6 : memref<128x256xf32, #tpu.memory_space<vmem>>) dst(%dma_wait3A_26 : memref<128x256xf32, #tpu.memory_space<hbm>>)
        tpu.yield
      }) : () -> ()
      %scan3A_18 = arith.constant 0 : i32
      scf.yield %scan3A_18 : i32
    }
    %scan3A_8 = arith.constant 6 : i32
    return
  }
}

#map = affine_map<(d0, d1) -> (0, 0)>
#map1 = affine_map<(d0, d1) -> (0)>
module attributes {stable_mosaic.version = 14 : i64} {
  func.func @k(%arg0: i32, %arg1: i32, %arg2: memref<1000x256xf32, #tpu.memory_space<hbm>>, %arg3: memref<24576xi32, #tpu.memory_space<hbm>>, %arg4: memref<24576x256xf32, #tpu.memory_space<hbm>>, %arg5: memref<128xi32, #tpu.memory_space<vmem>>, %arg6: memref<128x256xf32, #tpu.memory_space<vmem>>, %arg7: memref<!tpu.dma_semaphore, #tpu.memory_space<semaphore_mem>>) attributes {dimension_semantics = [#tpu.dimension_semantics<core_parallel>, #tpu.dimension_semantics<subcore_parallel>], iteration_bounds = array<i64: 2, 16>, scalar_prefetch = 0 : i64, scratch_operands = 3 : i64, tpu.core_type = #tpu.core_type<sc_vector_subcore>, window_params = [{transform_indices = #map}, {transform_indices = #map1}, {transform_indices = #map}]} {
    %mul3A = arith.constant 2 : i32
    %mul3A_0 = arith.muli %arg1, %mul3A : i32
    %add3A = arith.addi %mul3A_0, %arg0 : i32
    %mul3A_1 = arith.constant 768 : i32
    %mul3A_2 = arith.muli %add3A, %mul3A_1 : i32
    %scan3A = arith.constant 0 : i32
    %scan3A_3 = arith.constant 0 : i32
    %scan3A_4 = arith.constant 6 : i32
    %scan3A_5 = arith.addi %scan3A_3, %scan3A_4 : i32
    %scan3A_6 = arith.constant 1 : i32
    %scan3A_7 = scf.for %scan3A_9 = %scan3A_3 to %scan3A_5 step %scan3A_6 iter_args(%scan3A_10 = %scan3A) -> (i32)  : i32 {
      %mul3A_11 = arith.constant 128 : i32
      %mul3A_12 = arith.muli %scan3A_9, %mul3A_11 : i32
      %add3A_13 = arith.addi %mul3A_2, %mul3A_12 : i32
      "tpu.region"() ({
        %run_scoped3A = tpu.sem_alloc : memref<!tpu.dma_semaphore, #tpu.memory_space<semaphore_mem>>
        %dma_start3A_19 = tpu.memref_slice %arg3[%add3A_13] : memref<24576xi32, #tpu.memory_space<hbm>> -> memref<128xi32, #tpu.memory_space<hbm>>
        %dma_start3A_20 = tpu.memref_slice %arg3[%add3A_13] : memref<24576xi32, #tpu.memory_space<hbm>> -> memref<128xi32, #tpu.memory_space<hbm>>
        tpu.enqueue_dma source(%dma_start3A_20 : memref<128xi32, #tpu.memory_space<hbm>>) target(%arg5 : memref<128xi32, #tpu.memory_space<vmem>>) target_semaphore(%run_scoped3A : memref<!tpu.dma_semaphore, #tpu.memory_space<semaphore_mem>>)
        %dma_wait3A_21 = tpu.memref_slice %arg3[%add3A_13] : memref<24576xi32, #tpu.memory_space<hbm>> -> memref<128xi32, #tpu.memory_space<hbm>>
        %dma_wait3A_22 = tpu.memref_slice %arg3[%add3A_13] : memref<24576xi32, #tpu.memory_space<hbm>> -> memref<128xi32, #tpu.memory_space<hbm>>
        tpu.wait_dma2 semaphore(%run_scoped3A : memref<!tpu.dma_semaphore, #tpu.memory_space<semaphore_mem>>) src(%dma_wait3A_22 : memref<128xi32, #tpu.memory_space<hbm>>) dst(%arg5 : memref<128xi32, #tpu.memory_space<vmem>>)
        tpu.yield
      }) : () -> ()
      %dma_start3A = arith.constant 0 : i32
      %dma_start3A_14 = arith.constant 0 : i32
      %dma_start3A_15 = tpu.memref_slice %arg2[%dma_start3A, %dma_start3A_14] : memref<1000x256xf32, #tpu.memory_space<hbm>> -> memref<1000x256xf32, #tpu.memory_space<hbm>>
      tpu.enqueue_indirect_dma source(%dma_start3A_15 : memref<1000x256xf32, #tpu.memory_space<hbm>>) target(%arg6 : memref<128x256xf32, #tpu.memory_space<vmem>>) offsets(%arg5 : memref<128xi32, #tpu.memory_space<vmem>>) semaphore(%arg7 : memref<!tpu.dma_semaphore, #tpu.memory_space<semaphore_mem>>)
      %dma_wait3A = arith.constant 0 : i32
      %dma_wait3A_16 = arith.constant 0 : i32
      %dma_wait3A_17 = tpu.memref_slice %arg2[%dma_wait3A, %dma_wait3A_16] : memref<1000x256xf32, #tpu.memory_space<hbm>> -> memref<1000x256xf32, #tpu.memory_space<hbm>>
      tpu.wait_indirect_dma semaphore(%arg7 : memref<!tpu.dma_semaphore, #tpu.memory_space<semaphore_mem>>) src(%dma_wait3A_17 : memref<1000x256xf32, #tpu.memory_space<hbm>>) dst(%arg6 : memref<128x256xf32, #tpu.memory_space<vmem>>)
      "tpu.region"() ({
        %run_scoped3A = tpu.sem_alloc : memref<!tpu.dma_semaphore, #tpu.memory_space<semaphore_mem>>
        %dma_start3A_19 = arith.constant 0 : i32
        %dma_start3A_20 = tpu.memref_slice %arg4[%add3A_13, %dma_start3A_19] : memref<24576x256xf32, #tpu.memory_space<hbm>> -> memref<128x256xf32, #tpu.memory_space<hbm>>
        %dma_start3A_21 = arith.constant 0 : i32
        %dma_start3A_22 = tpu.memref_slice %arg4[%add3A_13, %dma_start3A_21] : memref<24576x256xf32, #tpu.memory_space<hbm>> -> memref<128x256xf32, #tpu.memory_space<hbm>>
        tpu.enqueue_dma source(%arg6 : memref<128x256xf32, #tpu.memory_space<vmem>>) target(%dma_start3A_22 : memref<128x256xf32, #tpu.memory_space<hbm>>) target_semaphore(%run_scoped3A : memref<!tpu.dma_semaphore, #tpu.memory_space<semaphore_mem>>)
        %dma_wait3A_23 = arith.constant 0 : i32
        %dma_wait3A_24 = tpu.memref_slice %arg4[%add3A_13, %dma_wait3A_23] : memref<24576x256xf32, #tpu.memory_space<hbm>> -> memref<128x256xf32, #tpu.memory_space<hbm>>
        %dma_wait3A_25 = arith.constant 0 : i32
        %dma_wait3A_26 = tpu.memref_slice %arg4[%add3A_13, %dma_wait3A_25] : memref<24576x256xf32, #tpu.memory_space<hbm>> -> memref<128x256xf32, #tpu.memory_space<hbm>>
        tpu.wait_dma2 semaphore(%run_scoped3A : memref<!tpu.dma_semaphore, #tpu.memory_space<semaphore_mem>>) src(%arg6 : memref<128x256xf32, #tpu.memory_space<vmem>>) dst(%dma_wait3A_26 : memref<128x256xf32, #tpu.memory_space<hbm>>)
        tpu.yield
      }) : () -> ()
      %scan3A_18 = arith.constant 0 : i32
      scf.yield %scan3A_18 : i32
    }
    %scan3A_8 = arith.constant 6 : i32
    return
  }
}

#map = affine_map<(d0, d1) -> (0, 0)>
#map1 = affine_map<(d0, d1) -> (0)>
module attributes {stable_mosaic.version = 14 : i64} {
  func.func @k(%arg0: i32, %arg1: i32, %arg2: memref<10000x128xf32, #tpu.memory_space<hbm>>, %arg3: memref<241664xi32, #tpu.memory_space<hbm>>, %arg4: memref<241664x128xf32, #tpu.memory_space<hbm>>, %arg5: memref<128xi32, #tpu.memory_space<vmem>>, %arg6: memref<128x128xf32, #tpu.memory_space<vmem>>, %arg7: memref<!tpu.dma_semaphore, #tpu.memory_space<semaphore_mem>>) attributes {dimension_semantics = [#tpu.dimension_semantics<core_parallel>, #tpu.dimension_semantics<subcore_parallel>], iteration_bounds = array<i64: 2, 16>, scalar_prefetch = 0 : i64, scratch_operands = 3 : i64, tpu.core_type = #tpu.core_type<sc_vector_subcore>, window_params = [{transform_indices = #map}, {transform_indices = #map1}, {transform_indices = #map}]} {
    %mul3A = arith.constant 2 : i32
    %mul3A_0 = arith.muli %arg1, %mul3A : i32
    %add3A = arith.addi %mul3A_0, %arg0 : i32
    %mul3A_1 = arith.constant 7552 : i32
    %mul3A_2 = arith.muli %add3A, %mul3A_1 : i32
    %scan3A = arith.constant 0 : i32
    %scan3A_3 = arith.constant 0 : i32
    %scan3A_4 = arith.constant 59 : i32
    %scan3A_5 = arith.addi %scan3A_3, %scan3A_4 : i32
    %scan3A_6 = arith.constant 1 : i32
    %scan3A_7 = scf.for %scan3A_9 = %scan3A_3 to %scan3A_5 step %scan3A_6 iter_args(%scan3A_10 = %scan3A) -> (i32)  : i32 {
      %mul3A_11 = arith.constant 128 : i32
      %mul3A_12 = arith.muli %scan3A_9, %mul3A_11 : i32
      %add3A_13 = arith.addi %mul3A_2, %mul3A_12 : i32
      "tpu.region"() ({
        %run_scoped3A = tpu.sem_alloc : memref<!tpu.dma_semaphore, #tpu.memory_space<semaphore_mem>>
        %dma_start3A_19 = tpu.memref_slice %arg3[%add3A_13] : memref<241664xi32, #tpu.memory_space<hbm>> -> memref<128xi32, #tpu.memory_space<hbm>>
        %dma_start3A_20 = tpu.memref_slice %arg3[%add3A_13] : memref<241664xi32, #tpu.memory_space<hbm>> -> memref<128xi32, #tpu.memory_space<hbm>>
        tpu.enqueue_dma source(%dma_start3A_20 : memref<128xi32, #tpu.memory_space<hbm>>) target(%arg5 : memref<128xi32, #tpu.memory_space<vmem>>) target_semaphore(%run_scoped3A : memref<!tpu.dma_semaphore, #tpu.memory_space<semaphore_mem>>)
        %dma_wait3A_21 = tpu.memref_slice %arg3[%add3A_13] : memref<241664xi32, #tpu.memory_space<hbm>> -> memref<128xi32, #tpu.memory_space<hbm>>
        %dma_wait3A_22 = tpu.memref_slice %arg3[%add3A_13] : memref<241664xi32, #tpu.memory_space<hbm>> -> memref<128xi32, #tpu.memory_space<hbm>>
        tpu.wait_dma2 semaphore(%run_scoped3A : memref<!tpu.dma_semaphore, #tpu.memory_space<semaphore_mem>>) src(%dma_wait3A_22 : memref<128xi32, #tpu.memory_space<hbm>>) dst(%arg5 : memref<128xi32, #tpu.memory_space<vmem>>)
        tpu.yield
      }) : () -> ()
      %dma_start3A = arith.constant 0 : i32
      %dma_start3A_14 = arith.constant 0 : i32
      %dma_start3A_15 = tpu.memref_slice %arg2[%dma_start3A, %dma_start3A_14] : memref<10000x128xf32, #tpu.memory_space<hbm>> -> memref<10000x128xf32, #tpu.memory_space<hbm>>
      tpu.enqueue_indirect_dma source(%dma_start3A_15 : memref<10000x128xf32, #tpu.memory_space<hbm>>) target(%arg6 : memref<128x128xf32, #tpu.memory_space<vmem>>) offsets(%arg5 : memref<128xi32, #tpu.memory_space<vmem>>) semaphore(%arg7 : memref<!tpu.dma_semaphore, #tpu.memory_space<semaphore_mem>>)
      %dma_wait3A = arith.constant 0 : i32
      %dma_wait3A_16 = arith.constant 0 : i32
      %dma_wait3A_17 = tpu.memref_slice %arg2[%dma_wait3A, %dma_wait3A_16] : memref<10000x128xf32, #tpu.memory_space<hbm>> -> memref<10000x128xf32, #tpu.memory_space<hbm>>
      tpu.wait_indirect_dma semaphore(%arg7 : memref<!tpu.dma_semaphore, #tpu.memory_space<semaphore_mem>>) src(%dma_wait3A_17 : memref<10000x128xf32, #tpu.memory_space<hbm>>) dst(%arg6 : memref<128x128xf32, #tpu.memory_space<vmem>>)
      "tpu.region"() ({
        %run_scoped3A = tpu.sem_alloc : memref<!tpu.dma_semaphore, #tpu.memory_space<semaphore_mem>>
        %dma_start3A_19 = arith.constant 0 : i32
        %dma_start3A_20 = tpu.memref_slice %arg4[%add3A_13, %dma_start3A_19] : memref<241664x128xf32, #tpu.memory_space<hbm>> -> memref<128x128xf32, #tpu.memory_space<hbm>>
        %dma_start3A_21 = arith.constant 0 : i32
        %dma_start3A_22 = tpu.memref_slice %arg4[%add3A_13, %dma_start3A_21] : memref<241664x128xf32, #tpu.memory_space<hbm>> -> memref<128x128xf32, #tpu.memory_space<hbm>>
        tpu.enqueue_dma source(%arg6 : memref<128x128xf32, #tpu.memory_space<vmem>>) target(%dma_start3A_22 : memref<128x128xf32, #tpu.memory_space<hbm>>) target_semaphore(%run_scoped3A : memref<!tpu.dma_semaphore, #tpu.memory_space<semaphore_mem>>)
        %dma_wait3A_23 = arith.constant 0 : i32
        %dma_wait3A_24 = tpu.memref_slice %arg4[%add3A_13, %dma_wait3A_23] : memref<241664x128xf32, #tpu.memory_space<hbm>> -> memref<128x128xf32, #tpu.memory_space<hbm>>
        %dma_wait3A_25 = arith.constant 0 : i32
        %dma_wait3A_26 = tpu.memref_slice %arg4[%add3A_13, %dma_wait3A_25] : memref<241664x128xf32, #tpu.memory_space<hbm>> -> memref<128x128xf32, #tpu.memory_space<hbm>>
        tpu.wait_dma2 semaphore(%run_scoped3A : memref<!tpu.dma_semaphore, #tpu.memory_space<semaphore_mem>>) src(%arg6 : memref<128x128xf32, #tpu.memory_space<vmem>>) dst(%dma_wait3A_26 : memref<128x128xf32, #tpu.memory_space<hbm>>)
        tpu.yield
      }) : () -> ()
      %scan3A_18 = arith.constant 0 : i32
      scf.yield %scan3A_18 : i32
    }
    %scan3A_8 = arith.constant 59 : i32
    return
  }
}

module attributes {stable_mosaic.version = 14 : i64} {
  func.func @_knn_body(%arg0: i32, %arg1: memref<128x8xf32, #tpu.memory_space<vmem>>, %arg2: memref<8x10112xf32, #tpu.memory_space<vmem>>, %arg3: memref<1x10112xf32, #tpu.memory_space<vmem>>, %arg4: memref<128x16xi32, #tpu.memory_space<vmem>>, %arg5: memref<128x16xf32, #tpu.memory_space<vmem>>) attributes {dimension_semantics = [#tpu.dimension_semantics<arbitrary>], iteration_bounds = array<i64: 79>, scalar_prefetch = 0 : i64, scratch_operands = 0 : i64, tpu.core_type = #tpu.core_type<tc>, window_params = [{transform_indices = @transform_0, window_bounds = array<i64: 128, 8>}, {pipeline_mode = #tpu.pipeline_mode<synchronous>, transform_indices = @transform_1, window_bounds = array<i64: 8, 10112>}, {pipeline_mode = #tpu.pipeline_mode<synchronous>, transform_indices = @transform_2, window_bounds = array<i64: 1, 10112>}, {transform_indices = @transform_3, window_bounds = array<i64: 128, 16>}, {transform_indices = @transform_4, window_bounds = array<i64: 128, 16>}]} {
    %get3A = arith.constant 0 : index
    %get3A_0 = arith.constant 0 : index
    %get3A_1 = vector.load %arg1[%get3A, %get3A_0] : memref<128x8xf32, #tpu.memory_space<vmem>>, vector<128x8xf32>
    %mul3A = arith.mulf %get3A_1, %get3A_1 : vector<128x8xf32>
    %reduce_sum3A = arith.constant dense<0.000000e+00> : vector<128xf32>
    %reduce_sum3A_2 = vector.multi_reduction <add>, %mul3A, %reduce_sum3A [1] : vector<128x8xf32> to vector<128xf32>
    %broadcast_in_dim3A = vector.shape_cast %reduce_sum3A_2 : vector<128xf32> to vector<128x1xf32>
    %get3A_3 = arith.constant 0 : index
    %get3A_4 = arith.constant 0 : index
    %get3A_5 = vector.load %arg2[%get3A_3, %get3A_4] : memref<8x10112xf32, #tpu.memory_space<vmem>>, vector<8x10112xf32>
    %dot_general3A = arith.constant dense<0.000000e+00> : vector<128x10112xf32>
    %dot_general3A_6 = tpu.matmul %get3A_1, %get3A_5, %dot_general3A {dimension_numbers = #tpu.dot_dimension_numbers<[1], [0], [0], [1], [0, 0, 1, 1], [], []>, transpose_lhs_hint = false} : vector<128x8xf32>, vector<8x10112xf32>, vector<128x10112xf32> -> vector<128x10112xf32>
    %iota3A = tpu.iota {dimensions = array<i32: 1>} : vector<128x10112xi32>
    %get3A_7 = arith.constant 0 : index
    %get3A_8 = arith.constant 0 : index
    %get3A_9 = vector.load %arg3[%get3A_7, %get3A_8] : memref<1x10112xf32, #tpu.memory_space<vmem>>, vector<1x10112xf32>
    %add3A = vector.broadcast %broadcast_in_dim3A : vector<128x1xf32> to vector<128x10112xf32>
    %add3A_10 = vector.broadcast %get3A_9 : vector<1x10112xf32> to vector<128x10112xf32>
    %add3A_11 = arith.addf %add3A, %add3A_10 : vector<128x10112xf32>
    %mul3A_12 = arith.constant 2.000000e+00 : f32
    %mul3A_13 = vector.broadcast %mul3A_12 : f32 to vector<128x10112xf32>
    %mul3A_14 = arith.mulf %mul3A_13, %dot_general3A_6 : vector<128x10112xf32>
    %sub3A = arith.subf %add3A_11, %mul3A_14 : vector<128x10112xf32>
    %mul3A_15 = arith.constant 128 : i32
    %mul3A_16 = arith.muli %arg0, %mul3A_15 : i32
    %iota3A_17 = tpu.iota {dimensions = array<i32: 0>} : vector<128x10112xi32>
    %add3A_18 = vector.broadcast %mul3A_16 : i32 to vector<128x10112xi32>
    %add3A_19 = arith.addi %add3A_18, %iota3A_17 : vector<128x10112xi32>
    %eq3A = arith.cmpi eq, %iota3A, %add3A_19 : vector<128x10112xi32>
    %jit3A = arith.constant 9.99999995E+11 : f32
    %jit3A_20 = arith.constant 0.000000e+00 : f32
    %broadcast_in_dim3A_21 = vector.broadcast %jit3A : f32 to vector<128x10112xf32>
    %broadcast_in_dim3A_22 = vector.broadcast %jit3A_20 : f32 to vector<128x10112xf32>
    %select_n3A = arith.select %eq3A, %broadcast_in_dim3A_21, %broadcast_in_dim3A_22 : vector<128x10112xi1>, vector<128x10112xf32>
    %add3A_23 = arith.addf %sub3A, %select_n3A : vector<128x10112xf32>
    %reduce_min3A = arith.constant dense<0x7F800000> : vector<128xf32>
    %reduce_min3A_24 = vector.multi_reduction <minimumf>, %add3A_23, %reduce_min3A [1] : vector<128x10112xf32> to vector<128xf32>
    %broadcast_in_dim3A_25 = vector.shape_cast %reduce_min3A_24 : vector<128xf32> to vector<128x1xf32>
    %eq3A_26 = vector.broadcast %broadcast_in_dim3A_25 : vector<128x1xf32> to vector<128x10112xf32>
    %eq3A_27 = arith.cmpf oeq, %add3A_23, %eq3A_26 : vector<128x10112xf32>
    %jit3A_28 = arith.constant 2147483647 : i32
    %broadcast_in_dim3A_29 = vector.broadcast %jit3A_28 : i32 to vector<128x10112xi32>
    %select_n3A_30 = arith.select %eq3A_27, %iota3A, %broadcast_in_dim3A_29 : vector<128x10112xi1>, vector<128x10112xi32>
    %reduce_min3A_31 = arith.constant dense<2147483647> : vector<128xi32>
    %reduce_min3A_32 = vector.multi_reduction <minsi>, %select_n3A_30, %reduce_min3A_31 [1] : vector<128x10112xi32> to vector<128xi32>
    %broadcast_in_dim3A_33 = vector.shape_cast %reduce_min3A_32 : vector<128xi32> to vector<128x1xi32>
    %swap3A = arith.constant 0 : index
    %swap3A_34 = arith.constant 0 : index
    %swap3A_35 = vector.load %arg4[%swap3A, %swap3A_34] : memref<128x16xi32, #tpu.memory_space<vmem>>, vector<128x1xi32>
    tpu.vector_store %arg4[%swap3A, %swap3A_34], %broadcast_in_dim3A_33 {strides = array<i32>} : memref<128x16xi32, #tpu.memory_space<vmem>>, vector<128x1xi32>,
    %swap3A_36 = arith.constant 0 : index
    %swap3A_37 = arith.constant 0 : index
    %swap3A_38 = vector.load %arg5[%swap3A_36, %swap3A_37] : memref<128x16xf32, #tpu.memory_space<vmem>>, vector<128x1xf32>
    tpu.vector_store %arg5[%swap3A_36, %swap3A_37], %broadcast_in_dim3A_25 {strides = array<i32>} : memref<128x16xf32, #tpu.memory_space<vmem>>, vector<128x1xf32>,
    %eq3A_39 = vector.broadcast %broadcast_in_dim3A_33 : vector<128x1xi32> to vector<128x10112xi32>
    %eq3A_40 = arith.cmpi eq, %iota3A, %eq3A_39 : vector<128x10112xi32>
    %jit3A_41 = arith.constant 3.000000e+38 : f32
    %broadcast_in_dim3A_42 = vector.broadcast %jit3A_41 : f32 to vector<128x10112xf32>
    %select_n3A_43 = arith.select %eq3A_40, %broadcast_in_dim3A_42, %add3A_23 : vector<128x10112xi1>, vector<128x10112xf32>
    %reduce_min3A_44 = arith.constant dense<0x7F800000> : vector<128xf32>
    %reduce_min3A_45 = vector.multi_reduction <minimumf>, %select_n3A_43, %reduce_min3A_44 [1] : vector<128x10112xf32> to vector<128xf32>
    %broadcast_in_dim3A_46 = vector.shape_cast %reduce_min3A_45 : vector<128xf32> to vector<128x1xf32>
    %eq3A_47 = vector.broadcast %broadcast_in_dim3A_46 : vector<128x1xf32> to vector<128x10112xf32>
    %eq3A_48 = arith.cmpf oeq, %select_n3A_43, %eq3A_47 : vector<128x10112xf32>
    %jit3A_49 = arith.constant 2147483647 : i32
    %broadcast_in_dim3A_50 = vector.broadcast %jit3A_49 : i32 to vector<128x10112xi32>
    %select_n3A_51 = arith.select %eq3A_48, %iota3A, %broadcast_in_dim3A_50 : vector<128x10112xi1>, vector<128x10112xi32>
    %reduce_min3A_52 = arith.constant dense<2147483647> : vector<128xi32>
    %reduce_min3A_53 = vector.multi_reduction <minsi>, %select_n3A_51, %reduce_min3A_52 [1] : vector<128x10112xi32> to vector<128xi32>
    %broadcast_in_dim3A_54 = vector.shape_cast %reduce_min3A_53 : vector<128xi32> to vector<128x1xi32>
    %swap3A_55 = arith.constant 0 : index
    %swap3A_56 = arith.constant 1 : index
    %swap3A_57 = vector.load %arg4[%swap3A_55, %swap3A_56] : memref<128x16xi32, #tpu.memory_space<vmem>>, vector<128x1xi32>
    tpu.vector_store %arg4[%swap3A_55, %swap3A_56], %broadcast_in_dim3A_54 {strides = array<i32>} : memref<128x16xi32, #tpu.memory_space<vmem>>, vector<128x1xi32>,
    %swap3A_58 = arith.constant 0 : index
    %swap3A_59 = arith.constant 1 : index
    %swap3A_60 = vector.load %arg5[%swap3A_58, %swap3A_59] : memref<128x16xf32, #tpu.memory_space<vmem>>, vector<128x1xf32>
    tpu.vector_store %arg5[%swap3A_58, %swap3A_59], %broadcast_in_dim3A_46 {strides = array<i32>} : memref<128x16xf32, #tpu.memory_space<vmem>>, vector<128x1xf32>,
    %eq3A_61 = vector.broadcast %broadcast_in_dim3A_54 : vector<128x1xi32> to vector<128x10112xi32>
    %eq3A_62 = arith.cmpi eq, %iota3A, %eq3A_61 : vector<128x10112xi32>
    %jit3A_63 = arith.constant 3.000000e+38 : f32
    %broadcast_in_dim3A_64 = vector.broadcast %jit3A_63 : f32 to vector<128x10112xf32>
    %select_n3A_65 = arith.select %eq3A_62, %broadcast_in_dim3A_64, %select_n3A_43 : vector<128x10112xi1>, vector<128x10112xf32>
    %reduce_min3A_66 = arith.constant dense<0x7F800000> : vector<128xf32>
    %reduce_min3A_67 = vector.multi_reduction <minimumf>, %select_n3A_65, %reduce_min3A_66 [1] : vector<128x10112xf32> to vector<128xf32>
    %broadcast_in_dim3A_68 = vector.shape_cast %reduce_min3A_67 : vector<128xf32> to vector<128x1xf32>
    %eq3A_69 = vector.broadcast %broadcast_in_dim3A_68 : vector<128x1xf32> to vector<128x10112xf32>
    %eq3A_70 = arith.cmpf oeq, %select_n3A_65, %eq3A_69 : vector<128x10112xf32>
    %jit3A_71 = arith.constant 2147483647 : i32
    %broadcast_in_dim3A_72 = vector.broadcast %jit3A_71 : i32 to vector<128x10112xi32>
    %select_n3A_73 = arith.select %eq3A_70, %iota3A, %broadcast_in_dim3A_72 : vector<128x10112xi1>, vector<128x10112xi32>
    %reduce_min3A_74 = arith.constant dense<2147483647> : vector<128xi32>
    %reduce_min3A_75 = vector.multi_reduction <minsi>, %select_n3A_73, %reduce_min3A_74 [1] : vector<128x10112xi32> to vector<128xi32>
    %broadcast_in_dim3A_76 = vector.shape_cast %reduce_min3A_75 : vector<128xi32> to vector<128x1xi32>
    %swap3A_77 = arith.constant 0 : index
    %swap3A_78 = arith.constant 2 : index
    %swap3A_79 = vector.load %arg4[%swap3A_77, %swap3A_78] : memref<128x16xi32, #tpu.memory_space<vmem>>, vector<128x1xi32>
    tpu.vector_store %arg4[%swap3A_77, %swap3A_78], %broadcast_in_dim3A_76 {strides = array<i32>} : memref<128x16xi32, #tpu.memory_space<vmem>>, vector<128x1xi32>,
    %swap3A_80 = arith.constant 0 : index
    %swap3A_81 = arith.constant 2 : index
    %swap3A_82 = vector.load %arg5[%swap3A_80, %swap3A_81] : memref<128x16xf32, #tpu.memory_space<vmem>>, vector<128x1xf32>
    tpu.vector_store %arg5[%swap3A_80, %swap3A_81], %broadcast_in_dim3A_68 {strides = array<i32>} : memref<128x16xf32, #tpu.memory_space<vmem>>, vector<128x1xf32>,
    %eq3A_83 = vector.broadcast %broadcast_in_dim3A_76 : vector<128x1xi32> to vector<128x10112xi32>
    %eq3A_84 = arith.cmpi eq, %iota3A, %eq3A_83 : vector<128x10112xi32>
    %jit3A_85 = arith.constant 3.000000e+38 : f32
    %broadcast_in_dim3A_86 = vector.broadcast %jit3A_85 : f32 to vector<128x10112xf32>
    %select_n3A_87 = arith.select %eq3A_84, %broadcast_in_dim3A_86, %select_n3A_65 : vector<128x10112xi1>, vector<128x10112xf32>
    %reduce_min3A_88 = arith.constant dense<0x7F800000> : vector<128xf32>
    %reduce_min3A_89 = vector.multi_reduction <minimumf>, %select_n3A_87, %reduce_min3A_88 [1] : vector<128x10112xf32> to vector<128xf32>
    %broadcast_in_dim3A_90 = vector.shape_cast %reduce_min3A_89 : vector<128xf32> to vector<128x1xf32>
    %eq3A_91 = vector.broadcast %broadcast_in_dim3A_90 : vector<128x1xf32> to vector<128x10112xf32>
    %eq3A_92 = arith.cmpf oeq, %select_n3A_87, %eq3A_91 : vector<128x10112xf32>
    %jit3A_93 = arith.constant 2147483647 : i32
    %broadcast_in_dim3A_94 = vector.broadcast %jit3A_93 : i32 to vector<128x10112xi32>
    %select_n3A_95 = arith.select %eq3A_92, %iota3A, %broadcast_in_dim3A_94 : vector<128x10112xi1>, vector<128x10112xi32>
    %reduce_min3A_96 = arith.constant dense<2147483647> : vector<128xi32>
    %reduce_min3A_97 = vector.multi_reduction <minsi>, %select_n3A_95, %reduce_min3A_96 [1] : vector<128x10112xi32> to vector<128xi32>
    %broadcast_in_dim3A_98 = vector.shape_cast %reduce_min3A_97 : vector<128xi32> to vector<128x1xi32>
    %swap3A_99 = arith.constant 0 : index
    %swap3A_100 = arith.constant 3 : index
    %swap3A_101 = vector.load %arg4[%swap3A_99, %swap3A_100] : memref<128x16xi32, #tpu.memory_space<vmem>>, vector<128x1xi32>
    tpu.vector_store %arg4[%swap3A_99, %swap3A_100], %broadcast_in_dim3A_98 {strides = array<i32>} : memref<128x16xi32, #tpu.memory_space<vmem>>, vector<128x1xi32>,
    %swap3A_102 = arith.constant 0 : index
    %swap3A_103 = arith.constant 3 : index
    %swap3A_104 = vector.load %arg5[%swap3A_102, %swap3A_103] : memref<128x16xf32, #tpu.memory_space<vmem>>, vector<128x1xf32>
    tpu.vector_store %arg5[%swap3A_102, %swap3A_103], %broadcast_in_dim3A_90 {strides = array<i32>} : memref<128x16xf32, #tpu.memory_space<vmem>>, vector<128x1xf32>,
    %eq3A_105 = vector.broadcast %broadcast_in_dim3A_98 : vector<128x1xi32> to vector<128x10112xi32>
    %eq3A_106 = arith.cmpi eq, %iota3A, %eq3A_105 : vector<128x10112xi32>
    %jit3A_107 = arith.constant 3.000000e+38 : f32
    %broadcast_in_dim3A_108 = vector.broadcast %jit3A_107 : f32 to vector<128x10112xf32>
    %select_n3A_109 = arith.select %eq3A_106, %broadcast_in_dim3A_108, %select_n3A_87 : vector<128x10112xi1>, vector<128x10112xf32>
    %reduce_min3A_110 = arith.constant dense<0x7F800000> : vector<128xf32>
    %reduce_min3A_111 = vector.multi_reduction <minimumf>, %select_n3A_109, %reduce_min3A_110 [1] : vector<128x10112xf32> to vector<128xf32>
    %broadcast_in_dim3A_112 = vector.shape_cast %reduce_min3A_111 : vector<128xf32> to vector<128x1xf32>
    %eq3A_113 = vector.broadcast %broadcast_in_dim3A_112 : vector<128x1xf32> to vector<128x10112xf32>
    %eq3A_114 = arith.cmpf oeq, %select_n3A_109, %eq3A_113 : vector<128x10112xf32>
    %jit3A_115 = arith.constant 2147483647 : i32
    %broadcast_in_dim3A_116 = vector.broadcast %jit3A_115 : i32 to vector<128x10112xi32>
    %select_n3A_117 = arith.select %eq3A_114, %iota3A, %broadcast_in_dim3A_116 : vector<128x10112xi1>, vector<128x10112xi32>
    %reduce_min3A_118 = arith.constant dense<2147483647> : vector<128xi32>
    %reduce_min3A_119 = vector.multi_reduction <minsi>, %select_n3A_117, %reduce_min3A_118 [1] : vector<128x10112xi32> to vector<128xi32>
    %broadcast_in_dim3A_120 = vector.shape_cast %reduce_min3A_119 : vector<128xi32> to vector<128x1xi32>
    %swap3A_121 = arith.constant 0 : index
    %swap3A_122 = arith.constant 4 : index
    %swap3A_123 = vector.load %arg4[%swap3A_121, %swap3A_122] : memref<128x16xi32, #tpu.memory_space<vmem>>, vector<128x1xi32>
    tpu.vector_store %arg4[%swap3A_121, %swap3A_122], %broadcast_in_dim3A_120 {strides = array<i32>} : memref<128x16xi32, #tpu.memory_space<vmem>>, vector<128x1xi32>,
    %swap3A_124 = arith.constant 0 : index
    %swap3A_125 = arith.constant 4 : index
    %swap3A_126 = vector.load %arg5[%swap3A_124, %swap3A_125] : memref<128x16xf32, #tpu.memory_space<vmem>>, vector<128x1xf32>
    tpu.vector_store %arg5[%swap3A_124, %swap3A_125], %broadcast_in_dim3A_112 {strides = array<i32>} : memref<128x16xf32, #tpu.memory_space<vmem>>, vector<128x1xf32>,
    %eq3A_127 = vector.broadcast %broadcast_in_dim3A_120 : vector<128x1xi32> to vector<128x10112xi32>
    %eq3A_128 = arith.cmpi eq, %iota3A, %eq3A_127 : vector<128x10112xi32>
    %jit3A_129 = arith.constant 3.000000e+38 : f32
    %broadcast_in_dim3A_130 = vector.broadcast %jit3A_129 : f32 to vector<128x10112xf32>
    %select_n3A_131 = arith.select %eq3A_128, %broadcast_in_dim3A_130, %select_n3A_109 : vector<128x10112xi1>, vector<128x10112xf32>
    %reduce_min3A_132 = arith.constant dense<0x7F800000> : vector<128xf32>
    %reduce_min3A_133 = vector.multi_reduction <minimumf>, %select_n3A_131, %reduce_min3A_132 [1] : vector<128x10112xf32> to vector<128xf32>
    %broadcast_in_dim3A_134 = vector.shape_cast %reduce_min3A_133 : vector<128xf32> to vector<128x1xf32>
    %eq3A_135 = vector.broadcast %broadcast_in_dim3A_134 : vector<128x1xf32> to vector<128x10112xf32>
    %eq3A_136 = arith.cmpf oeq, %select_n3A_131, %eq3A_135 : vector<128x10112xf32>
    %jit3A_137 = arith.constant 2147483647 : i32
    %broadcast_in_dim3A_138 = vector.broadcast %jit3A_137 : i32 to vector<128x10112xi32>
    %select_n3A_139 = arith.select %eq3A_136, %iota3A, %broadcast_in_dim3A_138 : vector<128x10112xi1>, vector<128x10112xi32>
    %reduce_min3A_140 = arith.constant dense<2147483647> : vector<128xi32>
    %reduce_min3A_141 = vector.multi_reduction <minsi>, %select_n3A_139, %reduce_min3A_140 [1] : vector<128x10112xi32> to vector<128xi32>
    %broadcast_in_dim3A_142 = vector.shape_cast %reduce_min3A_141 : vector<128xi32> to vector<128x1xi32>
    %swap3A_143 = arith.constant 0 : index
    %swap3A_144 = arith.constant 5 : index
    %swap3A_145 = vector.load %arg4[%swap3A_143, %swap3A_144] : memref<128x16xi32, #tpu.memory_space<vmem>>, vector<128x1xi32>
    tpu.vector_store %arg4[%swap3A_143, %swap3A_144], %broadcast_in_dim3A_142 {strides = array<i32>} : memref<128x16xi32, #tpu.memory_space<vmem>>, vector<128x1xi32>,
    %swap3A_146 = arith.constant 0 : index
    %swap3A_147 = arith.constant 5 : index
    %swap3A_148 = vector.load %arg5[%swap3A_146, %swap3A_147] : memref<128x16xf32, #tpu.memory_space<vmem>>, vector<128x1xf32>
    tpu.vector_store %arg5[%swap3A_146, %swap3A_147], %broadcast_in_dim3A_134 {strides = array<i32>} : memref<128x16xf32, #tpu.memory_space<vmem>>, vector<128x1xf32>,
    %eq3A_149 = vector.broadcast %broadcast_in_dim3A_142 : vector<128x1xi32> to vector<128x10112xi32>
    %eq3A_150 = arith.cmpi eq, %iota3A, %eq3A_149 : vector<128x10112xi32>
    %jit3A_151 = arith.constant 3.000000e+38 : f32
    %broadcast_in_dim3A_152 = vector.broadcast %jit3A_151 : f32 to vector<128x10112xf32>
    %select_n3A_153 = arith.select %eq3A_150, %broadcast_in_dim3A_152, %select_n3A_131 : vector<128x10112xi1>, vector<128x10112xf32>
    %reduce_min3A_154 = arith.constant dense<0x7F800000> : vector<128xf32>
    %reduce_min3A_155 = vector.multi_reduction <minimumf>, %select_n3A_153, %reduce_min3A_154 [1] : vector<128x10112xf32> to vector<128xf32>
    %broadcast_in_dim3A_156 = vector.shape_cast %reduce_min3A_155 : vector<128xf32> to vector<128x1xf32>
    %eq3A_157 = vector.broadcast %broadcast_in_dim3A_156 : vector<128x1xf32> to vector<128x10112xf32>
    %eq3A_158 = arith.cmpf oeq, %select_n3A_153, %eq3A_157 : vector<128x10112xf32>
    %jit3A_159 = arith.constant 2147483647 : i32
    %broadcast_in_dim3A_160 = vector.broadcast %jit3A_159 : i32 to vector<128x10112xi32>
    %select_n3A_161 = arith.select %eq3A_158, %iota3A, %broadcast_in_dim3A_160 : vector<128x10112xi1>, vector<128x10112xi32>
    %reduce_min3A_162 = arith.constant dense<2147483647> : vector<128xi32>
    %reduce_min3A_163 = vector.multi_reduction <minsi>, %select_n3A_161, %reduce_min3A_162 [1] : vector<128x10112xi32> to vector<128xi32>
    %broadcast_in_dim3A_164 = vector.shape_cast %reduce_min3A_163 : vector<128xi32> to vector<128x1xi32>
    %swap3A_165 = arith.constant 0 : index
    %swap3A_166 = arith.constant 6 : index
    %swap3A_167 = vector.load %arg4[%swap3A_165, %swap3A_166] : memref<128x16xi32, #tpu.memory_space<vmem>>, vector<128x1xi32>
    tpu.vector_store %arg4[%swap3A_165, %swap3A_166], %broadcast_in_dim3A_164 {strides = array<i32>} : memref<128x16xi32, #tpu.memory_space<vmem>>, vector<128x1xi32>,
    %swap3A_168 = arith.constant 0 : index
    %swap3A_169 = arith.constant 6 : index
    %swap3A_170 = vector.load %arg5[%swap3A_168, %swap3A_169] : memref<128x16xf32, #tpu.memory_space<vmem>>, vector<128x1xf32>
    tpu.vector_store %arg5[%swap3A_168, %swap3A_169], %broadcast_in_dim3A_156 {strides = array<i32>} : memref<128x16xf32, #tpu.memory_space<vmem>>, vector<128x1xf32>,
    %eq3A_171 = vector.broadcast %broadcast_in_dim3A_164 : vector<128x1xi32> to vector<128x10112xi32>
    %eq3A_172 = arith.cmpi eq, %iota3A, %eq3A_171 : vector<128x10112xi32>
    %jit3A_173 = arith.constant 3.000000e+38 : f32
    %broadcast_in_dim3A_174 = vector.broadcast %jit3A_173 : f32 to vector<128x10112xf32>
    %select_n3A_175 = arith.select %eq3A_172, %broadcast_in_dim3A_174, %select_n3A_153 : vector<128x10112xi1>, vector<128x10112xf32>
    %reduce_min3A_176 = arith.constant dense<0x7F800000> : vector<128xf32>
    %reduce_min3A_177 = vector.multi_reduction <minimumf>, %select_n3A_175, %reduce_min3A_176 [1] : vector<128x10112xf32> to vector<128xf32>
    %broadcast_in_dim3A_178 = vector.shape_cast %reduce_min3A_177 : vector<128xf32> to vector<128x1xf32>
    %eq3A_179 = vector.broadcast %broadcast_in_dim3A_178 : vector<128x1xf32> to vector<128x10112xf32>
    %eq3A_180 = arith.cmpf oeq, %select_n3A_175, %eq3A_179 : vector<128x10112xf32>
    %jit3A_181 = arith.constant 2147483647 : i32
    %broadcast_in_dim3A_182 = vector.broadcast %jit3A_181 : i32 to vector<128x10112xi32>
    %select_n3A_183 = arith.select %eq3A_180, %iota3A, %broadcast_in_dim3A_182 : vector<128x10112xi1>, vector<128x10112xi32>
    %reduce_min3A_184 = arith.constant dense<2147483647> : vector<128xi32>
    %reduce_min3A_185 = vector.multi_reduction <minsi>, %select_n3A_183, %reduce_min3A_184 [1] : vector<128x10112xi32> to vector<128xi32>
    %broadcast_in_dim3A_186 = vector.shape_cast %reduce_min3A_185 : vector<128xi32> to vector<128x1xi32>
    %swap3A_187 = arith.constant 0 : index
    %swap3A_188 = arith.constant 7 : index
    %swap3A_189 = vector.load %arg4[%swap3A_187, %swap3A_188] : memref<128x16xi32, #tpu.memory_space<vmem>>, vector<128x1xi32>
    tpu.vector_store %arg4[%swap3A_187, %swap3A_188], %broadcast_in_dim3A_186 {strides = array<i32>} : memref<128x16xi32, #tpu.memory_space<vmem>>, vector<128x1xi32>,
    %swap3A_190 = arith.constant 0 : index
    %swap3A_191 = arith.constant 7 : index
    %swap3A_192 = vector.load %arg5[%swap3A_190, %swap3A_191] : memref<128x16xf32, #tpu.memory_space<vmem>>, vector<128x1xf32>
    tpu.vector_store %arg5[%swap3A_190, %swap3A_191], %broadcast_in_dim3A_178 {strides = array<i32>} : memref<128x16xf32, #tpu.memory_space<vmem>>, vector<128x1xf32>,
    %eq3A_193 = vector.broadcast %broadcast_in_dim3A_186 : vector<128x1xi32> to vector<128x10112xi32>
    %eq3A_194 = arith.cmpi eq, %iota3A, %eq3A_193 : vector<128x10112xi32>
    %jit3A_195 = arith.constant 3.000000e+38 : f32
    %broadcast_in_dim3A_196 = vector.broadcast %jit3A_195 : f32 to vector<128x10112xf32>
    %select_n3A_197 = arith.select %eq3A_194, %broadcast_in_dim3A_196, %select_n3A_175 : vector<128x10112xi1>, vector<128x10112xf32>
    %reduce_min3A_198 = arith.constant dense<0x7F800000> : vector<128xf32>
    %reduce_min3A_199 = vector.multi_reduction <minimumf>, %select_n3A_197, %reduce_min3A_198 [1] : vector<128x10112xf32> to vector<128xf32>
    %broadcast_in_dim3A_200 = vector.shape_cast %reduce_min3A_199 : vector<128xf32> to vector<128x1xf32>
    %eq3A_201 = vector.broadcast %broadcast_in_dim3A_200 : vector<128x1xf32> to vector<128x10112xf32>
    %eq3A_202 = arith.cmpf oeq, %select_n3A_197, %eq3A_201 : vector<128x10112xf32>
    %jit3A_203 = arith.constant 2147483647 : i32
    %broadcast_in_dim3A_204 = vector.broadcast %jit3A_203 : i32 to vector<128x10112xi32>
    %select_n3A_205 = arith.select %eq3A_202, %iota3A, %broadcast_in_dim3A_204 : vector<128x10112xi1>, vector<128x10112xi32>
    %reduce_min3A_206 = arith.constant dense<2147483647> : vector<128xi32>
    %reduce_min3A_207 = vector.multi_reduction <minsi>, %select_n3A_205, %reduce_min3A_206 [1] : vector<128x10112xi32> to vector<128xi32>
    %broadcast_in_dim3A_208 = vector.shape_cast %reduce_min3A_207 : vector<128xi32> to vector<128x1xi32>
    %swap3A_209 = arith.constant 0 : index
    %swap3A_210 = arith.constant 8 : index
    %swap3A_211 = vector.load %arg4[%swap3A_209, %swap3A_210] : memref<128x16xi32, #tpu.memory_space<vmem>>, vector<128x1xi32>
    tpu.vector_store %arg4[%swap3A_209, %swap3A_210], %broadcast_in_dim3A_208 {strides = array<i32>} : memref<128x16xi32, #tpu.memory_space<vmem>>, vector<128x1xi32>,
    %swap3A_212 = arith.constant 0 : index
    %swap3A_213 = arith.constant 8 : index
    %swap3A_214 = vector.load %arg5[%swap3A_212, %swap3A_213] : memref<128x16xf32, #tpu.memory_space<vmem>>, vector<128x1xf32>
    tpu.vector_store %arg5[%swap3A_212, %swap3A_213], %broadcast_in_dim3A_200 {strides = array<i32>} : memref<128x16xf32, #tpu.memory_space<vmem>>, vector<128x1xf32>,
    %eq3A_215 = vector.broadcast %broadcast_in_dim3A_208 : vector<128x1xi32> to vector<128x10112xi32>
    %eq3A_216 = arith.cmpi eq, %iota3A, %eq3A_215 : vector<128x10112xi32>
    %jit3A_217 = arith.constant 3.000000e+38 : f32
    %broadcast_in_dim3A_218 = vector.broadcast %jit3A_217 : f32 to vector<128x10112xf32>
    %select_n3A_219 = arith.select %eq3A_216, %broadcast_in_dim3A_218, %select_n3A_197 : vector<128x10112xi1>, vector<128x10112xf32>
    %reduce_min3A_220 = arith.constant dense<0x7F800000> : vector<128xf32>
    %reduce_min3A_221 = vector.multi_reduction <minimumf>, %select_n3A_219, %reduce_min3A_220 [1] : vector<128x10112xf32> to vector<128xf32>
    %broadcast_in_dim3A_222 = vector.shape_cast %reduce_min3A_221 : vector<128xf32> to vector<128x1xf32>
    %eq3A_223 = vector.broadcast %broadcast_in_dim3A_222 : vector<128x1xf32> to vector<128x10112xf32>
    %eq3A_224 = arith.cmpf oeq, %select_n3A_219, %eq3A_223 : vector<128x10112xf32>
    %jit3A_225 = arith.constant 2147483647 : i32
    %broadcast_in_dim3A_226 = vector.broadcast %jit3A_225 : i32 to vector<128x10112xi32>
    %select_n3A_227 = arith.select %eq3A_224, %iota3A, %broadcast_in_dim3A_226 : vector<128x10112xi1>, vector<128x10112xi32>
    %reduce_min3A_228 = arith.constant dense<2147483647> : vector<128xi32>
    %reduce_min3A_229 = vector.multi_reduction <minsi>, %select_n3A_227, %reduce_min3A_228 [1] : vector<128x10112xi32> to vector<128xi32>
    %broadcast_in_dim3A_230 = vector.shape_cast %reduce_min3A_229 : vector<128xi32> to vector<128x1xi32>
    %swap3A_231 = arith.constant 0 : index
    %swap3A_232 = arith.constant 9 : index
    %swap3A_233 = vector.load %arg4[%swap3A_231, %swap3A_232] : memref<128x16xi32, #tpu.memory_space<vmem>>, vector<128x1xi32>
    tpu.vector_store %arg4[%swap3A_231, %swap3A_232], %broadcast_in_dim3A_230 {strides = array<i32>} : memref<128x16xi32, #tpu.memory_space<vmem>>, vector<128x1xi32>,
    %swap3A_234 = arith.constant 0 : index
    %swap3A_235 = arith.constant 9 : index
    %swap3A_236 = vector.load %arg5[%swap3A_234, %swap3A_235] : memref<128x16xf32, #tpu.memory_space<vmem>>, vector<128x1xf32>
    tpu.vector_store %arg5[%swap3A_234, %swap3A_235], %broadcast_in_dim3A_222 {strides = array<i32>} : memref<128x16xf32, #tpu.memory_space<vmem>>, vector<128x1xf32>,
    %eq3A_237 = vector.broadcast %broadcast_in_dim3A_230 : vector<128x1xi32> to vector<128x10112xi32>
    %eq3A_238 = arith.cmpi eq, %iota3A, %eq3A_237 : vector<128x10112xi32>
    %jit3A_239 = arith.constant 3.000000e+38 : f32
    %broadcast_in_dim3A_240 = vector.broadcast %jit3A_239 : f32 to vector<128x10112xf32>
    %select_n3A_241 = arith.select %eq3A_238, %broadcast_in_dim3A_240, %select_n3A_219 : vector<128x10112xi1>, vector<128x10112xf32>
    %reduce_min3A_242 = arith.constant dense<0x7F800000> : vector<128xf32>
    %reduce_min3A_243 = vector.multi_reduction <minimumf>, %select_n3A_241, %reduce_min3A_242 [1] : vector<128x10112xf32> to vector<128xf32>
    %broadcast_in_dim3A_244 = vector.shape_cast %reduce_min3A_243 : vector<128xf32> to vector<128x1xf32>
    %eq3A_245 = vector.broadcast %broadcast_in_dim3A_244 : vector<128x1xf32> to vector<128x10112xf32>
    %eq3A_246 = arith.cmpf oeq, %select_n3A_241, %eq3A_245 : vector<128x10112xf32>
    %jit3A_247 = arith.constant 2147483647 : i32
    %broadcast_in_dim3A_248 = vector.broadcast %jit3A_247 : i32 to vector<128x10112xi32>
    %select_n3A_249 = arith.select %eq3A_246, %iota3A, %broadcast_in_dim3A_248 : vector<128x10112xi1>, vector<128x10112xi32>
    %reduce_min3A_250 = arith.constant dense<2147483647> : vector<128xi32>
    %reduce_min3A_251 = vector.multi_reduction <minsi>, %select_n3A_249, %reduce_min3A_250 [1] : vector<128x10112xi32> to vector<128xi32>
    %broadcast_in_dim3A_252 = vector.shape_cast %reduce_min3A_251 : vector<128xi32> to vector<128x1xi32>
    %swap3A_253 = arith.constant 0 : index
    %swap3A_254 = arith.constant 10 : index
    %swap3A_255 = vector.load %arg4[%swap3A_253, %swap3A_254] : memref<128x16xi32, #tpu.memory_space<vmem>>, vector<128x1xi32>
    tpu.vector_store %arg4[%swap3A_253, %swap3A_254], %broadcast_in_dim3A_252 {strides = array<i32>} : memref<128x16xi32, #tpu.memory_space<vmem>>, vector<128x1xi32>,
    %swap3A_256 = arith.constant 0 : index
    %swap3A_257 = arith.constant 10 : index
    %swap3A_258 = vector.load %arg5[%swap3A_256, %swap3A_257] : memref<128x16xf32, #tpu.memory_space<vmem>>, vector<128x1xf32>
    tpu.vector_store %arg5[%swap3A_256, %swap3A_257], %broadcast_in_dim3A_244 {strides = array<i32>} : memref<128x16xf32, #tpu.memory_space<vmem>>, vector<128x1xf32>,
    %eq3A_259 = vector.broadcast %broadcast_in_dim3A_252 : vector<128x1xi32> to vector<128x10112xi32>
    %eq3A_260 = arith.cmpi eq, %iota3A, %eq3A_259 : vector<128x10112xi32>
    %jit3A_261 = arith.constant 3.000000e+38 : f32
    %broadcast_in_dim3A_262 = vector.broadcast %jit3A_261 : f32 to vector<128x10112xf32>
    %select_n3A_263 = arith.select %eq3A_260, %broadcast_in_dim3A_262, %select_n3A_241 : vector<128x10112xi1>, vector<128x10112xf32>
    %reduce_min3A_264 = arith.constant dense<0x7F800000> : vector<128xf32>
    %reduce_min3A_265 = vector.multi_reduction <minimumf>, %select_n3A_263, %reduce_min3A_264 [1] : vector<128x10112xf32> to vector<128xf32>
    %broadcast_in_dim3A_266 = vector.shape_cast %reduce_min3A_265 : vector<128xf32> to vector<128x1xf32>
    %eq3A_267 = vector.broadcast %broadcast_in_dim3A_266 : vector<128x1xf32> to vector<128x10112xf32>
    %eq3A_268 = arith.cmpf oeq, %select_n3A_263, %eq3A_267 : vector<128x10112xf32>
    %jit3A_269 = arith.constant 2147483647 : i32
    %broadcast_in_dim3A_270 = vector.broadcast %jit3A_269 : i32 to vector<128x10112xi32>
    %select_n3A_271 = arith.select %eq3A_268, %iota3A, %broadcast_in_dim3A_270 : vector<128x10112xi1>, vector<128x10112xi32>
    %reduce_min3A_272 = arith.constant dense<2147483647> : vector<128xi32>
    %reduce_min3A_273 = vector.multi_reduction <minsi>, %select_n3A_271, %reduce_min3A_272 [1] : vector<128x10112xi32> to vector<128xi32>
    %broadcast_in_dim3A_274 = vector.shape_cast %reduce_min3A_273 : vector<128xi32> to vector<128x1xi32>
    %swap3A_275 = arith.constant 0 : index
    %swap3A_276 = arith.constant 11 : index
    %swap3A_277 = vector.load %arg4[%swap3A_275, %swap3A_276] : memref<128x16xi32, #tpu.memory_space<vmem>>, vector<128x1xi32>
    tpu.vector_store %arg4[%swap3A_275, %swap3A_276], %broadcast_in_dim3A_274 {strides = array<i32>} : memref<128x16xi32, #tpu.memory_space<vmem>>, vector<128x1xi32>,
    %swap3A_278 = arith.constant 0 : index
    %swap3A_279 = arith.constant 11 : index
    %swap3A_280 = vector.load %arg5[%swap3A_278, %swap3A_279] : memref<128x16xf32, #tpu.memory_space<vmem>>, vector<128x1xf32>
    tpu.vector_store %arg5[%swap3A_278, %swap3A_279], %broadcast_in_dim3A_266 {strides = array<i32>} : memref<128x16xf32, #tpu.memory_space<vmem>>, vector<128x1xf32>,
    %eq3A_281 = vector.broadcast %broadcast_in_dim3A_274 : vector<128x1xi32> to vector<128x10112xi32>
    %eq3A_282 = arith.cmpi eq, %iota3A, %eq3A_281 : vector<128x10112xi32>
    %jit3A_283 = arith.constant 3.000000e+38 : f32
    %broadcast_in_dim3A_284 = vector.broadcast %jit3A_283 : f32 to vector<128x10112xf32>
    %select_n3A_285 = arith.select %eq3A_282, %broadcast_in_dim3A_284, %select_n3A_263 : vector<128x10112xi1>, vector<128x10112xf32>
    %reduce_min3A_286 = arith.constant dense<0x7F800000> : vector<128xf32>
    %reduce_min3A_287 = vector.multi_reduction <minimumf>, %select_n3A_285, %reduce_min3A_286 [1] : vector<128x10112xf32> to vector<128xf32>
    %broadcast_in_dim3A_288 = vector.shape_cast %reduce_min3A_287 : vector<128xf32> to vector<128x1xf32>
    %eq3A_289 = vector.broadcast %broadcast_in_dim3A_288 : vector<128x1xf32> to vector<128x10112xf32>
    %eq3A_290 = arith.cmpf oeq, %select_n3A_285, %eq3A_289 : vector<128x10112xf32>
    %jit3A_291 = arith.constant 2147483647 : i32
    %broadcast_in_dim3A_292 = vector.broadcast %jit3A_291 : i32 to vector<128x10112xi32>
    %select_n3A_293 = arith.select %eq3A_290, %iota3A, %broadcast_in_dim3A_292 : vector<128x10112xi1>, vector<128x10112xi32>
    %reduce_min3A_294 = arith.constant dense<2147483647> : vector<128xi32>
    %reduce_min3A_295 = vector.multi_reduction <minsi>, %select_n3A_293, %reduce_min3A_294 [1] : vector<128x10112xi32> to vector<128xi32>
    %broadcast_in_dim3A_296 = vector.shape_cast %reduce_min3A_295 : vector<128xi32> to vector<128x1xi32>
    %swap3A_297 = arith.constant 0 : index
    %swap3A_298 = arith.constant 12 : index
    %swap3A_299 = vector.load %arg4[%swap3A_297, %swap3A_298] : memref<128x16xi32, #tpu.memory_space<vmem>>, vector<128x1xi32>
    tpu.vector_store %arg4[%swap3A_297, %swap3A_298], %broadcast_in_dim3A_296 {strides = array<i32>} : memref<128x16xi32, #tpu.memory_space<vmem>>, vector<128x1xi32>,
    %swap3A_300 = arith.constant 0 : index
    %swap3A_301 = arith.constant 12 : index
    %swap3A_302 = vector.load %arg5[%swap3A_300, %swap3A_301] : memref<128x16xf32, #tpu.memory_space<vmem>>, vector<128x1xf32>
    tpu.vector_store %arg5[%swap3A_300, %swap3A_301], %broadcast_in_dim3A_288 {strides = array<i32>} : memref<128x16xf32, #tpu.memory_space<vmem>>, vector<128x1xf32>,
    %eq3A_303 = vector.broadcast %broadcast_in_dim3A_296 : vector<128x1xi32> to vector<128x10112xi32>
    %eq3A_304 = arith.cmpi eq, %iota3A, %eq3A_303 : vector<128x10112xi32>
    %jit3A_305 = arith.constant 3.000000e+38 : f32
    %broadcast_in_dim3A_306 = vector.broadcast %jit3A_305 : f32 to vector<128x10112xf32>
    %select_n3A_307 = arith.select %eq3A_304, %broadcast_in_dim3A_306, %select_n3A_285 : vector<128x10112xi1>, vector<128x10112xf32>
    %reduce_min3A_308 = arith.constant dense<0x7F800000> : vector<128xf32>
    %reduce_min3A_309 = vector.multi_reduction <minimumf>, %select_n3A_307, %reduce_min3A_308 [1] : vector<128x10112xf32> to vector<128xf32>
    %broadcast_in_dim3A_310 = vector.shape_cast %reduce_min3A_309 : vector<128xf32> to vector<128x1xf32>
    %eq3A_311 = vector.broadcast %broadcast_in_dim3A_310 : vector<128x1xf32> to vector<128x10112xf32>
    %eq3A_312 = arith.cmpf oeq, %select_n3A_307, %eq3A_311 : vector<128x10112xf32>
    %jit3A_313 = arith.constant 2147483647 : i32
    %broadcast_in_dim3A_314 = vector.broadcast %jit3A_313 : i32 to vector<128x10112xi32>
    %select_n3A_315 = arith.select %eq3A_312, %iota3A, %broadcast_in_dim3A_314 : vector<128x10112xi1>, vector<128x10112xi32>
    %reduce_min3A_316 = arith.constant dense<2147483647> : vector<128xi32>
    %reduce_min3A_317 = vector.multi_reduction <minsi>, %select_n3A_315, %reduce_min3A_316 [1] : vector<128x10112xi32> to vector<128xi32>
    %broadcast_in_dim3A_318 = vector.shape_cast %reduce_min3A_317 : vector<128xi32> to vector<128x1xi32>
    %swap3A_319 = arith.constant 0 : index
    %swap3A_320 = arith.constant 13 : index
    %swap3A_321 = vector.load %arg4[%swap3A_319, %swap3A_320] : memref<128x16xi32, #tpu.memory_space<vmem>>, vector<128x1xi32>
    tpu.vector_store %arg4[%swap3A_319, %swap3A_320], %broadcast_in_dim3A_318 {strides = array<i32>} : memref<128x16xi32, #tpu.memory_space<vmem>>, vector<128x1xi32>,
    %swap3A_322 = arith.constant 0 : index
    %swap3A_323 = arith.constant 13 : index
    %swap3A_324 = vector.load %arg5[%swap3A_322, %swap3A_323] : memref<128x16xf32, #tpu.memory_space<vmem>>, vector<128x1xf32>
    tpu.vector_store %arg5[%swap3A_322, %swap3A_323], %broadcast_in_dim3A_310 {strides = array<i32>} : memref<128x16xf32, #tpu.memory_space<vmem>>, vector<128x1xf32>,
    %eq3A_325 = vector.broadcast %broadcast_in_dim3A_318 : vector<128x1xi32> to vector<128x10112xi32>
    %eq3A_326 = arith.cmpi eq, %iota3A, %eq3A_325 : vector<128x10112xi32>
    %jit3A_327 = arith.constant 3.000000e+38 : f32
    %broadcast_in_dim3A_328 = vector.broadcast %jit3A_327 : f32 to vector<128x10112xf32>
    %select_n3A_329 = arith.select %eq3A_326, %broadcast_in_dim3A_328, %select_n3A_307 : vector<128x10112xi1>, vector<128x10112xf32>
    %reduce_min3A_330 = arith.constant dense<0x7F800000> : vector<128xf32>
    %reduce_min3A_331 = vector.multi_reduction <minimumf>, %select_n3A_329, %reduce_min3A_330 [1] : vector<128x10112xf32> to vector<128xf32>
    %broadcast_in_dim3A_332 = vector.shape_cast %reduce_min3A_331 : vector<128xf32> to vector<128x1xf32>
    %eq3A_333 = vector.broadcast %broadcast_in_dim3A_332 : vector<128x1xf32> to vector<128x10112xf32>
    %eq3A_334 = arith.cmpf oeq, %select_n3A_329, %eq3A_333 : vector<128x10112xf32>
    %jit3A_335 = arith.constant 2147483647 : i32
    %broadcast_in_dim3A_336 = vector.broadcast %jit3A_335 : i32 to vector<128x10112xi32>
    %select_n3A_337 = arith.select %eq3A_334, %iota3A, %broadcast_in_dim3A_336 : vector<128x10112xi1>, vector<128x10112xi32>
    %reduce_min3A_338 = arith.constant dense<2147483647> : vector<128xi32>
    %reduce_min3A_339 = vector.multi_reduction <minsi>, %select_n3A_337, %reduce_min3A_338 [1] : vector<128x10112xi32> to vector<128xi32>
    %broadcast_in_dim3A_340 = vector.shape_cast %reduce_min3A_339 : vector<128xi32> to vector<128x1xi32>
    %swap3A_341 = arith.constant 0 : index
    %swap3A_342 = arith.constant 14 : index
    %swap3A_343 = vector.load %arg4[%swap3A_341, %swap3A_342] : memref<128x16xi32, #tpu.memory_space<vmem>>, vector<128x1xi32>
    tpu.vector_store %arg4[%swap3A_341, %swap3A_342], %broadcast_in_dim3A_340 {strides = array<i32>} : memref<128x16xi32, #tpu.memory_space<vmem>>, vector<128x1xi32>,
    %swap3A_344 = arith.constant 0 : index
    %swap3A_345 = arith.constant 14 : index
    %swap3A_346 = vector.load %arg5[%swap3A_344, %swap3A_345] : memref<128x16xf32, #tpu.memory_space<vmem>>, vector<128x1xf32>
    tpu.vector_store %arg5[%swap3A_344, %swap3A_345], %broadcast_in_dim3A_332 {strides = array<i32>} : memref<128x16xf32, #tpu.memory_space<vmem>>, vector<128x1xf32>,
    %eq3A_347 = vector.broadcast %broadcast_in_dim3A_340 : vector<128x1xi32> to vector<128x10112xi32>
    %eq3A_348 = arith.cmpi eq, %iota3A, %eq3A_347 : vector<128x10112xi32>
    %jit3A_349 = arith.constant 3.000000e+38 : f32
    %broadcast_in_dim3A_350 = vector.broadcast %jit3A_349 : f32 to vector<128x10112xf32>
    %select_n3A_351 = arith.select %eq3A_348, %broadcast_in_dim3A_350, %select_n3A_329 : vector<128x10112xi1>, vector<128x10112xf32>
    %reduce_min3A_352 = arith.constant dense<0x7F800000> : vector<128xf32>
    %reduce_min3A_353 = vector.multi_reduction <minimumf>, %select_n3A_351, %reduce_min3A_352 [1] : vector<128x10112xf32> to vector<128xf32>
    %broadcast_in_dim3A_354 = vector.shape_cast %reduce_min3A_353 : vector<128xf32> to vector<128x1xf32>
    %eq3A_355 = vector.broadcast %broadcast_in_dim3A_354 : vector<128x1xf32> to vector<128x10112xf32>
    %eq3A_356 = arith.cmpf oeq, %select_n3A_351, %eq3A_355 : vector<128x10112xf32>
    %jit3A_357 = arith.constant 2147483647 : i32
    %broadcast_in_dim3A_358 = vector.broadcast %jit3A_357 : i32 to vector<128x10112xi32>
    %select_n3A_359 = arith.select %eq3A_356, %iota3A, %broadcast_in_dim3A_358 : vector<128x10112xi1>, vector<128x10112xi32>
    %reduce_min3A_360 = arith.constant dense<2147483647> : vector<128xi32>
    %reduce_min3A_361 = vector.multi_reduction <minsi>, %select_n3A_359, %reduce_min3A_360 [1] : vector<128x10112xi32> to vector<128xi32>
    %broadcast_in_dim3A_362 = vector.shape_cast %reduce_min3A_361 : vector<128xi32> to vector<128x1xi32>
    %swap3A_363 = arith.constant 0 : index
    %swap3A_364 = arith.constant 15 : index
    %swap3A_365 = vector.load %arg4[%swap3A_363, %swap3A_364] : memref<128x16xi32, #tpu.memory_space<vmem>>, vector<128x1xi32>
    tpu.vector_store %arg4[%swap3A_363, %swap3A_364], %broadcast_in_dim3A_362 {strides = array<i32>} : memref<128x16xi32, #tpu.memory_space<vmem>>, vector<128x1xi32>,
    %swap3A_366 = arith.constant 0 : index
    %swap3A_367 = arith.constant 15 : index
    %swap3A_368 = vector.load %arg5[%swap3A_366, %swap3A_367] : memref<128x16xf32, #tpu.memory_space<vmem>>, vector<128x1xf32>
    tpu.vector_store %arg5[%swap3A_366, %swap3A_367], %broadcast_in_dim3A_354 {strides = array<i32>} : memref<128x16xf32, #tpu.memory_space<vmem>>, vector<128x1xf32>,
    return
  }
  func.func @transform_0(%arg0: i32) -> (i32, i32) {
    %c0_i32 = arith.constant 0 : i32
    %c0_i32_0 = arith.constant 0 : i32
    return %arg0, %c0_i32 : i32, i32
  }
  func.func @transform_1(%arg0: i32) -> (i32, i32) {
    %c0_i32 = arith.constant 0 : i32
    %c0_i32_0 = arith.constant 0 : i32
    %c0_i32_1 = arith.constant 0 : i32
    return %c0_i32, %c0_i32_0 : i32, i32
  }
  func.func @transform_2(%arg0: i32) -> (i32, i32) {
    %c0_i32 = arith.constant 0 : i32
    %c0_i32_0 = arith.constant 0 : i32
    %c0_i32_1 = arith.constant 0 : i32
    return %c0_i32, %c0_i32_0 : i32, i32
  }
  func.func @transform_3(%arg0: i32) -> (i32, i32) {
    %c0_i32 = arith.constant 0 : i32
    %c0_i32_0 = arith.constant 0 : i32
    return %arg0, %c0_i32 : i32, i32
  }
  func.func @transform_4(%arg0: i32) -> (i32, i32) {
    %c0_i32 = arith.constant 0 : i32
    %c0_i32_0 = arith.constant 0 : i32
    return %arg0, %c0_i32 : i32, i32
  }
}

module attributes {stable_mosaic.version = 14 : i64} {
  func.func @_fps_body(%arg0: memref<79x128xf32, #tpu.memory_space<vmem>>, %arg1: memref<79x128xf32, #tpu.memory_space<vmem>>, %arg2: memref<79x128xf32, #tpu.memory_space<vmem>>, %arg3: memref<1000xi32, #tpu.memory_space<smem>>, %arg4: memref<79x128xf32, #tpu.memory_space<vmem>>) attributes {dimension_semantics = [], scalar_prefetch = 0 : i64, scratch_operands = 1 : i64, tpu.core_type = #tpu.core_type<tc>} {
    %iota3A = tpu.iota {dimensions = array<i32: 0>} : vector<79x128xi32>
    %mul3A = arith.constant 128 : i32
    %mul3A_0 = vector.broadcast %mul3A : i32 to vector<79x128xi32>
    %mul3A_1 = arith.muli %iota3A, %mul3A_0 : vector<79x128xi32>
    %iota3A_2 = tpu.iota {dimensions = array<i32: 1>} : vector<79x128xi32>
    %add3A = arith.addi %mul3A_1, %iota3A_2 : vector<79x128xi32>
    %lt3A = arith.constant 10000 : i32
    %lt3A_3 = vector.broadcast %lt3A : i32 to vector<79x128xi32>
    %lt3A_4 = arith.cmpi slt, %add3A, %lt3A_3 : vector<79x128xi32>
    %neg3A = arith.constant 0.000000e+00 : f32
    %neg3A_5 = arith.constant 0x7F800000 : f32
    %neg3A_6 = arith.subf %neg3A, %neg3A_5 : f32
    %jit3A = arith.constant 0x7F800000 : f32
    %broadcast_in_dim3A = vector.broadcast %jit3A : f32 to vector<79x128xf32>
    %broadcast_in_dim3A_7 = vector.broadcast %neg3A_6 : f32 to vector<79x128xf32>
    %select_n3A = arith.select %lt3A_4, %broadcast_in_dim3A, %broadcast_in_dim3A_7 : vector<79x128xi1>, vector<79x128xf32>
    %swap3A = arith.constant 0 : index
    %swap3A_8 = arith.constant 0 : index
    %swap3A_9 = vector.load %arg4[%swap3A, %swap3A_8] : memref<79x128xf32, #tpu.memory_space<vmem>>, vector<79x128xf32>
    tpu.vector_store %arg4[%swap3A, %swap3A_8], %select_n3A {strides = array<i32>} : memref<79x128xf32, #tpu.memory_space<vmem>>, vector<79x128xf32>,
    %swap3A_10 = arith.constant 0 : i32
    %swap3A_11 = arith.constant 0 : index
    %swap3A_12 = memref.load %arg3[%swap3A_11] : memref<1000xi32, #tpu.memory_space<smem>>
    memref.store %swap3A_10, %arg3[%swap3A_11] : memref<1000xi32, #tpu.memory_space<smem>>
    %get3A = arith.constant 0 : index
    %get3A_13 = arith.constant 0 : index
    %get3A_14 = vector.load %arg0[%get3A, %get3A_13] : memref<79x128xf32, #tpu.memory_space<vmem>>, vector<79x128xf32>
    %get3A_15 = arith.constant 0 : index
    %get3A_16 = arith.constant 0 : index
    %get3A_17 = vector.load %arg1[%get3A_15, %get3A_16] : memref<79x128xf32, #tpu.memory_space<vmem>>, vector<79x128xf32>
    %get3A_18 = arith.constant 0 : index
    %get3A_19 = arith.constant 0 : index
    %get3A_20 = vector.load %arg2[%get3A_18, %get3A_19] : memref<79x128xf32, #tpu.memory_space<vmem>>, vector<79x128xf32>
    %eq3A = arith.constant 0 : i32
    %eq3A_21 = vector.broadcast %eq3A : i32 to vector<79x128xi32>
    %eq3A_22 = arith.cmpi eq, %add3A, %eq3A_21 : vector<79x128xi32>
    %neg3A_23 = arith.constant 0.000000e+00 : f32
    %neg3A_24 = arith.constant 0x7F800000 : f32
    %neg3A_25 = arith.subf %neg3A_23, %neg3A_24 : f32
    %broadcast_in_dim3A_26 = vector.broadcast %neg3A_25 : f32 to vector<79x128xf32>
    %select_n3A_27 = arith.select %eq3A_22, %get3A_14, %broadcast_in_dim3A_26 : vector<79x128xi1>, vector<79x128xf32>
    %reduce_max3A = vector.shape_cast %select_n3A_27 : vector<79x128xf32> to vector<1x79x128xf32>
    %reduce_max3A_28 = arith.constant dense<0xFF800000> : vector<1xf32>
    %reduce_max3A_29 = vector.multi_reduction <maximumf>, %reduce_max3A, %reduce_max3A_28 [1, 2] : vector<1x79x128xf32> to vector<1xf32>
    %reduce_max3A_30 = vector.shape_cast %reduce_max3A_29 : vector<1xf32> to vector<1x1x1xf32>
    %reduce_max3A_31 = vector.extract %reduce_max3A_30[0, 0, 0] : f32 from vector<1x1x1xf32>
    %neg3A_32 = arith.constant 0.000000e+00 : f32
    %neg3A_33 = arith.constant 0x7F800000 : f32
    %neg3A_34 = arith.subf %neg3A_32, %neg3A_33 : f32
    %broadcast_in_dim3A_35 = vector.broadcast %neg3A_34 : f32 to vector<79x128xf32>
    %select_n3A_36 = arith.select %eq3A_22, %get3A_17, %broadcast_in_dim3A_35 : vector<79x128xi1>, vector<79x128xf32>
    %reduce_max3A_37 = vector.shape_cast %select_n3A_36 : vector<79x128xf32> to vector<1x79x128xf32>
    %reduce_max3A_38 = arith.constant dense<0xFF800000> : vector<1xf32>
    %reduce_max3A_39 = vector.multi_reduction <maximumf>, %reduce_max3A_37, %reduce_max3A_38 [1, 2] : vector<1x79x128xf32> to vector<1xf32>
    %reduce_max3A_40 = vector.shape_cast %reduce_max3A_39 : vector<1xf32> to vector<1x1x1xf32>
    %reduce_max3A_41 = vector.extract %reduce_max3A_40[0, 0, 0] : f32 from vector<1x1x1xf32>
    %neg3A_42 = arith.constant 0.000000e+00 : f32
    %neg3A_43 = arith.constant 0x7F800000 : f32
    %neg3A_44 = arith.subf %neg3A_42, %neg3A_43 : f32
    %broadcast_in_dim3A_45 = vector.broadcast %neg3A_44 : f32 to vector<79x128xf32>
    %select_n3A_46 = arith.select %eq3A_22, %get3A_20, %broadcast_in_dim3A_45 : vector<79x128xi1>, vector<79x128xf32>
    %reduce_max3A_47 = vector.shape_cast %select_n3A_46 : vector<79x128xf32> to vector<1x79x128xf32>
    %reduce_max3A_48 = arith.constant dense<0xFF800000> : vector<1xf32>
    %reduce_max3A_49 = vector.multi_reduction <maximumf>, %reduce_max3A_47, %reduce_max3A_48 [1, 2] : vector<1x79x128xf32> to vector<1xf32>
    %reduce_max3A_50 = vector.shape_cast %reduce_max3A_49 : vector<1xf32> to vector<1x1x1xf32>
    %reduce_max3A_51 = vector.extract %reduce_max3A_50[0, 0, 0] : f32 from vector<1x1x1xf32>
    %scan3A = arith.constant 1 : i32
    %scan3A_52 = arith.constant 999 : i32
    %scan3A_53 = arith.addi %scan3A, %scan3A_52 : i32
    %scan3A_54 = arith.constant 1 : i32
    %scan3A_55:3 = scf.for %scan3A_57 = %scan3A to %scan3A_53 step %scan3A_54 iter_args(%scan3A_58 = %reduce_max3A_31, %scan3A_59 = %reduce_max3A_41, %scan3A_60 = %reduce_max3A_51) -> (f32, f32, f32)  : i32 {
      %sub3A = vector.broadcast %scan3A_58 : f32 to vector<79x128xf32>
      %sub3A_61 = arith.subf %get3A_14, %sub3A : vector<79x128xf32>
      %integer_pow3A = arith.mulf %sub3A_61, %sub3A_61 : vector<79x128xf32>
      %sub3A_62 = vector.broadcast %scan3A_59 : f32 to vector<79x128xf32>
      %sub3A_63 = arith.subf %get3A_17, %sub3A_62 : vector<79x128xf32>
      %integer_pow3A_64 = arith.mulf %sub3A_63, %sub3A_63 : vector<79x128xf32>
      %add3A_65 = arith.addf %integer_pow3A, %integer_pow3A_64 : vector<79x128xf32>
      %sub3A_66 = vector.broadcast %scan3A_60 : f32 to vector<79x128xf32>
      %sub3A_67 = arith.subf %get3A_20, %sub3A_66 : vector<79x128xf32>
      %integer_pow3A_68 = arith.mulf %sub3A_67, %sub3A_67 : vector<79x128xf32>
      %add3A_69 = arith.addf %add3A_65, %integer_pow3A_68 : vector<79x128xf32>
      %get3A_70 = arith.constant 0 : index
      %get3A_71 = arith.constant 0 : index
      %get3A_72 = vector.load %arg4[%get3A_70, %get3A_71] : memref<79x128xf32, #tpu.memory_space<vmem>>, vector<79x128xf32>
      %min3A = arith.minimumf %get3A_72, %add3A_69 : vector<79x128xf32>
      %swap3A_73 = arith.constant 0 : index
      %swap3A_74 = arith.constant 0 : index
      %swap3A_75 = vector.load %arg4[%swap3A_73, %swap3A_74] : memref<79x128xf32, #tpu.memory_space<vmem>>, vector<79x128xf32>
      tpu.vector_store %arg4[%swap3A_73, %swap3A_74], %min3A {strides = array<i32>} : memref<79x128xf32, #tpu.memory_space<vmem>>, vector<79x128xf32>,
      %reduce_max3A_76 = vector.shape_cast %min3A : vector<79x128xf32> to vector<1x79x128xf32>
      %reduce_max3A_77 = arith.constant dense<0xFF800000> : vector<1xf32>
      %reduce_max3A_78 = vector.multi_reduction <maximumf>, %reduce_max3A_76, %reduce_max3A_77 [1, 2] : vector<1x79x128xf32> to vector<1xf32>
      %reduce_max3A_79 = vector.shape_cast %reduce_max3A_78 : vector<1xf32> to vector<1x1x1xf32>
      %reduce_max3A_80 = vector.extract %reduce_max3A_79[0, 0, 0] : f32 from vector<1x1x1xf32>
      %eq3A_81 = vector.broadcast %reduce_max3A_80 : f32 to vector<79x128xf32>
      %eq3A_82 = arith.cmpf oeq, %min3A, %eq3A_81 : vector<79x128xf32>
      %jit3A_83 = arith.constant 2147483647 : i32
      %broadcast_in_dim3A_84 = vector.broadcast %jit3A_83 : i32 to vector<79x128xi32>
      %select_n3A_85 = arith.select %eq3A_82, %add3A, %broadcast_in_dim3A_84 : vector<79x128xi1>, vector<79x128xi32>
      %reduce_min3A = vector.shape_cast %select_n3A_85 : vector<79x128xi32> to vector<1x79x128xi32>
      %reduce_min3A_86 = arith.constant dense<2147483647> : vector<1xi32>
      %reduce_min3A_87 = vector.multi_reduction <minsi>, %reduce_min3A, %reduce_min3A_86 [1, 2] : vector<1x79x128xi32> to vector<1xi32>
      %reduce_min3A_88 = vector.shape_cast %reduce_min3A_87 : vector<1xi32> to vector<1x1x1xi32>
      %reduce_min3A_89 = vector.extract %reduce_min3A_88[0, 0, 0] : i32 from vector<1x1x1xi32>
      %swap3A_90 = arith.index_cast %scan3A_57 : i32 to index
      %swap3A_91 = memref.load %arg3[%swap3A_90] : memref<1000xi32, #tpu.memory_space<smem>>
      memref.store %reduce_min3A_89, %arg3[%swap3A_90] : memref<1000xi32, #tpu.memory_space<smem>>
      %eq3A_92 = vector.broadcast %reduce_min3A_89 : i32 to vector<79x128xi32>
      %eq3A_93 = arith.cmpi eq, %add3A, %eq3A_92 : vector<79x128xi32>
      %neg3A_94 = arith.constant 0.000000e+00 : f32
      %neg3A_95 = arith.constant 0x7F800000 : f32
      %neg3A_96 = arith.subf %neg3A_94, %neg3A_95 : f32
      %broadcast_in_dim3A_97 = vector.broadcast %neg3A_96 : f32 to vector<79x128xf32>
      %select_n3A_98 = arith.select %eq3A_93, %get3A_14, %broadcast_in_dim3A_97 : vector<79x128xi1>, vector<79x128xf32>
      %reduce_max3A_99 = vector.shape_cast %select_n3A_98 : vector<79x128xf32> to vector<1x79x128xf32>
      %reduce_max3A_100 = arith.constant dense<0xFF800000> : vector<1xf32>
      %reduce_max3A_101 = vector.multi_reduction <maximumf>, %reduce_max3A_99, %reduce_max3A_100 [1, 2] : vector<1x79x128xf32> to vector<1xf32>
      %reduce_max3A_102 = vector.shape_cast %reduce_max3A_101 : vector<1xf32> to vector<1x1x1xf32>
      %reduce_max3A_103 = vector.extract %reduce_max3A_102[0, 0, 0] : f32 from vector<1x1x1xf32>
      %neg3A_104 = arith.constant 0.000000e+00 : f32
      %neg3A_105 = arith.constant 0x7F800000 : f32
      %neg3A_106 = arith.subf %neg3A_104, %neg3A_105 : f32
      %broadcast_in_dim3A_107 = vector.broadcast %neg3A_106 : f32 to vector<79x128xf32>
      %select_n3A_108 = arith.select %eq3A_93, %get3A_17, %broadcast_in_dim3A_107 : vector<79x128xi1>, vector<79x128xf32>
      %reduce_max3A_109 = vector.shape_cast %select_n3A_108 : vector<79x128xf32> to vector<1x79x128xf32>
      %reduce_max3A_110 = arith.constant dense<0xFF800000> : vector<1xf32>
      %reduce_max3A_111 = vector.multi_reduction <maximumf>, %reduce_max3A_109, %reduce_max3A_110 [1, 2] : vector<1x79x128xf32> to vector<1xf32>
      %reduce_max3A_112 = vector.shape_cast %reduce_max3A_111 : vector<1xf32> to vector<1x1x1xf32>
      %reduce_max3A_113 = vector.extract %reduce_max3A_112[0, 0, 0] : f32 from vector<1x1x1xf32>
      %neg3A_114 = arith.constant 0.000000e+00 : f32
      %neg3A_115 = arith.constant 0x7F800000 : f32
      %neg3A_116 = arith.subf %neg3A_114, %neg3A_115 : f32
      %broadcast_in_dim3A_117 = vector.broadcast %neg3A_116 : f32 to vector<79x128xf32>
      %select_n3A_118 = arith.select %eq3A_93, %get3A_20, %broadcast_in_dim3A_117 : vector<79x128xi1>, vector<79x128xf32>
      %reduce_max3A_119 = vector.shape_cast %select_n3A_118 : vector<79x128xf32> to vector<1x79x128xf32>
      %reduce_max3A_120 = arith.constant dense<0xFF800000> : vector<1xf32>
      %reduce_max3A_121 = vector.multi_reduction <maximumf>, %reduce_max3A_119, %reduce_max3A_120 [1, 2] : vector<1x79x128xf32> to vector<1xf32>
      %reduce_max3A_122 = vector.shape_cast %reduce_max3A_121 : vector<1xf32> to vector<1x1x1xf32>
      %reduce_max3A_123 = vector.extract %reduce_max3A_122[0, 0, 0] : f32 from vector<1x1x1xf32>
      scf.yield %reduce_max3A_103, %reduce_max3A_113, %reduce_max3A_123 : f32, f32, f32
    }
    %scan3A_56 = arith.constant 999 : i32
    return
  }
}

module attributes {stable_mosaic.version = 14 : i64} {
  func.func @_knn_body(%arg0: i32, %arg1: memref<200x8xf32, #tpu.memory_space<vmem>>, %arg2: memref<8x10112xf32, #tpu.memory_space<vmem>>, %arg3: memref<1x10112xf32, #tpu.memory_space<vmem>>, %arg4: memref<200x16xi32, #tpu.memory_space<vmem>>, %arg5: memref<200x16xf32, #tpu.memory_space<vmem>>) attributes {dimension_semantics = [#tpu.dimension_semantics<arbitrary>], iteration_bounds = array<i64: 5>, scalar_prefetch = 0 : i64, scratch_operands = 0 : i64, tpu.core_type = #tpu.core_type<tc>, window_params = [{transform_indices = @transform_0, window_bounds = array<i64: 200, 8>}, {pipeline_mode = #tpu.pipeline_mode<synchronous>, transform_indices = @transform_1, window_bounds = array<i64: 8, 10112>}, {pipeline_mode = #tpu.pipeline_mode<synchronous>, transform_indices = @transform_2, window_bounds = array<i64: 1, 10112>}, {transform_indices = @transform_3, window_bounds = array<i64: 200, 16>}, {transform_indices = @transform_4, window_bounds = array<i64: 200, 16>}]} {
    %get3A = arith.constant 0 : index
    %get3A_0 = arith.constant 0 : index
    %get3A_1 = vector.load %arg1[%get3A, %get3A_0] : memref<200x8xf32, #tpu.memory_space<vmem>>, vector<200x8xf32>
    %mul3A = arith.mulf %get3A_1, %get3A_1 : vector<200x8xf32>
    %reduce_sum3A = arith.constant dense<0.000000e+00> : vector<200xf32>
    %reduce_sum3A_2 = vector.multi_reduction <add>, %mul3A, %reduce_sum3A [1] : vector<200x8xf32> to vector<200xf32>
    %broadcast_in_dim3A = vector.shape_cast %reduce_sum3A_2 : vector<200xf32> to vector<200x1xf32>
    %get3A_3 = arith.constant 0 : index
    %get3A_4 = arith.constant 0 : index
    %get3A_5 = vector.load %arg2[%get3A_3, %get3A_4] : memref<8x10112xf32, #tpu.memory_space<vmem>>, vector<8x10112xf32>
    %dot_general3A = arith.constant dense<0.000000e+00> : vector<200x10112xf32>
    %dot_general3A_6 = tpu.matmul %get3A_1, %get3A_5, %dot_general3A {dimension_numbers = #tpu.dot_dimension_numbers<[1], [0], [0], [1], [0, 0, 1, 1], [], []>, transpose_lhs_hint = false} : vector<200x8xf32>, vector<8x10112xf32>, vector<200x10112xf32> -> vector<200x10112xf32>
    %iota3A = tpu.iota {dimensions = array<i32: 1>} : vector<200x10112xi32>
    %get3A_7 = arith.constant 0 : index
    %get3A_8 = arith.constant 0 : index
    %get3A_9 = vector.load %arg3[%get3A_7, %get3A_8] : memref<1x10112xf32, #tpu.memory_space<vmem>>, vector<1x10112xf32>
    %add3A = vector.broadcast %broadcast_in_dim3A : vector<200x1xf32> to vector<200x10112xf32>
    %add3A_10 = vector.broadcast %get3A_9 : vector<1x10112xf32> to vector<200x10112xf32>
    %add3A_11 = arith.addf %add3A, %add3A_10 : vector<200x10112xf32>
    %mul3A_12 = arith.constant 2.000000e+00 : f32
    %mul3A_13 = vector.broadcast %mul3A_12 : f32 to vector<200x10112xf32>
    %mul3A_14 = arith.mulf %mul3A_13, %dot_general3A_6 : vector<200x10112xf32>
    %sub3A = arith.subf %add3A_11, %mul3A_14 : vector<200x10112xf32>
    %reduce_min3A = arith.constant dense<0x7F800000> : vector<200xf32>
    %reduce_min3A_15 = vector.multi_reduction <minimumf>, %sub3A, %reduce_min3A [1] : vector<200x10112xf32> to vector<200xf32>
    %broadcast_in_dim3A_16 = vector.shape_cast %reduce_min3A_15 : vector<200xf32> to vector<200x1xf32>
    %eq3A = vector.broadcast %broadcast_in_dim3A_16 : vector<200x1xf32> to vector<200x10112xf32>
    %eq3A_17 = arith.cmpf oeq, %sub3A, %eq3A : vector<200x10112xf32>
    %jit3A = arith.constant 2147483647 : i32
    %broadcast_in_dim3A_18 = vector.broadcast %jit3A : i32 to vector<200x10112xi32>
    %select_n3A = arith.select %eq3A_17, %iota3A, %broadcast_in_dim3A_18 : vector<200x10112xi1>, vector<200x10112xi32>
    %reduce_min3A_19 = arith.constant dense<2147483647> : vector<200xi32>
    %reduce_min3A_20 = vector.multi_reduction <minsi>, %select_n3A, %reduce_min3A_19 [1] : vector<200x10112xi32> to vector<200xi32>
    %broadcast_in_dim3A_21 = vector.shape_cast %reduce_min3A_20 : vector<200xi32> to vector<200x1xi32>
    %swap3A = arith.constant 0 : index
    %swap3A_22 = arith.constant 0 : index
    %swap3A_23 = vector.load %arg4[%swap3A, %swap3A_22] : memref<200x16xi32, #tpu.memory_space<vmem>>, vector<200x1xi32>
    tpu.vector_store %arg4[%swap3A, %swap3A_22], %broadcast_in_dim3A_21 {strides = array<i32>} : memref<200x16xi32, #tpu.memory_space<vmem>>, vector<200x1xi32>,
    %swap3A_24 = arith.constant 0 : index
    %swap3A_25 = arith.constant 0 : index
    %swap3A_26 = vector.load %arg5[%swap3A_24, %swap3A_25] : memref<200x16xf32, #tpu.memory_space<vmem>>, vector<200x1xf32>
    tpu.vector_store %arg5[%swap3A_24, %swap3A_25], %broadcast_in_dim3A_16 {strides = array<i32>} : memref<200x16xf32, #tpu.memory_space<vmem>>, vector<200x1xf32>,
    %eq3A_27 = vector.broadcast %broadcast_in_dim3A_21 : vector<200x1xi32> to vector<200x10112xi32>
    %eq3A_28 = arith.cmpi eq, %iota3A, %eq3A_27 : vector<200x10112xi32>
    %jit3A_29 = arith.constant 3.000000e+38 : f32
    %broadcast_in_dim3A_30 = vector.broadcast %jit3A_29 : f32 to vector<200x10112xf32>
    %select_n3A_31 = arith.select %eq3A_28, %broadcast_in_dim3A_30, %sub3A : vector<200x10112xi1>, vector<200x10112xf32>
    %reduce_min3A_32 = arith.constant dense<0x7F800000> : vector<200xf32>
    %reduce_min3A_33 = vector.multi_reduction <minimumf>, %select_n3A_31, %reduce_min3A_32 [1] : vector<200x10112xf32> to vector<200xf32>
    %broadcast_in_dim3A_34 = vector.shape_cast %reduce_min3A_33 : vector<200xf32> to vector<200x1xf32>
    %eq3A_35 = vector.broadcast %broadcast_in_dim3A_34 : vector<200x1xf32> to vector<200x10112xf32>
    %eq3A_36 = arith.cmpf oeq, %select_n3A_31, %eq3A_35 : vector<200x10112xf32>
    %jit3A_37 = arith.constant 2147483647 : i32
    %broadcast_in_dim3A_38 = vector.broadcast %jit3A_37 : i32 to vector<200x10112xi32>
    %select_n3A_39 = arith.select %eq3A_36, %iota3A, %broadcast_in_dim3A_38 : vector<200x10112xi1>, vector<200x10112xi32>
    %reduce_min3A_40 = arith.constant dense<2147483647> : vector<200xi32>
    %reduce_min3A_41 = vector.multi_reduction <minsi>, %select_n3A_39, %reduce_min3A_40 [1] : vector<200x10112xi32> to vector<200xi32>
    %broadcast_in_dim3A_42 = vector.shape_cast %reduce_min3A_41 : vector<200xi32> to vector<200x1xi32>
    %swap3A_43 = arith.constant 0 : index
    %swap3A_44 = arith.constant 1 : index
    %swap3A_45 = vector.load %arg4[%swap3A_43, %swap3A_44] : memref<200x16xi32, #tpu.memory_space<vmem>>, vector<200x1xi32>
    tpu.vector_store %arg4[%swap3A_43, %swap3A_44], %broadcast_in_dim3A_42 {strides = array<i32>} : memref<200x16xi32, #tpu.memory_space<vmem>>, vector<200x1xi32>,
    %swap3A_46 = arith.constant 0 : index
    %swap3A_47 = arith.constant 1 : index
    %swap3A_48 = vector.load %arg5[%swap3A_46, %swap3A_47] : memref<200x16xf32, #tpu.memory_space<vmem>>, vector<200x1xf32>
    tpu.vector_store %arg5[%swap3A_46, %swap3A_47], %broadcast_in_dim3A_34 {strides = array<i32>} : memref<200x16xf32, #tpu.memory_space<vmem>>, vector<200x1xf32>,
    %eq3A_49 = vector.broadcast %broadcast_in_dim3A_42 : vector<200x1xi32> to vector<200x10112xi32>
    %eq3A_50 = arith.cmpi eq, %iota3A, %eq3A_49 : vector<200x10112xi32>
    %jit3A_51 = arith.constant 3.000000e+38 : f32
    %broadcast_in_dim3A_52 = vector.broadcast %jit3A_51 : f32 to vector<200x10112xf32>
    %select_n3A_53 = arith.select %eq3A_50, %broadcast_in_dim3A_52, %select_n3A_31 : vector<200x10112xi1>, vector<200x10112xf32>
    %reduce_min3A_54 = arith.constant dense<0x7F800000> : vector<200xf32>
    %reduce_min3A_55 = vector.multi_reduction <minimumf>, %select_n3A_53, %reduce_min3A_54 [1] : vector<200x10112xf32> to vector<200xf32>
    %broadcast_in_dim3A_56 = vector.shape_cast %reduce_min3A_55 : vector<200xf32> to vector<200x1xf32>
    %eq3A_57 = vector.broadcast %broadcast_in_dim3A_56 : vector<200x1xf32> to vector<200x10112xf32>
    %eq3A_58 = arith.cmpf oeq, %select_n3A_53, %eq3A_57 : vector<200x10112xf32>
    %jit3A_59 = arith.constant 2147483647 : i32
    %broadcast_in_dim3A_60 = vector.broadcast %jit3A_59 : i32 to vector<200x10112xi32>
    %select_n3A_61 = arith.select %eq3A_58, %iota3A, %broadcast_in_dim3A_60 : vector<200x10112xi1>, vector<200x10112xi32>
    %reduce_min3A_62 = arith.constant dense<2147483647> : vector<200xi32>
    %reduce_min3A_63 = vector.multi_reduction <minsi>, %select_n3A_61, %reduce_min3A_62 [1] : vector<200x10112xi32> to vector<200xi32>
    %broadcast_in_dim3A_64 = vector.shape_cast %reduce_min3A_63 : vector<200xi32> to vector<200x1xi32>
    %swap3A_65 = arith.constant 0 : index
    %swap3A_66 = arith.constant 2 : index
    %swap3A_67 = vector.load %arg4[%swap3A_65, %swap3A_66] : memref<200x16xi32, #tpu.memory_space<vmem>>, vector<200x1xi32>
    tpu.vector_store %arg4[%swap3A_65, %swap3A_66], %broadcast_in_dim3A_64 {strides = array<i32>} : memref<200x16xi32, #tpu.memory_space<vmem>>, vector<200x1xi32>,
    %swap3A_68 = arith.constant 0 : index
    %swap3A_69 = arith.constant 2 : index
    %swap3A_70 = vector.load %arg5[%swap3A_68, %swap3A_69] : memref<200x16xf32, #tpu.memory_space<vmem>>, vector<200x1xf32>
    tpu.vector_store %arg5[%swap3A_68, %swap3A_69], %broadcast_in_dim3A_56 {strides = array<i32>} : memref<200x16xf32, #tpu.memory_space<vmem>>, vector<200x1xf32>,
    %eq3A_71 = vector.broadcast %broadcast_in_dim3A_64 : vector<200x1xi32> to vector<200x10112xi32>
    %eq3A_72 = arith.cmpi eq, %iota3A, %eq3A_71 : vector<200x10112xi32>
    %jit3A_73 = arith.constant 3.000000e+38 : f32
    %broadcast_in_dim3A_74 = vector.broadcast %jit3A_73 : f32 to vector<200x10112xf32>
    %select_n3A_75 = arith.select %eq3A_72, %broadcast_in_dim3A_74, %select_n3A_53 : vector<200x10112xi1>, vector<200x10112xf32>
    %reduce_min3A_76 = arith.constant dense<0x7F800000> : vector<200xf32>
    %reduce_min3A_77 = vector.multi_reduction <minimumf>, %select_n3A_75, %reduce_min3A_76 [1] : vector<200x10112xf32> to vector<200xf32>
    %broadcast_in_dim3A_78 = vector.shape_cast %reduce_min3A_77 : vector<200xf32> to vector<200x1xf32>
    %eq3A_79 = vector.broadcast %broadcast_in_dim3A_78 : vector<200x1xf32> to vector<200x10112xf32>
    %eq3A_80 = arith.cmpf oeq, %select_n3A_75, %eq3A_79 : vector<200x10112xf32>
    %jit3A_81 = arith.constant 2147483647 : i32
    %broadcast_in_dim3A_82 = vector.broadcast %jit3A_81 : i32 to vector<200x10112xi32>
    %select_n3A_83 = arith.select %eq3A_80, %iota3A, %broadcast_in_dim3A_82 : vector<200x10112xi1>, vector<200x10112xi32>
    %reduce_min3A_84 = arith.constant dense<2147483647> : vector<200xi32>
    %reduce_min3A_85 = vector.multi_reduction <minsi>, %select_n3A_83, %reduce_min3A_84 [1] : vector<200x10112xi32> to vector<200xi32>
    %broadcast_in_dim3A_86 = vector.shape_cast %reduce_min3A_85 : vector<200xi32> to vector<200x1xi32>
    %swap3A_87 = arith.constant 0 : index
    %swap3A_88 = arith.constant 3 : index
    %swap3A_89 = vector.load %arg4[%swap3A_87, %swap3A_88] : memref<200x16xi32, #tpu.memory_space<vmem>>, vector<200x1xi32>
    tpu.vector_store %arg4[%swap3A_87, %swap3A_88], %broadcast_in_dim3A_86 {strides = array<i32>} : memref<200x16xi32, #tpu.memory_space<vmem>>, vector<200x1xi32>,
    %swap3A_90 = arith.constant 0 : index
    %swap3A_91 = arith.constant 3 : index
    %swap3A_92 = vector.load %arg5[%swap3A_90, %swap3A_91] : memref<200x16xf32, #tpu.memory_space<vmem>>, vector<200x1xf32>
    tpu.vector_store %arg5[%swap3A_90, %swap3A_91], %broadcast_in_dim3A_78 {strides = array<i32>} : memref<200x16xf32, #tpu.memory_space<vmem>>, vector<200x1xf32>,
    %eq3A_93 = vector.broadcast %broadcast_in_dim3A_86 : vector<200x1xi32> to vector<200x10112xi32>
    %eq3A_94 = arith.cmpi eq, %iota3A, %eq3A_93 : vector<200x10112xi32>
    %jit3A_95 = arith.constant 3.000000e+38 : f32
    %broadcast_in_dim3A_96 = vector.broadcast %jit3A_95 : f32 to vector<200x10112xf32>
    %select_n3A_97 = arith.select %eq3A_94, %broadcast_in_dim3A_96, %select_n3A_75 : vector<200x10112xi1>, vector<200x10112xf32>
    %reduce_min3A_98 = arith.constant dense<0x7F800000> : vector<200xf32>
    %reduce_min3A_99 = vector.multi_reduction <minimumf>, %select_n3A_97, %reduce_min3A_98 [1] : vector<200x10112xf32> to vector<200xf32>
    %broadcast_in_dim3A_100 = vector.shape_cast %reduce_min3A_99 : vector<200xf32> to vector<200x1xf32>
    %eq3A_101 = vector.broadcast %broadcast_in_dim3A_100 : vector<200x1xf32> to vector<200x10112xf32>
    %eq3A_102 = arith.cmpf oeq, %select_n3A_97, %eq3A_101 : vector<200x10112xf32>
    %jit3A_103 = arith.constant 2147483647 : i32
    %broadcast_in_dim3A_104 = vector.broadcast %jit3A_103 : i32 to vector<200x10112xi32>
    %select_n3A_105 = arith.select %eq3A_102, %iota3A, %broadcast_in_dim3A_104 : vector<200x10112xi1>, vector<200x10112xi32>
    %reduce_min3A_106 = arith.constant dense<2147483647> : vector<200xi32>
    %reduce_min3A_107 = vector.multi_reduction <minsi>, %select_n3A_105, %reduce_min3A_106 [1] : vector<200x10112xi32> to vector<200xi32>
    %broadcast_in_dim3A_108 = vector.shape_cast %reduce_min3A_107 : vector<200xi32> to vector<200x1xi32>
    %swap3A_109 = arith.constant 0 : index
    %swap3A_110 = arith.constant 4 : index
    %swap3A_111 = vector.load %arg4[%swap3A_109, %swap3A_110] : memref<200x16xi32, #tpu.memory_space<vmem>>, vector<200x1xi32>
    tpu.vector_store %arg4[%swap3A_109, %swap3A_110], %broadcast_in_dim3A_108 {strides = array<i32>} : memref<200x16xi32, #tpu.memory_space<vmem>>, vector<200x1xi32>,
    %swap3A_112 = arith.constant 0 : index
    %swap3A_113 = arith.constant 4 : index
    %swap3A_114 = vector.load %arg5[%swap3A_112, %swap3A_113] : memref<200x16xf32, #tpu.memory_space<vmem>>, vector<200x1xf32>
    tpu.vector_store %arg5[%swap3A_112, %swap3A_113], %broadcast_in_dim3A_100 {strides = array<i32>} : memref<200x16xf32, #tpu.memory_space<vmem>>, vector<200x1xf32>,
    %eq3A_115 = vector.broadcast %broadcast_in_dim3A_108 : vector<200x1xi32> to vector<200x10112xi32>
    %eq3A_116 = arith.cmpi eq, %iota3A, %eq3A_115 : vector<200x10112xi32>
    %jit3A_117 = arith.constant 3.000000e+38 : f32
    %broadcast_in_dim3A_118 = vector.broadcast %jit3A_117 : f32 to vector<200x10112xf32>
    %select_n3A_119 = arith.select %eq3A_116, %broadcast_in_dim3A_118, %select_n3A_97 : vector<200x10112xi1>, vector<200x10112xf32>
    %reduce_min3A_120 = arith.constant dense<0x7F800000> : vector<200xf32>
    %reduce_min3A_121 = vector.multi_reduction <minimumf>, %select_n3A_119, %reduce_min3A_120 [1] : vector<200x10112xf32> to vector<200xf32>
    %broadcast_in_dim3A_122 = vector.shape_cast %reduce_min3A_121 : vector<200xf32> to vector<200x1xf32>
    %eq3A_123 = vector.broadcast %broadcast_in_dim3A_122 : vector<200x1xf32> to vector<200x10112xf32>
    %eq3A_124 = arith.cmpf oeq, %select_n3A_119, %eq3A_123 : vector<200x10112xf32>
    %jit3A_125 = arith.constant 2147483647 : i32
    %broadcast_in_dim3A_126 = vector.broadcast %jit3A_125 : i32 to vector<200x10112xi32>
    %select_n3A_127 = arith.select %eq3A_124, %iota3A, %broadcast_in_dim3A_126 : vector<200x10112xi1>, vector<200x10112xi32>
    %reduce_min3A_128 = arith.constant dense<2147483647> : vector<200xi32>
    %reduce_min3A_129 = vector.multi_reduction <minsi>, %select_n3A_127, %reduce_min3A_128 [1] : vector<200x10112xi32> to vector<200xi32>
    %broadcast_in_dim3A_130 = vector.shape_cast %reduce_min3A_129 : vector<200xi32> to vector<200x1xi32>
    %swap3A_131 = arith.constant 0 : index
    %swap3A_132 = arith.constant 5 : index
    %swap3A_133 = vector.load %arg4[%swap3A_131, %swap3A_132] : memref<200x16xi32, #tpu.memory_space<vmem>>, vector<200x1xi32>
    tpu.vector_store %arg4[%swap3A_131, %swap3A_132], %broadcast_in_dim3A_130 {strides = array<i32>} : memref<200x16xi32, #tpu.memory_space<vmem>>, vector<200x1xi32>,
    %swap3A_134 = arith.constant 0 : index
    %swap3A_135 = arith.constant 5 : index
    %swap3A_136 = vector.load %arg5[%swap3A_134, %swap3A_135] : memref<200x16xf32, #tpu.memory_space<vmem>>, vector<200x1xf32>
    tpu.vector_store %arg5[%swap3A_134, %swap3A_135], %broadcast_in_dim3A_122 {strides = array<i32>} : memref<200x16xf32, #tpu.memory_space<vmem>>, vector<200x1xf32>,
    %eq3A_137 = vector.broadcast %broadcast_in_dim3A_130 : vector<200x1xi32> to vector<200x10112xi32>
    %eq3A_138 = arith.cmpi eq, %iota3A, %eq3A_137 : vector<200x10112xi32>
    %jit3A_139 = arith.constant 3.000000e+38 : f32
    %broadcast_in_dim3A_140 = vector.broadcast %jit3A_139 : f32 to vector<200x10112xf32>
    %select_n3A_141 = arith.select %eq3A_138, %broadcast_in_dim3A_140, %select_n3A_119 : vector<200x10112xi1>, vector<200x10112xf32>
    %reduce_min3A_142 = arith.constant dense<0x7F800000> : vector<200xf32>
    %reduce_min3A_143 = vector.multi_reduction <minimumf>, %select_n3A_141, %reduce_min3A_142 [1] : vector<200x10112xf32> to vector<200xf32>
    %broadcast_in_dim3A_144 = vector.shape_cast %reduce_min3A_143 : vector<200xf32> to vector<200x1xf32>
    %eq3A_145 = vector.broadcast %broadcast_in_dim3A_144 : vector<200x1xf32> to vector<200x10112xf32>
    %eq3A_146 = arith.cmpf oeq, %select_n3A_141, %eq3A_145 : vector<200x10112xf32>
    %jit3A_147 = arith.constant 2147483647 : i32
    %broadcast_in_dim3A_148 = vector.broadcast %jit3A_147 : i32 to vector<200x10112xi32>
    %select_n3A_149 = arith.select %eq3A_146, %iota3A, %broadcast_in_dim3A_148 : vector<200x10112xi1>, vector<200x10112xi32>
    %reduce_min3A_150 = arith.constant dense<2147483647> : vector<200xi32>
    %reduce_min3A_151 = vector.multi_reduction <minsi>, %select_n3A_149, %reduce_min3A_150 [1] : vector<200x10112xi32> to vector<200xi32>
    %broadcast_in_dim3A_152 = vector.shape_cast %reduce_min3A_151 : vector<200xi32> to vector<200x1xi32>
    %swap3A_153 = arith.constant 0 : index
    %swap3A_154 = arith.constant 6 : index
    %swap3A_155 = vector.load %arg4[%swap3A_153, %swap3A_154] : memref<200x16xi32, #tpu.memory_space<vmem>>, vector<200x1xi32>
    tpu.vector_store %arg4[%swap3A_153, %swap3A_154], %broadcast_in_dim3A_152 {strides = array<i32>} : memref<200x16xi32, #tpu.memory_space<vmem>>, vector<200x1xi32>,
    %swap3A_156 = arith.constant 0 : index
    %swap3A_157 = arith.constant 6 : index
    %swap3A_158 = vector.load %arg5[%swap3A_156, %swap3A_157] : memref<200x16xf32, #tpu.memory_space<vmem>>, vector<200x1xf32>
    tpu.vector_store %arg5[%swap3A_156, %swap3A_157], %broadcast_in_dim3A_144 {strides = array<i32>} : memref<200x16xf32, #tpu.memory_space<vmem>>, vector<200x1xf32>,
    %eq3A_159 = vector.broadcast %broadcast_in_dim3A_152 : vector<200x1xi32> to vector<200x10112xi32>
    %eq3A_160 = arith.cmpi eq, %iota3A, %eq3A_159 : vector<200x10112xi32>
    %jit3A_161 = arith.constant 3.000000e+38 : f32
    %broadcast_in_dim3A_162 = vector.broadcast %jit3A_161 : f32 to vector<200x10112xf32>
    %select_n3A_163 = arith.select %eq3A_160, %broadcast_in_dim3A_162, %select_n3A_141 : vector<200x10112xi1>, vector<200x10112xf32>
    %reduce_min3A_164 = arith.constant dense<0x7F800000> : vector<200xf32>
    %reduce_min3A_165 = vector.multi_reduction <minimumf>, %select_n3A_163, %reduce_min3A_164 [1] : vector<200x10112xf32> to vector<200xf32>
    %broadcast_in_dim3A_166 = vector.shape_cast %reduce_min3A_165 : vector<200xf32> to vector<200x1xf32>
    %eq3A_167 = vector.broadcast %broadcast_in_dim3A_166 : vector<200x1xf32> to vector<200x10112xf32>
    %eq3A_168 = arith.cmpf oeq, %select_n3A_163, %eq3A_167 : vector<200x10112xf32>
    %jit3A_169 = arith.constant 2147483647 : i32
    %broadcast_in_dim3A_170 = vector.broadcast %jit3A_169 : i32 to vector<200x10112xi32>
    %select_n3A_171 = arith.select %eq3A_168, %iota3A, %broadcast_in_dim3A_170 : vector<200x10112xi1>, vector<200x10112xi32>
    %reduce_min3A_172 = arith.constant dense<2147483647> : vector<200xi32>
    %reduce_min3A_173 = vector.multi_reduction <minsi>, %select_n3A_171, %reduce_min3A_172 [1] : vector<200x10112xi32> to vector<200xi32>
    %broadcast_in_dim3A_174 = vector.shape_cast %reduce_min3A_173 : vector<200xi32> to vector<200x1xi32>
    %swap3A_175 = arith.constant 0 : index
    %swap3A_176 = arith.constant 7 : index
    %swap3A_177 = vector.load %arg4[%swap3A_175, %swap3A_176] : memref<200x16xi32, #tpu.memory_space<vmem>>, vector<200x1xi32>
    tpu.vector_store %arg4[%swap3A_175, %swap3A_176], %broadcast_in_dim3A_174 {strides = array<i32>} : memref<200x16xi32, #tpu.memory_space<vmem>>, vector<200x1xi32>,
    %swap3A_178 = arith.constant 0 : index
    %swap3A_179 = arith.constant 7 : index
    %swap3A_180 = vector.load %arg5[%swap3A_178, %swap3A_179] : memref<200x16xf32, #tpu.memory_space<vmem>>, vector<200x1xf32>
    tpu.vector_store %arg5[%swap3A_178, %swap3A_179], %broadcast_in_dim3A_166 {strides = array<i32>} : memref<200x16xf32, #tpu.memory_space<vmem>>, vector<200x1xf32>,
    %eq3A_181 = vector.broadcast %broadcast_in_dim3A_174 : vector<200x1xi32> to vector<200x10112xi32>
    %eq3A_182 = arith.cmpi eq, %iota3A, %eq3A_181 : vector<200x10112xi32>
    %jit3A_183 = arith.constant 3.000000e+38 : f32
    %broadcast_in_dim3A_184 = vector.broadcast %jit3A_183 : f32 to vector<200x10112xf32>
    %select_n3A_185 = arith.select %eq3A_182, %broadcast_in_dim3A_184, %select_n3A_163 : vector<200x10112xi1>, vector<200x10112xf32>
    %reduce_min3A_186 = arith.constant dense<0x7F800000> : vector<200xf32>
    %reduce_min3A_187 = vector.multi_reduction <minimumf>, %select_n3A_185, %reduce_min3A_186 [1] : vector<200x10112xf32> to vector<200xf32>
    %broadcast_in_dim3A_188 = vector.shape_cast %reduce_min3A_187 : vector<200xf32> to vector<200x1xf32>
    %eq3A_189 = vector.broadcast %broadcast_in_dim3A_188 : vector<200x1xf32> to vector<200x10112xf32>
    %eq3A_190 = arith.cmpf oeq, %select_n3A_185, %eq3A_189 : vector<200x10112xf32>
    %jit3A_191 = arith.constant 2147483647 : i32
    %broadcast_in_dim3A_192 = vector.broadcast %jit3A_191 : i32 to vector<200x10112xi32>
    %select_n3A_193 = arith.select %eq3A_190, %iota3A, %broadcast_in_dim3A_192 : vector<200x10112xi1>, vector<200x10112xi32>
    %reduce_min3A_194 = arith.constant dense<2147483647> : vector<200xi32>
    %reduce_min3A_195 = vector.multi_reduction <minsi>, %select_n3A_193, %reduce_min3A_194 [1] : vector<200x10112xi32> to vector<200xi32>
    %broadcast_in_dim3A_196 = vector.shape_cast %reduce_min3A_195 : vector<200xi32> to vector<200x1xi32>
    %swap3A_197 = arith.constant 0 : index
    %swap3A_198 = arith.constant 8 : index
    %swap3A_199 = vector.load %arg4[%swap3A_197, %swap3A_198] : memref<200x16xi32, #tpu.memory_space<vmem>>, vector<200x1xi32>
    tpu.vector_store %arg4[%swap3A_197, %swap3A_198], %broadcast_in_dim3A_196 {strides = array<i32>} : memref<200x16xi32, #tpu.memory_space<vmem>>, vector<200x1xi32>,
    %swap3A_200 = arith.constant 0 : index
    %swap3A_201 = arith.constant 8 : index
    %swap3A_202 = vector.load %arg5[%swap3A_200, %swap3A_201] : memref<200x16xf32, #tpu.memory_space<vmem>>, vector<200x1xf32>
    tpu.vector_store %arg5[%swap3A_200, %swap3A_201], %broadcast_in_dim3A_188 {strides = array<i32>} : memref<200x16xf32, #tpu.memory_space<vmem>>, vector<200x1xf32>,
    %eq3A_203 = vector.broadcast %broadcast_in_dim3A_196 : vector<200x1xi32> to vector<200x10112xi32>
    %eq3A_204 = arith.cmpi eq, %iota3A, %eq3A_203 : vector<200x10112xi32>
    %jit3A_205 = arith.constant 3.000000e+38 : f32
    %broadcast_in_dim3A_206 = vector.broadcast %jit3A_205 : f32 to vector<200x10112xf32>
    %select_n3A_207 = arith.select %eq3A_204, %broadcast_in_dim3A_206, %select_n3A_185 : vector<200x10112xi1>, vector<200x10112xf32>
    %reduce_min3A_208 = arith.constant dense<0x7F800000> : vector<200xf32>
    %reduce_min3A_209 = vector.multi_reduction <minimumf>, %select_n3A_207, %reduce_min3A_208 [1] : vector<200x10112xf32> to vector<200xf32>
    %broadcast_in_dim3A_210 = vector.shape_cast %reduce_min3A_209 : vector<200xf32> to vector<200x1xf32>
    %eq3A_211 = vector.broadcast %broadcast_in_dim3A_210 : vector<200x1xf32> to vector<200x10112xf32>
    %eq3A_212 = arith.cmpf oeq, %select_n3A_207, %eq3A_211 : vector<200x10112xf32>
    %jit3A_213 = arith.constant 2147483647 : i32
    %broadcast_in_dim3A_214 = vector.broadcast %jit3A_213 : i32 to vector<200x10112xi32>
    %select_n3A_215 = arith.select %eq3A_212, %iota3A, %broadcast_in_dim3A_214 : vector<200x10112xi1>, vector<200x10112xi32>
    %reduce_min3A_216 = arith.constant dense<2147483647> : vector<200xi32>
    %reduce_min3A_217 = vector.multi_reduction <minsi>, %select_n3A_215, %reduce_min3A_216 [1] : vector<200x10112xi32> to vector<200xi32>
    %broadcast_in_dim3A_218 = vector.shape_cast %reduce_min3A_217 : vector<200xi32> to vector<200x1xi32>
    %swap3A_219 = arith.constant 0 : index
    %swap3A_220 = arith.constant 9 : index
    %swap3A_221 = vector.load %arg4[%swap3A_219, %swap3A_220] : memref<200x16xi32, #tpu.memory_space<vmem>>, vector<200x1xi32>
    tpu.vector_store %arg4[%swap3A_219, %swap3A_220], %broadcast_in_dim3A_218 {strides = array<i32>} : memref<200x16xi32, #tpu.memory_space<vmem>>, vector<200x1xi32>,
    %swap3A_222 = arith.constant 0 : index
    %swap3A_223 = arith.constant 9 : index
    %swap3A_224 = vector.load %arg5[%swap3A_222, %swap3A_223] : memref<200x16xf32, #tpu.memory_space<vmem>>, vector<200x1xf32>
    tpu.vector_store %arg5[%swap3A_222, %swap3A_223], %broadcast_in_dim3A_210 {strides = array<i32>} : memref<200x16xf32, #tpu.memory_space<vmem>>, vector<200x1xf32>,
    %eq3A_225 = vector.broadcast %broadcast_in_dim3A_218 : vector<200x1xi32> to vector<200x10112xi32>
    %eq3A_226 = arith.cmpi eq, %iota3A, %eq3A_225 : vector<200x10112xi32>
    %jit3A_227 = arith.constant 3.000000e+38 : f32
    %broadcast_in_dim3A_228 = vector.broadcast %jit3A_227 : f32 to vector<200x10112xf32>
    %select_n3A_229 = arith.select %eq3A_226, %broadcast_in_dim3A_228, %select_n3A_207 : vector<200x10112xi1>, vector<200x10112xf32>
    %reduce_min3A_230 = arith.constant dense<0x7F800000> : vector<200xf32>
    %reduce_min3A_231 = vector.multi_reduction <minimumf>, %select_n3A_229, %reduce_min3A_230 [1] : vector<200x10112xf32> to vector<200xf32>
    %broadcast_in_dim3A_232 = vector.shape_cast %reduce_min3A_231 : vector<200xf32> to vector<200x1xf32>
    %eq3A_233 = vector.broadcast %broadcast_in_dim3A_232 : vector<200x1xf32> to vector<200x10112xf32>
    %eq3A_234 = arith.cmpf oeq, %select_n3A_229, %eq3A_233 : vector<200x10112xf32>
    %jit3A_235 = arith.constant 2147483647 : i32
    %broadcast_in_dim3A_236 = vector.broadcast %jit3A_235 : i32 to vector<200x10112xi32>
    %select_n3A_237 = arith.select %eq3A_234, %iota3A, %broadcast_in_dim3A_236 : vector<200x10112xi1>, vector<200x10112xi32>
    %reduce_min3A_238 = arith.constant dense<2147483647> : vector<200xi32>
    %reduce_min3A_239 = vector.multi_reduction <minsi>, %select_n3A_237, %reduce_min3A_238 [1] : vector<200x10112xi32> to vector<200xi32>
    %broadcast_in_dim3A_240 = vector.shape_cast %reduce_min3A_239 : vector<200xi32> to vector<200x1xi32>
    %swap3A_241 = arith.constant 0 : index
    %swap3A_242 = arith.constant 10 : index
    %swap3A_243 = vector.load %arg4[%swap3A_241, %swap3A_242] : memref<200x16xi32, #tpu.memory_space<vmem>>, vector<200x1xi32>
    tpu.vector_store %arg4[%swap3A_241, %swap3A_242], %broadcast_in_dim3A_240 {strides = array<i32>} : memref<200x16xi32, #tpu.memory_space<vmem>>, vector<200x1xi32>,
    %swap3A_244 = arith.constant 0 : index
    %swap3A_245 = arith.constant 10 : index
    %swap3A_246 = vector.load %arg5[%swap3A_244, %swap3A_245] : memref<200x16xf32, #tpu.memory_space<vmem>>, vector<200x1xf32>
    tpu.vector_store %arg5[%swap3A_244, %swap3A_245], %broadcast_in_dim3A_232 {strides = array<i32>} : memref<200x16xf32, #tpu.memory_space<vmem>>, vector<200x1xf32>,
    %eq3A_247 = vector.broadcast %broadcast_in_dim3A_240 : vector<200x1xi32> to vector<200x10112xi32>
    %eq3A_248 = arith.cmpi eq, %iota3A, %eq3A_247 : vector<200x10112xi32>
    %jit3A_249 = arith.constant 3.000000e+38 : f32
    %broadcast_in_dim3A_250 = vector.broadcast %jit3A_249 : f32 to vector<200x10112xf32>
    %select_n3A_251 = arith.select %eq3A_248, %broadcast_in_dim3A_250, %select_n3A_229 : vector<200x10112xi1>, vector<200x10112xf32>
    %reduce_min3A_252 = arith.constant dense<0x7F800000> : vector<200xf32>
    %reduce_min3A_253 = vector.multi_reduction <minimumf>, %select_n3A_251, %reduce_min3A_252 [1] : vector<200x10112xf32> to vector<200xf32>
    %broadcast_in_dim3A_254 = vector.shape_cast %reduce_min3A_253 : vector<200xf32> to vector<200x1xf32>
    %eq3A_255 = vector.broadcast %broadcast_in_dim3A_254 : vector<200x1xf32> to vector<200x10112xf32>
    %eq3A_256 = arith.cmpf oeq, %select_n3A_251, %eq3A_255 : vector<200x10112xf32>
    %jit3A_257 = arith.constant 2147483647 : i32
    %broadcast_in_dim3A_258 = vector.broadcast %jit3A_257 : i32 to vector<200x10112xi32>
    %select_n3A_259 = arith.select %eq3A_256, %iota3A, %broadcast_in_dim3A_258 : vector<200x10112xi1>, vector<200x10112xi32>
    %reduce_min3A_260 = arith.constant dense<2147483647> : vector<200xi32>
    %reduce_min3A_261 = vector.multi_reduction <minsi>, %select_n3A_259, %reduce_min3A_260 [1] : vector<200x10112xi32> to vector<200xi32>
    %broadcast_in_dim3A_262 = vector.shape_cast %reduce_min3A_261 : vector<200xi32> to vector<200x1xi32>
    %swap3A_263 = arith.constant 0 : index
    %swap3A_264 = arith.constant 11 : index
    %swap3A_265 = vector.load %arg4[%swap3A_263, %swap3A_264] : memref<200x16xi32, #tpu.memory_space<vmem>>, vector<200x1xi32>
    tpu.vector_store %arg4[%swap3A_263, %swap3A_264], %broadcast_in_dim3A_262 {strides = array<i32>} : memref<200x16xi32, #tpu.memory_space<vmem>>, vector<200x1xi32>,
    %swap3A_266 = arith.constant 0 : index
    %swap3A_267 = arith.constant 11 : index
    %swap3A_268 = vector.load %arg5[%swap3A_266, %swap3A_267] : memref<200x16xf32, #tpu.memory_space<vmem>>, vector<200x1xf32>
    tpu.vector_store %arg5[%swap3A_266, %swap3A_267], %broadcast_in_dim3A_254 {strides = array<i32>} : memref<200x16xf32, #tpu.memory_space<vmem>>, vector<200x1xf32>,
    %eq3A_269 = vector.broadcast %broadcast_in_dim3A_262 : vector<200x1xi32> to vector<200x10112xi32>
    %eq3A_270 = arith.cmpi eq, %iota3A, %eq3A_269 : vector<200x10112xi32>
    %jit3A_271 = arith.constant 3.000000e+38 : f32
    %broadcast_in_dim3A_272 = vector.broadcast %jit3A_271 : f32 to vector<200x10112xf32>
    %select_n3A_273 = arith.select %eq3A_270, %broadcast_in_dim3A_272, %select_n3A_251 : vector<200x10112xi1>, vector<200x10112xf32>
    %reduce_min3A_274 = arith.constant dense<0x7F800000> : vector<200xf32>
    %reduce_min3A_275 = vector.multi_reduction <minimumf>, %select_n3A_273, %reduce_min3A_274 [1] : vector<200x10112xf32> to vector<200xf32>
    %broadcast_in_dim3A_276 = vector.shape_cast %reduce_min3A_275 : vector<200xf32> to vector<200x1xf32>
    %eq3A_277 = vector.broadcast %broadcast_in_dim3A_276 : vector<200x1xf32> to vector<200x10112xf32>
    %eq3A_278 = arith.cmpf oeq, %select_n3A_273, %eq3A_277 : vector<200x10112xf32>
    %jit3A_279 = arith.constant 2147483647 : i32
    %broadcast_in_dim3A_280 = vector.broadcast %jit3A_279 : i32 to vector<200x10112xi32>
    %select_n3A_281 = arith.select %eq3A_278, %iota3A, %broadcast_in_dim3A_280 : vector<200x10112xi1>, vector<200x10112xi32>
    %reduce_min3A_282 = arith.constant dense<2147483647> : vector<200xi32>
    %reduce_min3A_283 = vector.multi_reduction <minsi>, %select_n3A_281, %reduce_min3A_282 [1] : vector<200x10112xi32> to vector<200xi32>
    %broadcast_in_dim3A_284 = vector.shape_cast %reduce_min3A_283 : vector<200xi32> to vector<200x1xi32>
    %swap3A_285 = arith.constant 0 : index
    %swap3A_286 = arith.constant 12 : index
    %swap3A_287 = vector.load %arg4[%swap3A_285, %swap3A_286] : memref<200x16xi32, #tpu.memory_space<vmem>>, vector<200x1xi32>
    tpu.vector_store %arg4[%swap3A_285, %swap3A_286], %broadcast_in_dim3A_284 {strides = array<i32>} : memref<200x16xi32, #tpu.memory_space<vmem>>, vector<200x1xi32>,
    %swap3A_288 = arith.constant 0 : index
    %swap3A_289 = arith.constant 12 : index
    %swap3A_290 = vector.load %arg5[%swap3A_288, %swap3A_289] : memref<200x16xf32, #tpu.memory_space<vmem>>, vector<200x1xf32>
    tpu.vector_store %arg5[%swap3A_288, %swap3A_289], %broadcast_in_dim3A_276 {strides = array<i32>} : memref<200x16xf32, #tpu.memory_space<vmem>>, vector<200x1xf32>,
    %eq3A_291 = vector.broadcast %broadcast_in_dim3A_284 : vector<200x1xi32> to vector<200x10112xi32>
    %eq3A_292 = arith.cmpi eq, %iota3A, %eq3A_291 : vector<200x10112xi32>
    %jit3A_293 = arith.constant 3.000000e+38 : f32
    %broadcast_in_dim3A_294 = vector.broadcast %jit3A_293 : f32 to vector<200x10112xf32>
    %select_n3A_295 = arith.select %eq3A_292, %broadcast_in_dim3A_294, %select_n3A_273 : vector<200x10112xi1>, vector<200x10112xf32>
    %reduce_min3A_296 = arith.constant dense<0x7F800000> : vector<200xf32>
    %reduce_min3A_297 = vector.multi_reduction <minimumf>, %select_n3A_295, %reduce_min3A_296 [1] : vector<200x10112xf32> to vector<200xf32>
    %broadcast_in_dim3A_298 = vector.shape_cast %reduce_min3A_297 : vector<200xf32> to vector<200x1xf32>
    %eq3A_299 = vector.broadcast %broadcast_in_dim3A_298 : vector<200x1xf32> to vector<200x10112xf32>
    %eq3A_300 = arith.cmpf oeq, %select_n3A_295, %eq3A_299 : vector<200x10112xf32>
    %jit3A_301 = arith.constant 2147483647 : i32
    %broadcast_in_dim3A_302 = vector.broadcast %jit3A_301 : i32 to vector<200x10112xi32>
    %select_n3A_303 = arith.select %eq3A_300, %iota3A, %broadcast_in_dim3A_302 : vector<200x10112xi1>, vector<200x10112xi32>
    %reduce_min3A_304 = arith.constant dense<2147483647> : vector<200xi32>
    %reduce_min3A_305 = vector.multi_reduction <minsi>, %select_n3A_303, %reduce_min3A_304 [1] : vector<200x10112xi32> to vector<200xi32>
    %broadcast_in_dim3A_306 = vector.shape_cast %reduce_min3A_305 : vector<200xi32> to vector<200x1xi32>
    %swap3A_307 = arith.constant 0 : index
    %swap3A_308 = arith.constant 13 : index
    %swap3A_309 = vector.load %arg4[%swap3A_307, %swap3A_308] : memref<200x16xi32, #tpu.memory_space<vmem>>, vector<200x1xi32>
    tpu.vector_store %arg4[%swap3A_307, %swap3A_308], %broadcast_in_dim3A_306 {strides = array<i32>} : memref<200x16xi32, #tpu.memory_space<vmem>>, vector<200x1xi32>,
    %swap3A_310 = arith.constant 0 : index
    %swap3A_311 = arith.constant 13 : index
    %swap3A_312 = vector.load %arg5[%swap3A_310, %swap3A_311] : memref<200x16xf32, #tpu.memory_space<vmem>>, vector<200x1xf32>
    tpu.vector_store %arg5[%swap3A_310, %swap3A_311], %broadcast_in_dim3A_298 {strides = array<i32>} : memref<200x16xf32, #tpu.memory_space<vmem>>, vector<200x1xf32>,
    %eq3A_313 = vector.broadcast %broadcast_in_dim3A_306 : vector<200x1xi32> to vector<200x10112xi32>
    %eq3A_314 = arith.cmpi eq, %iota3A, %eq3A_313 : vector<200x10112xi32>
    %jit3A_315 = arith.constant 3.000000e+38 : f32
    %broadcast_in_dim3A_316 = vector.broadcast %jit3A_315 : f32 to vector<200x10112xf32>
    %select_n3A_317 = arith.select %eq3A_314, %broadcast_in_dim3A_316, %select_n3A_295 : vector<200x10112xi1>, vector<200x10112xf32>
    %reduce_min3A_318 = arith.constant dense<0x7F800000> : vector<200xf32>
    %reduce_min3A_319 = vector.multi_reduction <minimumf>, %select_n3A_317, %reduce_min3A_318 [1] : vector<200x10112xf32> to vector<200xf32>
    %broadcast_in_dim3A_320 = vector.shape_cast %reduce_min3A_319 : vector<200xf32> to vector<200x1xf32>
    %eq3A_321 = vector.broadcast %broadcast_in_dim3A_320 : vector<200x1xf32> to vector<200x10112xf32>
    %eq3A_322 = arith.cmpf oeq, %select_n3A_317, %eq3A_321 : vector<200x10112xf32>
    %jit3A_323 = arith.constant 2147483647 : i32
    %broadcast_in_dim3A_324 = vector.broadcast %jit3A_323 : i32 to vector<200x10112xi32>
    %select_n3A_325 = arith.select %eq3A_322, %iota3A, %broadcast_in_dim3A_324 : vector<200x10112xi1>, vector<200x10112xi32>
    %reduce_min3A_326 = arith.constant dense<2147483647> : vector<200xi32>
    %reduce_min3A_327 = vector.multi_reduction <minsi>, %select_n3A_325, %reduce_min3A_326 [1] : vector<200x10112xi32> to vector<200xi32>
    %broadcast_in_dim3A_328 = vector.shape_cast %reduce_min3A_327 : vector<200xi32> to vector<200x1xi32>
    %swap3A_329 = arith.constant 0 : index
    %swap3A_330 = arith.constant 14 : index
    %swap3A_331 = vector.load %arg4[%swap3A_329, %swap3A_330] : memref<200x16xi32, #tpu.memory_space<vmem>>, vector<200x1xi32>
    tpu.vector_store %arg4[%swap3A_329, %swap3A_330], %broadcast_in_dim3A_328 {strides = array<i32>} : memref<200x16xi32, #tpu.memory_space<vmem>>, vector<200x1xi32>,
    %swap3A_332 = arith.constant 0 : index
    %swap3A_333 = arith.constant 14 : index
    %swap3A_334 = vector.load %arg5[%swap3A_332, %swap3A_333] : memref<200x16xf32, #tpu.memory_space<vmem>>, vector<200x1xf32>
    tpu.vector_store %arg5[%swap3A_332, %swap3A_333], %broadcast_in_dim3A_320 {strides = array<i32>} : memref<200x16xf32, #tpu.memory_space<vmem>>, vector<200x1xf32>,
    %eq3A_335 = vector.broadcast %broadcast_in_dim3A_328 : vector<200x1xi32> to vector<200x10112xi32>
    %eq3A_336 = arith.cmpi eq, %iota3A, %eq3A_335 : vector<200x10112xi32>
    %jit3A_337 = arith.constant 3.000000e+38 : f32
    %broadcast_in_dim3A_338 = vector.broadcast %jit3A_337 : f32 to vector<200x10112xf32>
    %select_n3A_339 = arith.select %eq3A_336, %broadcast_in_dim3A_338, %select_n3A_317 : vector<200x10112xi1>, vector<200x10112xf32>
    %reduce_min3A_340 = arith.constant dense<0x7F800000> : vector<200xf32>
    %reduce_min3A_341 = vector.multi_reduction <minimumf>, %select_n3A_339, %reduce_min3A_340 [1] : vector<200x10112xf32> to vector<200xf32>
    %broadcast_in_dim3A_342 = vector.shape_cast %reduce_min3A_341 : vector<200xf32> to vector<200x1xf32>
    %eq3A_343 = vector.broadcast %broadcast_in_dim3A_342 : vector<200x1xf32> to vector<200x10112xf32>
    %eq3A_344 = arith.cmpf oeq, %select_n3A_339, %eq3A_343 : vector<200x10112xf32>
    %jit3A_345 = arith.constant 2147483647 : i32
    %broadcast_in_dim3A_346 = vector.broadcast %jit3A_345 : i32 to vector<200x10112xi32>
    %select_n3A_347 = arith.select %eq3A_344, %iota3A, %broadcast_in_dim3A_346 : vector<200x10112xi1>, vector<200x10112xi32>
    %reduce_min3A_348 = arith.constant dense<2147483647> : vector<200xi32>
    %reduce_min3A_349 = vector.multi_reduction <minsi>, %select_n3A_347, %reduce_min3A_348 [1] : vector<200x10112xi32> to vector<200xi32>
    %broadcast_in_dim3A_350 = vector.shape_cast %reduce_min3A_349 : vector<200xi32> to vector<200x1xi32>
    %swap3A_351 = arith.constant 0 : index
    %swap3A_352 = arith.constant 15 : index
    %swap3A_353 = vector.load %arg4[%swap3A_351, %swap3A_352] : memref<200x16xi32, #tpu.memory_space<vmem>>, vector<200x1xi32>
    tpu.vector_store %arg4[%swap3A_351, %swap3A_352], %broadcast_in_dim3A_350 {strides = array<i32>} : memref<200x16xi32, #tpu.memory_space<vmem>>, vector<200x1xi32>,
    %swap3A_354 = arith.constant 0 : index
    %swap3A_355 = arith.constant 15 : index
    %swap3A_356 = vector.load %arg5[%swap3A_354, %swap3A_355] : memref<200x16xf32, #tpu.memory_space<vmem>>, vector<200x1xf32>
    tpu.vector_store %arg5[%swap3A_354, %swap3A_355], %broadcast_in_dim3A_342 {strides = array<i32>} : memref<200x16xf32, #tpu.memory_space<vmem>>, vector<200x1xf32>,
    return
  }
  func.func @transform_0(%arg0: i32) -> (i32, i32) {
    %c0_i32 = arith.constant 0 : i32
    %c0_i32_0 = arith.constant 0 : i32
    return %arg0, %c0_i32 : i32, i32
  }
  func.func @transform_1(%arg0: i32) -> (i32, i32) {
    %c0_i32 = arith.constant 0 : i32
    %c0_i32_0 = arith.constant 0 : i32
    %c0_i32_1 = arith.constant 0 : i32
    return %c0_i32, %c0_i32_0 : i32, i32
  }
  func.func @transform_2(%arg0: i32) -> (i32, i32) {
    %c0_i32 = arith.constant 0 : i32
    %c0_i32_0 = arith.constant 0 : i32
    %c0_i32_1 = arith.constant 0 : i32
    return %c0_i32, %c0_i32_0 : i32, i32
  }
  func.func @transform_3(%arg0: i32) -> (i32, i32) {
    %c0_i32 = arith.constant 0 : i32
    %c0_i32_0 = arith.constant 0 : i32
    return %arg0, %c0_i32 : i32, i32
  }
  func.func @transform_4(%arg0: i32) -> (i32, i32) {
    %c0_i32 = arith.constant 0 : i32
    %c0_i32_0 = arith.constant 0 : i32
    return %arg0, %c0_i32 : i32, i32
  }
}

module attributes {stable_mosaic.version = 14 : i64} {
  func.func @_knn_body(%arg0: i32, %arg1: memref<200x8xf32, #tpu.memory_space<vmem>>, %arg2: memref<8x1024xf32, #tpu.memory_space<vmem>>, %arg3: memref<1x1024xf32, #tpu.memory_space<vmem>>, %arg4: memref<200x16xi32, #tpu.memory_space<vmem>>, %arg5: memref<200x16xf32, #tpu.memory_space<vmem>>) attributes {dimension_semantics = [#tpu.dimension_semantics<arbitrary>], iteration_bounds = array<i64: 5>, scalar_prefetch = 0 : i64, scratch_operands = 0 : i64, tpu.core_type = #tpu.core_type<tc>, window_params = [{transform_indices = @transform_0, window_bounds = array<i64: 200, 8>}, {pipeline_mode = #tpu.pipeline_mode<synchronous>, transform_indices = @transform_1, window_bounds = array<i64: 8, 1024>}, {pipeline_mode = #tpu.pipeline_mode<synchronous>, transform_indices = @transform_2, window_bounds = array<i64: 1, 1024>}, {transform_indices = @transform_3, window_bounds = array<i64: 200, 16>}, {transform_indices = @transform_4, window_bounds = array<i64: 200, 16>}]} {
    %get3A = arith.constant 0 : index
    %get3A_0 = arith.constant 0 : index
    %get3A_1 = vector.load %arg1[%get3A, %get3A_0] : memref<200x8xf32, #tpu.memory_space<vmem>>, vector<200x8xf32>
    %mul3A = arith.mulf %get3A_1, %get3A_1 : vector<200x8xf32>
    %reduce_sum3A = arith.constant dense<0.000000e+00> : vector<200xf32>
    %reduce_sum3A_2 = vector.multi_reduction <add>, %mul3A, %reduce_sum3A [1] : vector<200x8xf32> to vector<200xf32>
    %broadcast_in_dim3A = vector.shape_cast %reduce_sum3A_2 : vector<200xf32> to vector<200x1xf32>
    %get3A_3 = arith.constant 0 : index
    %get3A_4 = arith.constant 0 : index
    %get3A_5 = vector.load %arg2[%get3A_3, %get3A_4] : memref<8x1024xf32, #tpu.memory_space<vmem>>, vector<8x1024xf32>
    %dot_general3A = arith.constant dense<0.000000e+00> : vector<200x1024xf32>
    %dot_general3A_6 = tpu.matmul %get3A_1, %get3A_5, %dot_general3A {dimension_numbers = #tpu.dot_dimension_numbers<[1], [0], [0], [1], [0, 0, 1, 1], [], []>, transpose_lhs_hint = false} : vector<200x8xf32>, vector<8x1024xf32>, vector<200x1024xf32> -> vector<200x1024xf32>
    %iota3A = tpu.iota {dimensions = array<i32: 1>} : vector<200x1024xi32>
    %get3A_7 = arith.constant 0 : index
    %get3A_8 = arith.constant 0 : index
    %get3A_9 = vector.load %arg3[%get3A_7, %get3A_8] : memref<1x1024xf32, #tpu.memory_space<vmem>>, vector<1x1024xf32>
    %add3A = vector.broadcast %broadcast_in_dim3A : vector<200x1xf32> to vector<200x1024xf32>
    %add3A_10 = vector.broadcast %get3A_9 : vector<1x1024xf32> to vector<200x1024xf32>
    %add3A_11 = arith.addf %add3A, %add3A_10 : vector<200x1024xf32>
    %mul3A_12 = arith.constant 2.000000e+00 : f32
    %mul3A_13 = vector.broadcast %mul3A_12 : f32 to vector<200x1024xf32>
    %mul3A_14 = arith.mulf %mul3A_13, %dot_general3A_6 : vector<200x1024xf32>
    %sub3A = arith.subf %add3A_11, %mul3A_14 : vector<200x1024xf32>
    %mul3A_15 = arith.constant 200 : i32
    %mul3A_16 = arith.muli %arg0, %mul3A_15 : i32
    %iota3A_17 = tpu.iota {dimensions = array<i32: 0>} : vector<200x1024xi32>
    %add3A_18 = vector.broadcast %mul3A_16 : i32 to vector<200x1024xi32>
    %add3A_19 = arith.addi %add3A_18, %iota3A_17 : vector<200x1024xi32>
    %eq3A = arith.cmpi eq, %iota3A, %add3A_19 : vector<200x1024xi32>
    %jit3A = arith.constant 9.99999995E+11 : f32
    %jit3A_20 = arith.constant 0.000000e+00 : f32
    %broadcast_in_dim3A_21 = vector.broadcast %jit3A : f32 to vector<200x1024xf32>
    %broadcast_in_dim3A_22 = vector.broadcast %jit3A_20 : f32 to vector<200x1024xf32>
    %select_n3A = arith.select %eq3A, %broadcast_in_dim3A_21, %broadcast_in_dim3A_22 : vector<200x1024xi1>, vector<200x1024xf32>
    %add3A_23 = arith.addf %sub3A, %select_n3A : vector<200x1024xf32>
    %reduce_min3A = arith.constant dense<0x7F800000> : vector<200xf32>
    %reduce_min3A_24 = vector.multi_reduction <minimumf>, %add3A_23, %reduce_min3A [1] : vector<200x1024xf32> to vector<200xf32>
    %broadcast_in_dim3A_25 = vector.shape_cast %reduce_min3A_24 : vector<200xf32> to vector<200x1xf32>
    %eq3A_26 = vector.broadcast %broadcast_in_dim3A_25 : vector<200x1xf32> to vector<200x1024xf32>
    %eq3A_27 = arith.cmpf oeq, %add3A_23, %eq3A_26 : vector<200x1024xf32>
    %jit3A_28 = arith.constant 2147483647 : i32
    %broadcast_in_dim3A_29 = vector.broadcast %jit3A_28 : i32 to vector<200x1024xi32>
    %select_n3A_30 = arith.select %eq3A_27, %iota3A, %broadcast_in_dim3A_29 : vector<200x1024xi1>, vector<200x1024xi32>
    %reduce_min3A_31 = arith.constant dense<2147483647> : vector<200xi32>
    %reduce_min3A_32 = vector.multi_reduction <minsi>, %select_n3A_30, %reduce_min3A_31 [1] : vector<200x1024xi32> to vector<200xi32>
    %broadcast_in_dim3A_33 = vector.shape_cast %reduce_min3A_32 : vector<200xi32> to vector<200x1xi32>
    %swap3A = arith.constant 0 : index
    %swap3A_34 = arith.constant 0 : index
    %swap3A_35 = vector.load %arg4[%swap3A, %swap3A_34] : memref<200x16xi32, #tpu.memory_space<vmem>>, vector<200x1xi32>
    tpu.vector_store %arg4[%swap3A, %swap3A_34], %broadcast_in_dim3A_33 {strides = array<i32>} : memref<200x16xi32, #tpu.memory_space<vmem>>, vector<200x1xi32>,
    %swap3A_36 = arith.constant 0 : index
    %swap3A_37 = arith.constant 0 : index
    %swap3A_38 = vector.load %arg5[%swap3A_36, %swap3A_37] : memref<200x16xf32, #tpu.memory_space<vmem>>, vector<200x1xf32>
    tpu.vector_store %arg5[%swap3A_36, %swap3A_37], %broadcast_in_dim3A_25 {strides = array<i32>} : memref<200x16xf32, #tpu.memory_space<vmem>>, vector<200x1xf32>,
    %eq3A_39 = vector.broadcast %broadcast_in_dim3A_33 : vector<200x1xi32> to vector<200x1024xi32>
    %eq3A_40 = arith.cmpi eq, %iota3A, %eq3A_39 : vector<200x1024xi32>
    %jit3A_41 = arith.constant 3.000000e+38 : f32
    %broadcast_in_dim3A_42 = vector.broadcast %jit3A_41 : f32 to vector<200x1024xf32>
    %select_n3A_43 = arith.select %eq3A_40, %broadcast_in_dim3A_42, %add3A_23 : vector<200x1024xi1>, vector<200x1024xf32>
    %reduce_min3A_44 = arith.constant dense<0x7F800000> : vector<200xf32>
    %reduce_min3A_45 = vector.multi_reduction <minimumf>, %select_n3A_43, %reduce_min3A_44 [1] : vector<200x1024xf32> to vector<200xf32>
    %broadcast_in_dim3A_46 = vector.shape_cast %reduce_min3A_45 : vector<200xf32> to vector<200x1xf32>
    %eq3A_47 = vector.broadcast %broadcast_in_dim3A_46 : vector<200x1xf32> to vector<200x1024xf32>
    %eq3A_48 = arith.cmpf oeq, %select_n3A_43, %eq3A_47 : vector<200x1024xf32>
    %jit3A_49 = arith.constant 2147483647 : i32
    %broadcast_in_dim3A_50 = vector.broadcast %jit3A_49 : i32 to vector<200x1024xi32>
    %select_n3A_51 = arith.select %eq3A_48, %iota3A, %broadcast_in_dim3A_50 : vector<200x1024xi1>, vector<200x1024xi32>
    %reduce_min3A_52 = arith.constant dense<2147483647> : vector<200xi32>
    %reduce_min3A_53 = vector.multi_reduction <minsi>, %select_n3A_51, %reduce_min3A_52 [1] : vector<200x1024xi32> to vector<200xi32>
    %broadcast_in_dim3A_54 = vector.shape_cast %reduce_min3A_53 : vector<200xi32> to vector<200x1xi32>
    %swap3A_55 = arith.constant 0 : index
    %swap3A_56 = arith.constant 1 : index
    %swap3A_57 = vector.load %arg4[%swap3A_55, %swap3A_56] : memref<200x16xi32, #tpu.memory_space<vmem>>, vector<200x1xi32>
    tpu.vector_store %arg4[%swap3A_55, %swap3A_56], %broadcast_in_dim3A_54 {strides = array<i32>} : memref<200x16xi32, #tpu.memory_space<vmem>>, vector<200x1xi32>,
    %swap3A_58 = arith.constant 0 : index
    %swap3A_59 = arith.constant 1 : index
    %swap3A_60 = vector.load %arg5[%swap3A_58, %swap3A_59] : memref<200x16xf32, #tpu.memory_space<vmem>>, vector<200x1xf32>
    tpu.vector_store %arg5[%swap3A_58, %swap3A_59], %broadcast_in_dim3A_46 {strides = array<i32>} : memref<200x16xf32, #tpu.memory_space<vmem>>, vector<200x1xf32>,
    %eq3A_61 = vector.broadcast %broadcast_in_dim3A_54 : vector<200x1xi32> to vector<200x1024xi32>
    %eq3A_62 = arith.cmpi eq, %iota3A, %eq3A_61 : vector<200x1024xi32>
    %jit3A_63 = arith.constant 3.000000e+38 : f32
    %broadcast_in_dim3A_64 = vector.broadcast %jit3A_63 : f32 to vector<200x1024xf32>
    %select_n3A_65 = arith.select %eq3A_62, %broadcast_in_dim3A_64, %select_n3A_43 : vector<200x1024xi1>, vector<200x1024xf32>
    %reduce_min3A_66 = arith.constant dense<0x7F800000> : vector<200xf32>
    %reduce_min3A_67 = vector.multi_reduction <minimumf>, %select_n3A_65, %reduce_min3A_66 [1] : vector<200x1024xf32> to vector<200xf32>
    %broadcast_in_dim3A_68 = vector.shape_cast %reduce_min3A_67 : vector<200xf32> to vector<200x1xf32>
    %eq3A_69 = vector.broadcast %broadcast_in_dim3A_68 : vector<200x1xf32> to vector<200x1024xf32>
    %eq3A_70 = arith.cmpf oeq, %select_n3A_65, %eq3A_69 : vector<200x1024xf32>
    %jit3A_71 = arith.constant 2147483647 : i32
    %broadcast_in_dim3A_72 = vector.broadcast %jit3A_71 : i32 to vector<200x1024xi32>
    %select_n3A_73 = arith.select %eq3A_70, %iota3A, %broadcast_in_dim3A_72 : vector<200x1024xi1>, vector<200x1024xi32>
    %reduce_min3A_74 = arith.constant dense<2147483647> : vector<200xi32>
    %reduce_min3A_75 = vector.multi_reduction <minsi>, %select_n3A_73, %reduce_min3A_74 [1] : vector<200x1024xi32> to vector<200xi32>
    %broadcast_in_dim3A_76 = vector.shape_cast %reduce_min3A_75 : vector<200xi32> to vector<200x1xi32>
    %swap3A_77 = arith.constant 0 : index
    %swap3A_78 = arith.constant 2 : index
    %swap3A_79 = vector.load %arg4[%swap3A_77, %swap3A_78] : memref<200x16xi32, #tpu.memory_space<vmem>>, vector<200x1xi32>
    tpu.vector_store %arg4[%swap3A_77, %swap3A_78], %broadcast_in_dim3A_76 {strides = array<i32>} : memref<200x16xi32, #tpu.memory_space<vmem>>, vector<200x1xi32>,
    %swap3A_80 = arith.constant 0 : index
    %swap3A_81 = arith.constant 2 : index
    %swap3A_82 = vector.load %arg5[%swap3A_80, %swap3A_81] : memref<200x16xf32, #tpu.memory_space<vmem>>, vector<200x1xf32>
    tpu.vector_store %arg5[%swap3A_80, %swap3A_81], %broadcast_in_dim3A_68 {strides = array<i32>} : memref<200x16xf32, #tpu.memory_space<vmem>>, vector<200x1xf32>,
    %eq3A_83 = vector.broadcast %broadcast_in_dim3A_76 : vector<200x1xi32> to vector<200x1024xi32>
    %eq3A_84 = arith.cmpi eq, %iota3A, %eq3A_83 : vector<200x1024xi32>
    %jit3A_85 = arith.constant 3.000000e+38 : f32
    %broadcast_in_dim3A_86 = vector.broadcast %jit3A_85 : f32 to vector<200x1024xf32>
    %select_n3A_87 = arith.select %eq3A_84, %broadcast_in_dim3A_86, %select_n3A_65 : vector<200x1024xi1>, vector<200x1024xf32>
    %reduce_min3A_88 = arith.constant dense<0x7F800000> : vector<200xf32>
    %reduce_min3A_89 = vector.multi_reduction <minimumf>, %select_n3A_87, %reduce_min3A_88 [1] : vector<200x1024xf32> to vector<200xf32>
    %broadcast_in_dim3A_90 = vector.shape_cast %reduce_min3A_89 : vector<200xf32> to vector<200x1xf32>
    %eq3A_91 = vector.broadcast %broadcast_in_dim3A_90 : vector<200x1xf32> to vector<200x1024xf32>
    %eq3A_92 = arith.cmpf oeq, %select_n3A_87, %eq3A_91 : vector<200x1024xf32>
    %jit3A_93 = arith.constant 2147483647 : i32
    %broadcast_in_dim3A_94 = vector.broadcast %jit3A_93 : i32 to vector<200x1024xi32>
    %select_n3A_95 = arith.select %eq3A_92, %iota3A, %broadcast_in_dim3A_94 : vector<200x1024xi1>, vector<200x1024xi32>
    %reduce_min3A_96 = arith.constant dense<2147483647> : vector<200xi32>
    %reduce_min3A_97 = vector.multi_reduction <minsi>, %select_n3A_95, %reduce_min3A_96 [1] : vector<200x1024xi32> to vector<200xi32>
    %broadcast_in_dim3A_98 = vector.shape_cast %reduce_min3A_97 : vector<200xi32> to vector<200x1xi32>
    %swap3A_99 = arith.constant 0 : index
    %swap3A_100 = arith.constant 3 : index
    %swap3A_101 = vector.load %arg4[%swap3A_99, %swap3A_100] : memref<200x16xi32, #tpu.memory_space<vmem>>, vector<200x1xi32>
    tpu.vector_store %arg4[%swap3A_99, %swap3A_100], %broadcast_in_dim3A_98 {strides = array<i32>} : memref<200x16xi32, #tpu.memory_space<vmem>>, vector<200x1xi32>,
    %swap3A_102 = arith.constant 0 : index
    %swap3A_103 = arith.constant 3 : index
    %swap3A_104 = vector.load %arg5[%swap3A_102, %swap3A_103] : memref<200x16xf32, #tpu.memory_space<vmem>>, vector<200x1xf32>
    tpu.vector_store %arg5[%swap3A_102, %swap3A_103], %broadcast_in_dim3A_90 {strides = array<i32>} : memref<200x16xf32, #tpu.memory_space<vmem>>, vector<200x1xf32>,
    %eq3A_105 = vector.broadcast %broadcast_in_dim3A_98 : vector<200x1xi32> to vector<200x1024xi32>
    %eq3A_106 = arith.cmpi eq, %iota3A, %eq3A_105 : vector<200x1024xi32>
    %jit3A_107 = arith.constant 3.000000e+38 : f32
    %broadcast_in_dim3A_108 = vector.broadcast %jit3A_107 : f32 to vector<200x1024xf32>
    %select_n3A_109 = arith.select %eq3A_106, %broadcast_in_dim3A_108, %select_n3A_87 : vector<200x1024xi1>, vector<200x1024xf32>
    %reduce_min3A_110 = arith.constant dense<0x7F800000> : vector<200xf32>
    %reduce_min3A_111 = vector.multi_reduction <minimumf>, %select_n3A_109, %reduce_min3A_110 [1] : vector<200x1024xf32> to vector<200xf32>
    %broadcast_in_dim3A_112 = vector.shape_cast %reduce_min3A_111 : vector<200xf32> to vector<200x1xf32>
    %eq3A_113 = vector.broadcast %broadcast_in_dim3A_112 : vector<200x1xf32> to vector<200x1024xf32>
    %eq3A_114 = arith.cmpf oeq, %select_n3A_109, %eq3A_113 : vector<200x1024xf32>
    %jit3A_115 = arith.constant 2147483647 : i32
    %broadcast_in_dim3A_116 = vector.broadcast %jit3A_115 : i32 to vector<200x1024xi32>
    %select_n3A_117 = arith.select %eq3A_114, %iota3A, %broadcast_in_dim3A_116 : vector<200x1024xi1>, vector<200x1024xi32>
    %reduce_min3A_118 = arith.constant dense<2147483647> : vector<200xi32>
    %reduce_min3A_119 = vector.multi_reduction <minsi>, %select_n3A_117, %reduce_min3A_118 [1] : vector<200x1024xi32> to vector<200xi32>
    %broadcast_in_dim3A_120 = vector.shape_cast %reduce_min3A_119 : vector<200xi32> to vector<200x1xi32>
    %swap3A_121 = arith.constant 0 : index
    %swap3A_122 = arith.constant 4 : index
    %swap3A_123 = vector.load %arg4[%swap3A_121, %swap3A_122] : memref<200x16xi32, #tpu.memory_space<vmem>>, vector<200x1xi32>
    tpu.vector_store %arg4[%swap3A_121, %swap3A_122], %broadcast_in_dim3A_120 {strides = array<i32>} : memref<200x16xi32, #tpu.memory_space<vmem>>, vector<200x1xi32>,
    %swap3A_124 = arith.constant 0 : index
    %swap3A_125 = arith.constant 4 : index
    %swap3A_126 = vector.load %arg5[%swap3A_124, %swap3A_125] : memref<200x16xf32, #tpu.memory_space<vmem>>, vector<200x1xf32>
    tpu.vector_store %arg5[%swap3A_124, %swap3A_125], %broadcast_in_dim3A_112 {strides = array<i32>} : memref<200x16xf32, #tpu.memory_space<vmem>>, vector<200x1xf32>,
    %eq3A_127 = vector.broadcast %broadcast_in_dim3A_120 : vector<200x1xi32> to vector<200x1024xi32>
    %eq3A_128 = arith.cmpi eq, %iota3A, %eq3A_127 : vector<200x1024xi32>
    %jit3A_129 = arith.constant 3.000000e+38 : f32
    %broadcast_in_dim3A_130 = vector.broadcast %jit3A_129 : f32 to vector<200x1024xf32>
    %select_n3A_131 = arith.select %eq3A_128, %broadcast_in_dim3A_130, %select_n3A_109 : vector<200x1024xi1>, vector<200x1024xf32>
    %reduce_min3A_132 = arith.constant dense<0x7F800000> : vector<200xf32>
    %reduce_min3A_133 = vector.multi_reduction <minimumf>, %select_n3A_131, %reduce_min3A_132 [1] : vector<200x1024xf32> to vector<200xf32>
    %broadcast_in_dim3A_134 = vector.shape_cast %reduce_min3A_133 : vector<200xf32> to vector<200x1xf32>
    %eq3A_135 = vector.broadcast %broadcast_in_dim3A_134 : vector<200x1xf32> to vector<200x1024xf32>
    %eq3A_136 = arith.cmpf oeq, %select_n3A_131, %eq3A_135 : vector<200x1024xf32>
    %jit3A_137 = arith.constant 2147483647 : i32
    %broadcast_in_dim3A_138 = vector.broadcast %jit3A_137 : i32 to vector<200x1024xi32>
    %select_n3A_139 = arith.select %eq3A_136, %iota3A, %broadcast_in_dim3A_138 : vector<200x1024xi1>, vector<200x1024xi32>
    %reduce_min3A_140 = arith.constant dense<2147483647> : vector<200xi32>
    %reduce_min3A_141 = vector.multi_reduction <minsi>, %select_n3A_139, %reduce_min3A_140 [1] : vector<200x1024xi32> to vector<200xi32>
    %broadcast_in_dim3A_142 = vector.shape_cast %reduce_min3A_141 : vector<200xi32> to vector<200x1xi32>
    %swap3A_143 = arith.constant 0 : index
    %swap3A_144 = arith.constant 5 : index
    %swap3A_145 = vector.load %arg4[%swap3A_143, %swap3A_144] : memref<200x16xi32, #tpu.memory_space<vmem>>, vector<200x1xi32>
    tpu.vector_store %arg4[%swap3A_143, %swap3A_144], %broadcast_in_dim3A_142 {strides = array<i32>} : memref<200x16xi32, #tpu.memory_space<vmem>>, vector<200x1xi32>,
    %swap3A_146 = arith.constant 0 : index
    %swap3A_147 = arith.constant 5 : index
    %swap3A_148 = vector.load %arg5[%swap3A_146, %swap3A_147] : memref<200x16xf32, #tpu.memory_space<vmem>>, vector<200x1xf32>
    tpu.vector_store %arg5[%swap3A_146, %swap3A_147], %broadcast_in_dim3A_134 {strides = array<i32>} : memref<200x16xf32, #tpu.memory_space<vmem>>, vector<200x1xf32>,
    %eq3A_149 = vector.broadcast %broadcast_in_dim3A_142 : vector<200x1xi32> to vector<200x1024xi32>
    %eq3A_150 = arith.cmpi eq, %iota3A, %eq3A_149 : vector<200x1024xi32>
    %jit3A_151 = arith.constant 3.000000e+38 : f32
    %broadcast_in_dim3A_152 = vector.broadcast %jit3A_151 : f32 to vector<200x1024xf32>
    %select_n3A_153 = arith.select %eq3A_150, %broadcast_in_dim3A_152, %select_n3A_131 : vector<200x1024xi1>, vector<200x1024xf32>
    %reduce_min3A_154 = arith.constant dense<0x7F800000> : vector<200xf32>
    %reduce_min3A_155 = vector.multi_reduction <minimumf>, %select_n3A_153, %reduce_min3A_154 [1] : vector<200x1024xf32> to vector<200xf32>
    %broadcast_in_dim3A_156 = vector.shape_cast %reduce_min3A_155 : vector<200xf32> to vector<200x1xf32>
    %eq3A_157 = vector.broadcast %broadcast_in_dim3A_156 : vector<200x1xf32> to vector<200x1024xf32>
    %eq3A_158 = arith.cmpf oeq, %select_n3A_153, %eq3A_157 : vector<200x1024xf32>
    %jit3A_159 = arith.constant 2147483647 : i32
    %broadcast_in_dim3A_160 = vector.broadcast %jit3A_159 : i32 to vector<200x1024xi32>
    %select_n3A_161 = arith.select %eq3A_158, %iota3A, %broadcast_in_dim3A_160 : vector<200x1024xi1>, vector<200x1024xi32>
    %reduce_min3A_162 = arith.constant dense<2147483647> : vector<200xi32>
    %reduce_min3A_163 = vector.multi_reduction <minsi>, %select_n3A_161, %reduce_min3A_162 [1] : vector<200x1024xi32> to vector<200xi32>
    %broadcast_in_dim3A_164 = vector.shape_cast %reduce_min3A_163 : vector<200xi32> to vector<200x1xi32>
    %swap3A_165 = arith.constant 0 : index
    %swap3A_166 = arith.constant 6 : index
    %swap3A_167 = vector.load %arg4[%swap3A_165, %swap3A_166] : memref<200x16xi32, #tpu.memory_space<vmem>>, vector<200x1xi32>
    tpu.vector_store %arg4[%swap3A_165, %swap3A_166], %broadcast_in_dim3A_164 {strides = array<i32>} : memref<200x16xi32, #tpu.memory_space<vmem>>, vector<200x1xi32>,
    %swap3A_168 = arith.constant 0 : index
    %swap3A_169 = arith.constant 6 : index
    %swap3A_170 = vector.load %arg5[%swap3A_168, %swap3A_169] : memref<200x16xf32, #tpu.memory_space<vmem>>, vector<200x1xf32>
    tpu.vector_store %arg5[%swap3A_168, %swap3A_169], %broadcast_in_dim3A_156 {strides = array<i32>} : memref<200x16xf32, #tpu.memory_space<vmem>>, vector<200x1xf32>,
    %eq3A_171 = vector.broadcast %broadcast_in_dim3A_164 : vector<200x1xi32> to vector<200x1024xi32>
    %eq3A_172 = arith.cmpi eq, %iota3A, %eq3A_171 : vector<200x1024xi32>
    %jit3A_173 = arith.constant 3.000000e+38 : f32
    %broadcast_in_dim3A_174 = vector.broadcast %jit3A_173 : f32 to vector<200x1024xf32>
    %select_n3A_175 = arith.select %eq3A_172, %broadcast_in_dim3A_174, %select_n3A_153 : vector<200x1024xi1>, vector<200x1024xf32>
    %reduce_min3A_176 = arith.constant dense<0x7F800000> : vector<200xf32>
    %reduce_min3A_177 = vector.multi_reduction <minimumf>, %select_n3A_175, %reduce_min3A_176 [1] : vector<200x1024xf32> to vector<200xf32>
    %broadcast_in_dim3A_178 = vector.shape_cast %reduce_min3A_177 : vector<200xf32> to vector<200x1xf32>
    %eq3A_179 = vector.broadcast %broadcast_in_dim3A_178 : vector<200x1xf32> to vector<200x1024xf32>
    %eq3A_180 = arith.cmpf oeq, %select_n3A_175, %eq3A_179 : vector<200x1024xf32>
    %jit3A_181 = arith.constant 2147483647 : i32
    %broadcast_in_dim3A_182 = vector.broadcast %jit3A_181 : i32 to vector<200x1024xi32>
    %select_n3A_183 = arith.select %eq3A_180, %iota3A, %broadcast_in_dim3A_182 : vector<200x1024xi1>, vector<200x1024xi32>
    %reduce_min3A_184 = arith.constant dense<2147483647> : vector<200xi32>
    %reduce_min3A_185 = vector.multi_reduction <minsi>, %select_n3A_183, %reduce_min3A_184 [1] : vector<200x1024xi32> to vector<200xi32>
    %broadcast_in_dim3A_186 = vector.shape_cast %reduce_min3A_185 : vector<200xi32> to vector<200x1xi32>
    %swap3A_187 = arith.constant 0 : index
    %swap3A_188 = arith.constant 7 : index
    %swap3A_189 = vector.load %arg4[%swap3A_187, %swap3A_188] : memref<200x16xi32, #tpu.memory_space<vmem>>, vector<200x1xi32>
    tpu.vector_store %arg4[%swap3A_187, %swap3A_188], %broadcast_in_dim3A_186 {strides = array<i32>} : memref<200x16xi32, #tpu.memory_space<vmem>>, vector<200x1xi32>,
    %swap3A_190 = arith.constant 0 : index
    %swap3A_191 = arith.constant 7 : index
    %swap3A_192 = vector.load %arg5[%swap3A_190, %swap3A_191] : memref<200x16xf32, #tpu.memory_space<vmem>>, vector<200x1xf32>
    tpu.vector_store %arg5[%swap3A_190, %swap3A_191], %broadcast_in_dim3A_178 {strides = array<i32>} : memref<200x16xf32, #tpu.memory_space<vmem>>, vector<200x1xf32>,
    %eq3A_193 = vector.broadcast %broadcast_in_dim3A_186 : vector<200x1xi32> to vector<200x1024xi32>
    %eq3A_194 = arith.cmpi eq, %iota3A, %eq3A_193 : vector<200x1024xi32>
    %jit3A_195 = arith.constant 3.000000e+38 : f32
    %broadcast_in_dim3A_196 = vector.broadcast %jit3A_195 : f32 to vector<200x1024xf32>
    %select_n3A_197 = arith.select %eq3A_194, %broadcast_in_dim3A_196, %select_n3A_175 : vector<200x1024xi1>, vector<200x1024xf32>
    %reduce_min3A_198 = arith.constant dense<0x7F800000> : vector<200xf32>
    %reduce_min3A_199 = vector.multi_reduction <minimumf>, %select_n3A_197, %reduce_min3A_198 [1] : vector<200x1024xf32> to vector<200xf32>
    %broadcast_in_dim3A_200 = vector.shape_cast %reduce_min3A_199 : vector<200xf32> to vector<200x1xf32>
    %eq3A_201 = vector.broadcast %broadcast_in_dim3A_200 : vector<200x1xf32> to vector<200x1024xf32>
    %eq3A_202 = arith.cmpf oeq, %select_n3A_197, %eq3A_201 : vector<200x1024xf32>
    %jit3A_203 = arith.constant 2147483647 : i32
    %broadcast_in_dim3A_204 = vector.broadcast %jit3A_203 : i32 to vector<200x1024xi32>
    %select_n3A_205 = arith.select %eq3A_202, %iota3A, %broadcast_in_dim3A_204 : vector<200x1024xi1>, vector<200x1024xi32>
    %reduce_min3A_206 = arith.constant dense<2147483647> : vector<200xi32>
    %reduce_min3A_207 = vector.multi_reduction <minsi>, %select_n3A_205, %reduce_min3A_206 [1] : vector<200x1024xi32> to vector<200xi32>
    %broadcast_in_dim3A_208 = vector.shape_cast %reduce_min3A_207 : vector<200xi32> to vector<200x1xi32>
    %swap3A_209 = arith.constant 0 : index
    %swap3A_210 = arith.constant 8 : index
    %swap3A_211 = vector.load %arg4[%swap3A_209, %swap3A_210] : memref<200x16xi32, #tpu.memory_space<vmem>>, vector<200x1xi32>
    tpu.vector_store %arg4[%swap3A_209, %swap3A_210], %broadcast_in_dim3A_208 {strides = array<i32>} : memref<200x16xi32, #tpu.memory_space<vmem>>, vector<200x1xi32>,
    %swap3A_212 = arith.constant 0 : index
    %swap3A_213 = arith.constant 8 : index
    %swap3A_214 = vector.load %arg5[%swap3A_212, %swap3A_213] : memref<200x16xf32, #tpu.memory_space<vmem>>, vector<200x1xf32>
    tpu.vector_store %arg5[%swap3A_212, %swap3A_213], %broadcast_in_dim3A_200 {strides = array<i32>} : memref<200x16xf32, #tpu.memory_space<vmem>>, vector<200x1xf32>,
    %eq3A_215 = vector.broadcast %broadcast_in_dim3A_208 : vector<200x1xi32> to vector<200x1024xi32>
    %eq3A_216 = arith.cmpi eq, %iota3A, %eq3A_215 : vector<200x1024xi32>
    %jit3A_217 = arith.constant 3.000000e+38 : f32
    %broadcast_in_dim3A_218 = vector.broadcast %jit3A_217 : f32 to vector<200x1024xf32>
    %select_n3A_219 = arith.select %eq3A_216, %broadcast_in_dim3A_218, %select_n3A_197 : vector<200x1024xi1>, vector<200x1024xf32>
    %reduce_min3A_220 = arith.constant dense<0x7F800000> : vector<200xf32>
    %reduce_min3A_221 = vector.multi_reduction <minimumf>, %select_n3A_219, %reduce_min3A_220 [1] : vector<200x1024xf32> to vector<200xf32>
    %broadcast_in_dim3A_222 = vector.shape_cast %reduce_min3A_221 : vector<200xf32> to vector<200x1xf32>
    %eq3A_223 = vector.broadcast %broadcast_in_dim3A_222 : vector<200x1xf32> to vector<200x1024xf32>
    %eq3A_224 = arith.cmpf oeq, %select_n3A_219, %eq3A_223 : vector<200x1024xf32>
    %jit3A_225 = arith.constant 2147483647 : i32
    %broadcast_in_dim3A_226 = vector.broadcast %jit3A_225 : i32 to vector<200x1024xi32>
    %select_n3A_227 = arith.select %eq3A_224, %iota3A, %broadcast_in_dim3A_226 : vector<200x1024xi1>, vector<200x1024xi32>
    %reduce_min3A_228 = arith.constant dense<2147483647> : vector<200xi32>
    %reduce_min3A_229 = vector.multi_reduction <minsi>, %select_n3A_227, %reduce_min3A_228 [1] : vector<200x1024xi32> to vector<200xi32>
    %broadcast_in_dim3A_230 = vector.shape_cast %reduce_min3A_229 : vector<200xi32> to vector<200x1xi32>
    %swap3A_231 = arith.constant 0 : index
    %swap3A_232 = arith.constant 9 : index
    %swap3A_233 = vector.load %arg4[%swap3A_231, %swap3A_232] : memref<200x16xi32, #tpu.memory_space<vmem>>, vector<200x1xi32>
    tpu.vector_store %arg4[%swap3A_231, %swap3A_232], %broadcast_in_dim3A_230 {strides = array<i32>} : memref<200x16xi32, #tpu.memory_space<vmem>>, vector<200x1xi32>,
    %swap3A_234 = arith.constant 0 : index
    %swap3A_235 = arith.constant 9 : index
    %swap3A_236 = vector.load %arg5[%swap3A_234, %swap3A_235] : memref<200x16xf32, #tpu.memory_space<vmem>>, vector<200x1xf32>
    tpu.vector_store %arg5[%swap3A_234, %swap3A_235], %broadcast_in_dim3A_222 {strides = array<i32>} : memref<200x16xf32, #tpu.memory_space<vmem>>, vector<200x1xf32>,
    %eq3A_237 = vector.broadcast %broadcast_in_dim3A_230 : vector<200x1xi32> to vector<200x1024xi32>
    %eq3A_238 = arith.cmpi eq, %iota3A, %eq3A_237 : vector<200x1024xi32>
    %jit3A_239 = arith.constant 3.000000e+38 : f32
    %broadcast_in_dim3A_240 = vector.broadcast %jit3A_239 : f32 to vector<200x1024xf32>
    %select_n3A_241 = arith.select %eq3A_238, %broadcast_in_dim3A_240, %select_n3A_219 : vector<200x1024xi1>, vector<200x1024xf32>
    %reduce_min3A_242 = arith.constant dense<0x7F800000> : vector<200xf32>
    %reduce_min3A_243 = vector.multi_reduction <minimumf>, %select_n3A_241, %reduce_min3A_242 [1] : vector<200x1024xf32> to vector<200xf32>
    %broadcast_in_dim3A_244 = vector.shape_cast %reduce_min3A_243 : vector<200xf32> to vector<200x1xf32>
    %eq3A_245 = vector.broadcast %broadcast_in_dim3A_244 : vector<200x1xf32> to vector<200x1024xf32>
    %eq3A_246 = arith.cmpf oeq, %select_n3A_241, %eq3A_245 : vector<200x1024xf32>
    %jit3A_247 = arith.constant 2147483647 : i32
    %broadcast_in_dim3A_248 = vector.broadcast %jit3A_247 : i32 to vector<200x1024xi32>
    %select_n3A_249 = arith.select %eq3A_246, %iota3A, %broadcast_in_dim3A_248 : vector<200x1024xi1>, vector<200x1024xi32>
    %reduce_min3A_250 = arith.constant dense<2147483647> : vector<200xi32>
    %reduce_min3A_251 = vector.multi_reduction <minsi>, %select_n3A_249, %reduce_min3A_250 [1] : vector<200x1024xi32> to vector<200xi32>
    %broadcast_in_dim3A_252 = vector.shape_cast %reduce_min3A_251 : vector<200xi32> to vector<200x1xi32>
    %swap3A_253 = arith.constant 0 : index
    %swap3A_254 = arith.constant 10 : index
    %swap3A_255 = vector.load %arg4[%swap3A_253, %swap3A_254] : memref<200x16xi32, #tpu.memory_space<vmem>>, vector<200x1xi32>
    tpu.vector_store %arg4[%swap3A_253, %swap3A_254], %broadcast_in_dim3A_252 {strides = array<i32>} : memref<200x16xi32, #tpu.memory_space<vmem>>, vector<200x1xi32>,
    %swap3A_256 = arith.constant 0 : index
    %swap3A_257 = arith.constant 10 : index
    %swap3A_258 = vector.load %arg5[%swap3A_256, %swap3A_257] : memref<200x16xf32, #tpu.memory_space<vmem>>, vector<200x1xf32>
    tpu.vector_store %arg5[%swap3A_256, %swap3A_257], %broadcast_in_dim3A_244 {strides = array<i32>} : memref<200x16xf32, #tpu.memory_space<vmem>>, vector<200x1xf32>,
    %eq3A_259 = vector.broadcast %broadcast_in_dim3A_252 : vector<200x1xi32> to vector<200x1024xi32>
    %eq3A_260 = arith.cmpi eq, %iota3A, %eq3A_259 : vector<200x1024xi32>
    %jit3A_261 = arith.constant 3.000000e+38 : f32
    %broadcast_in_dim3A_262 = vector.broadcast %jit3A_261 : f32 to vector<200x1024xf32>
    %select_n3A_263 = arith.select %eq3A_260, %broadcast_in_dim3A_262, %select_n3A_241 : vector<200x1024xi1>, vector<200x1024xf32>
    %reduce_min3A_264 = arith.constant dense<0x7F800000> : vector<200xf32>
    %reduce_min3A_265 = vector.multi_reduction <minimumf>, %select_n3A_263, %reduce_min3A_264 [1] : vector<200x1024xf32> to vector<200xf32>
    %broadcast_in_dim3A_266 = vector.shape_cast %reduce_min3A_265 : vector<200xf32> to vector<200x1xf32>
    %eq3A_267 = vector.broadcast %broadcast_in_dim3A_266 : vector<200x1xf32> to vector<200x1024xf32>
    %eq3A_268 = arith.cmpf oeq, %select_n3A_263, %eq3A_267 : vector<200x1024xf32>
    %jit3A_269 = arith.constant 2147483647 : i32
    %broadcast_in_dim3A_270 = vector.broadcast %jit3A_269 : i32 to vector<200x1024xi32>
    %select_n3A_271 = arith.select %eq3A_268, %iota3A, %broadcast_in_dim3A_270 : vector<200x1024xi1>, vector<200x1024xi32>
    %reduce_min3A_272 = arith.constant dense<2147483647> : vector<200xi32>
    %reduce_min3A_273 = vector.multi_reduction <minsi>, %select_n3A_271, %reduce_min3A_272 [1] : vector<200x1024xi32> to vector<200xi32>
    %broadcast_in_dim3A_274 = vector.shape_cast %reduce_min3A_273 : vector<200xi32> to vector<200x1xi32>
    %swap3A_275 = arith.constant 0 : index
    %swap3A_276 = arith.constant 11 : index
    %swap3A_277 = vector.load %arg4[%swap3A_275, %swap3A_276] : memref<200x16xi32, #tpu.memory_space<vmem>>, vector<200x1xi32>
    tpu.vector_store %arg4[%swap3A_275, %swap3A_276], %broadcast_in_dim3A_274 {strides = array<i32>} : memref<200x16xi32, #tpu.memory_space<vmem>>, vector<200x1xi32>,
    %swap3A_278 = arith.constant 0 : index
    %swap3A_279 = arith.constant 11 : index
    %swap3A_280 = vector.load %arg5[%swap3A_278, %swap3A_279] : memref<200x16xf32, #tpu.memory_space<vmem>>, vector<200x1xf32>
    tpu.vector_store %arg5[%swap3A_278, %swap3A_279], %broadcast_in_dim3A_266 {strides = array<i32>} : memref<200x16xf32, #tpu.memory_space<vmem>>, vector<200x1xf32>,
    %eq3A_281 = vector.broadcast %broadcast_in_dim3A_274 : vector<200x1xi32> to vector<200x1024xi32>
    %eq3A_282 = arith.cmpi eq, %iota3A, %eq3A_281 : vector<200x1024xi32>
    %jit3A_283 = arith.constant 3.000000e+38 : f32
    %broadcast_in_dim3A_284 = vector.broadcast %jit3A_283 : f32 to vector<200x1024xf32>
    %select_n3A_285 = arith.select %eq3A_282, %broadcast_in_dim3A_284, %select_n3A_263 : vector<200x1024xi1>, vector<200x1024xf32>
    %reduce_min3A_286 = arith.constant dense<0x7F800000> : vector<200xf32>
    %reduce_min3A_287 = vector.multi_reduction <minimumf>, %select_n3A_285, %reduce_min3A_286 [1] : vector<200x1024xf32> to vector<200xf32>
    %broadcast_in_dim3A_288 = vector.shape_cast %reduce_min3A_287 : vector<200xf32> to vector<200x1xf32>
    %eq3A_289 = vector.broadcast %broadcast_in_dim3A_288 : vector<200x1xf32> to vector<200x1024xf32>
    %eq3A_290 = arith.cmpf oeq, %select_n3A_285, %eq3A_289 : vector<200x1024xf32>
    %jit3A_291 = arith.constant 2147483647 : i32
    %broadcast_in_dim3A_292 = vector.broadcast %jit3A_291 : i32 to vector<200x1024xi32>
    %select_n3A_293 = arith.select %eq3A_290, %iota3A, %broadcast_in_dim3A_292 : vector<200x1024xi1>, vector<200x1024xi32>
    %reduce_min3A_294 = arith.constant dense<2147483647> : vector<200xi32>
    %reduce_min3A_295 = vector.multi_reduction <minsi>, %select_n3A_293, %reduce_min3A_294 [1] : vector<200x1024xi32> to vector<200xi32>
    %broadcast_in_dim3A_296 = vector.shape_cast %reduce_min3A_295 : vector<200xi32> to vector<200x1xi32>
    %swap3A_297 = arith.constant 0 : index
    %swap3A_298 = arith.constant 12 : index
    %swap3A_299 = vector.load %arg4[%swap3A_297, %swap3A_298] : memref<200x16xi32, #tpu.memory_space<vmem>>, vector<200x1xi32>
    tpu.vector_store %arg4[%swap3A_297, %swap3A_298], %broadcast_in_dim3A_296 {strides = array<i32>} : memref<200x16xi32, #tpu.memory_space<vmem>>, vector<200x1xi32>,
    %swap3A_300 = arith.constant 0 : index
    %swap3A_301 = arith.constant 12 : index
    %swap3A_302 = vector.load %arg5[%swap3A_300, %swap3A_301] : memref<200x16xf32, #tpu.memory_space<vmem>>, vector<200x1xf32>
    tpu.vector_store %arg5[%swap3A_300, %swap3A_301], %broadcast_in_dim3A_288 {strides = array<i32>} : memref<200x16xf32, #tpu.memory_space<vmem>>, vector<200x1xf32>,
    %eq3A_303 = vector.broadcast %broadcast_in_dim3A_296 : vector<200x1xi32> to vector<200x1024xi32>
    %eq3A_304 = arith.cmpi eq, %iota3A, %eq3A_303 : vector<200x1024xi32>
    %jit3A_305 = arith.constant 3.000000e+38 : f32
    %broadcast_in_dim3A_306 = vector.broadcast %jit3A_305 : f32 to vector<200x1024xf32>
    %select_n3A_307 = arith.select %eq3A_304, %broadcast_in_dim3A_306, %select_n3A_285 : vector<200x1024xi1>, vector<200x1024xf32>
    %reduce_min3A_308 = arith.constant dense<0x7F800000> : vector<200xf32>
    %reduce_min3A_309 = vector.multi_reduction <minimumf>, %select_n3A_307, %reduce_min3A_308 [1] : vector<200x1024xf32> to vector<200xf32>
    %broadcast_in_dim3A_310 = vector.shape_cast %reduce_min3A_309 : vector<200xf32> to vector<200x1xf32>
    %eq3A_311 = vector.broadcast %broadcast_in_dim3A_310 : vector<200x1xf32> to vector<200x1024xf32>
    %eq3A_312 = arith.cmpf oeq, %select_n3A_307, %eq3A_311 : vector<200x1024xf32>
    %jit3A_313 = arith.constant 2147483647 : i32
    %broadcast_in_dim3A_314 = vector.broadcast %jit3A_313 : i32 to vector<200x1024xi32>
    %select_n3A_315 = arith.select %eq3A_312, %iota3A, %broadcast_in_dim3A_314 : vector<200x1024xi1>, vector<200x1024xi32>
    %reduce_min3A_316 = arith.constant dense<2147483647> : vector<200xi32>
    %reduce_min3A_317 = vector.multi_reduction <minsi>, %select_n3A_315, %reduce_min3A_316 [1] : vector<200x1024xi32> to vector<200xi32>
    %broadcast_in_dim3A_318 = vector.shape_cast %reduce_min3A_317 : vector<200xi32> to vector<200x1xi32>
    %swap3A_319 = arith.constant 0 : index
    %swap3A_320 = arith.constant 13 : index
    %swap3A_321 = vector.load %arg4[%swap3A_319, %swap3A_320] : memref<200x16xi32, #tpu.memory_space<vmem>>, vector<200x1xi32>
    tpu.vector_store %arg4[%swap3A_319, %swap3A_320], %broadcast_in_dim3A_318 {strides = array<i32>} : memref<200x16xi32, #tpu.memory_space<vmem>>, vector<200x1xi32>,
    %swap3A_322 = arith.constant 0 : index
    %swap3A_323 = arith.constant 13 : index
    %swap3A_324 = vector.load %arg5[%swap3A_322, %swap3A_323] : memref<200x16xf32, #tpu.memory_space<vmem>>, vector<200x1xf32>
    tpu.vector_store %arg5[%swap3A_322, %swap3A_323], %broadcast_in_dim3A_310 {strides = array<i32>} : memref<200x16xf32, #tpu.memory_space<vmem>>, vector<200x1xf32>,
    %eq3A_325 = vector.broadcast %broadcast_in_dim3A_318 : vector<200x1xi32> to vector<200x1024xi32>
    %eq3A_326 = arith.cmpi eq, %iota3A, %eq3A_325 : vector<200x1024xi32>
    %jit3A_327 = arith.constant 3.000000e+38 : f32
    %broadcast_in_dim3A_328 = vector.broadcast %jit3A_327 : f32 to vector<200x1024xf32>
    %select_n3A_329 = arith.select %eq3A_326, %broadcast_in_dim3A_328, %select_n3A_307 : vector<200x1024xi1>, vector<200x1024xf32>
    %reduce_min3A_330 = arith.constant dense<0x7F800000> : vector<200xf32>
    %reduce_min3A_331 = vector.multi_reduction <minimumf>, %select_n3A_329, %reduce_min3A_330 [1] : vector<200x1024xf32> to vector<200xf32>
    %broadcast_in_dim3A_332 = vector.shape_cast %reduce_min3A_331 : vector<200xf32> to vector<200x1xf32>
    %eq3A_333 = vector.broadcast %broadcast_in_dim3A_332 : vector<200x1xf32> to vector<200x1024xf32>
    %eq3A_334 = arith.cmpf oeq, %select_n3A_329, %eq3A_333 : vector<200x1024xf32>
    %jit3A_335 = arith.constant 2147483647 : i32
    %broadcast_in_dim3A_336 = vector.broadcast %jit3A_335 : i32 to vector<200x1024xi32>
    %select_n3A_337 = arith.select %eq3A_334, %iota3A, %broadcast_in_dim3A_336 : vector<200x1024xi1>, vector<200x1024xi32>
    %reduce_min3A_338 = arith.constant dense<2147483647> : vector<200xi32>
    %reduce_min3A_339 = vector.multi_reduction <minsi>, %select_n3A_337, %reduce_min3A_338 [1] : vector<200x1024xi32> to vector<200xi32>
    %broadcast_in_dim3A_340 = vector.shape_cast %reduce_min3A_339 : vector<200xi32> to vector<200x1xi32>
    %swap3A_341 = arith.constant 0 : index
    %swap3A_342 = arith.constant 14 : index
    %swap3A_343 = vector.load %arg4[%swap3A_341, %swap3A_342] : memref<200x16xi32, #tpu.memory_space<vmem>>, vector<200x1xi32>
    tpu.vector_store %arg4[%swap3A_341, %swap3A_342], %broadcast_in_dim3A_340 {strides = array<i32>} : memref<200x16xi32, #tpu.memory_space<vmem>>, vector<200x1xi32>,
    %swap3A_344 = arith.constant 0 : index
    %swap3A_345 = arith.constant 14 : index
    %swap3A_346 = vector.load %arg5[%swap3A_344, %swap3A_345] : memref<200x16xf32, #tpu.memory_space<vmem>>, vector<200x1xf32>
    tpu.vector_store %arg5[%swap3A_344, %swap3A_345], %broadcast_in_dim3A_332 {strides = array<i32>} : memref<200x16xf32, #tpu.memory_space<vmem>>, vector<200x1xf32>,
    %eq3A_347 = vector.broadcast %broadcast_in_dim3A_340 : vector<200x1xi32> to vector<200x1024xi32>
    %eq3A_348 = arith.cmpi eq, %iota3A, %eq3A_347 : vector<200x1024xi32>
    %jit3A_349 = arith.constant 3.000000e+38 : f32
    %broadcast_in_dim3A_350 = vector.broadcast %jit3A_349 : f32 to vector<200x1024xf32>
    %select_n3A_351 = arith.select %eq3A_348, %broadcast_in_dim3A_350, %select_n3A_329 : vector<200x1024xi1>, vector<200x1024xf32>
    %reduce_min3A_352 = arith.constant dense<0x7F800000> : vector<200xf32>
    %reduce_min3A_353 = vector.multi_reduction <minimumf>, %select_n3A_351, %reduce_min3A_352 [1] : vector<200x1024xf32> to vector<200xf32>
    %broadcast_in_dim3A_354 = vector.shape_cast %reduce_min3A_353 : vector<200xf32> to vector<200x1xf32>
    %eq3A_355 = vector.broadcast %broadcast_in_dim3A_354 : vector<200x1xf32> to vector<200x1024xf32>
    %eq3A_356 = arith.cmpf oeq, %select_n3A_351, %eq3A_355 : vector<200x1024xf32>
    %jit3A_357 = arith.constant 2147483647 : i32
    %broadcast_in_dim3A_358 = vector.broadcast %jit3A_357 : i32 to vector<200x1024xi32>
    %select_n3A_359 = arith.select %eq3A_356, %iota3A, %broadcast_in_dim3A_358 : vector<200x1024xi1>, vector<200x1024xi32>
    %reduce_min3A_360 = arith.constant dense<2147483647> : vector<200xi32>
    %reduce_min3A_361 = vector.multi_reduction <minsi>, %select_n3A_359, %reduce_min3A_360 [1] : vector<200x1024xi32> to vector<200xi32>
    %broadcast_in_dim3A_362 = vector.shape_cast %reduce_min3A_361 : vector<200xi32> to vector<200x1xi32>
    %swap3A_363 = arith.constant 0 : index
    %swap3A_364 = arith.constant 15 : index
    %swap3A_365 = vector.load %arg4[%swap3A_363, %swap3A_364] : memref<200x16xi32, #tpu.memory_space<vmem>>, vector<200x1xi32>
    tpu.vector_store %arg4[%swap3A_363, %swap3A_364], %broadcast_in_dim3A_362 {strides = array<i32>} : memref<200x16xi32, #tpu.memory_space<vmem>>, vector<200x1xi32>,
    %swap3A_366 = arith.constant 0 : index
    %swap3A_367 = arith.constant 15 : index
    %swap3A_368 = vector.load %arg5[%swap3A_366, %swap3A_367] : memref<200x16xf32, #tpu.memory_space<vmem>>, vector<200x1xf32>
    tpu.vector_store %arg5[%swap3A_366, %swap3A_367], %broadcast_in_dim3A_354 {strides = array<i32>} : memref<200x16xf32, #tpu.memory_space<vmem>>, vector<200x1xf32>,
    return
  }
  func.func @transform_0(%arg0: i32) -> (i32, i32) {
    %c0_i32 = arith.constant 0 : i32
    %c0_i32_0 = arith.constant 0 : i32
    return %arg0, %c0_i32 : i32, i32
  }
  func.func @transform_1(%arg0: i32) -> (i32, i32) {
    %c0_i32 = arith.constant 0 : i32
    %c0_i32_0 = arith.constant 0 : i32
    %c0_i32_1 = arith.constant 0 : i32
    return %c0_i32, %c0_i32_0 : i32, i32
  }
  func.func @transform_2(%arg0: i32) -> (i32, i32) {
    %c0_i32 = arith.constant 0 : i32
    %c0_i32_0 = arith.constant 0 : i32
    %c0_i32_1 = arith.constant 0 : i32
    return %c0_i32, %c0_i32_0 : i32, i32
  }
  func.func @transform_3(%arg0: i32) -> (i32, i32) {
    %c0_i32 = arith.constant 0 : i32
    %c0_i32_0 = arith.constant 0 : i32
    return %arg0, %c0_i32 : i32, i32
  }
  func.func @transform_4(%arg0: i32) -> (i32, i32) {
    %c0_i32 = arith.constant 0 : i32
    %c0_i32_0 = arith.constant 0 : i32
    return %arg0, %c0_i32 : i32, i32
  }
}

module attributes {stable_mosaic.version = 14 : i64} {
  func.func @_attn_body(%arg0: i32, %arg1: memref<200x128xf32, #tpu.memory_space<vmem>>, %arg2: memref<200x24x16xf32, #tpu.memory_space<vmem>>, %arg3: memref<200x24x128xf32, #tpu.memory_space<vmem>>, %arg4: memref<128x128xf32, #tpu.memory_space<vmem>>, %arg5: memref<128x128xf32, #tpu.memory_space<vmem>>, %arg6: memref<128x128xf32, #tpu.memory_space<vmem>>, %arg7: memref<16x64xf32, #tpu.memory_space<vmem>>, %arg8: memref<1x64xf32, #tpu.memory_space<vmem>>, %arg9: memref<64x128xf32, #tpu.memory_space<vmem>>, %arg10: memref<1x128xf32, #tpu.memory_space<vmem>>, %arg11: memref<128x64xf32, #tpu.memory_space<vmem>>, %arg12: memref<1x64xf32, #tpu.memory_space<vmem>>, %arg13: memref<64x128xf32, #tpu.memory_space<vmem>>, %arg14: memref<1x128xf32, #tpu.memory_space<vmem>>, %arg15: memref<128x128xf32, #tpu.memory_space<vmem>>, %arg16: memref<1x128xf32, #tpu.memory_space<vmem>>, %arg17: memref<200x128xf32, #tpu.memory_space<vmem>>) attributes {dimension_semantics = [#tpu.dimension_semantics<arbitrary>], iteration_bounds = array<i64: 50>, scalar_prefetch = 0 : i64, scratch_operands = 0 : i64, tpu.core_type = #tpu.core_type<tc>, window_params = [{transform_indices = @transform_0, window_bounds = array<i64: 200, 128>}, {transform_indices = @transform_1, window_bounds = array<i64: 200, 24, 16>}, {transform_indices = @transform_2, window_bounds = array<i64: 200, 24, 128>}, {pipeline_mode = #tpu.pipeline_mode<synchronous>, transform_indices = @transform_3, window_bounds = array<i64: 128, 128>}, {pipeline_mode = #tpu.pipeline_mode<synchronous>, transform_indices = @transform_4, window_bounds = array<i64: 128, 128>}, {pipeline_mode = #tpu.pipeline_mode<synchronous>, transform_indices = @transform_5, window_bounds = array<i64: 128, 128>}, {pipeline_mode = #tpu.pipeline_mode<synchronous>, transform_indices = @transform_6, window_bounds = array<i64: 16, 64>}, {pipeline_mode = #tpu.pipeline_mode<synchronous>, transform_indices = @transform_7, window_bounds = array<i64: 1, 64>}, {pipeline_mode = #tpu.pipeline_mode<synchronous>, transform_indices = @transform_8, window_bounds = array<i64: 64, 128>}, {pipeline_mode = #tpu.pipeline_mode<synchronous>, transform_indices = @transform_9, window_bounds = array<i64: 1, 128>}, {pipeline_mode = #tpu.pipeline_mode<synchronous>, transform_indices = @transform_10, window_bounds = array<i64: 128, 64>}, {pipeline_mode = #tpu.pipeline_mode<synchronous>, transform_indices = @transform_11, window_bounds = array<i64: 1, 64>}, {pipeline_mode = #tpu.pipeline_mode<synchronous>, transform_indices = @transform_12, window_bounds = array<i64: 64, 128>}, {pipeline_mode = #tpu.pipeline_mode<synchronous>, transform_indices = @transform_13, window_bounds = array<i64: 1, 128>}, {pipeline_mode = #tpu.pipeline_mode<synchronous>, transform_indices = @transform_14, window_bounds = array<i64: 128, 128>}, {pipeline_mode = #tpu.pipeline_mode<synchronous>, transform_indices = @transform_15, window_bounds = array<i64: 1, 128>}, {transform_indices = @transform_16, window_bounds = array<i64: 200, 128>}]} {
    %get3A = arith.constant 0 : index
    %get3A_0 = arith.constant 0 : index
    %get3A_1 = arith.constant 0 : index
    %get3A_2 = vector.load %arg3[%get3A, %get3A_0, %get3A_1] : memref<200x24x128xf32, #tpu.memory_space<vmem>>, vector<200x24x128xf32>
    %reshape3A = vector.shape_cast %get3A_2 : vector<200x24x128xf32> to vector<4800x128xf32>
    %get3A_3 = arith.constant 0 : index
    %get3A_4 = arith.constant 0 : index
    %get3A_5 = vector.load %arg4[%get3A_3, %get3A_4] : memref<128x128xf32, #tpu.memory_space<vmem>>, vector<128x128xf32>
    %dot_general3A = arith.constant dense<0.000000e+00> : vector<4800x128xf32>
    %dot_general3A_6 = tpu.matmul %reshape3A, %get3A_5, %dot_general3A {dimension_numbers = #tpu.dot_dimension_numbers<[1], [0], [0], [1], [0, 0, 1, 1], [], []>, transpose_lhs_hint = false} : vector<4800x128xf32>, vector<128x128xf32>, vector<4800x128xf32> -> vector<4800x128xf32>
    %get3A_7 = arith.constant 0 : index
    %get3A_8 = arith.constant 0 : index
    %get3A_9 = vector.load %arg5[%get3A_7, %get3A_8] : memref<128x128xf32, #tpu.memory_space<vmem>>, vector<128x128xf32>
    %dot_general3A_10 = arith.constant dense<0.000000e+00> : vector<4800x128xf32>
    %dot_general3A_11 = tpu.matmul %reshape3A, %get3A_9, %dot_general3A_10 {dimension_numbers = #tpu.dot_dimension_numbers<[1], [0], [0], [1], [0, 0, 1, 1], [], []>, transpose_lhs_hint = false} : vector<4800x128xf32>, vector<128x128xf32>, vector<4800x128xf32> -> vector<4800x128xf32>
    %get3A_12 = arith.constant 0 : index
    %get3A_13 = arith.constant 0 : index
    %get3A_14 = vector.load %arg1[%get3A_12, %get3A_13] : memref<200x128xf32, #tpu.memory_space<vmem>>, vector<200x128xf32>
    %get3A_15 = arith.constant 0 : index
    %get3A_16 = arith.constant 0 : index
    %get3A_17 = vector.load %arg6[%get3A_15, %get3A_16] : memref<128x128xf32, #tpu.memory_space<vmem>>, vector<128x128xf32>
    %dot_general3A_18 = arith.constant dense<0.000000e+00> : vector<200x128xf32>
    %dot_general3A_19 = tpu.matmul %get3A_14, %get3A_17, %dot_general3A_18 {dimension_numbers = #tpu.dot_dimension_numbers<[1], [0], [0], [1], [0, 0, 1, 1], [], []>, transpose_lhs_hint = false} : vector<200x128xf32>, vector<128x128xf32>, vector<200x128xf32> -> vector<200x128xf32>
    %get3A_20 = arith.constant 0 : index
    %get3A_21 = arith.constant 0 : index
    %get3A_22 = arith.constant 0 : index
    %get3A_23 = vector.load %arg2[%get3A_20, %get3A_21, %get3A_22] : memref<200x24x16xf32, #tpu.memory_space<vmem>>, vector<200x24x16xf32>
    %reshape3A_24 = vector.shape_cast %get3A_23 : vector<200x24x16xf32> to vector<4800x16xf32>
    %get3A_25 = arith.constant 0 : index
    %get3A_26 = arith.constant 0 : index
    %get3A_27 = vector.load %arg7[%get3A_25, %get3A_26] : memref<16x64xf32, #tpu.memory_space<vmem>>, vector<16x64xf32>
    %dot_general3A_28 = arith.constant dense<0.000000e+00> : vector<4800x64xf32>
    %dot_general3A_29 = tpu.matmul %reshape3A_24, %get3A_27, %dot_general3A_28 {dimension_numbers = #tpu.dot_dimension_numbers<[1], [0], [0], [1], [0, 0, 1, 1], [], []>, transpose_lhs_hint = false} : vector<4800x16xf32>, vector<16x64xf32>, vector<4800x64xf32> -> vector<4800x64xf32>
    %get3A_30 = arith.constant 0 : index
    %get3A_31 = arith.constant 0 : index
    %get3A_32 = vector.load %arg8[%get3A_30, %get3A_31] : memref<1x64xf32, #tpu.memory_space<vmem>>, vector<1x64xf32>
    %add3A = vector.broadcast %get3A_32 : vector<1x64xf32> to vector<4800x64xf32>
    %add3A_33 = arith.addf %dot_general3A_29, %add3A : vector<4800x64xf32>
    %max3A = arith.constant 0.000000e+00 : f32
    %max3A_34 = vector.broadcast %max3A : f32 to vector<4800x64xf32>
    %max3A_35 = arith.maximumf %add3A_33, %max3A_34 : vector<4800x64xf32>
    %get3A_36 = arith.constant 0 : index
    %get3A_37 = arith.constant 0 : index
    %get3A_38 = vector.load %arg9[%get3A_36, %get3A_37] : memref<64x128xf32, #tpu.memory_space<vmem>>, vector<64x128xf32>
    %dot_general3A_39 = arith.constant dense<0.000000e+00> : vector<4800x128xf32>
    %dot_general3A_40 = tpu.matmul %max3A_35, %get3A_38, %dot_general3A_39 {dimension_numbers = #tpu.dot_dimension_numbers<[1], [0], [0], [1], [0, 0, 1, 1], [], []>, transpose_lhs_hint = false} : vector<4800x64xf32>, vector<64x128xf32>, vector<4800x128xf32> -> vector<4800x128xf32>
    %get3A_41 = arith.constant 0 : index
    %get3A_42 = arith.constant 0 : index
    %get3A_43 = vector.load %arg10[%get3A_41, %get3A_42] : memref<1x128xf32, #tpu.memory_space<vmem>>, vector<1x128xf32>
    %add3A_44 = vector.broadcast %get3A_43 : vector<1x128xf32> to vector<4800x128xf32>
    %add3A_45 = arith.addf %dot_general3A_40, %add3A_44 : vector<4800x128xf32>
    %max3A_46 = arith.constant 0.000000e+00 : f32
    %max3A_47 = vector.broadcast %max3A_46 : f32 to vector<4800x128xf32>
    %max3A_48 = arith.maximumf %add3A_45, %max3A_47 : vector<4800x128xf32>
    %broadcast_in_dim3A = vector.shape_cast %dot_general3A_19 : vector<200x128xf32> to vector<200x1x128xf32>
    %broadcast_in_dim3A_49 = vector.shape_cast %broadcast_in_dim3A : vector<200x1x128xf32> to vector<200x1x128xf32>
    %broadcast_in_dim3A_50 = vector.broadcast %broadcast_in_dim3A_49 : vector<200x1x128xf32> to vector<200x24x128xf32>
    %reshape3A_51 = vector.shape_cast %broadcast_in_dim3A_50 : vector<200x24x128xf32> to vector<4800x128xf32>
    %sub3A = arith.subf %reshape3A_51, %dot_general3A_11 : vector<4800x128xf32>
    %add3A_52 = arith.addf %sub3A, %max3A_48 : vector<4800x128xf32>
    %get3A_53 = arith.constant 0 : index
    %get3A_54 = arith.constant 0 : index
    %get3A_55 = vector.load %arg11[%get3A_53, %get3A_54] : memref<128x64xf32, #tpu.memory_space<vmem>>, vector<128x64xf32>
    %dot_general3A_56 = arith.constant dense<0.000000e+00> : vector<4800x64xf32>
    %dot_general3A_57 = tpu.matmul %add3A_52, %get3A_55, %dot_general3A_56 {dimension_numbers = #tpu.dot_dimension_numbers<[1], [0], [0], [1], [0, 0, 1, 1], [], []>, transpose_lhs_hint = false} : vector<4800x128xf32>, vector<128x64xf32>, vector<4800x64xf32> -> vector<4800x64xf32>
    %get3A_58 = arith.constant 0 : index
    %get3A_59 = arith.constant 0 : index
    %get3A_60 = vector.load %arg12[%get3A_58, %get3A_59] : memref<1x64xf32, #tpu.memory_space<vmem>>, vector<1x64xf32>
    %add3A_61 = vector.broadcast %get3A_60 : vector<1x64xf32> to vector<4800x64xf32>
    %add3A_62 = arith.addf %dot_general3A_57, %add3A_61 : vector<4800x64xf32>
    %max3A_63 = arith.constant 0.000000e+00 : f32
    %max3A_64 = vector.broadcast %max3A_63 : f32 to vector<4800x64xf32>
    %max3A_65 = arith.maximumf %add3A_62, %max3A_64 : vector<4800x64xf32>
    %get3A_66 = arith.constant 0 : index
    %get3A_67 = arith.constant 0 : index
    %get3A_68 = vector.load %arg13[%get3A_66, %get3A_67] : memref<64x128xf32, #tpu.memory_space<vmem>>, vector<64x128xf32>
    %dot_general3A_69 = arith.constant dense<0.000000e+00> : vector<4800x128xf32>
    %dot_general3A_70 = tpu.matmul %max3A_65, %get3A_68, %dot_general3A_69 {dimension_numbers = #tpu.dot_dimension_numbers<[1], [0], [0], [1], [0, 0, 1, 1], [], []>, transpose_lhs_hint = false} : vector<4800x64xf32>, vector<64x128xf32>, vector<4800x128xf32> -> vector<4800x128xf32>
    %get3A_71 = arith.constant 0 : index
    %get3A_72 = arith.constant 0 : index
    %get3A_73 = vector.load %arg14[%get3A_71, %get3A_72] : memref<1x128xf32, #tpu.memory_space<vmem>>, vector<1x128xf32>
    %add3A_74 = vector.broadcast %get3A_73 : vector<1x128xf32> to vector<4800x128xf32>
    %add3A_75 = arith.addf %dot_general3A_70, %add3A_74 : vector<4800x128xf32>
    %max3A_76 = arith.constant 0.000000e+00 : f32
    %max3A_77 = vector.broadcast %max3A_76 : f32 to vector<4800x128xf32>
    %max3A_78 = arith.maximumf %add3A_75, %max3A_77 : vector<4800x128xf32>
    %reshape3A_79 = vector.shape_cast %max3A_78 : vector<4800x128xf32> to vector<200x24x128xf32>
    %iota3A = tpu.iota {dimensions = array<i32: 1>} : vector<200x24x1xi32>
    %lt3A = arith.constant 17 : i32
    %lt3A_80 = vector.broadcast %lt3A : i32 to vector<200x24x1xi32>
    %lt3A_81 = arith.cmpi slt, %iota3A, %lt3A_80 : vector<200x24x1xi32>
    %jit3A = arith.constant -1.000000e+30 : f32
    %broadcast_in_dim3A_82 = vector.shape_cast %lt3A_81 : vector<200x24x1xi1> to vector<200x24x1xi1>
    %broadcast_in_dim3A_83 = vector.broadcast %broadcast_in_dim3A_82 : vector<200x24x1xi1> to vector<200x24x128xi1>
    %broadcast_in_dim3A_84 = vector.broadcast %jit3A : f32 to vector<200x24x128xf32>
    %select_n3A = arith.select %broadcast_in_dim3A_83, %reshape3A_79, %broadcast_in_dim3A_84 : vector<200x24x128xi1>, vector<200x24x128xf32>
    %reduce_max3A = arith.constant dense<0xFF800000> : vector<200x128xf32>
    %reduce_max3A_85 = vector.multi_reduction <maximumf>, %select_n3A, %reduce_max3A [1] : vector<200x24x128xf32> to vector<200x128xf32>
    %broadcast_in_dim3A_86 = vector.shape_cast %reduce_max3A_85 : vector<200x128xf32> to vector<200x1x128xf32>
    %sub3A_87 = vector.broadcast %broadcast_in_dim3A_86 : vector<200x1x128xf32> to vector<200x24x128xf32>
    %sub3A_88 = arith.subf %select_n3A, %sub3A_87 : vector<200x24x128xf32>
    %exp3A = math.exp %sub3A_88 : vector<200x24x128xf32>
    %reduce_sum3A = arith.constant dense<0.000000e+00> : vector<200x128xf32>
    %reduce_sum3A_89 = vector.multi_reduction <add>, %exp3A, %reduce_sum3A [1] : vector<200x24x128xf32> to vector<200x128xf32>
    %broadcast_in_dim3A_90 = vector.shape_cast %reduce_sum3A_89 : vector<200x128xf32> to vector<200x1x128xf32>
    %add3A_91 = arith.constant 1.000000e-16 : f32
    %add3A_92 = vector.broadcast %add3A_91 : f32 to vector<200x1x128xf32>
    %add3A_93 = arith.addf %broadcast_in_dim3A_90, %add3A_92 : vector<200x1x128xf32>
    %div3A = vector.broadcast %add3A_93 : vector<200x1x128xf32> to vector<200x24x128xf32>
    %div3A_94 = arith.divf %exp3A, %div3A : vector<200x24x128xf32>
    %add3A_95 = arith.addf %dot_general3A_6, %max3A_48 : vector<4800x128xf32>
    %reshape3A_96 = vector.shape_cast %add3A_95 : vector<4800x128xf32> to vector<200x24x128xf32>
    %mul3A = arith.mulf %div3A_94, %reshape3A_96 : vector<200x24x128xf32>
    %reduce_sum3A_97 = arith.constant dense<0.000000e+00> : vector<200x128xf32>
    %reduce_sum3A_98 = vector.multi_reduction <add>, %mul3A, %reduce_sum3A_97 [1] : vector<200x24x128xf32> to vector<200x128xf32>
    %get3A_99 = arith.constant 0 : index
    %get3A_100 = arith.constant 0 : index
    %get3A_101 = vector.load %arg15[%get3A_99, %get3A_100] : memref<128x128xf32, #tpu.memory_space<vmem>>, vector<128x128xf32>
    %dot_general3A_102 = arith.constant dense<0.000000e+00> : vector<200x128xf32>
    %dot_general3A_103 = tpu.matmul %reduce_sum3A_98, %get3A_101, %dot_general3A_102 {dimension_numbers = #tpu.dot_dimension_numbers<[1], [0], [0], [1], [0, 0, 1, 1], [], []>, transpose_lhs_hint = false} : vector<200x128xf32>, vector<128x128xf32>, vector<200x128xf32> -> vector<200x128xf32>
    %get3A_104 = arith.constant 0 : index
    %get3A_105 = arith.constant 0 : index
    %get3A_106 = vector.load %arg16[%get3A_104, %get3A_105] : memref<1x128xf32, #tpu.memory_space<vmem>>, vector<1x128xf32>
    %add3A_107 = vector.broadcast %get3A_106 : vector<1x128xf32> to vector<200x128xf32>
    %add3A_108 = arith.addf %dot_general3A_103, %add3A_107 : vector<200x128xf32>
    %max3A_109 = arith.constant 0.000000e+00 : f32
    %max3A_110 = vector.broadcast %max3A_109 : f32 to vector<200x128xf32>
    %max3A_111 = arith.maximumf %add3A_108, %max3A_110 : vector<200x128xf32>
    %swap3A = arith.constant 0 : index
    %swap3A_112 = arith.constant 0 : index
    %swap3A_113 = vector.load %arg17[%swap3A, %swap3A_112] : memref<200x128xf32, #tpu.memory_space<vmem>>, vector<200x128xf32>
    tpu.vector_store %arg17[%swap3A, %swap3A_112], %max3A_111 {strides = array<i32>} : memref<200x128xf32, #tpu.memory_space<vmem>>, vector<200x128xf32>,
    return
  }
  func.func @transform_0(%arg0: i32) -> (i32, i32) {
    %c0_i32 = arith.constant 0 : i32
    %c0_i32_0 = arith.constant 0 : i32
    return %arg0, %c0_i32 : i32, i32
  }
  func.func @transform_1(%arg0: i32) -> (i32, i32, i32) {
    %c0_i32 = arith.constant 0 : i32
    %c0_i32_0 = arith.constant 0 : i32
    %c0_i32_1 = arith.constant 0 : i32
    return %arg0, %c0_i32, %c0_i32_0 : i32, i32, i32
  }
  func.func @transform_2(%arg0: i32) -> (i32, i32, i32) {
    %c0_i32 = arith.constant 0 : i32
    %c0_i32_0 = arith.constant 0 : i32
    %c0_i32_1 = arith.constant 0 : i32
    return %arg0, %c0_i32, %c0_i32_0 : i32, i32, i32
  }
  func.func @transform_3(%arg0: i32) -> (i32, i32) {
    %c0_i32 = arith.constant 0 : i32
    %c0_i32_0 = arith.constant 0 : i32
    %c0_i32_1 = arith.constant 0 : i32
    return %c0_i32, %c0_i32_0 : i32, i32
  }
  func.func @transform_4(%arg0: i32) -> (i32, i32) {
    %c0_i32 = arith.constant 0 : i32
    %c0_i32_0 = arith.constant 0 : i32
    %c0_i32_1 = arith.constant 0 : i32
    return %c0_i32, %c0_i32_0 : i32, i32
  }
  func.func @transform_5(%arg0: i32) -> (i32, i32) {
    %c0_i32 = arith.constant 0 : i32
    %c0_i32_0 = arith.constant 0 : i32
    %c0_i32_1 = arith.constant 0 : i32
    return %c0_i32, %c0_i32_0 : i32, i32
  }
  func.func @transform_6(%arg0: i32) -> (i32, i32) {
    %c0_i32 = arith.constant 0 : i32
    %c0_i32_0 = arith.constant 0 : i32
    %c0_i32_1 = arith.constant 0 : i32
    return %c0_i32, %c0_i32_0 : i32, i32
  }
  func.func @transform_7(%arg0: i32) -> (i32, i32) {
    %c0_i32 = arith.constant 0 : i32
    %c0_i32_0 = arith.constant 0 : i32
    %c0_i32_1 = arith.constant 0 : i32
    return %c0_i32, %c0_i32_0 : i32, i32
  }
  func.func @transform_8(%arg0: i32) -> (i32, i32) {
    %c0_i32 = arith.constant 0 : i32
    %c0_i32_0 = arith.constant 0 : i32
    %c0_i32_1 = arith.constant 0 : i32
    return %c0_i32, %c0_i32_0 : i32, i32
  }
  func.func @transform_9(%arg0: i32) -> (i32, i32) {
    %c0_i32 = arith.constant 0 : i32
    %c0_i32_0 = arith.constant 0 : i32
    %c0_i32_1 = arith.constant 0 : i32
    return %c0_i32, %c0_i32_0 : i32, i32
  }
  func.func @transform_10(%arg0: i32) -> (i32, i32) {
    %c0_i32 = arith.constant 0 : i32
    %c0_i32_0 = arith.constant 0 : i32
    %c0_i32_1 = arith.constant 0 : i32
    return %c0_i32, %c0_i32_0 : i32, i32
  }
  func.func @transform_11(%arg0: i32) -> (i32, i32) {
    %c0_i32 = arith.constant 0 : i32
    %c0_i32_0 = arith.constant 0 : i32
    %c0_i32_1 = arith.constant 0 : i32
    return %c0_i32, %c0_i32_0 : i32, i32
  }
  func.func @transform_12(%arg0: i32) -> (i32, i32) {
    %c0_i32 = arith.constant 0 : i32
    %c0_i32_0 = arith.constant 0 : i32
    %c0_i32_1 = arith.constant 0 : i32
    return %c0_i32, %c0_i32_0 : i32, i32
  }
  func.func @transform_13(%arg0: i32) -> (i32, i32) {
    %c0_i32 = arith.constant 0 : i32
    %c0_i32_0 = arith.constant 0 : i32
    %c0_i32_1 = arith.constant 0 : i32
    return %c0_i32, %c0_i32_0 : i32, i32
  }
  func.func @transform_14(%arg0: i32) -> (i32, i32) {
    %c0_i32 = arith.constant 0 : i32
    %c0_i32_0 = arith.constant 0 : i32
    %c0_i32_1 = arith.constant 0 : i32
    return %c0_i32, %c0_i32_0 : i32, i32
  }
  func.func @transform_15(%arg0: i32) -> (i32, i32) {
    %c0_i32 = arith.constant 0 : i32
    %c0_i32_0 = arith.constant 0 : i32
    %c0_i32_1 = arith.constant 0 : i32
    return %c0_i32, %c0_i32_0 : i32, i32
  }
  func.func @transform_16(%arg0: i32) -> (i32, i32) {
    %c0_i32 = arith.constant 0 : i32
    %c0_i32_0 = arith.constant 0 : i32
    return %arg0, %c0_i32 : i32, i32
  }
}

module attributes {stable_mosaic.version = 14 : i64} {
  func.func @_fps_body(%arg0: memref<8x128xf32, #tpu.memory_space<vmem>>, %arg1: memref<8x128xf32, #tpu.memory_space<vmem>>, %arg2: memref<8x128xf32, #tpu.memory_space<vmem>>, %arg3: memref<100xi32, #tpu.memory_space<smem>>, %arg4: memref<8x128xf32, #tpu.memory_space<vmem>>) attributes {dimension_semantics = [], scalar_prefetch = 0 : i64, scratch_operands = 1 : i64, tpu.core_type = #tpu.core_type<tc>} {
    %iota3A = tpu.iota {dimensions = array<i32: 0>} : vector<8x128xi32>
    %mul3A = arith.constant 128 : i32
    %mul3A_0 = vector.broadcast %mul3A : i32 to vector<8x128xi32>
    %mul3A_1 = arith.muli %iota3A, %mul3A_0 : vector<8x128xi32>
    %iota3A_2 = tpu.iota {dimensions = array<i32: 1>} : vector<8x128xi32>
    %add3A = arith.addi %mul3A_1, %iota3A_2 : vector<8x128xi32>
    %lt3A = arith.constant 1000 : i32
    %lt3A_3 = vector.broadcast %lt3A : i32 to vector<8x128xi32>
    %lt3A_4 = arith.cmpi slt, %add3A, %lt3A_3 : vector<8x128xi32>
    %neg3A = arith.constant 0.000000e+00 : f32
    %neg3A_5 = arith.constant 0x7F800000 : f32
    %neg3A_6 = arith.subf %neg3A, %neg3A_5 : f32
    %jit3A = arith.constant 0x7F800000 : f32
    %broadcast_in_dim3A = vector.broadcast %jit3A : f32 to vector<8x128xf32>
    %broadcast_in_dim3A_7 = vector.broadcast %neg3A_6 : f32 to vector<8x128xf32>
    %select_n3A = arith.select %lt3A_4, %broadcast_in_dim3A, %broadcast_in_dim3A_7 : vector<8x128xi1>, vector<8x128xf32>
    %swap3A = arith.constant 0 : index
    %swap3A_8 = arith.constant 0 : index
    %swap3A_9 = vector.load %arg4[%swap3A, %swap3A_8] : memref<8x128xf32, #tpu.memory_space<vmem>>, vector<8x128xf32>
    tpu.vector_store %arg4[%swap3A, %swap3A_8], %select_n3A {strides = array<i32>} : memref<8x128xf32, #tpu.memory_space<vmem>>, vector<8x128xf32>,
    %swap3A_10 = arith.constant 0 : i32
    %swap3A_11 = arith.constant 0 : index
    %swap3A_12 = memref.load %arg3[%swap3A_11] : memref<100xi32, #tpu.memory_space<smem>>
    memref.store %swap3A_10, %arg3[%swap3A_11] : memref<100xi32, #tpu.memory_space<smem>>
    %get3A = arith.constant 0 : index
    %get3A_13 = arith.constant 0 : index
    %get3A_14 = vector.load %arg0[%get3A, %get3A_13] : memref<8x128xf32, #tpu.memory_space<vmem>>, vector<8x128xf32>
    %get3A_15 = arith.constant 0 : index
    %get3A_16 = arith.constant 0 : index
    %get3A_17 = vector.load %arg1[%get3A_15, %get3A_16] : memref<8x128xf32, #tpu.memory_space<vmem>>, vector<8x128xf32>
    %get3A_18 = arith.constant 0 : index
    %get3A_19 = arith.constant 0 : index
    %get3A_20 = vector.load %arg2[%get3A_18, %get3A_19] : memref<8x128xf32, #tpu.memory_space<vmem>>, vector<8x128xf32>
    %eq3A = arith.constant 0 : i32
    %eq3A_21 = vector.broadcast %eq3A : i32 to vector<8x128xi32>
    %eq3A_22 = arith.cmpi eq, %add3A, %eq3A_21 : vector<8x128xi32>
    %neg3A_23 = arith.constant 0.000000e+00 : f32
    %neg3A_24 = arith.constant 0x7F800000 : f32
    %neg3A_25 = arith.subf %neg3A_23, %neg3A_24 : f32
    %broadcast_in_dim3A_26 = vector.broadcast %neg3A_25 : f32 to vector<8x128xf32>
    %select_n3A_27 = arith.select %eq3A_22, %get3A_14, %broadcast_in_dim3A_26 : vector<8x128xi1>, vector<8x128xf32>
    %reduce_max3A = vector.shape_cast %select_n3A_27 : vector<8x128xf32> to vector<1x8x128xf32>
    %reduce_max3A_28 = arith.constant dense<0xFF800000> : vector<1xf32>
    %reduce_max3A_29 = vector.multi_reduction <maximumf>, %reduce_max3A, %reduce_max3A_28 [1, 2] : vector<1x8x128xf32> to vector<1xf32>
    %reduce_max3A_30 = vector.shape_cast %reduce_max3A_29 : vector<1xf32> to vector<1x1x1xf32>
    %reduce_max3A_31 = vector.extract %reduce_max3A_30[0, 0, 0] : f32 from vector<1x1x1xf32>
    %neg3A_32 = arith.constant 0.000000e+00 : f32
    %neg3A_33 = arith.constant 0x7F800000 : f32
    %neg3A_34 = arith.subf %neg3A_32, %neg3A_33 : f32
    %broadcast_in_dim3A_35 = vector.broadcast %neg3A_34 : f32 to vector<8x128xf32>
    %select_n3A_36 = arith.select %eq3A_22, %get3A_17, %broadcast_in_dim3A_35 : vector<8x128xi1>, vector<8x128xf32>
    %reduce_max3A_37 = vector.shape_cast %select_n3A_36 : vector<8x128xf32> to vector<1x8x128xf32>
    %reduce_max3A_38 = arith.constant dense<0xFF800000> : vector<1xf32>
    %reduce_max3A_39 = vector.multi_reduction <maximumf>, %reduce_max3A_37, %reduce_max3A_38 [1, 2] : vector<1x8x128xf32> to vector<1xf32>
    %reduce_max3A_40 = vector.shape_cast %reduce_max3A_39 : vector<1xf32> to vector<1x1x1xf32>
    %reduce_max3A_41 = vector.extract %reduce_max3A_40[0, 0, 0] : f32 from vector<1x1x1xf32>
    %neg3A_42 = arith.constant 0.000000e+00 : f32
    %neg3A_43 = arith.constant 0x7F800000 : f32
    %neg3A_44 = arith.subf %neg3A_42, %neg3A_43 : f32
    %broadcast_in_dim3A_45 = vector.broadcast %neg3A_44 : f32 to vector<8x128xf32>
    %select_n3A_46 = arith.select %eq3A_22, %get3A_20, %broadcast_in_dim3A_45 : vector<8x128xi1>, vector<8x128xf32>
    %reduce_max3A_47 = vector.shape_cast %select_n3A_46 : vector<8x128xf32> to vector<1x8x128xf32>
    %reduce_max3A_48 = arith.constant dense<0xFF800000> : vector<1xf32>
    %reduce_max3A_49 = vector.multi_reduction <maximumf>, %reduce_max3A_47, %reduce_max3A_48 [1, 2] : vector<1x8x128xf32> to vector<1xf32>
    %reduce_max3A_50 = vector.shape_cast %reduce_max3A_49 : vector<1xf32> to vector<1x1x1xf32>
    %reduce_max3A_51 = vector.extract %reduce_max3A_50[0, 0, 0] : f32 from vector<1x1x1xf32>
    %scan3A = arith.constant 1 : i32
    %scan3A_52 = arith.constant 99 : i32
    %scan3A_53 = arith.addi %scan3A, %scan3A_52 : i32
    %scan3A_54 = arith.constant 1 : i32
    %scan3A_55:3 = scf.for %scan3A_57 = %scan3A to %scan3A_53 step %scan3A_54 iter_args(%scan3A_58 = %reduce_max3A_31, %scan3A_59 = %reduce_max3A_41, %scan3A_60 = %reduce_max3A_51) -> (f32, f32, f32)  : i32 {
      %sub3A = vector.broadcast %scan3A_58 : f32 to vector<8x128xf32>
      %sub3A_61 = arith.subf %get3A_14, %sub3A : vector<8x128xf32>
      %integer_pow3A = arith.mulf %sub3A_61, %sub3A_61 : vector<8x128xf32>
      %sub3A_62 = vector.broadcast %scan3A_59 : f32 to vector<8x128xf32>
      %sub3A_63 = arith.subf %get3A_17, %sub3A_62 : vector<8x128xf32>
      %integer_pow3A_64 = arith.mulf %sub3A_63, %sub3A_63 : vector<8x128xf32>
      %add3A_65 = arith.addf %integer_pow3A, %integer_pow3A_64 : vector<8x128xf32>
      %sub3A_66 = vector.broadcast %scan3A_60 : f32 to vector<8x128xf32>
      %sub3A_67 = arith.subf %get3A_20, %sub3A_66 : vector<8x128xf32>
      %integer_pow3A_68 = arith.mulf %sub3A_67, %sub3A_67 : vector<8x128xf32>
      %add3A_69 = arith.addf %add3A_65, %integer_pow3A_68 : vector<8x128xf32>
      %get3A_70 = arith.constant 0 : index
      %get3A_71 = arith.constant 0 : index
      %get3A_72 = vector.load %arg4[%get3A_70, %get3A_71] : memref<8x128xf32, #tpu.memory_space<vmem>>, vector<8x128xf32>
      %min3A = arith.minimumf %get3A_72, %add3A_69 : vector<8x128xf32>
      %swap3A_73 = arith.constant 0 : index
      %swap3A_74 = arith.constant 0 : index
      %swap3A_75 = vector.load %arg4[%swap3A_73, %swap3A_74] : memref<8x128xf32, #tpu.memory_space<vmem>>, vector<8x128xf32>
      tpu.vector_store %arg4[%swap3A_73, %swap3A_74], %min3A {strides = array<i32>} : memref<8x128xf32, #tpu.memory_space<vmem>>, vector<8x128xf32>,
      %reduce_max3A_76 = vector.shape_cast %min3A : vector<8x128xf32> to vector<1x8x128xf32>
      %reduce_max3A_77 = arith.constant dense<0xFF800000> : vector<1xf32>
      %reduce_max3A_78 = vector.multi_reduction <maximumf>, %reduce_max3A_76, %reduce_max3A_77 [1, 2] : vector<1x8x128xf32> to vector<1xf32>
      %reduce_max3A_79 = vector.shape_cast %reduce_max3A_78 : vector<1xf32> to vector<1x1x1xf32>
      %reduce_max3A_80 = vector.extract %reduce_max3A_79[0, 0, 0] : f32 from vector<1x1x1xf32>
      %eq3A_81 = vector.broadcast %reduce_max3A_80 : f32 to vector<8x128xf32>
      %eq3A_82 = arith.cmpf oeq, %min3A, %eq3A_81 : vector<8x128xf32>
      %jit3A_83 = arith.constant 2147483647 : i32
      %broadcast_in_dim3A_84 = vector.broadcast %jit3A_83 : i32 to vector<8x128xi32>
      %select_n3A_85 = arith.select %eq3A_82, %add3A, %broadcast_in_dim3A_84 : vector<8x128xi1>, vector<8x128xi32>
      %reduce_min3A = vector.shape_cast %select_n3A_85 : vector<8x128xi32> to vector<1x8x128xi32>
      %reduce_min3A_86 = arith.constant dense<2147483647> : vector<1xi32>
      %reduce_min3A_87 = vector.multi_reduction <minsi>, %reduce_min3A, %reduce_min3A_86 [1, 2] : vector<1x8x128xi32> to vector<1xi32>
      %reduce_min3A_88 = vector.shape_cast %reduce_min3A_87 : vector<1xi32> to vector<1x1x1xi32>
      %reduce_min3A_89 = vector.extract %reduce_min3A_88[0, 0, 0] : i32 from vector<1x1x1xi32>
      %swap3A_90 = arith.index_cast %scan3A_57 : i32 to index
      %swap3A_91 = memref.load %arg3[%swap3A_90] : memref<100xi32, #tpu.memory_space<smem>>
      memref.store %reduce_min3A_89, %arg3[%swap3A_90] : memref<100xi32, #tpu.memory_space<smem>>
      %eq3A_92 = vector.broadcast %reduce_min3A_89 : i32 to vector<8x128xi32>
      %eq3A_93 = arith.cmpi eq, %add3A, %eq3A_92 : vector<8x128xi32>
      %neg3A_94 = arith.constant 0.000000e+00 : f32
      %neg3A_95 = arith.constant 0x7F800000 : f32
      %neg3A_96 = arith.subf %neg3A_94, %neg3A_95 : f32
      %broadcast_in_dim3A_97 = vector.broadcast %neg3A_96 : f32 to vector<8x128xf32>
      %select_n3A_98 = arith.select %eq3A_93, %get3A_14, %broadcast_in_dim3A_97 : vector<8x128xi1>, vector<8x128xf32>
      %reduce_max3A_99 = vector.shape_cast %select_n3A_98 : vector<8x128xf32> to vector<1x8x128xf32>
      %reduce_max3A_100 = arith.constant dense<0xFF800000> : vector<1xf32>
      %reduce_max3A_101 = vector.multi_reduction <maximumf>, %reduce_max3A_99, %reduce_max3A_100 [1, 2] : vector<1x8x128xf32> to vector<1xf32>
      %reduce_max3A_102 = vector.shape_cast %reduce_max3A_101 : vector<1xf32> to vector<1x1x1xf32>
      %reduce_max3A_103 = vector.extract %reduce_max3A_102[0, 0, 0] : f32 from vector<1x1x1xf32>
      %neg3A_104 = arith.constant 0.000000e+00 : f32
      %neg3A_105 = arith.constant 0x7F800000 : f32
      %neg3A_106 = arith.subf %neg3A_104, %neg3A_105 : f32
      %broadcast_in_dim3A_107 = vector.broadcast %neg3A_106 : f32 to vector<8x128xf32>
      %select_n3A_108 = arith.select %eq3A_93, %get3A_17, %broadcast_in_dim3A_107 : vector<8x128xi1>, vector<8x128xf32>
      %reduce_max3A_109 = vector.shape_cast %select_n3A_108 : vector<8x128xf32> to vector<1x8x128xf32>
      %reduce_max3A_110 = arith.constant dense<0xFF800000> : vector<1xf32>
      %reduce_max3A_111 = vector.multi_reduction <maximumf>, %reduce_max3A_109, %reduce_max3A_110 [1, 2] : vector<1x8x128xf32> to vector<1xf32>
      %reduce_max3A_112 = vector.shape_cast %reduce_max3A_111 : vector<1xf32> to vector<1x1x1xf32>
      %reduce_max3A_113 = vector.extract %reduce_max3A_112[0, 0, 0] : f32 from vector<1x1x1xf32>
      %neg3A_114 = arith.constant 0.000000e+00 : f32
      %neg3A_115 = arith.constant 0x7F800000 : f32
      %neg3A_116 = arith.subf %neg3A_114, %neg3A_115 : f32
      %broadcast_in_dim3A_117 = vector.broadcast %neg3A_116 : f32 to vector<8x128xf32>
      %select_n3A_118 = arith.select %eq3A_93, %get3A_20, %broadcast_in_dim3A_117 : vector<8x128xi1>, vector<8x128xf32>
      %reduce_max3A_119 = vector.shape_cast %select_n3A_118 : vector<8x128xf32> to vector<1x8x128xf32>
      %reduce_max3A_120 = arith.constant dense<0xFF800000> : vector<1xf32>
      %reduce_max3A_121 = vector.multi_reduction <maximumf>, %reduce_max3A_119, %reduce_max3A_120 [1, 2] : vector<1x8x128xf32> to vector<1xf32>
      %reduce_max3A_122 = vector.shape_cast %reduce_max3A_121 : vector<1xf32> to vector<1x1x1xf32>
      %reduce_max3A_123 = vector.extract %reduce_max3A_122[0, 0, 0] : f32 from vector<1x1x1xf32>
      scf.yield %reduce_max3A_103, %reduce_max3A_113, %reduce_max3A_123 : f32, f32, f32
    }
    %scan3A_56 = arith.constant 99 : i32
    return
  }
}

module attributes {stable_mosaic.version = 14 : i64} {
  func.func @_knn_body(%arg0: i32, %arg1: memref<104x8xf32, #tpu.memory_space<vmem>>, %arg2: memref<8x1024xf32, #tpu.memory_space<vmem>>, %arg3: memref<1x1024xf32, #tpu.memory_space<vmem>>, %arg4: memref<104x16xi32, #tpu.memory_space<vmem>>, %arg5: memref<104x16xf32, #tpu.memory_space<vmem>>) attributes {dimension_semantics = [#tpu.dimension_semantics<arbitrary>], iteration_bounds = array<i64: 1>, scalar_prefetch = 0 : i64, scratch_operands = 0 : i64, tpu.core_type = #tpu.core_type<tc>, window_params = [{transform_indices = @transform_0, window_bounds = array<i64: 104, 8>}, {pipeline_mode = #tpu.pipeline_mode<synchronous>, transform_indices = @transform_1, window_bounds = array<i64: 8, 1024>}, {pipeline_mode = #tpu.pipeline_mode<synchronous>, transform_indices = @transform_2, window_bounds = array<i64: 1, 1024>}, {transform_indices = @transform_3, window_bounds = array<i64: 104, 16>}, {transform_indices = @transform_4, window_bounds = array<i64: 104, 16>}]} {
    %get3A = arith.constant 0 : index
    %get3A_0 = arith.constant 0 : index
    %get3A_1 = vector.load %arg1[%get3A, %get3A_0] : memref<104x8xf32, #tpu.memory_space<vmem>>, vector<104x8xf32>
    %mul3A = arith.mulf %get3A_1, %get3A_1 : vector<104x8xf32>
    %reduce_sum3A = arith.constant dense<0.000000e+00> : vector<104xf32>
    %reduce_sum3A_2 = vector.multi_reduction <add>, %mul3A, %reduce_sum3A [1] : vector<104x8xf32> to vector<104xf32>
    %broadcast_in_dim3A = vector.shape_cast %reduce_sum3A_2 : vector<104xf32> to vector<104x1xf32>
    %get3A_3 = arith.constant 0 : index
    %get3A_4 = arith.constant 0 : index
    %get3A_5 = vector.load %arg2[%get3A_3, %get3A_4] : memref<8x1024xf32, #tpu.memory_space<vmem>>, vector<8x1024xf32>
    %dot_general3A = arith.constant dense<0.000000e+00> : vector<104x1024xf32>
    %dot_general3A_6 = tpu.matmul %get3A_1, %get3A_5, %dot_general3A {dimension_numbers = #tpu.dot_dimension_numbers<[1], [0], [0], [1], [0, 0, 1, 1], [], []>, transpose_lhs_hint = false} : vector<104x8xf32>, vector<8x1024xf32>, vector<104x1024xf32> -> vector<104x1024xf32>
    %iota3A = tpu.iota {dimensions = array<i32: 1>} : vector<104x1024xi32>
    %get3A_7 = arith.constant 0 : index
    %get3A_8 = arith.constant 0 : index
    %get3A_9 = vector.load %arg3[%get3A_7, %get3A_8] : memref<1x1024xf32, #tpu.memory_space<vmem>>, vector<1x1024xf32>
    %add3A = vector.broadcast %broadcast_in_dim3A : vector<104x1xf32> to vector<104x1024xf32>
    %add3A_10 = vector.broadcast %get3A_9 : vector<1x1024xf32> to vector<104x1024xf32>
    %add3A_11 = arith.addf %add3A, %add3A_10 : vector<104x1024xf32>
    %mul3A_12 = arith.constant 2.000000e+00 : f32
    %mul3A_13 = vector.broadcast %mul3A_12 : f32 to vector<104x1024xf32>
    %mul3A_14 = arith.mulf %mul3A_13, %dot_general3A_6 : vector<104x1024xf32>
    %sub3A = arith.subf %add3A_11, %mul3A_14 : vector<104x1024xf32>
    %reduce_min3A = arith.constant dense<0x7F800000> : vector<104xf32>
    %reduce_min3A_15 = vector.multi_reduction <minimumf>, %sub3A, %reduce_min3A [1] : vector<104x1024xf32> to vector<104xf32>
    %broadcast_in_dim3A_16 = vector.shape_cast %reduce_min3A_15 : vector<104xf32> to vector<104x1xf32>
    %eq3A = vector.broadcast %broadcast_in_dim3A_16 : vector<104x1xf32> to vector<104x1024xf32>
    %eq3A_17 = arith.cmpf oeq, %sub3A, %eq3A : vector<104x1024xf32>
    %jit3A = arith.constant 2147483647 : i32
    %broadcast_in_dim3A_18 = vector.broadcast %jit3A : i32 to vector<104x1024xi32>
    %select_n3A = arith.select %eq3A_17, %iota3A, %broadcast_in_dim3A_18 : vector<104x1024xi1>, vector<104x1024xi32>
    %reduce_min3A_19 = arith.constant dense<2147483647> : vector<104xi32>
    %reduce_min3A_20 = vector.multi_reduction <minsi>, %select_n3A, %reduce_min3A_19 [1] : vector<104x1024xi32> to vector<104xi32>
    %broadcast_in_dim3A_21 = vector.shape_cast %reduce_min3A_20 : vector<104xi32> to vector<104x1xi32>
    %swap3A = arith.constant 0 : index
    %swap3A_22 = arith.constant 0 : index
    %swap3A_23 = vector.load %arg4[%swap3A, %swap3A_22] : memref<104x16xi32, #tpu.memory_space<vmem>>, vector<104x1xi32>
    tpu.vector_store %arg4[%swap3A, %swap3A_22], %broadcast_in_dim3A_21 {strides = array<i32>} : memref<104x16xi32, #tpu.memory_space<vmem>>, vector<104x1xi32>,
    %swap3A_24 = arith.constant 0 : index
    %swap3A_25 = arith.constant 0 : index
    %swap3A_26 = vector.load %arg5[%swap3A_24, %swap3A_25] : memref<104x16xf32, #tpu.memory_space<vmem>>, vector<104x1xf32>
    tpu.vector_store %arg5[%swap3A_24, %swap3A_25], %broadcast_in_dim3A_16 {strides = array<i32>} : memref<104x16xf32, #tpu.memory_space<vmem>>, vector<104x1xf32>,
    %eq3A_27 = vector.broadcast %broadcast_in_dim3A_21 : vector<104x1xi32> to vector<104x1024xi32>
    %eq3A_28 = arith.cmpi eq, %iota3A, %eq3A_27 : vector<104x1024xi32>
    %jit3A_29 = arith.constant 3.000000e+38 : f32
    %broadcast_in_dim3A_30 = vector.broadcast %jit3A_29 : f32 to vector<104x1024xf32>
    %select_n3A_31 = arith.select %eq3A_28, %broadcast_in_dim3A_30, %sub3A : vector<104x1024xi1>, vector<104x1024xf32>
    %reduce_min3A_32 = arith.constant dense<0x7F800000> : vector<104xf32>
    %reduce_min3A_33 = vector.multi_reduction <minimumf>, %select_n3A_31, %reduce_min3A_32 [1] : vector<104x1024xf32> to vector<104xf32>
    %broadcast_in_dim3A_34 = vector.shape_cast %reduce_min3A_33 : vector<104xf32> to vector<104x1xf32>
    %eq3A_35 = vector.broadcast %broadcast_in_dim3A_34 : vector<104x1xf32> to vector<104x1024xf32>
    %eq3A_36 = arith.cmpf oeq, %select_n3A_31, %eq3A_35 : vector<104x1024xf32>
    %jit3A_37 = arith.constant 2147483647 : i32
    %broadcast_in_dim3A_38 = vector.broadcast %jit3A_37 : i32 to vector<104x1024xi32>
    %select_n3A_39 = arith.select %eq3A_36, %iota3A, %broadcast_in_dim3A_38 : vector<104x1024xi1>, vector<104x1024xi32>
    %reduce_min3A_40 = arith.constant dense<2147483647> : vector<104xi32>
    %reduce_min3A_41 = vector.multi_reduction <minsi>, %select_n3A_39, %reduce_min3A_40 [1] : vector<104x1024xi32> to vector<104xi32>
    %broadcast_in_dim3A_42 = vector.shape_cast %reduce_min3A_41 : vector<104xi32> to vector<104x1xi32>
    %swap3A_43 = arith.constant 0 : index
    %swap3A_44 = arith.constant 1 : index
    %swap3A_45 = vector.load %arg4[%swap3A_43, %swap3A_44] : memref<104x16xi32, #tpu.memory_space<vmem>>, vector<104x1xi32>
    tpu.vector_store %arg4[%swap3A_43, %swap3A_44], %broadcast_in_dim3A_42 {strides = array<i32>} : memref<104x16xi32, #tpu.memory_space<vmem>>, vector<104x1xi32>,
    %swap3A_46 = arith.constant 0 : index
    %swap3A_47 = arith.constant 1 : index
    %swap3A_48 = vector.load %arg5[%swap3A_46, %swap3A_47] : memref<104x16xf32, #tpu.memory_space<vmem>>, vector<104x1xf32>
    tpu.vector_store %arg5[%swap3A_46, %swap3A_47], %broadcast_in_dim3A_34 {strides = array<i32>} : memref<104x16xf32, #tpu.memory_space<vmem>>, vector<104x1xf32>,
    %eq3A_49 = vector.broadcast %broadcast_in_dim3A_42 : vector<104x1xi32> to vector<104x1024xi32>
    %eq3A_50 = arith.cmpi eq, %iota3A, %eq3A_49 : vector<104x1024xi32>
    %jit3A_51 = arith.constant 3.000000e+38 : f32
    %broadcast_in_dim3A_52 = vector.broadcast %jit3A_51 : f32 to vector<104x1024xf32>
    %select_n3A_53 = arith.select %eq3A_50, %broadcast_in_dim3A_52, %select_n3A_31 : vector<104x1024xi1>, vector<104x1024xf32>
    %reduce_min3A_54 = arith.constant dense<0x7F800000> : vector<104xf32>
    %reduce_min3A_55 = vector.multi_reduction <minimumf>, %select_n3A_53, %reduce_min3A_54 [1] : vector<104x1024xf32> to vector<104xf32>
    %broadcast_in_dim3A_56 = vector.shape_cast %reduce_min3A_55 : vector<104xf32> to vector<104x1xf32>
    %eq3A_57 = vector.broadcast %broadcast_in_dim3A_56 : vector<104x1xf32> to vector<104x1024xf32>
    %eq3A_58 = arith.cmpf oeq, %select_n3A_53, %eq3A_57 : vector<104x1024xf32>
    %jit3A_59 = arith.constant 2147483647 : i32
    %broadcast_in_dim3A_60 = vector.broadcast %jit3A_59 : i32 to vector<104x1024xi32>
    %select_n3A_61 = arith.select %eq3A_58, %iota3A, %broadcast_in_dim3A_60 : vector<104x1024xi1>, vector<104x1024xi32>
    %reduce_min3A_62 = arith.constant dense<2147483647> : vector<104xi32>
    %reduce_min3A_63 = vector.multi_reduction <minsi>, %select_n3A_61, %reduce_min3A_62 [1] : vector<104x1024xi32> to vector<104xi32>
    %broadcast_in_dim3A_64 = vector.shape_cast %reduce_min3A_63 : vector<104xi32> to vector<104x1xi32>
    %swap3A_65 = arith.constant 0 : index
    %swap3A_66 = arith.constant 2 : index
    %swap3A_67 = vector.load %arg4[%swap3A_65, %swap3A_66] : memref<104x16xi32, #tpu.memory_space<vmem>>, vector<104x1xi32>
    tpu.vector_store %arg4[%swap3A_65, %swap3A_66], %broadcast_in_dim3A_64 {strides = array<i32>} : memref<104x16xi32, #tpu.memory_space<vmem>>, vector<104x1xi32>,
    %swap3A_68 = arith.constant 0 : index
    %swap3A_69 = arith.constant 2 : index
    %swap3A_70 = vector.load %arg5[%swap3A_68, %swap3A_69] : memref<104x16xf32, #tpu.memory_space<vmem>>, vector<104x1xf32>
    tpu.vector_store %arg5[%swap3A_68, %swap3A_69], %broadcast_in_dim3A_56 {strides = array<i32>} : memref<104x16xf32, #tpu.memory_space<vmem>>, vector<104x1xf32>,
    %eq3A_71 = vector.broadcast %broadcast_in_dim3A_64 : vector<104x1xi32> to vector<104x1024xi32>
    %eq3A_72 = arith.cmpi eq, %iota3A, %eq3A_71 : vector<104x1024xi32>
    %jit3A_73 = arith.constant 3.000000e+38 : f32
    %broadcast_in_dim3A_74 = vector.broadcast %jit3A_73 : f32 to vector<104x1024xf32>
    %select_n3A_75 = arith.select %eq3A_72, %broadcast_in_dim3A_74, %select_n3A_53 : vector<104x1024xi1>, vector<104x1024xf32>
    %reduce_min3A_76 = arith.constant dense<0x7F800000> : vector<104xf32>
    %reduce_min3A_77 = vector.multi_reduction <minimumf>, %select_n3A_75, %reduce_min3A_76 [1] : vector<104x1024xf32> to vector<104xf32>
    %broadcast_in_dim3A_78 = vector.shape_cast %reduce_min3A_77 : vector<104xf32> to vector<104x1xf32>
    %eq3A_79 = vector.broadcast %broadcast_in_dim3A_78 : vector<104x1xf32> to vector<104x1024xf32>
    %eq3A_80 = arith.cmpf oeq, %select_n3A_75, %eq3A_79 : vector<104x1024xf32>
    %jit3A_81 = arith.constant 2147483647 : i32
    %broadcast_in_dim3A_82 = vector.broadcast %jit3A_81 : i32 to vector<104x1024xi32>
    %select_n3A_83 = arith.select %eq3A_80, %iota3A, %broadcast_in_dim3A_82 : vector<104x1024xi1>, vector<104x1024xi32>
    %reduce_min3A_84 = arith.constant dense<2147483647> : vector<104xi32>
    %reduce_min3A_85 = vector.multi_reduction <minsi>, %select_n3A_83, %reduce_min3A_84 [1] : vector<104x1024xi32> to vector<104xi32>
    %broadcast_in_dim3A_86 = vector.shape_cast %reduce_min3A_85 : vector<104xi32> to vector<104x1xi32>
    %swap3A_87 = arith.constant 0 : index
    %swap3A_88 = arith.constant 3 : index
    %swap3A_89 = vector.load %arg4[%swap3A_87, %swap3A_88] : memref<104x16xi32, #tpu.memory_space<vmem>>, vector<104x1xi32>
    tpu.vector_store %arg4[%swap3A_87, %swap3A_88], %broadcast_in_dim3A_86 {strides = array<i32>} : memref<104x16xi32, #tpu.memory_space<vmem>>, vector<104x1xi32>,
    %swap3A_90 = arith.constant 0 : index
    %swap3A_91 = arith.constant 3 : index
    %swap3A_92 = vector.load %arg5[%swap3A_90, %swap3A_91] : memref<104x16xf32, #tpu.memory_space<vmem>>, vector<104x1xf32>
    tpu.vector_store %arg5[%swap3A_90, %swap3A_91], %broadcast_in_dim3A_78 {strides = array<i32>} : memref<104x16xf32, #tpu.memory_space<vmem>>, vector<104x1xf32>,
    %eq3A_93 = vector.broadcast %broadcast_in_dim3A_86 : vector<104x1xi32> to vector<104x1024xi32>
    %eq3A_94 = arith.cmpi eq, %iota3A, %eq3A_93 : vector<104x1024xi32>
    %jit3A_95 = arith.constant 3.000000e+38 : f32
    %broadcast_in_dim3A_96 = vector.broadcast %jit3A_95 : f32 to vector<104x1024xf32>
    %select_n3A_97 = arith.select %eq3A_94, %broadcast_in_dim3A_96, %select_n3A_75 : vector<104x1024xi1>, vector<104x1024xf32>
    %reduce_min3A_98 = arith.constant dense<0x7F800000> : vector<104xf32>
    %reduce_min3A_99 = vector.multi_reduction <minimumf>, %select_n3A_97, %reduce_min3A_98 [1] : vector<104x1024xf32> to vector<104xf32>
    %broadcast_in_dim3A_100 = vector.shape_cast %reduce_min3A_99 : vector<104xf32> to vector<104x1xf32>
    %eq3A_101 = vector.broadcast %broadcast_in_dim3A_100 : vector<104x1xf32> to vector<104x1024xf32>
    %eq3A_102 = arith.cmpf oeq, %select_n3A_97, %eq3A_101 : vector<104x1024xf32>
    %jit3A_103 = arith.constant 2147483647 : i32
    %broadcast_in_dim3A_104 = vector.broadcast %jit3A_103 : i32 to vector<104x1024xi32>
    %select_n3A_105 = arith.select %eq3A_102, %iota3A, %broadcast_in_dim3A_104 : vector<104x1024xi1>, vector<104x1024xi32>
    %reduce_min3A_106 = arith.constant dense<2147483647> : vector<104xi32>
    %reduce_min3A_107 = vector.multi_reduction <minsi>, %select_n3A_105, %reduce_min3A_106 [1] : vector<104x1024xi32> to vector<104xi32>
    %broadcast_in_dim3A_108 = vector.shape_cast %reduce_min3A_107 : vector<104xi32> to vector<104x1xi32>
    %swap3A_109 = arith.constant 0 : index
    %swap3A_110 = arith.constant 4 : index
    %swap3A_111 = vector.load %arg4[%swap3A_109, %swap3A_110] : memref<104x16xi32, #tpu.memory_space<vmem>>, vector<104x1xi32>
    tpu.vector_store %arg4[%swap3A_109, %swap3A_110], %broadcast_in_dim3A_108 {strides = array<i32>} : memref<104x16xi32, #tpu.memory_space<vmem>>, vector<104x1xi32>,
    %swap3A_112 = arith.constant 0 : index
    %swap3A_113 = arith.constant 4 : index
    %swap3A_114 = vector.load %arg5[%swap3A_112, %swap3A_113] : memref<104x16xf32, #tpu.memory_space<vmem>>, vector<104x1xf32>
    tpu.vector_store %arg5[%swap3A_112, %swap3A_113], %broadcast_in_dim3A_100 {strides = array<i32>} : memref<104x16xf32, #tpu.memory_space<vmem>>, vector<104x1xf32>,
    %eq3A_115 = vector.broadcast %broadcast_in_dim3A_108 : vector<104x1xi32> to vector<104x1024xi32>
    %eq3A_116 = arith.cmpi eq, %iota3A, %eq3A_115 : vector<104x1024xi32>
    %jit3A_117 = arith.constant 3.000000e+38 : f32
    %broadcast_in_dim3A_118 = vector.broadcast %jit3A_117 : f32 to vector<104x1024xf32>
    %select_n3A_119 = arith.select %eq3A_116, %broadcast_in_dim3A_118, %select_n3A_97 : vector<104x1024xi1>, vector<104x1024xf32>
    %reduce_min3A_120 = arith.constant dense<0x7F800000> : vector<104xf32>
    %reduce_min3A_121 = vector.multi_reduction <minimumf>, %select_n3A_119, %reduce_min3A_120 [1] : vector<104x1024xf32> to vector<104xf32>
    %broadcast_in_dim3A_122 = vector.shape_cast %reduce_min3A_121 : vector<104xf32> to vector<104x1xf32>
    %eq3A_123 = vector.broadcast %broadcast_in_dim3A_122 : vector<104x1xf32> to vector<104x1024xf32>
    %eq3A_124 = arith.cmpf oeq, %select_n3A_119, %eq3A_123 : vector<104x1024xf32>
    %jit3A_125 = arith.constant 2147483647 : i32
    %broadcast_in_dim3A_126 = vector.broadcast %jit3A_125 : i32 to vector<104x1024xi32>
    %select_n3A_127 = arith.select %eq3A_124, %iota3A, %broadcast_in_dim3A_126 : vector<104x1024xi1>, vector<104x1024xi32>
    %reduce_min3A_128 = arith.constant dense<2147483647> : vector<104xi32>
    %reduce_min3A_129 = vector.multi_reduction <minsi>, %select_n3A_127, %reduce_min3A_128 [1] : vector<104x1024xi32> to vector<104xi32>
    %broadcast_in_dim3A_130 = vector.shape_cast %reduce_min3A_129 : vector<104xi32> to vector<104x1xi32>
    %swap3A_131 = arith.constant 0 : index
    %swap3A_132 = arith.constant 5 : index
    %swap3A_133 = vector.load %arg4[%swap3A_131, %swap3A_132] : memref<104x16xi32, #tpu.memory_space<vmem>>, vector<104x1xi32>
    tpu.vector_store %arg4[%swap3A_131, %swap3A_132], %broadcast_in_dim3A_130 {strides = array<i32>} : memref<104x16xi32, #tpu.memory_space<vmem>>, vector<104x1xi32>,
    %swap3A_134 = arith.constant 0 : index
    %swap3A_135 = arith.constant 5 : index
    %swap3A_136 = vector.load %arg5[%swap3A_134, %swap3A_135] : memref<104x16xf32, #tpu.memory_space<vmem>>, vector<104x1xf32>
    tpu.vector_store %arg5[%swap3A_134, %swap3A_135], %broadcast_in_dim3A_122 {strides = array<i32>} : memref<104x16xf32, #tpu.memory_space<vmem>>, vector<104x1xf32>,
    %eq3A_137 = vector.broadcast %broadcast_in_dim3A_130 : vector<104x1xi32> to vector<104x1024xi32>
    %eq3A_138 = arith.cmpi eq, %iota3A, %eq3A_137 : vector<104x1024xi32>
    %jit3A_139 = arith.constant 3.000000e+38 : f32
    %broadcast_in_dim3A_140 = vector.broadcast %jit3A_139 : f32 to vector<104x1024xf32>
    %select_n3A_141 = arith.select %eq3A_138, %broadcast_in_dim3A_140, %select_n3A_119 : vector<104x1024xi1>, vector<104x1024xf32>
    %reduce_min3A_142 = arith.constant dense<0x7F800000> : vector<104xf32>
    %reduce_min3A_143 = vector.multi_reduction <minimumf>, %select_n3A_141, %reduce_min3A_142 [1] : vector<104x1024xf32> to vector<104xf32>
    %broadcast_in_dim3A_144 = vector.shape_cast %reduce_min3A_143 : vector<104xf32> to vector<104x1xf32>
    %eq3A_145 = vector.broadcast %broadcast_in_dim3A_144 : vector<104x1xf32> to vector<104x1024xf32>
    %eq3A_146 = arith.cmpf oeq, %select_n3A_141, %eq3A_145 : vector<104x1024xf32>
    %jit3A_147 = arith.constant 2147483647 : i32
    %broadcast_in_dim3A_148 = vector.broadcast %jit3A_147 : i32 to vector<104x1024xi32>
    %select_n3A_149 = arith.select %eq3A_146, %iota3A, %broadcast_in_dim3A_148 : vector<104x1024xi1>, vector<104x1024xi32>
    %reduce_min3A_150 = arith.constant dense<2147483647> : vector<104xi32>
    %reduce_min3A_151 = vector.multi_reduction <minsi>, %select_n3A_149, %reduce_min3A_150 [1] : vector<104x1024xi32> to vector<104xi32>
    %broadcast_in_dim3A_152 = vector.shape_cast %reduce_min3A_151 : vector<104xi32> to vector<104x1xi32>
    %swap3A_153 = arith.constant 0 : index
    %swap3A_154 = arith.constant 6 : index
    %swap3A_155 = vector.load %arg4[%swap3A_153, %swap3A_154] : memref<104x16xi32, #tpu.memory_space<vmem>>, vector<104x1xi32>
    tpu.vector_store %arg4[%swap3A_153, %swap3A_154], %broadcast_in_dim3A_152 {strides = array<i32>} : memref<104x16xi32, #tpu.memory_space<vmem>>, vector<104x1xi32>,
    %swap3A_156 = arith.constant 0 : index
    %swap3A_157 = arith.constant 6 : index
    %swap3A_158 = vector.load %arg5[%swap3A_156, %swap3A_157] : memref<104x16xf32, #tpu.memory_space<vmem>>, vector<104x1xf32>
    tpu.vector_store %arg5[%swap3A_156, %swap3A_157], %broadcast_in_dim3A_144 {strides = array<i32>} : memref<104x16xf32, #tpu.memory_space<vmem>>, vector<104x1xf32>,
    %eq3A_159 = vector.broadcast %broadcast_in_dim3A_152 : vector<104x1xi32> to vector<104x1024xi32>
    %eq3A_160 = arith.cmpi eq, %iota3A, %eq3A_159 : vector<104x1024xi32>
    %jit3A_161 = arith.constant 3.000000e+38 : f32
    %broadcast_in_dim3A_162 = vector.broadcast %jit3A_161 : f32 to vector<104x1024xf32>
    %select_n3A_163 = arith.select %eq3A_160, %broadcast_in_dim3A_162, %select_n3A_141 : vector<104x1024xi1>, vector<104x1024xf32>
    %reduce_min3A_164 = arith.constant dense<0x7F800000> : vector<104xf32>
    %reduce_min3A_165 = vector.multi_reduction <minimumf>, %select_n3A_163, %reduce_min3A_164 [1] : vector<104x1024xf32> to vector<104xf32>
    %broadcast_in_dim3A_166 = vector.shape_cast %reduce_min3A_165 : vector<104xf32> to vector<104x1xf32>
    %eq3A_167 = vector.broadcast %broadcast_in_dim3A_166 : vector<104x1xf32> to vector<104x1024xf32>
    %eq3A_168 = arith.cmpf oeq, %select_n3A_163, %eq3A_167 : vector<104x1024xf32>
    %jit3A_169 = arith.constant 2147483647 : i32
    %broadcast_in_dim3A_170 = vector.broadcast %jit3A_169 : i32 to vector<104x1024xi32>
    %select_n3A_171 = arith.select %eq3A_168, %iota3A, %broadcast_in_dim3A_170 : vector<104x1024xi1>, vector<104x1024xi32>
    %reduce_min3A_172 = arith.constant dense<2147483647> : vector<104xi32>
    %reduce_min3A_173 = vector.multi_reduction <minsi>, %select_n3A_171, %reduce_min3A_172 [1] : vector<104x1024xi32> to vector<104xi32>
    %broadcast_in_dim3A_174 = vector.shape_cast %reduce_min3A_173 : vector<104xi32> to vector<104x1xi32>
    %swap3A_175 = arith.constant 0 : index
    %swap3A_176 = arith.constant 7 : index
    %swap3A_177 = vector.load %arg4[%swap3A_175, %swap3A_176] : memref<104x16xi32, #tpu.memory_space<vmem>>, vector<104x1xi32>
    tpu.vector_store %arg4[%swap3A_175, %swap3A_176], %broadcast_in_dim3A_174 {strides = array<i32>} : memref<104x16xi32, #tpu.memory_space<vmem>>, vector<104x1xi32>,
    %swap3A_178 = arith.constant 0 : index
    %swap3A_179 = arith.constant 7 : index
    %swap3A_180 = vector.load %arg5[%swap3A_178, %swap3A_179] : memref<104x16xf32, #tpu.memory_space<vmem>>, vector<104x1xf32>
    tpu.vector_store %arg5[%swap3A_178, %swap3A_179], %broadcast_in_dim3A_166 {strides = array<i32>} : memref<104x16xf32, #tpu.memory_space<vmem>>, vector<104x1xf32>,
    %eq3A_181 = vector.broadcast %broadcast_in_dim3A_174 : vector<104x1xi32> to vector<104x1024xi32>
    %eq3A_182 = arith.cmpi eq, %iota3A, %eq3A_181 : vector<104x1024xi32>
    %jit3A_183 = arith.constant 3.000000e+38 : f32
    %broadcast_in_dim3A_184 = vector.broadcast %jit3A_183 : f32 to vector<104x1024xf32>
    %select_n3A_185 = arith.select %eq3A_182, %broadcast_in_dim3A_184, %select_n3A_163 : vector<104x1024xi1>, vector<104x1024xf32>
    %reduce_min3A_186 = arith.constant dense<0x7F800000> : vector<104xf32>
    %reduce_min3A_187 = vector.multi_reduction <minimumf>, %select_n3A_185, %reduce_min3A_186 [1] : vector<104x1024xf32> to vector<104xf32>
    %broadcast_in_dim3A_188 = vector.shape_cast %reduce_min3A_187 : vector<104xf32> to vector<104x1xf32>
    %eq3A_189 = vector.broadcast %broadcast_in_dim3A_188 : vector<104x1xf32> to vector<104x1024xf32>
    %eq3A_190 = arith.cmpf oeq, %select_n3A_185, %eq3A_189 : vector<104x1024xf32>
    %jit3A_191 = arith.constant 2147483647 : i32
    %broadcast_in_dim3A_192 = vector.broadcast %jit3A_191 : i32 to vector<104x1024xi32>
    %select_n3A_193 = arith.select %eq3A_190, %iota3A, %broadcast_in_dim3A_192 : vector<104x1024xi1>, vector<104x1024xi32>
    %reduce_min3A_194 = arith.constant dense<2147483647> : vector<104xi32>
    %reduce_min3A_195 = vector.multi_reduction <minsi>, %select_n3A_193, %reduce_min3A_194 [1] : vector<104x1024xi32> to vector<104xi32>
    %broadcast_in_dim3A_196 = vector.shape_cast %reduce_min3A_195 : vector<104xi32> to vector<104x1xi32>
    %swap3A_197 = arith.constant 0 : index
    %swap3A_198 = arith.constant 8 : index
    %swap3A_199 = vector.load %arg4[%swap3A_197, %swap3A_198] : memref<104x16xi32, #tpu.memory_space<vmem>>, vector<104x1xi32>
    tpu.vector_store %arg4[%swap3A_197, %swap3A_198], %broadcast_in_dim3A_196 {strides = array<i32>} : memref<104x16xi32, #tpu.memory_space<vmem>>, vector<104x1xi32>,
    %swap3A_200 = arith.constant 0 : index
    %swap3A_201 = arith.constant 8 : index
    %swap3A_202 = vector.load %arg5[%swap3A_200, %swap3A_201] : memref<104x16xf32, #tpu.memory_space<vmem>>, vector<104x1xf32>
    tpu.vector_store %arg5[%swap3A_200, %swap3A_201], %broadcast_in_dim3A_188 {strides = array<i32>} : memref<104x16xf32, #tpu.memory_space<vmem>>, vector<104x1xf32>,
    %eq3A_203 = vector.broadcast %broadcast_in_dim3A_196 : vector<104x1xi32> to vector<104x1024xi32>
    %eq3A_204 = arith.cmpi eq, %iota3A, %eq3A_203 : vector<104x1024xi32>
    %jit3A_205 = arith.constant 3.000000e+38 : f32
    %broadcast_in_dim3A_206 = vector.broadcast %jit3A_205 : f32 to vector<104x1024xf32>
    %select_n3A_207 = arith.select %eq3A_204, %broadcast_in_dim3A_206, %select_n3A_185 : vector<104x1024xi1>, vector<104x1024xf32>
    %reduce_min3A_208 = arith.constant dense<0x7F800000> : vector<104xf32>
    %reduce_min3A_209 = vector.multi_reduction <minimumf>, %select_n3A_207, %reduce_min3A_208 [1] : vector<104x1024xf32> to vector<104xf32>
    %broadcast_in_dim3A_210 = vector.shape_cast %reduce_min3A_209 : vector<104xf32> to vector<104x1xf32>
    %eq3A_211 = vector.broadcast %broadcast_in_dim3A_210 : vector<104x1xf32> to vector<104x1024xf32>
    %eq3A_212 = arith.cmpf oeq, %select_n3A_207, %eq3A_211 : vector<104x1024xf32>
    %jit3A_213 = arith.constant 2147483647 : i32
    %broadcast_in_dim3A_214 = vector.broadcast %jit3A_213 : i32 to vector<104x1024xi32>
    %select_n3A_215 = arith.select %eq3A_212, %iota3A, %broadcast_in_dim3A_214 : vector<104x1024xi1>, vector<104x1024xi32>
    %reduce_min3A_216 = arith.constant dense<2147483647> : vector<104xi32>
    %reduce_min3A_217 = vector.multi_reduction <minsi>, %select_n3A_215, %reduce_min3A_216 [1] : vector<104x1024xi32> to vector<104xi32>
    %broadcast_in_dim3A_218 = vector.shape_cast %reduce_min3A_217 : vector<104xi32> to vector<104x1xi32>
    %swap3A_219 = arith.constant 0 : index
    %swap3A_220 = arith.constant 9 : index
    %swap3A_221 = vector.load %arg4[%swap3A_219, %swap3A_220] : memref<104x16xi32, #tpu.memory_space<vmem>>, vector<104x1xi32>
    tpu.vector_store %arg4[%swap3A_219, %swap3A_220], %broadcast_in_dim3A_218 {strides = array<i32>} : memref<104x16xi32, #tpu.memory_space<vmem>>, vector<104x1xi32>,
    %swap3A_222 = arith.constant 0 : index
    %swap3A_223 = arith.constant 9 : index
    %swap3A_224 = vector.load %arg5[%swap3A_222, %swap3A_223] : memref<104x16xf32, #tpu.memory_space<vmem>>, vector<104x1xf32>
    tpu.vector_store %arg5[%swap3A_222, %swap3A_223], %broadcast_in_dim3A_210 {strides = array<i32>} : memref<104x16xf32, #tpu.memory_space<vmem>>, vector<104x1xf32>,
    %eq3A_225 = vector.broadcast %broadcast_in_dim3A_218 : vector<104x1xi32> to vector<104x1024xi32>
    %eq3A_226 = arith.cmpi eq, %iota3A, %eq3A_225 : vector<104x1024xi32>
    %jit3A_227 = arith.constant 3.000000e+38 : f32
    %broadcast_in_dim3A_228 = vector.broadcast %jit3A_227 : f32 to vector<104x1024xf32>
    %select_n3A_229 = arith.select %eq3A_226, %broadcast_in_dim3A_228, %select_n3A_207 : vector<104x1024xi1>, vector<104x1024xf32>
    %reduce_min3A_230 = arith.constant dense<0x7F800000> : vector<104xf32>
    %reduce_min3A_231 = vector.multi_reduction <minimumf>, %select_n3A_229, %reduce_min3A_230 [1] : vector<104x1024xf32> to vector<104xf32>
    %broadcast_in_dim3A_232 = vector.shape_cast %reduce_min3A_231 : vector<104xf32> to vector<104x1xf32>
    %eq3A_233 = vector.broadcast %broadcast_in_dim3A_232 : vector<104x1xf32> to vector<104x1024xf32>
    %eq3A_234 = arith.cmpf oeq, %select_n3A_229, %eq3A_233 : vector<104x1024xf32>
    %jit3A_235 = arith.constant 2147483647 : i32
    %broadcast_in_dim3A_236 = vector.broadcast %jit3A_235 : i32 to vector<104x1024xi32>
    %select_n3A_237 = arith.select %eq3A_234, %iota3A, %broadcast_in_dim3A_236 : vector<104x1024xi1>, vector<104x1024xi32>
    %reduce_min3A_238 = arith.constant dense<2147483647> : vector<104xi32>
    %reduce_min3A_239 = vector.multi_reduction <minsi>, %select_n3A_237, %reduce_min3A_238 [1] : vector<104x1024xi32> to vector<104xi32>
    %broadcast_in_dim3A_240 = vector.shape_cast %reduce_min3A_239 : vector<104xi32> to vector<104x1xi32>
    %swap3A_241 = arith.constant 0 : index
    %swap3A_242 = arith.constant 10 : index
    %swap3A_243 = vector.load %arg4[%swap3A_241, %swap3A_242] : memref<104x16xi32, #tpu.memory_space<vmem>>, vector<104x1xi32>
    tpu.vector_store %arg4[%swap3A_241, %swap3A_242], %broadcast_in_dim3A_240 {strides = array<i32>} : memref<104x16xi32, #tpu.memory_space<vmem>>, vector<104x1xi32>,
    %swap3A_244 = arith.constant 0 : index
    %swap3A_245 = arith.constant 10 : index
    %swap3A_246 = vector.load %arg5[%swap3A_244, %swap3A_245] : memref<104x16xf32, #tpu.memory_space<vmem>>, vector<104x1xf32>
    tpu.vector_store %arg5[%swap3A_244, %swap3A_245], %broadcast_in_dim3A_232 {strides = array<i32>} : memref<104x16xf32, #tpu.memory_space<vmem>>, vector<104x1xf32>,
    %eq3A_247 = vector.broadcast %broadcast_in_dim3A_240 : vector<104x1xi32> to vector<104x1024xi32>
    %eq3A_248 = arith.cmpi eq, %iota3A, %eq3A_247 : vector<104x1024xi32>
    %jit3A_249 = arith.constant 3.000000e+38 : f32
    %broadcast_in_dim3A_250 = vector.broadcast %jit3A_249 : f32 to vector<104x1024xf32>
    %select_n3A_251 = arith.select %eq3A_248, %broadcast_in_dim3A_250, %select_n3A_229 : vector<104x1024xi1>, vector<104x1024xf32>
    %reduce_min3A_252 = arith.constant dense<0x7F800000> : vector<104xf32>
    %reduce_min3A_253 = vector.multi_reduction <minimumf>, %select_n3A_251, %reduce_min3A_252 [1] : vector<104x1024xf32> to vector<104xf32>
    %broadcast_in_dim3A_254 = vector.shape_cast %reduce_min3A_253 : vector<104xf32> to vector<104x1xf32>
    %eq3A_255 = vector.broadcast %broadcast_in_dim3A_254 : vector<104x1xf32> to vector<104x1024xf32>
    %eq3A_256 = arith.cmpf oeq, %select_n3A_251, %eq3A_255 : vector<104x1024xf32>
    %jit3A_257 = arith.constant 2147483647 : i32
    %broadcast_in_dim3A_258 = vector.broadcast %jit3A_257 : i32 to vector<104x1024xi32>
    %select_n3A_259 = arith.select %eq3A_256, %iota3A, %broadcast_in_dim3A_258 : vector<104x1024xi1>, vector<104x1024xi32>
    %reduce_min3A_260 = arith.constant dense<2147483647> : vector<104xi32>
    %reduce_min3A_261 = vector.multi_reduction <minsi>, %select_n3A_259, %reduce_min3A_260 [1] : vector<104x1024xi32> to vector<104xi32>
    %broadcast_in_dim3A_262 = vector.shape_cast %reduce_min3A_261 : vector<104xi32> to vector<104x1xi32>
    %swap3A_263 = arith.constant 0 : index
    %swap3A_264 = arith.constant 11 : index
    %swap3A_265 = vector.load %arg4[%swap3A_263, %swap3A_264] : memref<104x16xi32, #tpu.memory_space<vmem>>, vector<104x1xi32>
    tpu.vector_store %arg4[%swap3A_263, %swap3A_264], %broadcast_in_dim3A_262 {strides = array<i32>} : memref<104x16xi32, #tpu.memory_space<vmem>>, vector<104x1xi32>,
    %swap3A_266 = arith.constant 0 : index
    %swap3A_267 = arith.constant 11 : index
    %swap3A_268 = vector.load %arg5[%swap3A_266, %swap3A_267] : memref<104x16xf32, #tpu.memory_space<vmem>>, vector<104x1xf32>
    tpu.vector_store %arg5[%swap3A_266, %swap3A_267], %broadcast_in_dim3A_254 {strides = array<i32>} : memref<104x16xf32, #tpu.memory_space<vmem>>, vector<104x1xf32>,
    %eq3A_269 = vector.broadcast %broadcast_in_dim3A_262 : vector<104x1xi32> to vector<104x1024xi32>
    %eq3A_270 = arith.cmpi eq, %iota3A, %eq3A_269 : vector<104x1024xi32>
    %jit3A_271 = arith.constant 3.000000e+38 : f32
    %broadcast_in_dim3A_272 = vector.broadcast %jit3A_271 : f32 to vector<104x1024xf32>
    %select_n3A_273 = arith.select %eq3A_270, %broadcast_in_dim3A_272, %select_n3A_251 : vector<104x1024xi1>, vector<104x1024xf32>
    %reduce_min3A_274 = arith.constant dense<0x7F800000> : vector<104xf32>
    %reduce_min3A_275 = vector.multi_reduction <minimumf>, %select_n3A_273, %reduce_min3A_274 [1] : vector<104x1024xf32> to vector<104xf32>
    %broadcast_in_dim3A_276 = vector.shape_cast %reduce_min3A_275 : vector<104xf32> to vector<104x1xf32>
    %eq3A_277 = vector.broadcast %broadcast_in_dim3A_276 : vector<104x1xf32> to vector<104x1024xf32>
    %eq3A_278 = arith.cmpf oeq, %select_n3A_273, %eq3A_277 : vector<104x1024xf32>
    %jit3A_279 = arith.constant 2147483647 : i32
    %broadcast_in_dim3A_280 = vector.broadcast %jit3A_279 : i32 to vector<104x1024xi32>
    %select_n3A_281 = arith.select %eq3A_278, %iota3A, %broadcast_in_dim3A_280 : vector<104x1024xi1>, vector<104x1024xi32>
    %reduce_min3A_282 = arith.constant dense<2147483647> : vector<104xi32>
    %reduce_min3A_283 = vector.multi_reduction <minsi>, %select_n3A_281, %reduce_min3A_282 [1] : vector<104x1024xi32> to vector<104xi32>
    %broadcast_in_dim3A_284 = vector.shape_cast %reduce_min3A_283 : vector<104xi32> to vector<104x1xi32>
    %swap3A_285 = arith.constant 0 : index
    %swap3A_286 = arith.constant 12 : index
    %swap3A_287 = vector.load %arg4[%swap3A_285, %swap3A_286] : memref<104x16xi32, #tpu.memory_space<vmem>>, vector<104x1xi32>
    tpu.vector_store %arg4[%swap3A_285, %swap3A_286], %broadcast_in_dim3A_284 {strides = array<i32>} : memref<104x16xi32, #tpu.memory_space<vmem>>, vector<104x1xi32>,
    %swap3A_288 = arith.constant 0 : index
    %swap3A_289 = arith.constant 12 : index
    %swap3A_290 = vector.load %arg5[%swap3A_288, %swap3A_289] : memref<104x16xf32, #tpu.memory_space<vmem>>, vector<104x1xf32>
    tpu.vector_store %arg5[%swap3A_288, %swap3A_289], %broadcast_in_dim3A_276 {strides = array<i32>} : memref<104x16xf32, #tpu.memory_space<vmem>>, vector<104x1xf32>,
    %eq3A_291 = vector.broadcast %broadcast_in_dim3A_284 : vector<104x1xi32> to vector<104x1024xi32>
    %eq3A_292 = arith.cmpi eq, %iota3A, %eq3A_291 : vector<104x1024xi32>
    %jit3A_293 = arith.constant 3.000000e+38 : f32
    %broadcast_in_dim3A_294 = vector.broadcast %jit3A_293 : f32 to vector<104x1024xf32>
    %select_n3A_295 = arith.select %eq3A_292, %broadcast_in_dim3A_294, %select_n3A_273 : vector<104x1024xi1>, vector<104x1024xf32>
    %reduce_min3A_296 = arith.constant dense<0x7F800000> : vector<104xf32>
    %reduce_min3A_297 = vector.multi_reduction <minimumf>, %select_n3A_295, %reduce_min3A_296 [1] : vector<104x1024xf32> to vector<104xf32>
    %broadcast_in_dim3A_298 = vector.shape_cast %reduce_min3A_297 : vector<104xf32> to vector<104x1xf32>
    %eq3A_299 = vector.broadcast %broadcast_in_dim3A_298 : vector<104x1xf32> to vector<104x1024xf32>
    %eq3A_300 = arith.cmpf oeq, %select_n3A_295, %eq3A_299 : vector<104x1024xf32>
    %jit3A_301 = arith.constant 2147483647 : i32
    %broadcast_in_dim3A_302 = vector.broadcast %jit3A_301 : i32 to vector<104x1024xi32>
    %select_n3A_303 = arith.select %eq3A_300, %iota3A, %broadcast_in_dim3A_302 : vector<104x1024xi1>, vector<104x1024xi32>
    %reduce_min3A_304 = arith.constant dense<2147483647> : vector<104xi32>
    %reduce_min3A_305 = vector.multi_reduction <minsi>, %select_n3A_303, %reduce_min3A_304 [1] : vector<104x1024xi32> to vector<104xi32>
    %broadcast_in_dim3A_306 = vector.shape_cast %reduce_min3A_305 : vector<104xi32> to vector<104x1xi32>
    %swap3A_307 = arith.constant 0 : index
    %swap3A_308 = arith.constant 13 : index
    %swap3A_309 = vector.load %arg4[%swap3A_307, %swap3A_308] : memref<104x16xi32, #tpu.memory_space<vmem>>, vector<104x1xi32>
    tpu.vector_store %arg4[%swap3A_307, %swap3A_308], %broadcast_in_dim3A_306 {strides = array<i32>} : memref<104x16xi32, #tpu.memory_space<vmem>>, vector<104x1xi32>,
    %swap3A_310 = arith.constant 0 : index
    %swap3A_311 = arith.constant 13 : index
    %swap3A_312 = vector.load %arg5[%swap3A_310, %swap3A_311] : memref<104x16xf32, #tpu.memory_space<vmem>>, vector<104x1xf32>
    tpu.vector_store %arg5[%swap3A_310, %swap3A_311], %broadcast_in_dim3A_298 {strides = array<i32>} : memref<104x16xf32, #tpu.memory_space<vmem>>, vector<104x1xf32>,
    %eq3A_313 = vector.broadcast %broadcast_in_dim3A_306 : vector<104x1xi32> to vector<104x1024xi32>
    %eq3A_314 = arith.cmpi eq, %iota3A, %eq3A_313 : vector<104x1024xi32>
    %jit3A_315 = arith.constant 3.000000e+38 : f32
    %broadcast_in_dim3A_316 = vector.broadcast %jit3A_315 : f32 to vector<104x1024xf32>
    %select_n3A_317 = arith.select %eq3A_314, %broadcast_in_dim3A_316, %select_n3A_295 : vector<104x1024xi1>, vector<104x1024xf32>
    %reduce_min3A_318 = arith.constant dense<0x7F800000> : vector<104xf32>
    %reduce_min3A_319 = vector.multi_reduction <minimumf>, %select_n3A_317, %reduce_min3A_318 [1] : vector<104x1024xf32> to vector<104xf32>
    %broadcast_in_dim3A_320 = vector.shape_cast %reduce_min3A_319 : vector<104xf32> to vector<104x1xf32>
    %eq3A_321 = vector.broadcast %broadcast_in_dim3A_320 : vector<104x1xf32> to vector<104x1024xf32>
    %eq3A_322 = arith.cmpf oeq, %select_n3A_317, %eq3A_321 : vector<104x1024xf32>
    %jit3A_323 = arith.constant 2147483647 : i32
    %broadcast_in_dim3A_324 = vector.broadcast %jit3A_323 : i32 to vector<104x1024xi32>
    %select_n3A_325 = arith.select %eq3A_322, %iota3A, %broadcast_in_dim3A_324 : vector<104x1024xi1>, vector<104x1024xi32>
    %reduce_min3A_326 = arith.constant dense<2147483647> : vector<104xi32>
    %reduce_min3A_327 = vector.multi_reduction <minsi>, %select_n3A_325, %reduce_min3A_326 [1] : vector<104x1024xi32> to vector<104xi32>
    %broadcast_in_dim3A_328 = vector.shape_cast %reduce_min3A_327 : vector<104xi32> to vector<104x1xi32>
    %swap3A_329 = arith.constant 0 : index
    %swap3A_330 = arith.constant 14 : index
    %swap3A_331 = vector.load %arg4[%swap3A_329, %swap3A_330] : memref<104x16xi32, #tpu.memory_space<vmem>>, vector<104x1xi32>
    tpu.vector_store %arg4[%swap3A_329, %swap3A_330], %broadcast_in_dim3A_328 {strides = array<i32>} : memref<104x16xi32, #tpu.memory_space<vmem>>, vector<104x1xi32>,
    %swap3A_332 = arith.constant 0 : index
    %swap3A_333 = arith.constant 14 : index
    %swap3A_334 = vector.load %arg5[%swap3A_332, %swap3A_333] : memref<104x16xf32, #tpu.memory_space<vmem>>, vector<104x1xf32>
    tpu.vector_store %arg5[%swap3A_332, %swap3A_333], %broadcast_in_dim3A_320 {strides = array<i32>} : memref<104x16xf32, #tpu.memory_space<vmem>>, vector<104x1xf32>,
    %eq3A_335 = vector.broadcast %broadcast_in_dim3A_328 : vector<104x1xi32> to vector<104x1024xi32>
    %eq3A_336 = arith.cmpi eq, %iota3A, %eq3A_335 : vector<104x1024xi32>
    %jit3A_337 = arith.constant 3.000000e+38 : f32
    %broadcast_in_dim3A_338 = vector.broadcast %jit3A_337 : f32 to vector<104x1024xf32>
    %select_n3A_339 = arith.select %eq3A_336, %broadcast_in_dim3A_338, %select_n3A_317 : vector<104x1024xi1>, vector<104x1024xf32>
    %reduce_min3A_340 = arith.constant dense<0x7F800000> : vector<104xf32>
    %reduce_min3A_341 = vector.multi_reduction <minimumf>, %select_n3A_339, %reduce_min3A_340 [1] : vector<104x1024xf32> to vector<104xf32>
    %broadcast_in_dim3A_342 = vector.shape_cast %reduce_min3A_341 : vector<104xf32> to vector<104x1xf32>
    %eq3A_343 = vector.broadcast %broadcast_in_dim3A_342 : vector<104x1xf32> to vector<104x1024xf32>
    %eq3A_344 = arith.cmpf oeq, %select_n3A_339, %eq3A_343 : vector<104x1024xf32>
    %jit3A_345 = arith.constant 2147483647 : i32
    %broadcast_in_dim3A_346 = vector.broadcast %jit3A_345 : i32 to vector<104x1024xi32>
    %select_n3A_347 = arith.select %eq3A_344, %iota3A, %broadcast_in_dim3A_346 : vector<104x1024xi1>, vector<104x1024xi32>
    %reduce_min3A_348 = arith.constant dense<2147483647> : vector<104xi32>
    %reduce_min3A_349 = vector.multi_reduction <minsi>, %select_n3A_347, %reduce_min3A_348 [1] : vector<104x1024xi32> to vector<104xi32>
    %broadcast_in_dim3A_350 = vector.shape_cast %reduce_min3A_349 : vector<104xi32> to vector<104x1xi32>
    %swap3A_351 = arith.constant 0 : index
    %swap3A_352 = arith.constant 15 : index
    %swap3A_353 = vector.load %arg4[%swap3A_351, %swap3A_352] : memref<104x16xi32, #tpu.memory_space<vmem>>, vector<104x1xi32>
    tpu.vector_store %arg4[%swap3A_351, %swap3A_352], %broadcast_in_dim3A_350 {strides = array<i32>} : memref<104x16xi32, #tpu.memory_space<vmem>>, vector<104x1xi32>,
    %swap3A_354 = arith.constant 0 : index
    %swap3A_355 = arith.constant 15 : index
    %swap3A_356 = vector.load %arg5[%swap3A_354, %swap3A_355] : memref<104x16xf32, #tpu.memory_space<vmem>>, vector<104x1xf32>
    tpu.vector_store %arg5[%swap3A_354, %swap3A_355], %broadcast_in_dim3A_342 {strides = array<i32>} : memref<104x16xf32, #tpu.memory_space<vmem>>, vector<104x1xf32>,
    return
  }
  func.func @transform_0(%arg0: i32) -> (i32, i32) {
    %c0_i32 = arith.constant 0 : i32
    %c0_i32_0 = arith.constant 0 : i32
    return %arg0, %c0_i32 : i32, i32
  }
  func.func @transform_1(%arg0: i32) -> (i32, i32) {
    %c0_i32 = arith.constant 0 : i32
    %c0_i32_0 = arith.constant 0 : i32
    %c0_i32_1 = arith.constant 0 : i32
    return %c0_i32, %c0_i32_0 : i32, i32
  }
  func.func @transform_2(%arg0: i32) -> (i32, i32) {
    %c0_i32 = arith.constant 0 : i32
    %c0_i32_0 = arith.constant 0 : i32
    %c0_i32_1 = arith.constant 0 : i32
    return %c0_i32, %c0_i32_0 : i32, i32
  }
  func.func @transform_3(%arg0: i32) -> (i32, i32) {
    %c0_i32 = arith.constant 0 : i32
    %c0_i32_0 = arith.constant 0 : i32
    return %arg0, %c0_i32 : i32, i32
  }
  func.func @transform_4(%arg0: i32) -> (i32, i32) {
    %c0_i32 = arith.constant 0 : i32
    %c0_i32_0 = arith.constant 0 : i32
    return %arg0, %c0_i32 : i32, i32
  }
}

module attributes {stable_mosaic.version = 14 : i64} {
  func.func @_knn_body(%arg0: i32, %arg1: memref<104x8xf32, #tpu.memory_space<vmem>>, %arg2: memref<8x128xf32, #tpu.memory_space<vmem>>, %arg3: memref<1x128xf32, #tpu.memory_space<vmem>>, %arg4: memref<104x16xi32, #tpu.memory_space<vmem>>, %arg5: memref<104x16xf32, #tpu.memory_space<vmem>>) attributes {dimension_semantics = [#tpu.dimension_semantics<arbitrary>], iteration_bounds = array<i64: 1>, scalar_prefetch = 0 : i64, scratch_operands = 0 : i64, tpu.core_type = #tpu.core_type<tc>, window_params = [{transform_indices = @transform_0, window_bounds = array<i64: 104, 8>}, {pipeline_mode = #tpu.pipeline_mode<synchronous>, transform_indices = @transform_1, window_bounds = array<i64: 8, 128>}, {pipeline_mode = #tpu.pipeline_mode<synchronous>, transform_indices = @transform_2, window_bounds = array<i64: 1, 128>}, {transform_indices = @transform_3, window_bounds = array<i64: 104, 16>}, {transform_indices = @transform_4, window_bounds = array<i64: 104, 16>}]} {
    %get3A = arith.constant 0 : index
    %get3A_0 = arith.constant 0 : index
    %get3A_1 = vector.load %arg1[%get3A, %get3A_0] : memref<104x8xf32, #tpu.memory_space<vmem>>, vector<104x8xf32>
    %mul3A = arith.mulf %get3A_1, %get3A_1 : vector<104x8xf32>
    %reduce_sum3A = arith.constant dense<0.000000e+00> : vector<104xf32>
    %reduce_sum3A_2 = vector.multi_reduction <add>, %mul3A, %reduce_sum3A [1] : vector<104x8xf32> to vector<104xf32>
    %broadcast_in_dim3A = vector.shape_cast %reduce_sum3A_2 : vector<104xf32> to vector<104x1xf32>
    %get3A_3 = arith.constant 0 : index
    %get3A_4 = arith.constant 0 : index
    %get3A_5 = vector.load %arg2[%get3A_3, %get3A_4] : memref<8x128xf32, #tpu.memory_space<vmem>>, vector<8x128xf32>
    %dot_general3A = arith.constant dense<0.000000e+00> : vector<104x128xf32>
    %dot_general3A_6 = tpu.matmul %get3A_1, %get3A_5, %dot_general3A {dimension_numbers = #tpu.dot_dimension_numbers<[1], [0], [0], [1], [0, 0, 1, 1], [], []>, transpose_lhs_hint = false} : vector<104x8xf32>, vector<8x128xf32>, vector<104x128xf32> -> vector<104x128xf32>
    %iota3A = tpu.iota {dimensions = array<i32: 1>} : vector<104x128xi32>
    %get3A_7 = arith.constant 0 : index
    %get3A_8 = arith.constant 0 : index
    %get3A_9 = vector.load %arg3[%get3A_7, %get3A_8] : memref<1x128xf32, #tpu.memory_space<vmem>>, vector<1x128xf32>
    %add3A = vector.broadcast %broadcast_in_dim3A : vector<104x1xf32> to vector<104x128xf32>
    %add3A_10 = vector.broadcast %get3A_9 : vector<1x128xf32> to vector<104x128xf32>
    %add3A_11 = arith.addf %add3A, %add3A_10 : vector<104x128xf32>
    %mul3A_12 = arith.constant 2.000000e+00 : f32
    %mul3A_13 = vector.broadcast %mul3A_12 : f32 to vector<104x128xf32>
    %mul3A_14 = arith.mulf %mul3A_13, %dot_general3A_6 : vector<104x128xf32>
    %sub3A = arith.subf %add3A_11, %mul3A_14 : vector<104x128xf32>
    %mul3A_15 = arith.constant 104 : i32
    %mul3A_16 = arith.muli %arg0, %mul3A_15 : i32
    %iota3A_17 = tpu.iota {dimensions = array<i32: 0>} : vector<104x128xi32>
    %add3A_18 = vector.broadcast %mul3A_16 : i32 to vector<104x128xi32>
    %add3A_19 = arith.addi %add3A_18, %iota3A_17 : vector<104x128xi32>
    %eq3A = arith.cmpi eq, %iota3A, %add3A_19 : vector<104x128xi32>
    %jit3A = arith.constant 9.99999995E+11 : f32
    %jit3A_20 = arith.constant 0.000000e+00 : f32
    %broadcast_in_dim3A_21 = vector.broadcast %jit3A : f32 to vector<104x128xf32>
    %broadcast_in_dim3A_22 = vector.broadcast %jit3A_20 : f32 to vector<104x128xf32>
    %select_n3A = arith.select %eq3A, %broadcast_in_dim3A_21, %broadcast_in_dim3A_22 : vector<104x128xi1>, vector<104x128xf32>
    %add3A_23 = arith.addf %sub3A, %select_n3A : vector<104x128xf32>
    %reduce_min3A = arith.constant dense<0x7F800000> : vector<104xf32>
    %reduce_min3A_24 = vector.multi_reduction <minimumf>, %add3A_23, %reduce_min3A [1] : vector<104x128xf32> to vector<104xf32>
    %broadcast_in_dim3A_25 = vector.shape_cast %reduce_min3A_24 : vector<104xf32> to vector<104x1xf32>
    %eq3A_26 = vector.broadcast %broadcast_in_dim3A_25 : vector<104x1xf32> to vector<104x128xf32>
    %eq3A_27 = arith.cmpf oeq, %add3A_23, %eq3A_26 : vector<104x128xf32>
    %jit3A_28 = arith.constant 2147483647 : i32
    %broadcast_in_dim3A_29 = vector.broadcast %jit3A_28 : i32 to vector<104x128xi32>
    %select_n3A_30 = arith.select %eq3A_27, %iota3A, %broadcast_in_dim3A_29 : vector<104x128xi1>, vector<104x128xi32>
    %reduce_min3A_31 = arith.constant dense<2147483647> : vector<104xi32>
    %reduce_min3A_32 = vector.multi_reduction <minsi>, %select_n3A_30, %reduce_min3A_31 [1] : vector<104x128xi32> to vector<104xi32>
    %broadcast_in_dim3A_33 = vector.shape_cast %reduce_min3A_32 : vector<104xi32> to vector<104x1xi32>
    %swap3A = arith.constant 0 : index
    %swap3A_34 = arith.constant 0 : index
    %swap3A_35 = vector.load %arg4[%swap3A, %swap3A_34] : memref<104x16xi32, #tpu.memory_space<vmem>>, vector<104x1xi32>
    tpu.vector_store %arg4[%swap3A, %swap3A_34], %broadcast_in_dim3A_33 {strides = array<i32>} : memref<104x16xi32, #tpu.memory_space<vmem>>, vector<104x1xi32>,
    %swap3A_36 = arith.constant 0 : index
    %swap3A_37 = arith.constant 0 : index
    %swap3A_38 = vector.load %arg5[%swap3A_36, %swap3A_37] : memref<104x16xf32, #tpu.memory_space<vmem>>, vector<104x1xf32>
    tpu.vector_store %arg5[%swap3A_36, %swap3A_37], %broadcast_in_dim3A_25 {strides = array<i32>} : memref<104x16xf32, #tpu.memory_space<vmem>>, vector<104x1xf32>,
    %eq3A_39 = vector.broadcast %broadcast_in_dim3A_33 : vector<104x1xi32> to vector<104x128xi32>
    %eq3A_40 = arith.cmpi eq, %iota3A, %eq3A_39 : vector<104x128xi32>
    %jit3A_41 = arith.constant 3.000000e+38 : f32
    %broadcast_in_dim3A_42 = vector.broadcast %jit3A_41 : f32 to vector<104x128xf32>
    %select_n3A_43 = arith.select %eq3A_40, %broadcast_in_dim3A_42, %add3A_23 : vector<104x128xi1>, vector<104x128xf32>
    %reduce_min3A_44 = arith.constant dense<0x7F800000> : vector<104xf32>
    %reduce_min3A_45 = vector.multi_reduction <minimumf>, %select_n3A_43, %reduce_min3A_44 [1] : vector<104x128xf32> to vector<104xf32>
    %broadcast_in_dim3A_46 = vector.shape_cast %reduce_min3A_45 : vector<104xf32> to vector<104x1xf32>
    %eq3A_47 = vector.broadcast %broadcast_in_dim3A_46 : vector<104x1xf32> to vector<104x128xf32>
    %eq3A_48 = arith.cmpf oeq, %select_n3A_43, %eq3A_47 : vector<104x128xf32>
    %jit3A_49 = arith.constant 2147483647 : i32
    %broadcast_in_dim3A_50 = vector.broadcast %jit3A_49 : i32 to vector<104x128xi32>
    %select_n3A_51 = arith.select %eq3A_48, %iota3A, %broadcast_in_dim3A_50 : vector<104x128xi1>, vector<104x128xi32>
    %reduce_min3A_52 = arith.constant dense<2147483647> : vector<104xi32>
    %reduce_min3A_53 = vector.multi_reduction <minsi>, %select_n3A_51, %reduce_min3A_52 [1] : vector<104x128xi32> to vector<104xi32>
    %broadcast_in_dim3A_54 = vector.shape_cast %reduce_min3A_53 : vector<104xi32> to vector<104x1xi32>
    %swap3A_55 = arith.constant 0 : index
    %swap3A_56 = arith.constant 1 : index
    %swap3A_57 = vector.load %arg4[%swap3A_55, %swap3A_56] : memref<104x16xi32, #tpu.memory_space<vmem>>, vector<104x1xi32>
    tpu.vector_store %arg4[%swap3A_55, %swap3A_56], %broadcast_in_dim3A_54 {strides = array<i32>} : memref<104x16xi32, #tpu.memory_space<vmem>>, vector<104x1xi32>,
    %swap3A_58 = arith.constant 0 : index
    %swap3A_59 = arith.constant 1 : index
    %swap3A_60 = vector.load %arg5[%swap3A_58, %swap3A_59] : memref<104x16xf32, #tpu.memory_space<vmem>>, vector<104x1xf32>
    tpu.vector_store %arg5[%swap3A_58, %swap3A_59], %broadcast_in_dim3A_46 {strides = array<i32>} : memref<104x16xf32, #tpu.memory_space<vmem>>, vector<104x1xf32>,
    %eq3A_61 = vector.broadcast %broadcast_in_dim3A_54 : vector<104x1xi32> to vector<104x128xi32>
    %eq3A_62 = arith.cmpi eq, %iota3A, %eq3A_61 : vector<104x128xi32>
    %jit3A_63 = arith.constant 3.000000e+38 : f32
    %broadcast_in_dim3A_64 = vector.broadcast %jit3A_63 : f32 to vector<104x128xf32>
    %select_n3A_65 = arith.select %eq3A_62, %broadcast_in_dim3A_64, %select_n3A_43 : vector<104x128xi1>, vector<104x128xf32>
    %reduce_min3A_66 = arith.constant dense<0x7F800000> : vector<104xf32>
    %reduce_min3A_67 = vector.multi_reduction <minimumf>, %select_n3A_65, %reduce_min3A_66 [1] : vector<104x128xf32> to vector<104xf32>
    %broadcast_in_dim3A_68 = vector.shape_cast %reduce_min3A_67 : vector<104xf32> to vector<104x1xf32>
    %eq3A_69 = vector.broadcast %broadcast_in_dim3A_68 : vector<104x1xf32> to vector<104x128xf32>
    %eq3A_70 = arith.cmpf oeq, %select_n3A_65, %eq3A_69 : vector<104x128xf32>
    %jit3A_71 = arith.constant 2147483647 : i32
    %broadcast_in_dim3A_72 = vector.broadcast %jit3A_71 : i32 to vector<104x128xi32>
    %select_n3A_73 = arith.select %eq3A_70, %iota3A, %broadcast_in_dim3A_72 : vector<104x128xi1>, vector<104x128xi32>
    %reduce_min3A_74 = arith.constant dense<2147483647> : vector<104xi32>
    %reduce_min3A_75 = vector.multi_reduction <minsi>, %select_n3A_73, %reduce_min3A_74 [1] : vector<104x128xi32> to vector<104xi32>
    %broadcast_in_dim3A_76 = vector.shape_cast %reduce_min3A_75 : vector<104xi32> to vector<104x1xi32>
    %swap3A_77 = arith.constant 0 : index
    %swap3A_78 = arith.constant 2 : index
    %swap3A_79 = vector.load %arg4[%swap3A_77, %swap3A_78] : memref<104x16xi32, #tpu.memory_space<vmem>>, vector<104x1xi32>
    tpu.vector_store %arg4[%swap3A_77, %swap3A_78], %broadcast_in_dim3A_76 {strides = array<i32>} : memref<104x16xi32, #tpu.memory_space<vmem>>, vector<104x1xi32>,
    %swap3A_80 = arith.constant 0 : index
    %swap3A_81 = arith.constant 2 : index
    %swap3A_82 = vector.load %arg5[%swap3A_80, %swap3A_81] : memref<104x16xf32, #tpu.memory_space<vmem>>, vector<104x1xf32>
    tpu.vector_store %arg5[%swap3A_80, %swap3A_81], %broadcast_in_dim3A_68 {strides = array<i32>} : memref<104x16xf32, #tpu.memory_space<vmem>>, vector<104x1xf32>,
    %eq3A_83 = vector.broadcast %broadcast_in_dim3A_76 : vector<104x1xi32> to vector<104x128xi32>
    %eq3A_84 = arith.cmpi eq, %iota3A, %eq3A_83 : vector<104x128xi32>
    %jit3A_85 = arith.constant 3.000000e+38 : f32
    %broadcast_in_dim3A_86 = vector.broadcast %jit3A_85 : f32 to vector<104x128xf32>
    %select_n3A_87 = arith.select %eq3A_84, %broadcast_in_dim3A_86, %select_n3A_65 : vector<104x128xi1>, vector<104x128xf32>
    %reduce_min3A_88 = arith.constant dense<0x7F800000> : vector<104xf32>
    %reduce_min3A_89 = vector.multi_reduction <minimumf>, %select_n3A_87, %reduce_min3A_88 [1] : vector<104x128xf32> to vector<104xf32>
    %broadcast_in_dim3A_90 = vector.shape_cast %reduce_min3A_89 : vector<104xf32> to vector<104x1xf32>
    %eq3A_91 = vector.broadcast %broadcast_in_dim3A_90 : vector<104x1xf32> to vector<104x128xf32>
    %eq3A_92 = arith.cmpf oeq, %select_n3A_87, %eq3A_91 : vector<104x128xf32>
    %jit3A_93 = arith.constant 2147483647 : i32
    %broadcast_in_dim3A_94 = vector.broadcast %jit3A_93 : i32 to vector<104x128xi32>
    %select_n3A_95 = arith.select %eq3A_92, %iota3A, %broadcast_in_dim3A_94 : vector<104x128xi1>, vector<104x128xi32>
    %reduce_min3A_96 = arith.constant dense<2147483647> : vector<104xi32>
    %reduce_min3A_97 = vector.multi_reduction <minsi>, %select_n3A_95, %reduce_min3A_96 [1] : vector<104x128xi32> to vector<104xi32>
    %broadcast_in_dim3A_98 = vector.shape_cast %reduce_min3A_97 : vector<104xi32> to vector<104x1xi32>
    %swap3A_99 = arith.constant 0 : index
    %swap3A_100 = arith.constant 3 : index
    %swap3A_101 = vector.load %arg4[%swap3A_99, %swap3A_100] : memref<104x16xi32, #tpu.memory_space<vmem>>, vector<104x1xi32>
    tpu.vector_store %arg4[%swap3A_99, %swap3A_100], %broadcast_in_dim3A_98 {strides = array<i32>} : memref<104x16xi32, #tpu.memory_space<vmem>>, vector<104x1xi32>,
    %swap3A_102 = arith.constant 0 : index
    %swap3A_103 = arith.constant 3 : index
    %swap3A_104 = vector.load %arg5[%swap3A_102, %swap3A_103] : memref<104x16xf32, #tpu.memory_space<vmem>>, vector<104x1xf32>
    tpu.vector_store %arg5[%swap3A_102, %swap3A_103], %broadcast_in_dim3A_90 {strides = array<i32>} : memref<104x16xf32, #tpu.memory_space<vmem>>, vector<104x1xf32>,
    %eq3A_105 = vector.broadcast %broadcast_in_dim3A_98 : vector<104x1xi32> to vector<104x128xi32>
    %eq3A_106 = arith.cmpi eq, %iota3A, %eq3A_105 : vector<104x128xi32>
    %jit3A_107 = arith.constant 3.000000e+38 : f32
    %broadcast_in_dim3A_108 = vector.broadcast %jit3A_107 : f32 to vector<104x128xf32>
    %select_n3A_109 = arith.select %eq3A_106, %broadcast_in_dim3A_108, %select_n3A_87 : vector<104x128xi1>, vector<104x128xf32>
    %reduce_min3A_110 = arith.constant dense<0x7F800000> : vector<104xf32>
    %reduce_min3A_111 = vector.multi_reduction <minimumf>, %select_n3A_109, %reduce_min3A_110 [1] : vector<104x128xf32> to vector<104xf32>
    %broadcast_in_dim3A_112 = vector.shape_cast %reduce_min3A_111 : vector<104xf32> to vector<104x1xf32>
    %eq3A_113 = vector.broadcast %broadcast_in_dim3A_112 : vector<104x1xf32> to vector<104x128xf32>
    %eq3A_114 = arith.cmpf oeq, %select_n3A_109, %eq3A_113 : vector<104x128xf32>
    %jit3A_115 = arith.constant 2147483647 : i32
    %broadcast_in_dim3A_116 = vector.broadcast %jit3A_115 : i32 to vector<104x128xi32>
    %select_n3A_117 = arith.select %eq3A_114, %iota3A, %broadcast_in_dim3A_116 : vector<104x128xi1>, vector<104x128xi32>
    %reduce_min3A_118 = arith.constant dense<2147483647> : vector<104xi32>
    %reduce_min3A_119 = vector.multi_reduction <minsi>, %select_n3A_117, %reduce_min3A_118 [1] : vector<104x128xi32> to vector<104xi32>
    %broadcast_in_dim3A_120 = vector.shape_cast %reduce_min3A_119 : vector<104xi32> to vector<104x1xi32>
    %swap3A_121 = arith.constant 0 : index
    %swap3A_122 = arith.constant 4 : index
    %swap3A_123 = vector.load %arg4[%swap3A_121, %swap3A_122] : memref<104x16xi32, #tpu.memory_space<vmem>>, vector<104x1xi32>
    tpu.vector_store %arg4[%swap3A_121, %swap3A_122], %broadcast_in_dim3A_120 {strides = array<i32>} : memref<104x16xi32, #tpu.memory_space<vmem>>, vector<104x1xi32>,
    %swap3A_124 = arith.constant 0 : index
    %swap3A_125 = arith.constant 4 : index
    %swap3A_126 = vector.load %arg5[%swap3A_124, %swap3A_125] : memref<104x16xf32, #tpu.memory_space<vmem>>, vector<104x1xf32>
    tpu.vector_store %arg5[%swap3A_124, %swap3A_125], %broadcast_in_dim3A_112 {strides = array<i32>} : memref<104x16xf32, #tpu.memory_space<vmem>>, vector<104x1xf32>,
    %eq3A_127 = vector.broadcast %broadcast_in_dim3A_120 : vector<104x1xi32> to vector<104x128xi32>
    %eq3A_128 = arith.cmpi eq, %iota3A, %eq3A_127 : vector<104x128xi32>
    %jit3A_129 = arith.constant 3.000000e+38 : f32
    %broadcast_in_dim3A_130 = vector.broadcast %jit3A_129 : f32 to vector<104x128xf32>
    %select_n3A_131 = arith.select %eq3A_128, %broadcast_in_dim3A_130, %select_n3A_109 : vector<104x128xi1>, vector<104x128xf32>
    %reduce_min3A_132 = arith.constant dense<0x7F800000> : vector<104xf32>
    %reduce_min3A_133 = vector.multi_reduction <minimumf>, %select_n3A_131, %reduce_min3A_132 [1] : vector<104x128xf32> to vector<104xf32>
    %broadcast_in_dim3A_134 = vector.shape_cast %reduce_min3A_133 : vector<104xf32> to vector<104x1xf32>
    %eq3A_135 = vector.broadcast %broadcast_in_dim3A_134 : vector<104x1xf32> to vector<104x128xf32>
    %eq3A_136 = arith.cmpf oeq, %select_n3A_131, %eq3A_135 : vector<104x128xf32>
    %jit3A_137 = arith.constant 2147483647 : i32
    %broadcast_in_dim3A_138 = vector.broadcast %jit3A_137 : i32 to vector<104x128xi32>
    %select_n3A_139 = arith.select %eq3A_136, %iota3A, %broadcast_in_dim3A_138 : vector<104x128xi1>, vector<104x128xi32>
    %reduce_min3A_140 = arith.constant dense<2147483647> : vector<104xi32>
    %reduce_min3A_141 = vector.multi_reduction <minsi>, %select_n3A_139, %reduce_min3A_140 [1] : vector<104x128xi32> to vector<104xi32>
    %broadcast_in_dim3A_142 = vector.shape_cast %reduce_min3A_141 : vector<104xi32> to vector<104x1xi32>
    %swap3A_143 = arith.constant 0 : index
    %swap3A_144 = arith.constant 5 : index
    %swap3A_145 = vector.load %arg4[%swap3A_143, %swap3A_144] : memref<104x16xi32, #tpu.memory_space<vmem>>, vector<104x1xi32>
    tpu.vector_store %arg4[%swap3A_143, %swap3A_144], %broadcast_in_dim3A_142 {strides = array<i32>} : memref<104x16xi32, #tpu.memory_space<vmem>>, vector<104x1xi32>,
    %swap3A_146 = arith.constant 0 : index
    %swap3A_147 = arith.constant 5 : index
    %swap3A_148 = vector.load %arg5[%swap3A_146, %swap3A_147] : memref<104x16xf32, #tpu.memory_space<vmem>>, vector<104x1xf32>
    tpu.vector_store %arg5[%swap3A_146, %swap3A_147], %broadcast_in_dim3A_134 {strides = array<i32>} : memref<104x16xf32, #tpu.memory_space<vmem>>, vector<104x1xf32>,
    %eq3A_149 = vector.broadcast %broadcast_in_dim3A_142 : vector<104x1xi32> to vector<104x128xi32>
    %eq3A_150 = arith.cmpi eq, %iota3A, %eq3A_149 : vector<104x128xi32>
    %jit3A_151 = arith.constant 3.000000e+38 : f32
    %broadcast_in_dim3A_152 = vector.broadcast %jit3A_151 : f32 to vector<104x128xf32>
    %select_n3A_153 = arith.select %eq3A_150, %broadcast_in_dim3A_152, %select_n3A_131 : vector<104x128xi1>, vector<104x128xf32>
    %reduce_min3A_154 = arith.constant dense<0x7F800000> : vector<104xf32>
    %reduce_min3A_155 = vector.multi_reduction <minimumf>, %select_n3A_153, %reduce_min3A_154 [1] : vector<104x128xf32> to vector<104xf32>
    %broadcast_in_dim3A_156 = vector.shape_cast %reduce_min3A_155 : vector<104xf32> to vector<104x1xf32>
    %eq3A_157 = vector.broadcast %broadcast_in_dim3A_156 : vector<104x1xf32> to vector<104x128xf32>
    %eq3A_158 = arith.cmpf oeq, %select_n3A_153, %eq3A_157 : vector<104x128xf32>
    %jit3A_159 = arith.constant 2147483647 : i32
    %broadcast_in_dim3A_160 = vector.broadcast %jit3A_159 : i32 to vector<104x128xi32>
    %select_n3A_161 = arith.select %eq3A_158, %iota3A, %broadcast_in_dim3A_160 : vector<104x128xi1>, vector<104x128xi32>
    %reduce_min3A_162 = arith.constant dense<2147483647> : vector<104xi32>
    %reduce_min3A_163 = vector.multi_reduction <minsi>, %select_n3A_161, %reduce_min3A_162 [1] : vector<104x128xi32> to vector<104xi32>
    %broadcast_in_dim3A_164 = vector.shape_cast %reduce_min3A_163 : vector<104xi32> to vector<104x1xi32>
    %swap3A_165 = arith.constant 0 : index
    %swap3A_166 = arith.constant 6 : index
    %swap3A_167 = vector.load %arg4[%swap3A_165, %swap3A_166] : memref<104x16xi32, #tpu.memory_space<vmem>>, vector<104x1xi32>
    tpu.vector_store %arg4[%swap3A_165, %swap3A_166], %broadcast_in_dim3A_164 {strides = array<i32>} : memref<104x16xi32, #tpu.memory_space<vmem>>, vector<104x1xi32>,
    %swap3A_168 = arith.constant 0 : index
    %swap3A_169 = arith.constant 6 : index
    %swap3A_170 = vector.load %arg5[%swap3A_168, %swap3A_169] : memref<104x16xf32, #tpu.memory_space<vmem>>, vector<104x1xf32>
    tpu.vector_store %arg5[%swap3A_168, %swap3A_169], %broadcast_in_dim3A_156 {strides = array<i32>} : memref<104x16xf32, #tpu.memory_space<vmem>>, vector<104x1xf32>,
    %eq3A_171 = vector.broadcast %broadcast_in_dim3A_164 : vector<104x1xi32> to vector<104x128xi32>
    %eq3A_172 = arith.cmpi eq, %iota3A, %eq3A_171 : vector<104x128xi32>
    %jit3A_173 = arith.constant 3.000000e+38 : f32
    %broadcast_in_dim3A_174 = vector.broadcast %jit3A_173 : f32 to vector<104x128xf32>
    %select_n3A_175 = arith.select %eq3A_172, %broadcast_in_dim3A_174, %select_n3A_153 : vector<104x128xi1>, vector<104x128xf32>
    %reduce_min3A_176 = arith.constant dense<0x7F800000> : vector<104xf32>
    %reduce_min3A_177 = vector.multi_reduction <minimumf>, %select_n3A_175, %reduce_min3A_176 [1] : vector<104x128xf32> to vector<104xf32>
    %broadcast_in_dim3A_178 = vector.shape_cast %reduce_min3A_177 : vector<104xf32> to vector<104x1xf32>
    %eq3A_179 = vector.broadcast %broadcast_in_dim3A_178 : vector<104x1xf32> to vector<104x128xf32>
    %eq3A_180 = arith.cmpf oeq, %select_n3A_175, %eq3A_179 : vector<104x128xf32>
    %jit3A_181 = arith.constant 2147483647 : i32
    %broadcast_in_dim3A_182 = vector.broadcast %jit3A_181 : i32 to vector<104x128xi32>
    %select_n3A_183 = arith.select %eq3A_180, %iota3A, %broadcast_in_dim3A_182 : vector<104x128xi1>, vector<104x128xi32>
    %reduce_min3A_184 = arith.constant dense<2147483647> : vector<104xi32>
    %reduce_min3A_185 = vector.multi_reduction <minsi>, %select_n3A_183, %reduce_min3A_184 [1] : vector<104x128xi32> to vector<104xi32>
    %broadcast_in_dim3A_186 = vector.shape_cast %reduce_min3A_185 : vector<104xi32> to vector<104x1xi32>
    %swap3A_187 = arith.constant 0 : index
    %swap3A_188 = arith.constant 7 : index
    %swap3A_189 = vector.load %arg4[%swap3A_187, %swap3A_188] : memref<104x16xi32, #tpu.memory_space<vmem>>, vector<104x1xi32>
    tpu.vector_store %arg4[%swap3A_187, %swap3A_188], %broadcast_in_dim3A_186 {strides = array<i32>} : memref<104x16xi32, #tpu.memory_space<vmem>>, vector<104x1xi32>,
    %swap3A_190 = arith.constant 0 : index
    %swap3A_191 = arith.constant 7 : index
    %swap3A_192 = vector.load %arg5[%swap3A_190, %swap3A_191] : memref<104x16xf32, #tpu.memory_space<vmem>>, vector<104x1xf32>
    tpu.vector_store %arg5[%swap3A_190, %swap3A_191], %broadcast_in_dim3A_178 {strides = array<i32>} : memref<104x16xf32, #tpu.memory_space<vmem>>, vector<104x1xf32>,
    %eq3A_193 = vector.broadcast %broadcast_in_dim3A_186 : vector<104x1xi32> to vector<104x128xi32>
    %eq3A_194 = arith.cmpi eq, %iota3A, %eq3A_193 : vector<104x128xi32>
    %jit3A_195 = arith.constant 3.000000e+38 : f32
    %broadcast_in_dim3A_196 = vector.broadcast %jit3A_195 : f32 to vector<104x128xf32>
    %select_n3A_197 = arith.select %eq3A_194, %broadcast_in_dim3A_196, %select_n3A_175 : vector<104x128xi1>, vector<104x128xf32>
    %reduce_min3A_198 = arith.constant dense<0x7F800000> : vector<104xf32>
    %reduce_min3A_199 = vector.multi_reduction <minimumf>, %select_n3A_197, %reduce_min3A_198 [1] : vector<104x128xf32> to vector<104xf32>
    %broadcast_in_dim3A_200 = vector.shape_cast %reduce_min3A_199 : vector<104xf32> to vector<104x1xf32>
    %eq3A_201 = vector.broadcast %broadcast_in_dim3A_200 : vector<104x1xf32> to vector<104x128xf32>
    %eq3A_202 = arith.cmpf oeq, %select_n3A_197, %eq3A_201 : vector<104x128xf32>
    %jit3A_203 = arith.constant 2147483647 : i32
    %broadcast_in_dim3A_204 = vector.broadcast %jit3A_203 : i32 to vector<104x128xi32>
    %select_n3A_205 = arith.select %eq3A_202, %iota3A, %broadcast_in_dim3A_204 : vector<104x128xi1>, vector<104x128xi32>
    %reduce_min3A_206 = arith.constant dense<2147483647> : vector<104xi32>
    %reduce_min3A_207 = vector.multi_reduction <minsi>, %select_n3A_205, %reduce_min3A_206 [1] : vector<104x128xi32> to vector<104xi32>
    %broadcast_in_dim3A_208 = vector.shape_cast %reduce_min3A_207 : vector<104xi32> to vector<104x1xi32>
    %swap3A_209 = arith.constant 0 : index
    %swap3A_210 = arith.constant 8 : index
    %swap3A_211 = vector.load %arg4[%swap3A_209, %swap3A_210] : memref<104x16xi32, #tpu.memory_space<vmem>>, vector<104x1xi32>
    tpu.vector_store %arg4[%swap3A_209, %swap3A_210], %broadcast_in_dim3A_208 {strides = array<i32>} : memref<104x16xi32, #tpu.memory_space<vmem>>, vector<104x1xi32>,
    %swap3A_212 = arith.constant 0 : index
    %swap3A_213 = arith.constant 8 : index
    %swap3A_214 = vector.load %arg5[%swap3A_212, %swap3A_213] : memref<104x16xf32, #tpu.memory_space<vmem>>, vector<104x1xf32>
    tpu.vector_store %arg5[%swap3A_212, %swap3A_213], %broadcast_in_dim3A_200 {strides = array<i32>} : memref<104x16xf32, #tpu.memory_space<vmem>>, vector<104x1xf32>,
    %eq3A_215 = vector.broadcast %broadcast_in_dim3A_208 : vector<104x1xi32> to vector<104x128xi32>
    %eq3A_216 = arith.cmpi eq, %iota3A, %eq3A_215 : vector<104x128xi32>
    %jit3A_217 = arith.constant 3.000000e+38 : f32
    %broadcast_in_dim3A_218 = vector.broadcast %jit3A_217 : f32 to vector<104x128xf32>
    %select_n3A_219 = arith.select %eq3A_216, %broadcast_in_dim3A_218, %select_n3A_197 : vector<104x128xi1>, vector<104x128xf32>
    %reduce_min3A_220 = arith.constant dense<0x7F800000> : vector<104xf32>
    %reduce_min3A_221 = vector.multi_reduction <minimumf>, %select_n3A_219, %reduce_min3A_220 [1] : vector<104x128xf32> to vector<104xf32>
    %broadcast_in_dim3A_222 = vector.shape_cast %reduce_min3A_221 : vector<104xf32> to vector<104x1xf32>
    %eq3A_223 = vector.broadcast %broadcast_in_dim3A_222 : vector<104x1xf32> to vector<104x128xf32>
    %eq3A_224 = arith.cmpf oeq, %select_n3A_219, %eq3A_223 : vector<104x128xf32>
    %jit3A_225 = arith.constant 2147483647 : i32
    %broadcast_in_dim3A_226 = vector.broadcast %jit3A_225 : i32 to vector<104x128xi32>
    %select_n3A_227 = arith.select %eq3A_224, %iota3A, %broadcast_in_dim3A_226 : vector<104x128xi1>, vector<104x128xi32>
    %reduce_min3A_228 = arith.constant dense<2147483647> : vector<104xi32>
    %reduce_min3A_229 = vector.multi_reduction <minsi>, %select_n3A_227, %reduce_min3A_228 [1] : vector<104x128xi32> to vector<104xi32>
    %broadcast_in_dim3A_230 = vector.shape_cast %reduce_min3A_229 : vector<104xi32> to vector<104x1xi32>
    %swap3A_231 = arith.constant 0 : index
    %swap3A_232 = arith.constant 9 : index
    %swap3A_233 = vector.load %arg4[%swap3A_231, %swap3A_232] : memref<104x16xi32, #tpu.memory_space<vmem>>, vector<104x1xi32>
    tpu.vector_store %arg4[%swap3A_231, %swap3A_232], %broadcast_in_dim3A_230 {strides = array<i32>} : memref<104x16xi32, #tpu.memory_space<vmem>>, vector<104x1xi32>,
    %swap3A_234 = arith.constant 0 : index
    %swap3A_235 = arith.constant 9 : index
    %swap3A_236 = vector.load %arg5[%swap3A_234, %swap3A_235] : memref<104x16xf32, #tpu.memory_space<vmem>>, vector<104x1xf32>
    tpu.vector_store %arg5[%swap3A_234, %swap3A_235], %broadcast_in_dim3A_222 {strides = array<i32>} : memref<104x16xf32, #tpu.memory_space<vmem>>, vector<104x1xf32>,
    %eq3A_237 = vector.broadcast %broadcast_in_dim3A_230 : vector<104x1xi32> to vector<104x128xi32>
    %eq3A_238 = arith.cmpi eq, %iota3A, %eq3A_237 : vector<104x128xi32>
    %jit3A_239 = arith.constant 3.000000e+38 : f32
    %broadcast_in_dim3A_240 = vector.broadcast %jit3A_239 : f32 to vector<104x128xf32>
    %select_n3A_241 = arith.select %eq3A_238, %broadcast_in_dim3A_240, %select_n3A_219 : vector<104x128xi1>, vector<104x128xf32>
    %reduce_min3A_242 = arith.constant dense<0x7F800000> : vector<104xf32>
    %reduce_min3A_243 = vector.multi_reduction <minimumf>, %select_n3A_241, %reduce_min3A_242 [1] : vector<104x128xf32> to vector<104xf32>
    %broadcast_in_dim3A_244 = vector.shape_cast %reduce_min3A_243 : vector<104xf32> to vector<104x1xf32>
    %eq3A_245 = vector.broadcast %broadcast_in_dim3A_244 : vector<104x1xf32> to vector<104x128xf32>
    %eq3A_246 = arith.cmpf oeq, %select_n3A_241, %eq3A_245 : vector<104x128xf32>
    %jit3A_247 = arith.constant 2147483647 : i32
    %broadcast_in_dim3A_248 = vector.broadcast %jit3A_247 : i32 to vector<104x128xi32>
    %select_n3A_249 = arith.select %eq3A_246, %iota3A, %broadcast_in_dim3A_248 : vector<104x128xi1>, vector<104x128xi32>
    %reduce_min3A_250 = arith.constant dense<2147483647> : vector<104xi32>
    %reduce_min3A_251 = vector.multi_reduction <minsi>, %select_n3A_249, %reduce_min3A_250 [1] : vector<104x128xi32> to vector<104xi32>
    %broadcast_in_dim3A_252 = vector.shape_cast %reduce_min3A_251 : vector<104xi32> to vector<104x1xi32>
    %swap3A_253 = arith.constant 0 : index
    %swap3A_254 = arith.constant 10 : index
    %swap3A_255 = vector.load %arg4[%swap3A_253, %swap3A_254] : memref<104x16xi32, #tpu.memory_space<vmem>>, vector<104x1xi32>
    tpu.vector_store %arg4[%swap3A_253, %swap3A_254], %broadcast_in_dim3A_252 {strides = array<i32>} : memref<104x16xi32, #tpu.memory_space<vmem>>, vector<104x1xi32>,
    %swap3A_256 = arith.constant 0 : index
    %swap3A_257 = arith.constant 10 : index
    %swap3A_258 = vector.load %arg5[%swap3A_256, %swap3A_257] : memref<104x16xf32, #tpu.memory_space<vmem>>, vector<104x1xf32>
    tpu.vector_store %arg5[%swap3A_256, %swap3A_257], %broadcast_in_dim3A_244 {strides = array<i32>} : memref<104x16xf32, #tpu.memory_space<vmem>>, vector<104x1xf32>,
    %eq3A_259 = vector.broadcast %broadcast_in_dim3A_252 : vector<104x1xi32> to vector<104x128xi32>
    %eq3A_260 = arith.cmpi eq, %iota3A, %eq3A_259 : vector<104x128xi32>
    %jit3A_261 = arith.constant 3.000000e+38 : f32
    %broadcast_in_dim3A_262 = vector.broadcast %jit3A_261 : f32 to vector<104x128xf32>
    %select_n3A_263 = arith.select %eq3A_260, %broadcast_in_dim3A_262, %select_n3A_241 : vector<104x128xi1>, vector<104x128xf32>
    %reduce_min3A_264 = arith.constant dense<0x7F800000> : vector<104xf32>
    %reduce_min3A_265 = vector.multi_reduction <minimumf>, %select_n3A_263, %reduce_min3A_264 [1] : vector<104x128xf32> to vector<104xf32>
    %broadcast_in_dim3A_266 = vector.shape_cast %reduce_min3A_265 : vector<104xf32> to vector<104x1xf32>
    %eq3A_267 = vector.broadcast %broadcast_in_dim3A_266 : vector<104x1xf32> to vector<104x128xf32>
    %eq3A_268 = arith.cmpf oeq, %select_n3A_263, %eq3A_267 : vector<104x128xf32>
    %jit3A_269 = arith.constant 2147483647 : i32
    %broadcast_in_dim3A_270 = vector.broadcast %jit3A_269 : i32 to vector<104x128xi32>
    %select_n3A_271 = arith.select %eq3A_268, %iota3A, %broadcast_in_dim3A_270 : vector<104x128xi1>, vector<104x128xi32>
    %reduce_min3A_272 = arith.constant dense<2147483647> : vector<104xi32>
    %reduce_min3A_273 = vector.multi_reduction <minsi>, %select_n3A_271, %reduce_min3A_272 [1] : vector<104x128xi32> to vector<104xi32>
    %broadcast_in_dim3A_274 = vector.shape_cast %reduce_min3A_273 : vector<104xi32> to vector<104x1xi32>
    %swap3A_275 = arith.constant 0 : index
    %swap3A_276 = arith.constant 11 : index
    %swap3A_277 = vector.load %arg4[%swap3A_275, %swap3A_276] : memref<104x16xi32, #tpu.memory_space<vmem>>, vector<104x1xi32>
    tpu.vector_store %arg4[%swap3A_275, %swap3A_276], %broadcast_in_dim3A_274 {strides = array<i32>} : memref<104x16xi32, #tpu.memory_space<vmem>>, vector<104x1xi32>,
    %swap3A_278 = arith.constant 0 : index
    %swap3A_279 = arith.constant 11 : index
    %swap3A_280 = vector.load %arg5[%swap3A_278, %swap3A_279] : memref<104x16xf32, #tpu.memory_space<vmem>>, vector<104x1xf32>
    tpu.vector_store %arg5[%swap3A_278, %swap3A_279], %broadcast_in_dim3A_266 {strides = array<i32>} : memref<104x16xf32, #tpu.memory_space<vmem>>, vector<104x1xf32>,
    %eq3A_281 = vector.broadcast %broadcast_in_dim3A_274 : vector<104x1xi32> to vector<104x128xi32>
    %eq3A_282 = arith.cmpi eq, %iota3A, %eq3A_281 : vector<104x128xi32>
    %jit3A_283 = arith.constant 3.000000e+38 : f32
    %broadcast_in_dim3A_284 = vector.broadcast %jit3A_283 : f32 to vector<104x128xf32>
    %select_n3A_285 = arith.select %eq3A_282, %broadcast_in_dim3A_284, %select_n3A_263 : vector<104x128xi1>, vector<104x128xf32>
    %reduce_min3A_286 = arith.constant dense<0x7F800000> : vector<104xf32>
    %reduce_min3A_287 = vector.multi_reduction <minimumf>, %select_n3A_285, %reduce_min3A_286 [1] : vector<104x128xf32> to vector<104xf32>
    %broadcast_in_dim3A_288 = vector.shape_cast %reduce_min3A_287 : vector<104xf32> to vector<104x1xf32>
    %eq3A_289 = vector.broadcast %broadcast_in_dim3A_288 : vector<104x1xf32> to vector<104x128xf32>
    %eq3A_290 = arith.cmpf oeq, %select_n3A_285, %eq3A_289 : vector<104x128xf32>
    %jit3A_291 = arith.constant 2147483647 : i32
    %broadcast_in_dim3A_292 = vector.broadcast %jit3A_291 : i32 to vector<104x128xi32>
    %select_n3A_293 = arith.select %eq3A_290, %iota3A, %broadcast_in_dim3A_292 : vector<104x128xi1>, vector<104x128xi32>
    %reduce_min3A_294 = arith.constant dense<2147483647> : vector<104xi32>
    %reduce_min3A_295 = vector.multi_reduction <minsi>, %select_n3A_293, %reduce_min3A_294 [1] : vector<104x128xi32> to vector<104xi32>
    %broadcast_in_dim3A_296 = vector.shape_cast %reduce_min3A_295 : vector<104xi32> to vector<104x1xi32>
    %swap3A_297 = arith.constant 0 : index
    %swap3A_298 = arith.constant 12 : index
    %swap3A_299 = vector.load %arg4[%swap3A_297, %swap3A_298] : memref<104x16xi32, #tpu.memory_space<vmem>>, vector<104x1xi32>
    tpu.vector_store %arg4[%swap3A_297, %swap3A_298], %broadcast_in_dim3A_296 {strides = array<i32>} : memref<104x16xi32, #tpu.memory_space<vmem>>, vector<104x1xi32>,
    %swap3A_300 = arith.constant 0 : index
    %swap3A_301 = arith.constant 12 : index
    %swap3A_302 = vector.load %arg5[%swap3A_300, %swap3A_301] : memref<104x16xf32, #tpu.memory_space<vmem>>, vector<104x1xf32>
    tpu.vector_store %arg5[%swap3A_300, %swap3A_301], %broadcast_in_dim3A_288 {strides = array<i32>} : memref<104x16xf32, #tpu.memory_space<vmem>>, vector<104x1xf32>,
    %eq3A_303 = vector.broadcast %broadcast_in_dim3A_296 : vector<104x1xi32> to vector<104x128xi32>
    %eq3A_304 = arith.cmpi eq, %iota3A, %eq3A_303 : vector<104x128xi32>
    %jit3A_305 = arith.constant 3.000000e+38 : f32
    %broadcast_in_dim3A_306 = vector.broadcast %jit3A_305 : f32 to vector<104x128xf32>
    %select_n3A_307 = arith.select %eq3A_304, %broadcast_in_dim3A_306, %select_n3A_285 : vector<104x128xi1>, vector<104x128xf32>
    %reduce_min3A_308 = arith.constant dense<0x7F800000> : vector<104xf32>
    %reduce_min3A_309 = vector.multi_reduction <minimumf>, %select_n3A_307, %reduce_min3A_308 [1] : vector<104x128xf32> to vector<104xf32>
    %broadcast_in_dim3A_310 = vector.shape_cast %reduce_min3A_309 : vector<104xf32> to vector<104x1xf32>
    %eq3A_311 = vector.broadcast %broadcast_in_dim3A_310 : vector<104x1xf32> to vector<104x128xf32>
    %eq3A_312 = arith.cmpf oeq, %select_n3A_307, %eq3A_311 : vector<104x128xf32>
    %jit3A_313 = arith.constant 2147483647 : i32
    %broadcast_in_dim3A_314 = vector.broadcast %jit3A_313 : i32 to vector<104x128xi32>
    %select_n3A_315 = arith.select %eq3A_312, %iota3A, %broadcast_in_dim3A_314 : vector<104x128xi1>, vector<104x128xi32>
    %reduce_min3A_316 = arith.constant dense<2147483647> : vector<104xi32>
    %reduce_min3A_317 = vector.multi_reduction <minsi>, %select_n3A_315, %reduce_min3A_316 [1] : vector<104x128xi32> to vector<104xi32>
    %broadcast_in_dim3A_318 = vector.shape_cast %reduce_min3A_317 : vector<104xi32> to vector<104x1xi32>
    %swap3A_319 = arith.constant 0 : index
    %swap3A_320 = arith.constant 13 : index
    %swap3A_321 = vector.load %arg4[%swap3A_319, %swap3A_320] : memref<104x16xi32, #tpu.memory_space<vmem>>, vector<104x1xi32>
    tpu.vector_store %arg4[%swap3A_319, %swap3A_320], %broadcast_in_dim3A_318 {strides = array<i32>} : memref<104x16xi32, #tpu.memory_space<vmem>>, vector<104x1xi32>,
    %swap3A_322 = arith.constant 0 : index
    %swap3A_323 = arith.constant 13 : index
    %swap3A_324 = vector.load %arg5[%swap3A_322, %swap3A_323] : memref<104x16xf32, #tpu.memory_space<vmem>>, vector<104x1xf32>
    tpu.vector_store %arg5[%swap3A_322, %swap3A_323], %broadcast_in_dim3A_310 {strides = array<i32>} : memref<104x16xf32, #tpu.memory_space<vmem>>, vector<104x1xf32>,
    %eq3A_325 = vector.broadcast %broadcast_in_dim3A_318 : vector<104x1xi32> to vector<104x128xi32>
    %eq3A_326 = arith.cmpi eq, %iota3A, %eq3A_325 : vector<104x128xi32>
    %jit3A_327 = arith.constant 3.000000e+38 : f32
    %broadcast_in_dim3A_328 = vector.broadcast %jit3A_327 : f32 to vector<104x128xf32>
    %select_n3A_329 = arith.select %eq3A_326, %broadcast_in_dim3A_328, %select_n3A_307 : vector<104x128xi1>, vector<104x128xf32>
    %reduce_min3A_330 = arith.constant dense<0x7F800000> : vector<104xf32>
    %reduce_min3A_331 = vector.multi_reduction <minimumf>, %select_n3A_329, %reduce_min3A_330 [1] : vector<104x128xf32> to vector<104xf32>
    %broadcast_in_dim3A_332 = vector.shape_cast %reduce_min3A_331 : vector<104xf32> to vector<104x1xf32>
    %eq3A_333 = vector.broadcast %broadcast_in_dim3A_332 : vector<104x1xf32> to vector<104x128xf32>
    %eq3A_334 = arith.cmpf oeq, %select_n3A_329, %eq3A_333 : vector<104x128xf32>
    %jit3A_335 = arith.constant 2147483647 : i32
    %broadcast_in_dim3A_336 = vector.broadcast %jit3A_335 : i32 to vector<104x128xi32>
    %select_n3A_337 = arith.select %eq3A_334, %iota3A, %broadcast_in_dim3A_336 : vector<104x128xi1>, vector<104x128xi32>
    %reduce_min3A_338 = arith.constant dense<2147483647> : vector<104xi32>
    %reduce_min3A_339 = vector.multi_reduction <minsi>, %select_n3A_337, %reduce_min3A_338 [1] : vector<104x128xi32> to vector<104xi32>
    %broadcast_in_dim3A_340 = vector.shape_cast %reduce_min3A_339 : vector<104xi32> to vector<104x1xi32>
    %swap3A_341 = arith.constant 0 : index
    %swap3A_342 = arith.constant 14 : index
    %swap3A_343 = vector.load %arg4[%swap3A_341, %swap3A_342] : memref<104x16xi32, #tpu.memory_space<vmem>>, vector<104x1xi32>
    tpu.vector_store %arg4[%swap3A_341, %swap3A_342], %broadcast_in_dim3A_340 {strides = array<i32>} : memref<104x16xi32, #tpu.memory_space<vmem>>, vector<104x1xi32>,
    %swap3A_344 = arith.constant 0 : index
    %swap3A_345 = arith.constant 14 : index
    %swap3A_346 = vector.load %arg5[%swap3A_344, %swap3A_345] : memref<104x16xf32, #tpu.memory_space<vmem>>, vector<104x1xf32>
    tpu.vector_store %arg5[%swap3A_344, %swap3A_345], %broadcast_in_dim3A_332 {strides = array<i32>} : memref<104x16xf32, #tpu.memory_space<vmem>>, vector<104x1xf32>,
    %eq3A_347 = vector.broadcast %broadcast_in_dim3A_340 : vector<104x1xi32> to vector<104x128xi32>
    %eq3A_348 = arith.cmpi eq, %iota3A, %eq3A_347 : vector<104x128xi32>
    %jit3A_349 = arith.constant 3.000000e+38 : f32
    %broadcast_in_dim3A_350 = vector.broadcast %jit3A_349 : f32 to vector<104x128xf32>
    %select_n3A_351 = arith.select %eq3A_348, %broadcast_in_dim3A_350, %select_n3A_329 : vector<104x128xi1>, vector<104x128xf32>
    %reduce_min3A_352 = arith.constant dense<0x7F800000> : vector<104xf32>
    %reduce_min3A_353 = vector.multi_reduction <minimumf>, %select_n3A_351, %reduce_min3A_352 [1] : vector<104x128xf32> to vector<104xf32>
    %broadcast_in_dim3A_354 = vector.shape_cast %reduce_min3A_353 : vector<104xf32> to vector<104x1xf32>
    %eq3A_355 = vector.broadcast %broadcast_in_dim3A_354 : vector<104x1xf32> to vector<104x128xf32>
    %eq3A_356 = arith.cmpf oeq, %select_n3A_351, %eq3A_355 : vector<104x128xf32>
    %jit3A_357 = arith.constant 2147483647 : i32
    %broadcast_in_dim3A_358 = vector.broadcast %jit3A_357 : i32 to vector<104x128xi32>
    %select_n3A_359 = arith.select %eq3A_356, %iota3A, %broadcast_in_dim3A_358 : vector<104x128xi1>, vector<104x128xi32>
    %reduce_min3A_360 = arith.constant dense<2147483647> : vector<104xi32>
    %reduce_min3A_361 = vector.multi_reduction <minsi>, %select_n3A_359, %reduce_min3A_360 [1] : vector<104x128xi32> to vector<104xi32>
    %broadcast_in_dim3A_362 = vector.shape_cast %reduce_min3A_361 : vector<104xi32> to vector<104x1xi32>
    %swap3A_363 = arith.constant 0 : index
    %swap3A_364 = arith.constant 15 : index
    %swap3A_365 = vector.load %arg4[%swap3A_363, %swap3A_364] : memref<104x16xi32, #tpu.memory_space<vmem>>, vector<104x1xi32>
    tpu.vector_store %arg4[%swap3A_363, %swap3A_364], %broadcast_in_dim3A_362 {strides = array<i32>} : memref<104x16xi32, #tpu.memory_space<vmem>>, vector<104x1xi32>,
    %swap3A_366 = arith.constant 0 : index
    %swap3A_367 = arith.constant 15 : index
    %swap3A_368 = vector.load %arg5[%swap3A_366, %swap3A_367] : memref<104x16xf32, #tpu.memory_space<vmem>>, vector<104x1xf32>
    tpu.vector_store %arg5[%swap3A_366, %swap3A_367], %broadcast_in_dim3A_354 {strides = array<i32>} : memref<104x16xf32, #tpu.memory_space<vmem>>, vector<104x1xf32>,
    return
  }
  func.func @transform_0(%arg0: i32) -> (i32, i32) {
    %c0_i32 = arith.constant 0 : i32
    %c0_i32_0 = arith.constant 0 : i32
    return %arg0, %c0_i32 : i32, i32
  }
  func.func @transform_1(%arg0: i32) -> (i32, i32) {
    %c0_i32 = arith.constant 0 : i32
    %c0_i32_0 = arith.constant 0 : i32
    %c0_i32_1 = arith.constant 0 : i32
    return %c0_i32, %c0_i32_0 : i32, i32
  }
  func.func @transform_2(%arg0: i32) -> (i32, i32) {
    %c0_i32 = arith.constant 0 : i32
    %c0_i32_0 = arith.constant 0 : i32
    %c0_i32_1 = arith.constant 0 : i32
    return %c0_i32, %c0_i32_0 : i32, i32
  }
  func.func @transform_3(%arg0: i32) -> (i32, i32) {
    %c0_i32 = arith.constant 0 : i32
    %c0_i32_0 = arith.constant 0 : i32
    return %arg0, %c0_i32 : i32, i32
  }
  func.func @transform_4(%arg0: i32) -> (i32, i32) {
    %c0_i32 = arith.constant 0 : i32
    %c0_i32_0 = arith.constant 0 : i32
    return %arg0, %c0_i32 : i32, i32
  }
}

module attributes {stable_mosaic.version = 14 : i64} {
  func.func @_attn_body(%arg0: i32, %arg1: memref<200x256xf32, #tpu.memory_space<vmem>>, %arg2: memref<200x24x16xf32, #tpu.memory_space<vmem>>, %arg3: memref<200x24x256xf32, #tpu.memory_space<vmem>>, %arg4: memref<256x256xf32, #tpu.memory_space<vmem>>, %arg5: memref<256x256xf32, #tpu.memory_space<vmem>>, %arg6: memref<256x256xf32, #tpu.memory_space<vmem>>, %arg7: memref<16x64xf32, #tpu.memory_space<vmem>>, %arg8: memref<1x64xf32, #tpu.memory_space<vmem>>, %arg9: memref<64x256xf32, #tpu.memory_space<vmem>>, %arg10: memref<1x256xf32, #tpu.memory_space<vmem>>, %arg11: memref<256x64xf32, #tpu.memory_space<vmem>>, %arg12: memref<1x64xf32, #tpu.memory_space<vmem>>, %arg13: memref<64x256xf32, #tpu.memory_space<vmem>>, %arg14: memref<1x256xf32, #tpu.memory_space<vmem>>, %arg15: memref<256x256xf32, #tpu.memory_space<vmem>>, %arg16: memref<1x256xf32, #tpu.memory_space<vmem>>, %arg17: memref<200x256xf32, #tpu.memory_space<vmem>>) attributes {dimension_semantics = [#tpu.dimension_semantics<arbitrary>], iteration_bounds = array<i64: 5>, scalar_prefetch = 0 : i64, scratch_operands = 0 : i64, tpu.core_type = #tpu.core_type<tc>, window_params = [{transform_indices = @transform_0, window_bounds = array<i64: 200, 256>}, {transform_indices = @transform_1, window_bounds = array<i64: 200, 24, 16>}, {transform_indices = @transform_2, window_bounds = array<i64: 200, 24, 256>}, {pipeline_mode = #tpu.pipeline_mode<synchronous>, transform_indices = @transform_3, window_bounds = array<i64: 256, 256>}, {pipeline_mode = #tpu.pipeline_mode<synchronous>, transform_indices = @transform_4, window_bounds = array<i64: 256, 256>}, {pipeline_mode = #tpu.pipeline_mode<synchronous>, transform_indices = @transform_5, window_bounds = array<i64: 256, 256>}, {pipeline_mode = #tpu.pipeline_mode<synchronous>, transform_indices = @transform_6, window_bounds = array<i64: 16, 64>}, {pipeline_mode = #tpu.pipeline_mode<synchronous>, transform_indices = @transform_7, window_bounds = array<i64: 1, 64>}, {pipeline_mode = #tpu.pipeline_mode<synchronous>, transform_indices = @transform_8, window_bounds = array<i64: 64, 256>}, {pipeline_mode = #tpu.pipeline_mode<synchronous>, transform_indices = @transform_9, window_bounds = array<i64: 1, 256>}, {pipeline_mode = #tpu.pipeline_mode<synchronous>, transform_indices = @transform_10, window_bounds = array<i64: 256, 64>}, {pipeline_mode = #tpu.pipeline_mode<synchronous>, transform_indices = @transform_11, window_bounds = array<i64: 1, 64>}, {pipeline_mode = #tpu.pipeline_mode<synchronous>, transform_indices = @transform_12, window_bounds = array<i64: 64, 256>}, {pipeline_mode = #tpu.pipeline_mode<synchronous>, transform_indices = @transform_13, window_bounds = array<i64: 1, 256>}, {pipeline_mode = #tpu.pipeline_mode<synchronous>, transform_indices = @transform_14, window_bounds = array<i64: 256, 256>}, {pipeline_mode = #tpu.pipeline_mode<synchronous>, transform_indices = @transform_15, window_bounds = array<i64: 1, 256>}, {transform_indices = @transform_16, window_bounds = array<i64: 200, 256>}]} {
    %get3A = arith.constant 0 : index
    %get3A_0 = arith.constant 0 : index
    %get3A_1 = arith.constant 0 : index
    %get3A_2 = vector.load %arg3[%get3A, %get3A_0, %get3A_1] : memref<200x24x256xf32, #tpu.memory_space<vmem>>, vector<200x24x256xf32>
    %reshape3A = vector.shape_cast %get3A_2 : vector<200x24x256xf32> to vector<4800x256xf32>
    %get3A_3 = arith.constant 0 : index
    %get3A_4 = arith.constant 0 : index
    %get3A_5 = vector.load %arg4[%get3A_3, %get3A_4] : memref<256x256xf32, #tpu.memory_space<vmem>>, vector<256x256xf32>
    %dot_general3A = arith.constant dense<0.000000e+00> : vector<4800x256xf32>
    %dot_general3A_6 = tpu.matmul %reshape3A, %get3A_5, %dot_general3A {dimension_numbers = #tpu.dot_dimension_numbers<[1], [0], [0], [1], [0, 0, 1, 1], [], []>, transpose_lhs_hint = false} : vector<4800x256xf32>, vector<256x256xf32>, vector<4800x256xf32> -> vector<4800x256xf32>
    %get3A_7 = arith.constant 0 : index
    %get3A_8 = arith.constant 0 : index
    %get3A_9 = vector.load %arg5[%get3A_7, %get3A_8] : memref<256x256xf32, #tpu.memory_space<vmem>>, vector<256x256xf32>
    %dot_general3A_10 = arith.constant dense<0.000000e+00> : vector<4800x256xf32>
    %dot_general3A_11 = tpu.matmul %reshape3A, %get3A_9, %dot_general3A_10 {dimension_numbers = #tpu.dot_dimension_numbers<[1], [0], [0], [1], [0, 0, 1, 1], [], []>, transpose_lhs_hint = false} : vector<4800x256xf32>, vector<256x256xf32>, vector<4800x256xf32> -> vector<4800x256xf32>
    %get3A_12 = arith.constant 0 : index
    %get3A_13 = arith.constant 0 : index
    %get3A_14 = vector.load %arg1[%get3A_12, %get3A_13] : memref<200x256xf32, #tpu.memory_space<vmem>>, vector<200x256xf32>
    %get3A_15 = arith.constant 0 : index
    %get3A_16 = arith.constant 0 : index
    %get3A_17 = vector.load %arg6[%get3A_15, %get3A_16] : memref<256x256xf32, #tpu.memory_space<vmem>>, vector<256x256xf32>
    %dot_general3A_18 = arith.constant dense<0.000000e+00> : vector<200x256xf32>
    %dot_general3A_19 = tpu.matmul %get3A_14, %get3A_17, %dot_general3A_18 {dimension_numbers = #tpu.dot_dimension_numbers<[1], [0], [0], [1], [0, 0, 1, 1], [], []>, transpose_lhs_hint = false} : vector<200x256xf32>, vector<256x256xf32>, vector<200x256xf32> -> vector<200x256xf32>
    %get3A_20 = arith.constant 0 : index
    %get3A_21 = arith.constant 0 : index
    %get3A_22 = arith.constant 0 : index
    %get3A_23 = vector.load %arg2[%get3A_20, %get3A_21, %get3A_22] : memref<200x24x16xf32, #tpu.memory_space<vmem>>, vector<200x24x16xf32>
    %reshape3A_24 = vector.shape_cast %get3A_23 : vector<200x24x16xf32> to vector<4800x16xf32>
    %get3A_25 = arith.constant 0 : index
    %get3A_26 = arith.constant 0 : index
    %get3A_27 = vector.load %arg7[%get3A_25, %get3A_26] : memref<16x64xf32, #tpu.memory_space<vmem>>, vector<16x64xf32>
    %dot_general3A_28 = arith.constant dense<0.000000e+00> : vector<4800x64xf32>
    %dot_general3A_29 = tpu.matmul %reshape3A_24, %get3A_27, %dot_general3A_28 {dimension_numbers = #tpu.dot_dimension_numbers<[1], [0], [0], [1], [0, 0, 1, 1], [], []>, transpose_lhs_hint = false} : vector<4800x16xf32>, vector<16x64xf32>, vector<4800x64xf32> -> vector<4800x64xf32>
    %get3A_30 = arith.constant 0 : index
    %get3A_31 = arith.constant 0 : index
    %get3A_32 = vector.load %arg8[%get3A_30, %get3A_31] : memref<1x64xf32, #tpu.memory_space<vmem>>, vector<1x64xf32>
    %add3A = vector.broadcast %get3A_32 : vector<1x64xf32> to vector<4800x64xf32>
    %add3A_33 = arith.addf %dot_general3A_29, %add3A : vector<4800x64xf32>
    %max3A = arith.constant 0.000000e+00 : f32
    %max3A_34 = vector.broadcast %max3A : f32 to vector<4800x64xf32>
    %max3A_35 = arith.maximumf %add3A_33, %max3A_34 : vector<4800x64xf32>
    %get3A_36 = arith.constant 0 : index
    %get3A_37 = arith.constant 0 : index
    %get3A_38 = vector.load %arg9[%get3A_36, %get3A_37] : memref<64x256xf32, #tpu.memory_space<vmem>>, vector<64x256xf32>
    %dot_general3A_39 = arith.constant dense<0.000000e+00> : vector<4800x256xf32>
    %dot_general3A_40 = tpu.matmul %max3A_35, %get3A_38, %dot_general3A_39 {dimension_numbers = #tpu.dot_dimension_numbers<[1], [0], [0], [1], [0, 0, 1, 1], [], []>, transpose_lhs_hint = false} : vector<4800x64xf32>, vector<64x256xf32>, vector<4800x256xf32> -> vector<4800x256xf32>
    %get3A_41 = arith.constant 0 : index
    %get3A_42 = arith.constant 0 : index
    %get3A_43 = vector.load %arg10[%get3A_41, %get3A_42] : memref<1x256xf32, #tpu.memory_space<vmem>>, vector<1x256xf32>
    %add3A_44 = vector.broadcast %get3A_43 : vector<1x256xf32> to vector<4800x256xf32>
    %add3A_45 = arith.addf %dot_general3A_40, %add3A_44 : vector<4800x256xf32>
    %max3A_46 = arith.constant 0.000000e+00 : f32
    %max3A_47 = vector.broadcast %max3A_46 : f32 to vector<4800x256xf32>
    %max3A_48 = arith.maximumf %add3A_45, %max3A_47 : vector<4800x256xf32>
    %broadcast_in_dim3A = vector.shape_cast %dot_general3A_19 : vector<200x256xf32> to vector<200x1x256xf32>
    %broadcast_in_dim3A_49 = vector.shape_cast %broadcast_in_dim3A : vector<200x1x256xf32> to vector<200x1x256xf32>
    %broadcast_in_dim3A_50 = vector.broadcast %broadcast_in_dim3A_49 : vector<200x1x256xf32> to vector<200x24x256xf32>
    %reshape3A_51 = vector.shape_cast %broadcast_in_dim3A_50 : vector<200x24x256xf32> to vector<4800x256xf32>
    %sub3A = arith.subf %reshape3A_51, %dot_general3A_11 : vector<4800x256xf32>
    %add3A_52 = arith.addf %sub3A, %max3A_48 : vector<4800x256xf32>
    %get3A_53 = arith.constant 0 : index
    %get3A_54 = arith.constant 0 : index
    %get3A_55 = vector.load %arg11[%get3A_53, %get3A_54] : memref<256x64xf32, #tpu.memory_space<vmem>>, vector<256x64xf32>
    %dot_general3A_56 = arith.constant dense<0.000000e+00> : vector<4800x64xf32>
    %dot_general3A_57 = tpu.matmul %add3A_52, %get3A_55, %dot_general3A_56 {dimension_numbers = #tpu.dot_dimension_numbers<[1], [0], [0], [1], [0, 0, 1, 1], [], []>, transpose_lhs_hint = false} : vector<4800x256xf32>, vector<256x64xf32>, vector<4800x64xf32> -> vector<4800x64xf32>
    %get3A_58 = arith.constant 0 : index
    %get3A_59 = arith.constant 0 : index
    %get3A_60 = vector.load %arg12[%get3A_58, %get3A_59] : memref<1x64xf32, #tpu.memory_space<vmem>>, vector<1x64xf32>
    %add3A_61 = vector.broadcast %get3A_60 : vector<1x64xf32> to vector<4800x64xf32>
    %add3A_62 = arith.addf %dot_general3A_57, %add3A_61 : vector<4800x64xf32>
    %max3A_63 = arith.constant 0.000000e+00 : f32
    %max3A_64 = vector.broadcast %max3A_63 : f32 to vector<4800x64xf32>
    %max3A_65 = arith.maximumf %add3A_62, %max3A_64 : vector<4800x64xf32>
    %get3A_66 = arith.constant 0 : index
    %get3A_67 = arith.constant 0 : index
    %get3A_68 = vector.load %arg13[%get3A_66, %get3A_67] : memref<64x256xf32, #tpu.memory_space<vmem>>, vector<64x256xf32>
    %dot_general3A_69 = arith.constant dense<0.000000e+00> : vector<4800x256xf32>
    %dot_general3A_70 = tpu.matmul %max3A_65, %get3A_68, %dot_general3A_69 {dimension_numbers = #tpu.dot_dimension_numbers<[1], [0], [0], [1], [0, 0, 1, 1], [], []>, transpose_lhs_hint = false} : vector<4800x64xf32>, vector<64x256xf32>, vector<4800x256xf32> -> vector<4800x256xf32>
    %get3A_71 = arith.constant 0 : index
    %get3A_72 = arith.constant 0 : index
    %get3A_73 = vector.load %arg14[%get3A_71, %get3A_72] : memref<1x256xf32, #tpu.memory_space<vmem>>, vector<1x256xf32>
    %add3A_74 = vector.broadcast %get3A_73 : vector<1x256xf32> to vector<4800x256xf32>
    %add3A_75 = arith.addf %dot_general3A_70, %add3A_74 : vector<4800x256xf32>
    %max3A_76 = arith.constant 0.000000e+00 : f32
    %max3A_77 = vector.broadcast %max3A_76 : f32 to vector<4800x256xf32>
    %max3A_78 = arith.maximumf %add3A_75, %max3A_77 : vector<4800x256xf32>
    %reshape3A_79 = vector.shape_cast %max3A_78 : vector<4800x256xf32> to vector<200x24x256xf32>
    %iota3A = tpu.iota {dimensions = array<i32: 1>} : vector<200x24x1xi32>
    %lt3A = arith.constant 17 : i32
    %lt3A_80 = vector.broadcast %lt3A : i32 to vector<200x24x1xi32>
    %lt3A_81 = arith.cmpi slt, %iota3A, %lt3A_80 : vector<200x24x1xi32>
    %jit3A = arith.constant -1.000000e+30 : f32
    %broadcast_in_dim3A_82 = vector.shape_cast %lt3A_81 : vector<200x24x1xi1> to vector<200x24x1xi1>
    %broadcast_in_dim3A_83 = vector.broadcast %broadcast_in_dim3A_82 : vector<200x24x1xi1> to vector<200x24x256xi1>
    %broadcast_in_dim3A_84 = vector.broadcast %jit3A : f32 to vector<200x24x256xf32>
    %select_n3A = arith.select %broadcast_in_dim3A_83, %reshape3A_79, %broadcast_in_dim3A_84 : vector<200x24x256xi1>, vector<200x24x256xf32>
    %reduce_max3A = arith.constant dense<0xFF800000> : vector<200x256xf32>
    %reduce_max3A_85 = vector.multi_reduction <maximumf>, %select_n3A, %reduce_max3A [1] : vector<200x24x256xf32> to vector<200x256xf32>
    %broadcast_in_dim3A_86 = vector.shape_cast %reduce_max3A_85 : vector<200x256xf32> to vector<200x1x256xf32>
    %sub3A_87 = vector.broadcast %broadcast_in_dim3A_86 : vector<200x1x256xf32> to vector<200x24x256xf32>
    %sub3A_88 = arith.subf %select_n3A, %sub3A_87 : vector<200x24x256xf32>
    %exp3A = math.exp %sub3A_88 : vector<200x24x256xf32>
    %reduce_sum3A = arith.constant dense<0.000000e+00> : vector<200x256xf32>
    %reduce_sum3A_89 = vector.multi_reduction <add>, %exp3A, %reduce_sum3A [1] : vector<200x24x256xf32> to vector<200x256xf32>
    %broadcast_in_dim3A_90 = vector.shape_cast %reduce_sum3A_89 : vector<200x256xf32> to vector<200x1x256xf32>
    %add3A_91 = arith.constant 1.000000e-16 : f32
    %add3A_92 = vector.broadcast %add3A_91 : f32 to vector<200x1x256xf32>
    %add3A_93 = arith.addf %broadcast_in_dim3A_90, %add3A_92 : vector<200x1x256xf32>
    %div3A = vector.broadcast %add3A_93 : vector<200x1x256xf32> to vector<200x24x256xf32>
    %div3A_94 = arith.divf %exp3A, %div3A : vector<200x24x256xf32>
    %add3A_95 = arith.addf %dot_general3A_6, %max3A_48 : vector<4800x256xf32>
    %reshape3A_96 = vector.shape_cast %add3A_95 : vector<4800x256xf32> to vector<200x24x256xf32>
    %mul3A = arith.mulf %div3A_94, %reshape3A_96 : vector<200x24x256xf32>
    %reduce_sum3A_97 = arith.constant dense<0.000000e+00> : vector<200x256xf32>
    %reduce_sum3A_98 = vector.multi_reduction <add>, %mul3A, %reduce_sum3A_97 [1] : vector<200x24x256xf32> to vector<200x256xf32>
    %get3A_99 = arith.constant 0 : index
    %get3A_100 = arith.constant 0 : index
    %get3A_101 = vector.load %arg15[%get3A_99, %get3A_100] : memref<256x256xf32, #tpu.memory_space<vmem>>, vector<256x256xf32>
    %dot_general3A_102 = arith.constant dense<0.000000e+00> : vector<200x256xf32>
    %dot_general3A_103 = tpu.matmul %reduce_sum3A_98, %get3A_101, %dot_general3A_102 {dimension_numbers = #tpu.dot_dimension_numbers<[1], [0], [0], [1], [0, 0, 1, 1], [], []>, transpose_lhs_hint = false} : vector<200x256xf32>, vector<256x256xf32>, vector<200x256xf32> -> vector<200x256xf32>
    %get3A_104 = arith.constant 0 : index
    %get3A_105 = arith.constant 0 : index
    %get3A_106 = vector.load %arg16[%get3A_104, %get3A_105] : memref<1x256xf32, #tpu.memory_space<vmem>>, vector<1x256xf32>
    %add3A_107 = vector.broadcast %get3A_106 : vector<1x256xf32> to vector<200x256xf32>
    %add3A_108 = arith.addf %dot_general3A_103, %add3A_107 : vector<200x256xf32>
    %max3A_109 = arith.constant 0.000000e+00 : f32
    %max3A_110 = vector.broadcast %max3A_109 : f32 to vector<200x256xf32>
    %max3A_111 = arith.maximumf %add3A_108, %max3A_110 : vector<200x256xf32>
    %swap3A = arith.constant 0 : index
    %swap3A_112 = arith.constant 0 : index
    %swap3A_113 = vector.load %arg17[%swap3A, %swap3A_112] : memref<200x256xf32, #tpu.memory_space<vmem>>, vector<200x256xf32>
    tpu.vector_store %arg17[%swap3A, %swap3A_112], %max3A_111 {strides = array<i32>} : memref<200x256xf32, #tpu.memory_space<vmem>>, vector<200x256xf32>,
    return
  }
  func.func @transform_0(%arg0: i32) -> (i32, i32) {
    %c0_i32 = arith.constant 0 : i32
    %c0_i32_0 = arith.constant 0 : i32
    return %arg0, %c0_i32 : i32, i32
  }
  func.func @transform_1(%arg0: i32) -> (i32, i32, i32) {
    %c0_i32 = arith.constant 0 : i32
    %c0_i32_0 = arith.constant 0 : i32
    %c0_i32_1 = arith.constant 0 : i32
    return %arg0, %c0_i32, %c0_i32_0 : i32, i32, i32
  }
  func.func @transform_2(%arg0: i32) -> (i32, i32, i32) {
    %c0_i32 = arith.constant 0 : i32
    %c0_i32_0 = arith.constant 0 : i32
    %c0_i32_1 = arith.constant 0 : i32
    return %arg0, %c0_i32, %c0_i32_0 : i32, i32, i32
  }
  func.func @transform_3(%arg0: i32) -> (i32, i32) {
    %c0_i32 = arith.constant 0 : i32
    %c0_i32_0 = arith.constant 0 : i32
    %c0_i32_1 = arith.constant 0 : i32
    return %c0_i32, %c0_i32_0 : i32, i32
  }
  func.func @transform_4(%arg0: i32) -> (i32, i32) {
    %c0_i32 = arith.constant 0 : i32
    %c0_i32_0 = arith.constant 0 : i32
    %c0_i32_1 = arith.constant 0 : i32
    return %c0_i32, %c0_i32_0 : i32, i32
  }
  func.func @transform_5(%arg0: i32) -> (i32, i32) {
    %c0_i32 = arith.constant 0 : i32
    %c0_i32_0 = arith.constant 0 : i32
    %c0_i32_1 = arith.constant 0 : i32
    return %c0_i32, %c0_i32_0 : i32, i32
  }
  func.func @transform_6(%arg0: i32) -> (i32, i32) {
    %c0_i32 = arith.constant 0 : i32
    %c0_i32_0 = arith.constant 0 : i32
    %c0_i32_1 = arith.constant 0 : i32
    return %c0_i32, %c0_i32_0 : i32, i32
  }
  func.func @transform_7(%arg0: i32) -> (i32, i32) {
    %c0_i32 = arith.constant 0 : i32
    %c0_i32_0 = arith.constant 0 : i32
    %c0_i32_1 = arith.constant 0 : i32
    return %c0_i32, %c0_i32_0 : i32, i32
  }
  func.func @transform_8(%arg0: i32) -> (i32, i32) {
    %c0_i32 = arith.constant 0 : i32
    %c0_i32_0 = arith.constant 0 : i32
    %c0_i32_1 = arith.constant 0 : i32
    return %c0_i32, %c0_i32_0 : i32, i32
  }
  func.func @transform_9(%arg0: i32) -> (i32, i32) {
    %c0_i32 = arith.constant 0 : i32
    %c0_i32_0 = arith.constant 0 : i32
    %c0_i32_1 = arith.constant 0 : i32
    return %c0_i32, %c0_i32_0 : i32, i32
  }
  func.func @transform_10(%arg0: i32) -> (i32, i32) {
    %c0_i32 = arith.constant 0 : i32
    %c0_i32_0 = arith.constant 0 : i32
    %c0_i32_1 = arith.constant 0 : i32
    return %c0_i32, %c0_i32_0 : i32, i32
  }
  func.func @transform_11(%arg0: i32) -> (i32, i32) {
    %c0_i32 = arith.constant 0 : i32
    %c0_i32_0 = arith.constant 0 : i32
    %c0_i32_1 = arith.constant 0 : i32
    return %c0_i32, %c0_i32_0 : i32, i32
  }
  func.func @transform_12(%arg0: i32) -> (i32, i32) {
    %c0_i32 = arith.constant 0 : i32
    %c0_i32_0 = arith.constant 0 : i32
    %c0_i32_1 = arith.constant 0 : i32
    return %c0_i32, %c0_i32_0 : i32, i32
  }
  func.func @transform_13(%arg0: i32) -> (i32, i32) {
    %c0_i32 = arith.constant 0 : i32
    %c0_i32_0 = arith.constant 0 : i32
    %c0_i32_1 = arith.constant 0 : i32
    return %c0_i32, %c0_i32_0 : i32, i32
  }
  func.func @transform_14(%arg0: i32) -> (i32, i32) {
    %c0_i32 = arith.constant 0 : i32
    %c0_i32_0 = arith.constant 0 : i32
    %c0_i32_1 = arith.constant 0 : i32
    return %c0_i32, %c0_i32_0 : i32, i32
  }
  func.func @transform_15(%arg0: i32) -> (i32, i32) {
    %c0_i32 = arith.constant 0 : i32
    %c0_i32_0 = arith.constant 0 : i32
    %c0_i32_1 = arith.constant 0 : i32
    return %c0_i32, %c0_i32_0 : i32, i32
  }
  func.func @transform_16(%arg0: i32) -> (i32, i32) {
    %c0_i32 = arith.constant 0 : i32
    %c0_i32_0 = arith.constant 0 : i32
    return %arg0, %c0_i32 : i32, i32
  }
}

module attributes {stable_mosaic.version = 14 : i64} {
  func.func @_attn_body(%arg0: i32, %arg1: memref<100x512xf32, #tpu.memory_space<vmem>>, %arg2: memref<100x24x16xf32, #tpu.memory_space<vmem>>, %arg3: memref<100x24x512xf32, #tpu.memory_space<vmem>>, %arg4: memref<512x512xf32, #tpu.memory_space<vmem>>, %arg5: memref<512x512xf32, #tpu.memory_space<vmem>>, %arg6: memref<512x512xf32, #tpu.memory_space<vmem>>, %arg7: memref<16x64xf32, #tpu.memory_space<vmem>>, %arg8: memref<1x64xf32, #tpu.memory_space<vmem>>, %arg9: memref<64x512xf32, #tpu.memory_space<vmem>>, %arg10: memref<1x512xf32, #tpu.memory_space<vmem>>, %arg11: memref<512x64xf32, #tpu.memory_space<vmem>>, %arg12: memref<1x64xf32, #tpu.memory_space<vmem>>, %arg13: memref<64x512xf32, #tpu.memory_space<vmem>>, %arg14: memref<1x512xf32, #tpu.memory_space<vmem>>, %arg15: memref<512x512xf32, #tpu.memory_space<vmem>>, %arg16: memref<1x512xf32, #tpu.memory_space<vmem>>, %arg17: memref<100x512xf32, #tpu.memory_space<vmem>>) attributes {dimension_semantics = [#tpu.dimension_semantics<arbitrary>], iteration_bounds = array<i64: 1>, scalar_prefetch = 0 : i64, scratch_operands = 0 : i64, tpu.core_type = #tpu.core_type<tc>, window_params = [{transform_indices = @transform_0, window_bounds = array<i64: 100, 512>}, {transform_indices = @transform_1, window_bounds = array<i64: 100, 24, 16>}, {transform_indices = @transform_2, window_bounds = array<i64: 100, 24, 512>}, {pipeline_mode = #tpu.pipeline_mode<synchronous>, transform_indices = @transform_3, window_bounds = array<i64: 512, 512>}, {pipeline_mode = #tpu.pipeline_mode<synchronous>, transform_indices = @transform_4, window_bounds = array<i64: 512, 512>}, {pipeline_mode = #tpu.pipeline_mode<synchronous>, transform_indices = @transform_5, window_bounds = array<i64: 512, 512>}, {pipeline_mode = #tpu.pipeline_mode<synchronous>, transform_indices = @transform_6, window_bounds = array<i64: 16, 64>}, {pipeline_mode = #tpu.pipeline_mode<synchronous>, transform_indices = @transform_7, window_bounds = array<i64: 1, 64>}, {pipeline_mode = #tpu.pipeline_mode<synchronous>, transform_indices = @transform_8, window_bounds = array<i64: 64, 512>}, {pipeline_mode = #tpu.pipeline_mode<synchronous>, transform_indices = @transform_9, window_bounds = array<i64: 1, 512>}, {pipeline_mode = #tpu.pipeline_mode<synchronous>, transform_indices = @transform_10, window_bounds = array<i64: 512, 64>}, {pipeline_mode = #tpu.pipeline_mode<synchronous>, transform_indices = @transform_11, window_bounds = array<i64: 1, 64>}, {pipeline_mode = #tpu.pipeline_mode<synchronous>, transform_indices = @transform_12, window_bounds = array<i64: 64, 512>}, {pipeline_mode = #tpu.pipeline_mode<synchronous>, transform_indices = @transform_13, window_bounds = array<i64: 1, 512>}, {pipeline_mode = #tpu.pipeline_mode<synchronous>, transform_indices = @transform_14, window_bounds = array<i64: 512, 512>}, {pipeline_mode = #tpu.pipeline_mode<synchronous>, transform_indices = @transform_15, window_bounds = array<i64: 1, 512>}, {transform_indices = @transform_16, window_bounds = array<i64: 100, 512>}]} {
    %get3A = arith.constant 0 : index
    %get3A_0 = arith.constant 0 : index
    %get3A_1 = arith.constant 0 : index
    %get3A_2 = vector.load %arg3[%get3A, %get3A_0, %get3A_1] : memref<100x24x512xf32, #tpu.memory_space<vmem>>, vector<100x24x512xf32>
    %reshape3A = vector.shape_cast %get3A_2 : vector<100x24x512xf32> to vector<2400x512xf32>
    %get3A_3 = arith.constant 0 : index
    %get3A_4 = arith.constant 0 : index
    %get3A_5 = vector.load %arg4[%get3A_3, %get3A_4] : memref<512x512xf32, #tpu.memory_space<vmem>>, vector<512x512xf32>
    %dot_general3A = arith.constant dense<0.000000e+00> : vector<2400x512xf32>
    %dot_general3A_6 = tpu.matmul %reshape3A, %get3A_5, %dot_general3A {dimension_numbers = #tpu.dot_dimension_numbers<[1], [0], [0], [1], [0, 0, 1, 1], [], []>, transpose_lhs_hint = false} : vector<2400x512xf32>, vector<512x512xf32>, vector<2400x512xf32> -> vector<2400x512xf32>
    %get3A_7 = arith.constant 0 : index
    %get3A_8 = arith.constant 0 : index
    %get3A_9 = vector.load %arg5[%get3A_7, %get3A_8] : memref<512x512xf32, #tpu.memory_space<vmem>>, vector<512x512xf32>
    %dot_general3A_10 = arith.constant dense<0.000000e+00> : vector<2400x512xf32>
    %dot_general3A_11 = tpu.matmul %reshape3A, %get3A_9, %dot_general3A_10 {dimension_numbers = #tpu.dot_dimension_numbers<[1], [0], [0], [1], [0, 0, 1, 1], [], []>, transpose_lhs_hint = false} : vector<2400x512xf32>, vector<512x512xf32>, vector<2400x512xf32> -> vector<2400x512xf32>
    %get3A_12 = arith.constant 0 : index
    %get3A_13 = arith.constant 0 : index
    %get3A_14 = vector.load %arg1[%get3A_12, %get3A_13] : memref<100x512xf32, #tpu.memory_space<vmem>>, vector<100x512xf32>
    %get3A_15 = arith.constant 0 : index
    %get3A_16 = arith.constant 0 : index
    %get3A_17 = vector.load %arg6[%get3A_15, %get3A_16] : memref<512x512xf32, #tpu.memory_space<vmem>>, vector<512x512xf32>
    %dot_general3A_18 = arith.constant dense<0.000000e+00> : vector<100x512xf32>
    %dot_general3A_19 = tpu.matmul %get3A_14, %get3A_17, %dot_general3A_18 {dimension_numbers = #tpu.dot_dimension_numbers<[1], [0], [0], [1], [0, 0, 1, 1], [], []>, transpose_lhs_hint = false} : vector<100x512xf32>, vector<512x512xf32>, vector<100x512xf32> -> vector<100x512xf32>
    %get3A_20 = arith.constant 0 : index
    %get3A_21 = arith.constant 0 : index
    %get3A_22 = arith.constant 0 : index
    %get3A_23 = vector.load %arg2[%get3A_20, %get3A_21, %get3A_22] : memref<100x24x16xf32, #tpu.memory_space<vmem>>, vector<100x24x16xf32>
    %reshape3A_24 = vector.shape_cast %get3A_23 : vector<100x24x16xf32> to vector<2400x16xf32>
    %get3A_25 = arith.constant 0 : index
    %get3A_26 = arith.constant 0 : index
    %get3A_27 = vector.load %arg7[%get3A_25, %get3A_26] : memref<16x64xf32, #tpu.memory_space<vmem>>, vector<16x64xf32>
    %dot_general3A_28 = arith.constant dense<0.000000e+00> : vector<2400x64xf32>
    %dot_general3A_29 = tpu.matmul %reshape3A_24, %get3A_27, %dot_general3A_28 {dimension_numbers = #tpu.dot_dimension_numbers<[1], [0], [0], [1], [0, 0, 1, 1], [], []>, transpose_lhs_hint = false} : vector<2400x16xf32>, vector<16x64xf32>, vector<2400x64xf32> -> vector<2400x64xf32>
    %get3A_30 = arith.constant 0 : index
    %get3A_31 = arith.constant 0 : index
    %get3A_32 = vector.load %arg8[%get3A_30, %get3A_31] : memref<1x64xf32, #tpu.memory_space<vmem>>, vector<1x64xf32>
    %add3A = vector.broadcast %get3A_32 : vector<1x64xf32> to vector<2400x64xf32>
    %add3A_33 = arith.addf %dot_general3A_29, %add3A : vector<2400x64xf32>
    %max3A = arith.constant 0.000000e+00 : f32
    %max3A_34 = vector.broadcast %max3A : f32 to vector<2400x64xf32>
    %max3A_35 = arith.maximumf %add3A_33, %max3A_34 : vector<2400x64xf32>
    %get3A_36 = arith.constant 0 : index
    %get3A_37 = arith.constant 0 : index
    %get3A_38 = vector.load %arg9[%get3A_36, %get3A_37] : memref<64x512xf32, #tpu.memory_space<vmem>>, vector<64x512xf32>
    %dot_general3A_39 = arith.constant dense<0.000000e+00> : vector<2400x512xf32>
    %dot_general3A_40 = tpu.matmul %max3A_35, %get3A_38, %dot_general3A_39 {dimension_numbers = #tpu.dot_dimension_numbers<[1], [0], [0], [1], [0, 0, 1, 1], [], []>, transpose_lhs_hint = false} : vector<2400x64xf32>, vector<64x512xf32>, vector<2400x512xf32> -> vector<2400x512xf32>
    %get3A_41 = arith.constant 0 : index
    %get3A_42 = arith.constant 0 : index
    %get3A_43 = vector.load %arg10[%get3A_41, %get3A_42] : memref<1x512xf32, #tpu.memory_space<vmem>>, vector<1x512xf32>
    %add3A_44 = vector.broadcast %get3A_43 : vector<1x512xf32> to vector<2400x512xf32>
    %add3A_45 = arith.addf %dot_general3A_40, %add3A_44 : vector<2400x512xf32>
    %max3A_46 = arith.constant 0.000000e+00 : f32
    %max3A_47 = vector.broadcast %max3A_46 : f32 to vector<2400x512xf32>
    %max3A_48 = arith.maximumf %add3A_45, %max3A_47 : vector<2400x512xf32>
    %broadcast_in_dim3A = vector.shape_cast %dot_general3A_19 : vector<100x512xf32> to vector<100x1x512xf32>
    %broadcast_in_dim3A_49 = vector.shape_cast %broadcast_in_dim3A : vector<100x1x512xf32> to vector<100x1x512xf32>
    %broadcast_in_dim3A_50 = vector.broadcast %broadcast_in_dim3A_49 : vector<100x1x512xf32> to vector<100x24x512xf32>
    %reshape3A_51 = vector.shape_cast %broadcast_in_dim3A_50 : vector<100x24x512xf32> to vector<2400x512xf32>
    %sub3A = arith.subf %reshape3A_51, %dot_general3A_11 : vector<2400x512xf32>
    %add3A_52 = arith.addf %sub3A, %max3A_48 : vector<2400x512xf32>
    %get3A_53 = arith.constant 0 : index
    %get3A_54 = arith.constant 0 : index
    %get3A_55 = vector.load %arg11[%get3A_53, %get3A_54] : memref<512x64xf32, #tpu.memory_space<vmem>>, vector<512x64xf32>
    %dot_general3A_56 = arith.constant dense<0.000000e+00> : vector<2400x64xf32>
    %dot_general3A_57 = tpu.matmul %add3A_52, %get3A_55, %dot_general3A_56 {dimension_numbers = #tpu.dot_dimension_numbers<[1], [0], [0], [1], [0, 0, 1, 1], [], []>, transpose_lhs_hint = false} : vector<2400x512xf32>, vector<512x64xf32>, vector<2400x64xf32> -> vector<2400x64xf32>
    %get3A_58 = arith.constant 0 : index
    %get3A_59 = arith.constant 0 : index
    %get3A_60 = vector.load %arg12[%get3A_58, %get3A_59] : memref<1x64xf32, #tpu.memory_space<vmem>>, vector<1x64xf32>
    %add3A_61 = vector.broadcast %get3A_60 : vector<1x64xf32> to vector<2400x64xf32>
    %add3A_62 = arith.addf %dot_general3A_57, %add3A_61 : vector<2400x64xf32>
    %max3A_63 = arith.constant 0.000000e+00 : f32
    %max3A_64 = vector.broadcast %max3A_63 : f32 to vector<2400x64xf32>
    %max3A_65 = arith.maximumf %add3A_62, %max3A_64 : vector<2400x64xf32>
    %get3A_66 = arith.constant 0 : index
    %get3A_67 = arith.constant 0 : index
    %get3A_68 = vector.load %arg13[%get3A_66, %get3A_67] : memref<64x512xf32, #tpu.memory_space<vmem>>, vector<64x512xf32>
    %dot_general3A_69 = arith.constant dense<0.000000e+00> : vector<2400x512xf32>
    %dot_general3A_70 = tpu.matmul %max3A_65, %get3A_68, %dot_general3A_69 {dimension_numbers = #tpu.dot_dimension_numbers<[1], [0], [0], [1], [0, 0, 1, 1], [], []>, transpose_lhs_hint = false} : vector<2400x64xf32>, vector<64x512xf32>, vector<2400x512xf32> -> vector<2400x512xf32>
    %get3A_71 = arith.constant 0 : index
    %get3A_72 = arith.constant 0 : index
    %get3A_73 = vector.load %arg14[%get3A_71, %get3A_72] : memref<1x512xf32, #tpu.memory_space<vmem>>, vector<1x512xf32>
    %add3A_74 = vector.broadcast %get3A_73 : vector<1x512xf32> to vector<2400x512xf32>
    %add3A_75 = arith.addf %dot_general3A_70, %add3A_74 : vector<2400x512xf32>
    %max3A_76 = arith.constant 0.000000e+00 : f32
    %max3A_77 = vector.broadcast %max3A_76 : f32 to vector<2400x512xf32>
    %max3A_78 = arith.maximumf %add3A_75, %max3A_77 : vector<2400x512xf32>
    %reshape3A_79 = vector.shape_cast %max3A_78 : vector<2400x512xf32> to vector<100x24x512xf32>
    %iota3A = tpu.iota {dimensions = array<i32: 1>} : vector<100x24x1xi32>
    %lt3A = arith.constant 17 : i32
    %lt3A_80 = vector.broadcast %lt3A : i32 to vector<100x24x1xi32>
    %lt3A_81 = arith.cmpi slt, %iota3A, %lt3A_80 : vector<100x24x1xi32>
    %jit3A = arith.constant -1.000000e+30 : f32
    %broadcast_in_dim3A_82 = vector.shape_cast %lt3A_81 : vector<100x24x1xi1> to vector<100x24x1xi1>
    %broadcast_in_dim3A_83 = vector.broadcast %broadcast_in_dim3A_82 : vector<100x24x1xi1> to vector<100x24x512xi1>
    %broadcast_in_dim3A_84 = vector.broadcast %jit3A : f32 to vector<100x24x512xf32>
    %select_n3A = arith.select %broadcast_in_dim3A_83, %reshape3A_79, %broadcast_in_dim3A_84 : vector<100x24x512xi1>, vector<100x24x512xf32>
    %reduce_max3A = arith.constant dense<0xFF800000> : vector<100x512xf32>
    %reduce_max3A_85 = vector.multi_reduction <maximumf>, %select_n3A, %reduce_max3A [1] : vector<100x24x512xf32> to vector<100x512xf32>
    %broadcast_in_dim3A_86 = vector.shape_cast %reduce_max3A_85 : vector<100x512xf32> to vector<100x1x512xf32>
    %sub3A_87 = vector.broadcast %broadcast_in_dim3A_86 : vector<100x1x512xf32> to vector<100x24x512xf32>
    %sub3A_88 = arith.subf %select_n3A, %sub3A_87 : vector<100x24x512xf32>
    %exp3A = math.exp %sub3A_88 : vector<100x24x512xf32>
    %reduce_sum3A = arith.constant dense<0.000000e+00> : vector<100x512xf32>
    %reduce_sum3A_89 = vector.multi_reduction <add>, %exp3A, %reduce_sum3A [1] : vector<100x24x512xf32> to vector<100x512xf32>
    %broadcast_in_dim3A_90 = vector.shape_cast %reduce_sum3A_89 : vector<100x512xf32> to vector<100x1x512xf32>
    %add3A_91 = arith.constant 1.000000e-16 : f32
    %add3A_92 = vector.broadcast %add3A_91 : f32 to vector<100x1x512xf32>
    %add3A_93 = arith.addf %broadcast_in_dim3A_90, %add3A_92 : vector<100x1x512xf32>
    %div3A = vector.broadcast %add3A_93 : vector<100x1x512xf32> to vector<100x24x512xf32>
    %div3A_94 = arith.divf %exp3A, %div3A : vector<100x24x512xf32>
    %add3A_95 = arith.addf %dot_general3A_6, %max3A_48 : vector<2400x512xf32>
    %reshape3A_96 = vector.shape_cast %add3A_95 : vector<2400x512xf32> to vector<100x24x512xf32>
    %mul3A = arith.mulf %div3A_94, %reshape3A_96 : vector<100x24x512xf32>
    %reduce_sum3A_97 = arith.constant dense<0.000000e+00> : vector<100x512xf32>
    %reduce_sum3A_98 = vector.multi_reduction <add>, %mul3A, %reduce_sum3A_97 [1] : vector<100x24x512xf32> to vector<100x512xf32>
    %get3A_99 = arith.constant 0 : index
    %get3A_100 = arith.constant 0 : index
    %get3A_101 = vector.load %arg15[%get3A_99, %get3A_100] : memref<512x512xf32, #tpu.memory_space<vmem>>, vector<512x512xf32>
    %dot_general3A_102 = arith.constant dense<0.000000e+00> : vector<100x512xf32>
    %dot_general3A_103 = tpu.matmul %reduce_sum3A_98, %get3A_101, %dot_general3A_102 {dimension_numbers = #tpu.dot_dimension_numbers<[1], [0], [0], [1], [0, 0, 1, 1], [], []>, transpose_lhs_hint = false} : vector<100x512xf32>, vector<512x512xf32>, vector<100x512xf32> -> vector<100x512xf32>
    %get3A_104 = arith.constant 0 : index
    %get3A_105 = arith.constant 0 : index
    %get3A_106 = vector.load %arg16[%get3A_104, %get3A_105] : memref<1x512xf32, #tpu.memory_space<vmem>>, vector<1x512xf32>
    %add3A_107 = vector.broadcast %get3A_106 : vector<1x512xf32> to vector<100x512xf32>
    %add3A_108 = arith.addf %dot_general3A_103, %add3A_107 : vector<100x512xf32>
    %max3A_109 = arith.constant 0.000000e+00 : f32
    %max3A_110 = vector.broadcast %max3A_109 : f32 to vector<100x512xf32>
    %max3A_111 = arith.maximumf %add3A_108, %max3A_110 : vector<100x512xf32>
    %swap3A = arith.constant 0 : index
    %swap3A_112 = arith.constant 0 : index
    %swap3A_113 = vector.load %arg17[%swap3A, %swap3A_112] : memref<100x512xf32, #tpu.memory_space<vmem>>, vector<100x512xf32>
    tpu.vector_store %arg17[%swap3A, %swap3A_112], %max3A_111 {strides = array<i32>} : memref<100x512xf32, #tpu.memory_space<vmem>>, vector<100x512xf32>,
    return
  }
  func.func @transform_0(%arg0: i32) -> (i32, i32) {
    %c0_i32 = arith.constant 0 : i32
    %c0_i32_0 = arith.constant 0 : i32
    return %arg0, %c0_i32 : i32, i32
  }
  func.func @transform_1(%arg0: i32) -> (i32, i32, i32) {
    %c0_i32 = arith.constant 0 : i32
    %c0_i32_0 = arith.constant 0 : i32
    %c0_i32_1 = arith.constant 0 : i32
    return %arg0, %c0_i32, %c0_i32_0 : i32, i32, i32
  }
  func.func @transform_2(%arg0: i32) -> (i32, i32, i32) {
    %c0_i32 = arith.constant 0 : i32
    %c0_i32_0 = arith.constant 0 : i32
    %c0_i32_1 = arith.constant 0 : i32
    return %arg0, %c0_i32, %c0_i32_0 : i32, i32, i32
  }
  func.func @transform_3(%arg0: i32) -> (i32, i32) {
    %c0_i32 = arith.constant 0 : i32
    %c0_i32_0 = arith.constant 0 : i32
    %c0_i32_1 = arith.constant 0 : i32
    return %c0_i32, %c0_i32_0 : i32, i32
  }
  func.func @transform_4(%arg0: i32) -> (i32, i32) {
    %c0_i32 = arith.constant 0 : i32
    %c0_i32_0 = arith.constant 0 : i32
    %c0_i32_1 = arith.constant 0 : i32
    return %c0_i32, %c0_i32_0 : i32, i32
  }
  func.func @transform_5(%arg0: i32) -> (i32, i32) {
    %c0_i32 = arith.constant 0 : i32
    %c0_i32_0 = arith.constant 0 : i32
    %c0_i32_1 = arith.constant 0 : i32
    return %c0_i32, %c0_i32_0 : i32, i32
  }
  func.func @transform_6(%arg0: i32) -> (i32, i32) {
    %c0_i32 = arith.constant 0 : i32
    %c0_i32_0 = arith.constant 0 : i32
    %c0_i32_1 = arith.constant 0 : i32
    return %c0_i32, %c0_i32_0 : i32, i32
  }
  func.func @transform_7(%arg0: i32) -> (i32, i32) {
    %c0_i32 = arith.constant 0 : i32
    %c0_i32_0 = arith.constant 0 : i32
    %c0_i32_1 = arith.constant 0 : i32
    return %c0_i32, %c0_i32_0 : i32, i32
  }
  func.func @transform_8(%arg0: i32) -> (i32, i32) {
    %c0_i32 = arith.constant 0 : i32
    %c0_i32_0 = arith.constant 0 : i32
    %c0_i32_1 = arith.constant 0 : i32
    return %c0_i32, %c0_i32_0 : i32, i32
  }
  func.func @transform_9(%arg0: i32) -> (i32, i32) {
    %c0_i32 = arith.constant 0 : i32
    %c0_i32_0 = arith.constant 0 : i32
    %c0_i32_1 = arith.constant 0 : i32
    return %c0_i32, %c0_i32_0 : i32, i32
  }
  func.func @transform_10(%arg0: i32) -> (i32, i32) {
    %c0_i32 = arith.constant 0 : i32
    %c0_i32_0 = arith.constant 0 : i32
    %c0_i32_1 = arith.constant 0 : i32
    return %c0_i32, %c0_i32_0 : i32, i32
  }
  func.func @transform_11(%arg0: i32) -> (i32, i32) {
    %c0_i32 = arith.constant 0 : i32
    %c0_i32_0 = arith.constant 0 : i32
    %c0_i32_1 = arith.constant 0 : i32
    return %c0_i32, %c0_i32_0 : i32, i32
  }
  func.func @transform_12(%arg0: i32) -> (i32, i32) {
    %c0_i32 = arith.constant 0 : i32
    %c0_i32_0 = arith.constant 0 : i32
    %c0_i32_1 = arith.constant 0 : i32
    return %c0_i32, %c0_i32_0 : i32, i32
  }
  func.func @transform_13(%arg0: i32) -> (i32, i32) {
    %c0_i32 = arith.constant 0 : i32
    %c0_i32_0 = arith.constant 0 : i32
    %c0_i32_1 = arith.constant 0 : i32
    return %c0_i32, %c0_i32_0 : i32, i32
  }
  func.func @transform_14(%arg0: i32) -> (i32, i32) {
    %c0_i32 = arith.constant 0 : i32
    %c0_i32_0 = arith.constant 0 : i32
    %c0_i32_1 = arith.constant 0 : i32
    return %c0_i32, %c0_i32_0 : i32, i32
  }
  func.func @transform_15(%arg0: i32) -> (i32, i32) {
    %c0_i32 = arith.constant 0 : i32
    %c0_i32_0 = arith.constant 0 : i32
    %c0_i32_1 = arith.constant 0 : i32
    return %c0_i32, %c0_i32_0 : i32, i32
  }
  func.func @transform_16(%arg0: i32) -> (i32, i32) {
    %c0_i32 = arith.constant 0 : i32
    %c0_i32_0 = arith.constant 0 : i32
    return %arg0, %c0_i32 : i32, i32
  }
}

module attributes {stable_mosaic.version = 14 : i64} {
  func.func @_knn_body(%arg0: i32, %arg1: memref<200x8xf32, #tpu.memory_space<vmem>>, %arg2: memref<8x128xf32, #tpu.memory_space<vmem>>, %arg3: memref<1x128xf32, #tpu.memory_space<vmem>>, %arg4: memref<200x3xi32, #tpu.memory_space<vmem>>, %arg5: memref<200x3xf32, #tpu.memory_space<vmem>>) attributes {dimension_semantics = [#tpu.dimension_semantics<arbitrary>], iteration_bounds = array<i64: 5>, scalar_prefetch = 0 : i64, scratch_operands = 0 : i64, tpu.core_type = #tpu.core_type<tc>, window_params = [{transform_indices = @transform_0, window_bounds = array<i64: 200, 8>}, {pipeline_mode = #tpu.pipeline_mode<synchronous>, transform_indices = @transform_1, window_bounds = array<i64: 8, 128>}, {pipeline_mode = #tpu.pipeline_mode<synchronous>, transform_indices = @transform_2, window_bounds = array<i64: 1, 128>}, {transform_indices = @transform_3, window_bounds = array<i64: 200, 3>}, {transform_indices = @transform_4, window_bounds = array<i64: 200, 3>}]} {
    %get3A = arith.constant 0 : index
    %get3A_0 = arith.constant 0 : index
    %get3A_1 = vector.load %arg1[%get3A, %get3A_0] : memref<200x8xf32, #tpu.memory_space<vmem>>, vector<200x8xf32>
    %mul3A = arith.mulf %get3A_1, %get3A_1 : vector<200x8xf32>
    %reduce_sum3A = arith.constant dense<0.000000e+00> : vector<200xf32>
    %reduce_sum3A_2 = vector.multi_reduction <add>, %mul3A, %reduce_sum3A [1] : vector<200x8xf32> to vector<200xf32>
    %broadcast_in_dim3A = vector.shape_cast %reduce_sum3A_2 : vector<200xf32> to vector<200x1xf32>
    %get3A_3 = arith.constant 0 : index
    %get3A_4 = arith.constant 0 : index
    %get3A_5 = vector.load %arg2[%get3A_3, %get3A_4] : memref<8x128xf32, #tpu.memory_space<vmem>>, vector<8x128xf32>
    %dot_general3A = arith.constant dense<0.000000e+00> : vector<200x128xf32>
    %dot_general3A_6 = tpu.matmul %get3A_1, %get3A_5, %dot_general3A {dimension_numbers = #tpu.dot_dimension_numbers<[1], [0], [0], [1], [0, 0, 1, 1], [], []>, transpose_lhs_hint = false} : vector<200x8xf32>, vector<8x128xf32>, vector<200x128xf32> -> vector<200x128xf32>
    %iota3A = tpu.iota {dimensions = array<i32: 1>} : vector<200x128xi32>
    %get3A_7 = arith.constant 0 : index
    %get3A_8 = arith.constant 0 : index
    %get3A_9 = vector.load %arg3[%get3A_7, %get3A_8] : memref<1x128xf32, #tpu.memory_space<vmem>>, vector<1x128xf32>
    %add3A = vector.broadcast %broadcast_in_dim3A : vector<200x1xf32> to vector<200x128xf32>
    %add3A_10 = vector.broadcast %get3A_9 : vector<1x128xf32> to vector<200x128xf32>
    %add3A_11 = arith.addf %add3A, %add3A_10 : vector<200x128xf32>
    %mul3A_12 = arith.constant 2.000000e+00 : f32
    %mul3A_13 = vector.broadcast %mul3A_12 : f32 to vector<200x128xf32>
    %mul3A_14 = arith.mulf %mul3A_13, %dot_general3A_6 : vector<200x128xf32>
    %sub3A = arith.subf %add3A_11, %mul3A_14 : vector<200x128xf32>
    %reduce_min3A = arith.constant dense<0x7F800000> : vector<200xf32>
    %reduce_min3A_15 = vector.multi_reduction <minimumf>, %sub3A, %reduce_min3A [1] : vector<200x128xf32> to vector<200xf32>
    %broadcast_in_dim3A_16 = vector.shape_cast %reduce_min3A_15 : vector<200xf32> to vector<200x1xf32>
    %eq3A = vector.broadcast %broadcast_in_dim3A_16 : vector<200x1xf32> to vector<200x128xf32>
    %eq3A_17 = arith.cmpf oeq, %sub3A, %eq3A : vector<200x128xf32>
    %jit3A = arith.constant 2147483647 : i32
    %broadcast_in_dim3A_18 = vector.broadcast %jit3A : i32 to vector<200x128xi32>
    %select_n3A = arith.select %eq3A_17, %iota3A, %broadcast_in_dim3A_18 : vector<200x128xi1>, vector<200x128xi32>
    %reduce_min3A_19 = arith.constant dense<2147483647> : vector<200xi32>
    %reduce_min3A_20 = vector.multi_reduction <minsi>, %select_n3A, %reduce_min3A_19 [1] : vector<200x128xi32> to vector<200xi32>
    %broadcast_in_dim3A_21 = vector.shape_cast %reduce_min3A_20 : vector<200xi32> to vector<200x1xi32>
    %swap3A = arith.constant 0 : index
    %swap3A_22 = arith.constant 0 : index
    %swap3A_23 = vector.load %arg4[%swap3A, %swap3A_22] : memref<200x3xi32, #tpu.memory_space<vmem>>, vector<200x1xi32>
    tpu.vector_store %arg4[%swap3A, %swap3A_22], %broadcast_in_dim3A_21 {strides = array<i32>} : memref<200x3xi32, #tpu.memory_space<vmem>>, vector<200x1xi32>,
    %swap3A_24 = arith.constant 0 : index
    %swap3A_25 = arith.constant 0 : index
    %swap3A_26 = vector.load %arg5[%swap3A_24, %swap3A_25] : memref<200x3xf32, #tpu.memory_space<vmem>>, vector<200x1xf32>
    tpu.vector_store %arg5[%swap3A_24, %swap3A_25], %broadcast_in_dim3A_16 {strides = array<i32>} : memref<200x3xf32, #tpu.memory_space<vmem>>, vector<200x1xf32>,
    %eq3A_27 = vector.broadcast %broadcast_in_dim3A_21 : vector<200x1xi32> to vector<200x128xi32>
    %eq3A_28 = arith.cmpi eq, %iota3A, %eq3A_27 : vector<200x128xi32>
    %jit3A_29 = arith.constant 3.000000e+38 : f32
    %broadcast_in_dim3A_30 = vector.broadcast %jit3A_29 : f32 to vector<200x128xf32>
    %select_n3A_31 = arith.select %eq3A_28, %broadcast_in_dim3A_30, %sub3A : vector<200x128xi1>, vector<200x128xf32>
    %reduce_min3A_32 = arith.constant dense<0x7F800000> : vector<200xf32>
    %reduce_min3A_33 = vector.multi_reduction <minimumf>, %select_n3A_31, %reduce_min3A_32 [1] : vector<200x128xf32> to vector<200xf32>
    %broadcast_in_dim3A_34 = vector.shape_cast %reduce_min3A_33 : vector<200xf32> to vector<200x1xf32>
    %eq3A_35 = vector.broadcast %broadcast_in_dim3A_34 : vector<200x1xf32> to vector<200x128xf32>
    %eq3A_36 = arith.cmpf oeq, %select_n3A_31, %eq3A_35 : vector<200x128xf32>
    %jit3A_37 = arith.constant 2147483647 : i32
    %broadcast_in_dim3A_38 = vector.broadcast %jit3A_37 : i32 to vector<200x128xi32>
    %select_n3A_39 = arith.select %eq3A_36, %iota3A, %broadcast_in_dim3A_38 : vector<200x128xi1>, vector<200x128xi32>
    %reduce_min3A_40 = arith.constant dense<2147483647> : vector<200xi32>
    %reduce_min3A_41 = vector.multi_reduction <minsi>, %select_n3A_39, %reduce_min3A_40 [1] : vector<200x128xi32> to vector<200xi32>
    %broadcast_in_dim3A_42 = vector.shape_cast %reduce_min3A_41 : vector<200xi32> to vector<200x1xi32>
    %swap3A_43 = arith.constant 0 : index
    %swap3A_44 = arith.constant 1 : index
    %swap3A_45 = vector.load %arg4[%swap3A_43, %swap3A_44] : memref<200x3xi32, #tpu.memory_space<vmem>>, vector<200x1xi32>
    tpu.vector_store %arg4[%swap3A_43, %swap3A_44], %broadcast_in_dim3A_42 {strides = array<i32>} : memref<200x3xi32, #tpu.memory_space<vmem>>, vector<200x1xi32>,
    %swap3A_46 = arith.constant 0 : index
    %swap3A_47 = arith.constant 1 : index
    %swap3A_48 = vector.load %arg5[%swap3A_46, %swap3A_47] : memref<200x3xf32, #tpu.memory_space<vmem>>, vector<200x1xf32>
    tpu.vector_store %arg5[%swap3A_46, %swap3A_47], %broadcast_in_dim3A_34 {strides = array<i32>} : memref<200x3xf32, #tpu.memory_space<vmem>>, vector<200x1xf32>,
    %eq3A_49 = vector.broadcast %broadcast_in_dim3A_42 : vector<200x1xi32> to vector<200x128xi32>
    %eq3A_50 = arith.cmpi eq, %iota3A, %eq3A_49 : vector<200x128xi32>
    %jit3A_51 = arith.constant 3.000000e+38 : f32
    %broadcast_in_dim3A_52 = vector.broadcast %jit3A_51 : f32 to vector<200x128xf32>
    %select_n3A_53 = arith.select %eq3A_50, %broadcast_in_dim3A_52, %select_n3A_31 : vector<200x128xi1>, vector<200x128xf32>
    %reduce_min3A_54 = arith.constant dense<0x7F800000> : vector<200xf32>
    %reduce_min3A_55 = vector.multi_reduction <minimumf>, %select_n3A_53, %reduce_min3A_54 [1] : vector<200x128xf32> to vector<200xf32>
    %broadcast_in_dim3A_56 = vector.shape_cast %reduce_min3A_55 : vector<200xf32> to vector<200x1xf32>
    %eq3A_57 = vector.broadcast %broadcast_in_dim3A_56 : vector<200x1xf32> to vector<200x128xf32>
    %eq3A_58 = arith.cmpf oeq, %select_n3A_53, %eq3A_57 : vector<200x128xf32>
    %jit3A_59 = arith.constant 2147483647 : i32
    %broadcast_in_dim3A_60 = vector.broadcast %jit3A_59 : i32 to vector<200x128xi32>
    %select_n3A_61 = arith.select %eq3A_58, %iota3A, %broadcast_in_dim3A_60 : vector<200x128xi1>, vector<200x128xi32>
    %reduce_min3A_62 = arith.constant dense<2147483647> : vector<200xi32>
    %reduce_min3A_63 = vector.multi_reduction <minsi>, %select_n3A_61, %reduce_min3A_62 [1] : vector<200x128xi32> to vector<200xi32>
    %broadcast_in_dim3A_64 = vector.shape_cast %reduce_min3A_63 : vector<200xi32> to vector<200x1xi32>
    %swap3A_65 = arith.constant 0 : index
    %swap3A_66 = arith.constant 2 : index
    %swap3A_67 = vector.load %arg4[%swap3A_65, %swap3A_66] : memref<200x3xi32, #tpu.memory_space<vmem>>, vector<200x1xi32>
    tpu.vector_store %arg4[%swap3A_65, %swap3A_66], %broadcast_in_dim3A_64 {strides = array<i32>} : memref<200x3xi32, #tpu.memory_space<vmem>>, vector<200x1xi32>,
    %swap3A_68 = arith.constant 0 : index
    %swap3A_69 = arith.constant 2 : index
    %swap3A_70 = vector.load %arg5[%swap3A_68, %swap3A_69] : memref<200x3xf32, #tpu.memory_space<vmem>>, vector<200x1xf32>
    tpu.vector_store %arg5[%swap3A_68, %swap3A_69], %broadcast_in_dim3A_56 {strides = array<i32>} : memref<200x3xf32, #tpu.memory_space<vmem>>, vector<200x1xf32>,
    return
  }
  func.func @transform_0(%arg0: i32) -> (i32, i32) {
    %c0_i32 = arith.constant 0 : i32
    %c0_i32_0 = arith.constant 0 : i32
    return %arg0, %c0_i32 : i32, i32
  }
  func.func @transform_1(%arg0: i32) -> (i32, i32) {
    %c0_i32 = arith.constant 0 : i32
    %c0_i32_0 = arith.constant 0 : i32
    %c0_i32_1 = arith.constant 0 : i32
    return %c0_i32, %c0_i32_0 : i32, i32
  }
  func.func @transform_2(%arg0: i32) -> (i32, i32) {
    %c0_i32 = arith.constant 0 : i32
    %c0_i32_0 = arith.constant 0 : i32
    %c0_i32_1 = arith.constant 0 : i32
    return %c0_i32, %c0_i32_0 : i32, i32
  }
  func.func @transform_3(%arg0: i32) -> (i32, i32) {
    %c0_i32 = arith.constant 0 : i32
    %c0_i32_0 = arith.constant 0 : i32
    return %arg0, %c0_i32 : i32, i32
  }
  func.func @transform_4(%arg0: i32) -> (i32, i32) {
    %c0_i32 = arith.constant 0 : i32
    %c0_i32_0 = arith.constant 0 : i32
    return %arg0, %c0_i32 : i32, i32
  }
}

module attributes {stable_mosaic.version = 14 : i64} {
  func.func @_knn_body(%arg0: i32, %arg1: memref<128x8xf32, #tpu.memory_space<vmem>>, %arg2: memref<8x1024xf32, #tpu.memory_space<vmem>>, %arg3: memref<1x1024xf32, #tpu.memory_space<vmem>>, %arg4: memref<128x3xi32, #tpu.memory_space<vmem>>, %arg5: memref<128x3xf32, #tpu.memory_space<vmem>>) attributes {dimension_semantics = [#tpu.dimension_semantics<arbitrary>], iteration_bounds = array<i64: 79>, scalar_prefetch = 0 : i64, scratch_operands = 0 : i64, tpu.core_type = #tpu.core_type<tc>, window_params = [{transform_indices = @transform_0, window_bounds = array<i64: 128, 8>}, {pipeline_mode = #tpu.pipeline_mode<synchronous>, transform_indices = @transform_1, window_bounds = array<i64: 8, 1024>}, {pipeline_mode = #tpu.pipeline_mode<synchronous>, transform_indices = @transform_2, window_bounds = array<i64: 1, 1024>}, {transform_indices = @transform_3, window_bounds = array<i64: 128, 3>}, {transform_indices = @transform_4, window_bounds = array<i64: 128, 3>}]} {
    %get3A = arith.constant 0 : index
    %get3A_0 = arith.constant 0 : index
    %get3A_1 = vector.load %arg1[%get3A, %get3A_0] : memref<128x8xf32, #tpu.memory_space<vmem>>, vector<128x8xf32>
    %mul3A = arith.mulf %get3A_1, %get3A_1 : vector<128x8xf32>
    %reduce_sum3A = arith.constant dense<0.000000e+00> : vector<128xf32>
    %reduce_sum3A_2 = vector.multi_reduction <add>, %mul3A, %reduce_sum3A [1] : vector<128x8xf32> to vector<128xf32>
    %broadcast_in_dim3A = vector.shape_cast %reduce_sum3A_2 : vector<128xf32> to vector<128x1xf32>
    %get3A_3 = arith.constant 0 : index
    %get3A_4 = arith.constant 0 : index
    %get3A_5 = vector.load %arg2[%get3A_3, %get3A_4] : memref<8x1024xf32, #tpu.memory_space<vmem>>, vector<8x1024xf32>
    %dot_general3A = arith.constant dense<0.000000e+00> : vector<128x1024xf32>
    %dot_general3A_6 = tpu.matmul %get3A_1, %get3A_5, %dot_general3A {dimension_numbers = #tpu.dot_dimension_numbers<[1], [0], [0], [1], [0, 0, 1, 1], [], []>, transpose_lhs_hint = false} : vector<128x8xf32>, vector<8x1024xf32>, vector<128x1024xf32> -> vector<128x1024xf32>
    %iota3A = tpu.iota {dimensions = array<i32: 1>} : vector<128x1024xi32>
    %get3A_7 = arith.constant 0 : index
    %get3A_8 = arith.constant 0 : index
    %get3A_9 = vector.load %arg3[%get3A_7, %get3A_8] : memref<1x1024xf32, #tpu.memory_space<vmem>>, vector<1x1024xf32>
    %add3A = vector.broadcast %broadcast_in_dim3A : vector<128x1xf32> to vector<128x1024xf32>
    %add3A_10 = vector.broadcast %get3A_9 : vector<1x1024xf32> to vector<128x1024xf32>
    %add3A_11 = arith.addf %add3A, %add3A_10 : vector<128x1024xf32>
    %mul3A_12 = arith.constant 2.000000e+00 : f32
    %mul3A_13 = vector.broadcast %mul3A_12 : f32 to vector<128x1024xf32>
    %mul3A_14 = arith.mulf %mul3A_13, %dot_general3A_6 : vector<128x1024xf32>
    %sub3A = arith.subf %add3A_11, %mul3A_14 : vector<128x1024xf32>
    %reduce_min3A = arith.constant dense<0x7F800000> : vector<128xf32>
    %reduce_min3A_15 = vector.multi_reduction <minimumf>, %sub3A, %reduce_min3A [1] : vector<128x1024xf32> to vector<128xf32>
    %broadcast_in_dim3A_16 = vector.shape_cast %reduce_min3A_15 : vector<128xf32> to vector<128x1xf32>
    %eq3A = vector.broadcast %broadcast_in_dim3A_16 : vector<128x1xf32> to vector<128x1024xf32>
    %eq3A_17 = arith.cmpf oeq, %sub3A, %eq3A : vector<128x1024xf32>
    %jit3A = arith.constant 2147483647 : i32
    %broadcast_in_dim3A_18 = vector.broadcast %jit3A : i32 to vector<128x1024xi32>
    %select_n3A = arith.select %eq3A_17, %iota3A, %broadcast_in_dim3A_18 : vector<128x1024xi1>, vector<128x1024xi32>
    %reduce_min3A_19 = arith.constant dense<2147483647> : vector<128xi32>
    %reduce_min3A_20 = vector.multi_reduction <minsi>, %select_n3A, %reduce_min3A_19 [1] : vector<128x1024xi32> to vector<128xi32>
    %broadcast_in_dim3A_21 = vector.shape_cast %reduce_min3A_20 : vector<128xi32> to vector<128x1xi32>
    %swap3A = arith.constant 0 : index
    %swap3A_22 = arith.constant 0 : index
    %swap3A_23 = vector.load %arg4[%swap3A, %swap3A_22] : memref<128x3xi32, #tpu.memory_space<vmem>>, vector<128x1xi32>
    tpu.vector_store %arg4[%swap3A, %swap3A_22], %broadcast_in_dim3A_21 {strides = array<i32>} : memref<128x3xi32, #tpu.memory_space<vmem>>, vector<128x1xi32>,
    %swap3A_24 = arith.constant 0 : index
    %swap3A_25 = arith.constant 0 : index
    %swap3A_26 = vector.load %arg5[%swap3A_24, %swap3A_25] : memref<128x3xf32, #tpu.memory_space<vmem>>, vector<128x1xf32>
    tpu.vector_store %arg5[%swap3A_24, %swap3A_25], %broadcast_in_dim3A_16 {strides = array<i32>} : memref<128x3xf32, #tpu.memory_space<vmem>>, vector<128x1xf32>,
    %eq3A_27 = vector.broadcast %broadcast_in_dim3A_21 : vector<128x1xi32> to vector<128x1024xi32>
    %eq3A_28 = arith.cmpi eq, %iota3A, %eq3A_27 : vector<128x1024xi32>
    %jit3A_29 = arith.constant 3.000000e+38 : f32
    %broadcast_in_dim3A_30 = vector.broadcast %jit3A_29 : f32 to vector<128x1024xf32>
    %select_n3A_31 = arith.select %eq3A_28, %broadcast_in_dim3A_30, %sub3A : vector<128x1024xi1>, vector<128x1024xf32>
    %reduce_min3A_32 = arith.constant dense<0x7F800000> : vector<128xf32>
    %reduce_min3A_33 = vector.multi_reduction <minimumf>, %select_n3A_31, %reduce_min3A_32 [1] : vector<128x1024xf32> to vector<128xf32>
    %broadcast_in_dim3A_34 = vector.shape_cast %reduce_min3A_33 : vector<128xf32> to vector<128x1xf32>
    %eq3A_35 = vector.broadcast %broadcast_in_dim3A_34 : vector<128x1xf32> to vector<128x1024xf32>
    %eq3A_36 = arith.cmpf oeq, %select_n3A_31, %eq3A_35 : vector<128x1024xf32>
    %jit3A_37 = arith.constant 2147483647 : i32
    %broadcast_in_dim3A_38 = vector.broadcast %jit3A_37 : i32 to vector<128x1024xi32>
    %select_n3A_39 = arith.select %eq3A_36, %iota3A, %broadcast_in_dim3A_38 : vector<128x1024xi1>, vector<128x1024xi32>
    %reduce_min3A_40 = arith.constant dense<2147483647> : vector<128xi32>
    %reduce_min3A_41 = vector.multi_reduction <minsi>, %select_n3A_39, %reduce_min3A_40 [1] : vector<128x1024xi32> to vector<128xi32>
    %broadcast_in_dim3A_42 = vector.shape_cast %reduce_min3A_41 : vector<128xi32> to vector<128x1xi32>
    %swap3A_43 = arith.constant 0 : index
    %swap3A_44 = arith.constant 1 : index
    %swap3A_45 = vector.load %arg4[%swap3A_43, %swap3A_44] : memref<128x3xi32, #tpu.memory_space<vmem>>, vector<128x1xi32>
    tpu.vector_store %arg4[%swap3A_43, %swap3A_44], %broadcast_in_dim3A_42 {strides = array<i32>} : memref<128x3xi32, #tpu.memory_space<vmem>>, vector<128x1xi32>,
    %swap3A_46 = arith.constant 0 : index
    %swap3A_47 = arith.constant 1 : index
    %swap3A_48 = vector.load %arg5[%swap3A_46, %swap3A_47] : memref<128x3xf32, #tpu.memory_space<vmem>>, vector<128x1xf32>
    tpu.vector_store %arg5[%swap3A_46, %swap3A_47], %broadcast_in_dim3A_34 {strides = array<i32>} : memref<128x3xf32, #tpu.memory_space<vmem>>, vector<128x1xf32>,
    %eq3A_49 = vector.broadcast %broadcast_in_dim3A_42 : vector<128x1xi32> to vector<128x1024xi32>
    %eq3A_50 = arith.cmpi eq, %iota3A, %eq3A_49 : vector<128x1024xi32>
    %jit3A_51 = arith.constant 3.000000e+38 : f32
    %broadcast_in_dim3A_52 = vector.broadcast %jit3A_51 : f32 to vector<128x1024xf32>
    %select_n3A_53 = arith.select %eq3A_50, %broadcast_in_dim3A_52, %select_n3A_31 : vector<128x1024xi1>, vector<128x1024xf32>
    %reduce_min3A_54 = arith.constant dense<0x7F800000> : vector<128xf32>
    %reduce_min3A_55 = vector.multi_reduction <minimumf>, %select_n3A_53, %reduce_min3A_54 [1] : vector<128x1024xf32> to vector<128xf32>
    %broadcast_in_dim3A_56 = vector.shape_cast %reduce_min3A_55 : vector<128xf32> to vector<128x1xf32>
    %eq3A_57 = vector.broadcast %broadcast_in_dim3A_56 : vector<128x1xf32> to vector<128x1024xf32>
    %eq3A_58 = arith.cmpf oeq, %select_n3A_53, %eq3A_57 : vector<128x1024xf32>
    %jit3A_59 = arith.constant 2147483647 : i32
    %broadcast_in_dim3A_60 = vector.broadcast %jit3A_59 : i32 to vector<128x1024xi32>
    %select_n3A_61 = arith.select %eq3A_58, %iota3A, %broadcast_in_dim3A_60 : vector<128x1024xi1>, vector<128x1024xi32>
    %reduce_min3A_62 = arith.constant dense<2147483647> : vector<128xi32>
    %reduce_min3A_63 = vector.multi_reduction <minsi>, %select_n3A_61, %reduce_min3A_62 [1] : vector<128x1024xi32> to vector<128xi32>
    %broadcast_in_dim3A_64 = vector.shape_cast %reduce_min3A_63 : vector<128xi32> to vector<128x1xi32>
    %swap3A_65 = arith.constant 0 : index
    %swap3A_66 = arith.constant 2 : index
    %swap3A_67 = vector.load %arg4[%swap3A_65, %swap3A_66] : memref<128x3xi32, #tpu.memory_space<vmem>>, vector<128x1xi32>
    tpu.vector_store %arg4[%swap3A_65, %swap3A_66], %broadcast_in_dim3A_64 {strides = array<i32>} : memref<128x3xi32, #tpu.memory_space<vmem>>, vector<128x1xi32>,
    %swap3A_68 = arith.constant 0 : index
    %swap3A_69 = arith.constant 2 : index
    %swap3A_70 = vector.load %arg5[%swap3A_68, %swap3A_69] : memref<128x3xf32, #tpu.memory_space<vmem>>, vector<128x1xf32>
    tpu.vector_store %arg5[%swap3A_68, %swap3A_69], %broadcast_in_dim3A_56 {strides = array<i32>} : memref<128x3xf32, #tpu.memory_space<vmem>>, vector<128x1xf32>,
    return
  }
  func.func @transform_0(%arg0: i32) -> (i32, i32) {
    %c0_i32 = arith.constant 0 : i32
    %c0_i32_0 = arith.constant 0 : i32
    return %arg0, %c0_i32 : i32, i32
  }
  func.func @transform_1(%arg0: i32) -> (i32, i32) {
    %c0_i32 = arith.constant 0 : i32
    %c0_i32_0 = arith.constant 0 : i32
    %c0_i32_1 = arith.constant 0 : i32
    return %c0_i32, %c0_i32_0 : i32, i32
  }
  func.func @transform_2(%arg0: i32) -> (i32, i32) {
    %c0_i32 = arith.constant 0 : i32
    %c0_i32_0 = arith.constant 0 : i32
    %c0_i32_1 = arith.constant 0 : i32
    return %c0_i32, %c0_i32_0 : i32, i32
  }
  func.func @transform_3(%arg0: i32) -> (i32, i32) {
    %c0_i32 = arith.constant 0 : i32
    %c0_i32_0 = arith.constant 0 : i32
    return %arg0, %c0_i32 : i32, i32
  }
  func.func @transform_4(%arg0: i32) -> (i32, i32) {
    %c0_i32 = arith.constant 0 : i32
    %c0_i32_0 = arith.constant 0 : i32
    return %arg0, %c0_i32 : i32, i32
  }
}

</mosaic_0001>

<sc_bundles>
// kernel: kernel.23.cloned.1.call-start
scs
__scs_entry_jumppad:
0x0: {  	(pc) =	sbr.rel $0x88, $3  }
0x1: {  	(tag) =	ssettag $0x0;
	lr =	simm.s32 $0x1  }
0x2: {  	[smem:$0x3F21] =	sst lr;
	_ =	strace $0xD0000000  }
0x3: {  	_ = 	snop  }
0x4: {  	_ = 	snop  }
0x5: {  	_ = 	snop  }
0x6: {  	_ = 	snop  }
0x7: {  	_ = 	snop  }
__scs_overlays_trampoline_lowered:
0x8: {  	[smem:$0x3F30] =	sst s0  }
0x9: {  	[smem:$0x3F31] =	sst s1  }
0xa: {  	[smem:$0x3F32] =	sst s2  }
0xb: {  	[smem:$0x3F33] =	sst s3  }
0xc: {  	[smem:$0x3F34] =	sst s4  }
0xd: {  	[smem:$0x3F35] =	sst s5  }
0xe: {  	[smem:$0x3F36] =	sst s6  }
0xf: {  	[smem:$0x3F37] =	sst s7  }
0x10: {  	[smem:$0x3F38] =	sst s8  }
0x11: {  	[smem:$0x3F39] =	sst s9;
	s0 =	simm.s32 @!p0 $0x0  }
0x12: {  	s1 =	sld [smem:$0x3F1F];
	s0 =	simm.s32 @p0 $0x1  }
0x13: {  	[smem:$0x3F3A] =	sst s0;
	s0 =	simm.s32 @!p1 $0x0  }
0x14: {  	s2 =	sld [smem:$0x3F1E];
	s0 =	simm.s32 @p1 $0x1  }
0x15: {  	[smem:$0x3F3B] =	sst s0;
	s0 =	simm.s32 @!p2 $0x0  }
0x16: {  	s3 =	sld [smem:$0x3FDB];
	s0 =	simm.s32 @p2 $0x1  }
0x17: {  	s4 =	simm.s32 $0x1BF5;
	[smem:$0x3F3D] =	sst s0  }
0x18: {  	s0 =	sld [smem:$0x3F20];
	_ =	swait.ge [sflag:s4], $0x0  }
0x19: {  	s7 =	sld [smem:$0x3F21]  }
0x1a: {  	s8 =	sadd.s32 $0xFFFFE003, lr  }
0x1b: {  	s9 =	sadd.s32 $0xFFFFFEF7, lr;
	s5 =	simm.s32 $0xFFFFFFFF;
	p2 =	slt.u32 s8, $0xFFFFF086  }
0x1c: {  	p1 =	slt.u32 s9, $0xF7A;
	s5 =	simm.s32 @!p2 $0x0  }
0x1d: {  	s5 =	simm.s32 @p1 $0x1;
	p0 =	seq.s32 s7, s2  }
0x1e: {  	s7 =	smul.u32 @!p0 $0xF7A, s2;
	p2 =	seq.s32 @!p0 s5, $0x0  }
0x1f: {  	s9 =	smul.u32 $0xF7A, s1;
	s8 =	simm.s32 @!p0 $0x1BF5;
	p2 =	por !p2, p0  }
0x20: {  	[sflag:s8] =	ssyncset.s32 @!p0 $0xFFFFF086;
	s6 =	sadd.s32 @!p0 s3, s7;
	s7 =	simm.s32 @!p0 $0x108  }
0x21: {  	s3 =	sadd.s32 s3, s9;
	s6 =	sadd.s32 @!p0 $0x88, s6;
	s7 =	simm.s32 @p2 $0x1082  }
0x22: {  	[simem:s7], [sflag:s8] =	dma.local @!p0 [hbm:s6], $0xF7A  }
0x23: {  	s9 =	sor.u32 $0xD0000000, s2;
	s6 =	simm.s32 $0x108;
	_ =	swait.ge @!p0 [sflag:s8], $0x0  }
0x24: {  	s3 =	sadd.s32 $0x88, s3;
	s6 =	simm.s32 @!p1 $0x1082;
	[sflag:s4] =	ssyncset.s32 $0xFFFFF086  }
0x25: {  	[simem:s6], [sflag:s4] =	dma.local [hbm:s3], $0xF7A  }
0x26: {  	[smem:$0x3F21] =	sst s1;
	(tag) =	ssettag s2;
	_ =	strace s9  }
0x27: {  	s1 =	sld [smem:$0x3F31]  }
0x28: {  	s2 =	sld [smem:$0x3F32]  }
0x29: {  	s4 =	sld [smem:$0x3F34]  }
0x2a: {  	p0 =	seq.s32 s5, $0x0;
	s5 =	sld [smem:$0x3F35]  }
0x2b: {  	s6 =	sld [smem:$0x3F36]  }
0x2c: {  	s7 =	sld [smem:$0x3F37]  }
0x2d: {  	s3 =	simm.s32 $0x108;
	s8 =	sld [smem:$0x3F38]  }
0x2e: {  	s3 =	simm.s32 @!p0 $0x1082;
	s9 =	sld [smem:$0x3F39]  }
0x2f: {  	lr =	sadd.s32 s0, s3;
	s0 =	sld [smem:$0x3F30]  }
0x30: {  	s3 =	sld [smem:$0x3F33]  }
0x31: {  	[smem:$0x3F3C] =	sst s10  }
0x32: {  	s10 =	sld [smem:$0x3F3A];
	_ =	sdelay $0x3  }
0x33: {  	p0 =	seq.s32 s10, $0x1;
	s10 =	sld [smem:$0x3F3C];
	_ =	sdelay $0x3  }
0x34: {  	[smem:$0x3F3C] =	sst s10  }
0x35: {  	s10 =	sld [smem:$0x3F3B];
	_ =	sdelay $0x3  }
0x36: {  	p1 =	seq.s32 s10, $0x1;
	s10 =	sld [smem:$0x3F3C];
	_ =	sdelay $0x3  }
0x37: {  	[smem:$0x3F3C] =	sst s10  }
0x38: {  	s10 =	sld [smem:$0x3F3D]  }
0x39: {  	_ = 	snop;
	(pc) =	sbr.ind lr, $3  }
0x3a: {  	_ = 	snop  }
0x3b: {  	_ = 	snop  }
0x3c: {  	p2 =	seq.s32 s10, $0x1;
	s10 =	sld [smem:$0x3F3C]  }
0x3d: {  	_ =	shalt  }
0x3e: {  	_ =	shalt  }
0x3f: {  	_ =	shalt  }
0x40: {  	_ =	shalt  }
0x41: {  	_ =	shalt  }
0x42: {  	_ =	shalt  }
0x43: {  	_ =	shalt  }
0x44: {  	_ =	shalt  }
0x45: {  	_ =	shalt  }
0x46: {  	_ =	shalt  }
0x47: {  	_ =	shalt  }
0x48: {  	_ =	shalt  }
0x49: {  	_ =	shalt  }
0x4a: {  	_ =	shalt  }
0x4b: {  	_ =	shalt  }
0x4c: {  	_ =	shalt  }
0x4d: {  	_ =	shalt  }
0x4e: {  	_ =	shalt  }
0x4f: {  	_ =	shalt  }
0x50: {  	_ =	shalt  }
0x51: {  	_ =	shalt  }
0x52: {  	_ =	shalt  }
0x53: {  	_ =	shalt  }
0x54: {  	_ =	shalt  }
0x55: {  	_ =	shalt  }
0x56: {  	_ =	shalt  }
0x57: {  	_ =	shalt  }
0x58: {  	_ =	shalt  }
0x59: {  	_ =	shalt  }
0x5a: {  	_ =	shalt  }
0x5b: {  	_ =	shalt  }
0x5c: {  	_ =	shalt  }
0x5d: {  	_ =	shalt  }
0x5e: {  	_ =	shalt  }
0x5f: {  	_ =	shalt  }
0x60: {  	_ =	shalt  }
0x61: {  	_ =	shalt  }
0x62: {  	_ =	shalt  }
0x63: {  	_ =	shalt  }
0x64: {  	_ =	shalt  }
0x65: {  	_ =	shalt  }
0x66: {  	_ =	shalt  }
0x67: {  	_ =	shalt  }
0x68: {  	_ =	shalt  }
0x69: {  	_ =	shalt  }
0x6a: {  	_ =	shalt  }
0x6b: {  	_ =	shalt  }
0x6c: {  	_ =	shalt  }
0x6d: {  	_ =	shalt  }
0x6e: {  	_ =	shalt  }
0x6f: {  	_ =	shalt  }
0x70: {  	_ =	shalt  }
0x71: {  	_ =	shalt  }
0x72: {  	_ =	shalt  }
0x73: {  	_ =	shalt  }
0x74: {  	_ =	shalt  }
0x75: {  	_ =	shalt  }
0x76: {  	_ =	shalt  }
0x77: {  	_ =	shalt  }
0x78: {  	_ =	shalt  }
0x79: {  	_ =	shalt  }
0x7a: {  	_ =	shalt  }
0x7b: {  	_ =	shalt  }
0x7c: {  	_ =	shalt  }
0x7d: {  	_ =	shalt  }
0x7e: {  	_ =	shalt  }
0x7f: {  	_ =	shalt  }
0x80: {  	_ =	shalt  }
0x81: {  	_ =	shalt  }
0x82: {  	_ =	shalt  }
0x83: {  	_ =	shalt  }
0x84: {  	_ =	shalt  }
0x85: {  	_ =	shalt  }
0x86: {  	_ =	shalt  }
0x87: {  	_ =	shalt  }
.Lfunc_end0:
.L_simem_size_0:
called_computation_lowered:
.L_overlay_start_0:
0x88: {  	s2 =	sld [smem:$0x3FD9]  }
0x89: {  	s3 =	sld [smem:$0x3FFE];
	_ =	sdelay $0x1  }
0x8a: {  	s1 =	srdreg.scid  }
0x8b: {  	s0 =	sand.u32 $0x1, s1  }
0x8c: {  	s16 =	sshll.u32 s0, $0xA;
	s2 =	sadd.s32 s3, s2  }
0x8d: {  	s2 =	sadd.s32 s2, s16  }
0x8e: {  	[smem:$0x3F48] =	sst s2  }
0x8f: {  	_ = 	snop  }
0x90: {  	(tm) =	ssettm $0x1  }
0x91: {  	s17 =	sld [smem:$0x3FFB];
	_ =	sdelay $0x3  }
0x92: {  	_ =	strace s17  }
0x93: {  	s2 =	sld [smem:$0x3FFC];
	_ =	sdelay $0x3  }
0x94: {  	_ =	strace s2  }
0x95: {  	s2 =	sld [smem:$0x3FFD];
	_ =	sdelay $0x3  }
0x96: {  	_ =	strace s2  }
0x97: {  	_ =	strace $0x8FFFFFFF  }
0x98: {  	s18 =	sld [smem:$0x3FDB];
	_ =	sdelay $0x1  }
0x99: {  	s19 =	simm.s32 $_scs_section_size  }
0x9a: {  	s4 =	simm.s32 $_size__tile_overlayer_lowered;
	s5 =	simm.s32 $_tile_overlayer_lowered  }
0x9b: {  	s22 =	simm.s32 $0x1BFF;
	s21 =	sshll.u32 s5, $0x1;
	s2 =	sadd.s32 s19, s18  }
0x9c: {  	s6 =	simm.s32 $0x0;
	s20 =	sshll.u32 s4, $0x1;
	s4 =	sadd.s32 s21, s2  }
0x9d: {  	[timem:s6], [sflag:s22] =	dma.local [hbm:s4], s20  }
0x9e: {  	_ =	swait.ge [sflag:s22], s20  }
0x9f: {  	s3 =	ssub.s32 $0x0, s20;
	[sflag:s22] =	ssyncset.done $0x0  }
0xa0: {  	[sflag:s22] =	ssyncadd.s32 s3;
	_ =	sdelay $0x1  }
0xa1: {  	s23 =	simm.s32 $0x1B8B  }
0xa2: {  	_ =	swait.ge [sflag:s23], $0x1  }
0xa3: {  	[sflag:s23] =	ssyncset.done $0x0  }
0xa4: {  	s25 =	simm.s32 $0x1B8E;
	s24 =	sld [smem:$0x3FFE];
	[sflag:s23] =	ssyncadd.s32 $0xFFFFFFFF  }
0xa5: {  	s26 =	simm.s32 $execute0_lowered;
	[smem:$0x3FD2] =	sst s25  }
0xa6: {  	s4 =	sshll.u32 s26, $0x1;
	_ =	strace $0x80000046;
	[dreg:$0x1] =	wrdreg $0xFFFFFFFF  }
0xa7: {  	s28 =	simm.s32 $_size_execute0_lowered;
	s2 =	sadd.s32 s2, s4;
	[dreg:$0x0] =	wrdreg $0x0  }
0xa8: {  	s4 =	sshll.u32 s28, $0x1;
	[dreg:$0x2] =	wrdreg s2  }
0xa9: {  	[dreg:$0x3] =	wrdreg s4  }
0xaa: {  	[dreg:$0x4] =	wrdreg $0xC0  }
0xab: {  	_ =	task [dreg:s6], $0x5FFFF  }
0xac: {  	[dreg:$0x1] =	wrdreg $0xFFFFFFFF  }
0xad: {  	[dreg:$0x0] =	wrdreg $0x60  }
0xae: {  	[dreg:$0x2] =	wrdreg s24  }
0xaf: {  	[dreg:$0x3] =	wrdreg $0x9  }
0xb0: {  	_ =	task.clear_ibuf [dreg:s6], $0x4FFFF;
	_ =	strace $0x90000046  }
0xb1: {  	s29 =	simm.s32 $0x9;
	_ =	strace $0x80000048  }
0xb2: {  	_ =	swait.ge [sflag:s29], $0x1  }
0xb3: {  	[sflag:s29] =	ssyncadd.s32 $0xFFFFFFFF  }
0xb4: {  	_ =	strace $0x90000048  }
0xb5: {  	_ =	sfence  }
0xb6: {  	s30 =	sld [smem:$0x0];
	_ =	sdelay $0x2  }
0xb7: {  	s31 =	sshll.u32 s1, $0xD;
	s1 =	sshrl.u32 s1, $0x2  }
0xb8: {  	s3 =	sand.u32 $0x4000, s31;
	s1 =	sadd.s32 s1, s30  }
0xb9: {  	s0 =	sor.u32 s3, s0;
	s1 =	sshll.u32 s1, $0x11  }
0xba: {  	s0 =	sor.u32 s1, s0  }
0xbb: {  	s0 =	sadd.s32 $0x8F2B, s0  }
0xbc: {  	[sflag:s0] =	ssyncadd.remote.s32 $0x1  }
0xbd: {  	_ =	sfence.sel $0xFFFF  }
0xbe: {  	[dreg:$0x0] =	wrdreg $0xFFFFFFFF;
	(pc) =	sbr.abs _section_cstart, $3  }
0xbf: {  	[dreg:$0x1] =	wrdreg $0xFFFFFFFF  }
0xc0: {  	_ =	task.clear_ibuf [dreg:s6], $0x2FFFF;
	_ =	strace $0x9FFFFFFF  }
0xc1: {  	(tm) =	ssettm $0x7FFFFFFF  }
tec
execute0_lowered:
.L_overlay_start_1:
0x0: {  	(tag) =	ssettag $0x1  }
0x1: {  	s4 =	rddreg [dreg:$0x0]  }
0x2: {  	s0 =	rddreg [dreg:$0x1];
	s2 =	simm.s32 $0x0;
	s1 =	stileid.u32  }
0x3: {  	s3 =	srdreg.scid;
	s10 =	simm.s32 $0x0;
	s6 =	smul.u32 $0x3B00, s1  }
0x4: {  	[smem:$0x7FF] =	sst s2;
	s5 =	sand.u32 $0x1, s3;
	s8 =	smul.u32 $0x3B000, s1  }
0x5: {  	s3 =	sadd.s32 $0x8EC00, s4;
	s7 =	smul.u32 $0x1D80, s5;
	s9 =	ssub.s32 $0x2, s5  }
0x6: {  	_ =	strace $0x80000047;
	s5 =	smul.u32 $0x1D800, s5;
	s31 =	sshrl.u32 s9, $0x1  }
0x7: {  	s8 =	sadd.s32 s8, s4;
	s6 =	sadd.s32 s7, s6;
	s7 =	ssub.s32 s9, s31  }
0x8: {  	s5 =	sadd.s32 s5, s8;
	s8 =	simm.s32 $0x80;
	s6 =	sshrl.u32 s6, $0x3  }
0x9: {  	s9 =	simm.s32 $0x1;
	s5 =	sadd.s32 $0xB5E00, s5;
	s6 =	sadd.s32 s6, s4  }
0xa: {  	s4 =	smax.u32 s7, $0x1;
	s7 =	simm.s32 $0x2;
	s6 =	sadd.s32 $0x87600, s6  }
.LBB2_1:
0xb: {  	s11 =	sadd.s32 $0x0, s6  }
0xc: {  	[tilespmem:s2], [sflag:$0x2] =	stream.linear.gather [hbm4b:s11+s2], $0x80, $0x38;
	[tilespmem:$0x4080] =	vst v63  }
0xd: {  	_ =	swait.ge [sflag:s7], $0x80  }
0xe: {  	[sflag:s7] =	ssyncset.done $0x0  }
0xf: {  	[sflag:s7] =	ssyncadd.s32 $0xFFFFFF80  }
0x10: {  	[tilespmem:s8], [sflag:$0x1] =	stream.indirect.gather [hbm4b:s3+s8], $0x80, s2, s8, $0xb8;
	[tilespmem:$0x4080] =	vst v63  }
0x11: {  	_ =	swait.ge [sflag:s9], $0x4000  }
0x12: {  	[sflag:s9] =	ssyncset.done $0x0  }
0x13: {  	[sflag:s9] =	ssyncadd.s32 $0xFFFFC000  }
0x14: {  	[hbm4b:s5+s2] =	stream.linear.scatter [tilespmem:s8], [sflag:$0x2], $0x4000, $0x38;
	[tilespmem:$0x4080] =	vst v63  }
0x15: {  	s12 =	simm.s32 $0x10;
	_ =	swait.ge [sflag:s7], $0x4000  }
0x16: {  	s13 =	simm.s32 $0x20;
	s11 =	sadd.s32 $0x800, s5;
	[sflag:s7] =	ssyncset.done $0x0  }
.LBB2_2:
0x17: {  	s14 =	sadd.s32 s12, s6  }
0x18: {  	[sflag:s7] =	ssyncadd.s32 $0xFFFFC000;
	s12 =	smov.u32 s13;
	s15 =	sadd.s32 $0x10, s13  }
0x19: {  	[tilespmem:s2], [sflag:$0x2] =	stream.linear.gather [hbm4b:s14+s2], $0x80, $0x38;
	[tilespmem:$0x4080] =	vst v63  }
0x1a: {  	p0 =	sne.s32 s13, $0x3A0;
	_ =	swait.ge [sflag:s7], $0x80  }
0x1b: {  	[sflag:s7] =	ssyncset.done $0x0  }
0x1c: {  	[sflag:s7] =	ssyncadd.s32 $0xFFFFFF80  }
0x1d: {  	[tilespmem:s8], [sflag:$0x1] =	stream.indirect.gather [hbm4b:s3+s8], $0x80, s2, s8, $0xb8;
	[tilespmem:$0x4080] =	vst v63  }
0x1e: {  	_ =	swait.ge [sflag:s9], $0x4000  }
.Ltmp0:
0x1f: {  	[sflag:s9] =	ssyncset.done $0x0;
	(pc) =	sbr.rel @p0 .LBB2_2-.Ltmp0, $4  }
0x20: {  	[sflag:s9] =	ssyncadd.s32 $0xFFFFC000  }
0x21: {  	[hbm4b:s11+s2] =	stream.linear.scatter [tilespmem:s8], [sflag:$0x2], $0x4000, $0x38;
	[tilespmem:$0x4080] =	vst v63  }
0x22: {  	_ =	swait.ge [sflag:s7], $0x4000  }
0x23: {  	s13 =	smov.u32 s15;
	s11 =	sadd.s32 $0x800, s11;
	[sflag:s7] =	ssyncset.done $0x0  }
0x24: {  	s12 =	sadd.s32 s12, s6;
	[sflag:s7] =	ssyncadd.s32 $0xFFFFC000  }
0x25: {  	[tilespmem:s2], [sflag:$0x2] =	stream.linear.gather [hbm4b:s12+s2], $0x80, $0x38;
	[tilespmem:$0x4080] =	vst v63  }
0x26: {  	_ =	swait.ge [sflag:s7], $0x80  }
0x27: {  	[sflag:s7] =	ssyncset.done $0x0  }
0x28: {  	[sflag:s7] =	ssyncadd.s32 $0xFFFFFF80  }
0x29: {  	[tilespmem:s8], [sflag:$0x1] =	stream.indirect.gather [hbm4b:s3+s8], $0x80, s2, s8, $0xb8;
	[tilespmem:$0x4080] =	vst v63  }
0x2a: {  	s10 =	sadd.s32 $0x1, s10;
	_ =	swait.ge [sflag:s9], $0x4000  }
0x2b: {  	p0 =	sne.s32 s10, s4;
	[sflag:s9] =	ssyncset.done $0x0  }
.Ltmp1:
0x2c: {  	[sflag:s9] =	ssyncadd.s32 $0xFFFFC000;
	(pc) =	sbr.rel @p0 .LBB2_1-.Ltmp1, $4  }
0x2d: {  	[hbm4b:s11+s2] =	stream.linear.scatter [tilespmem:s8], [sflag:$0x2], $0x4000, $0x38;
	[tilespmem:$0x4080] =	vst v63  }
0x2e: {  	_ =	swait.ge [sflag:s7], $0x4000  }
0x2f: {  	[sflag:s7] =	ssyncset.done $0x0  }
0x30: {  	[sflag:s7] =	ssyncadd.s32 $0xFFFFC000  }
0x31: {  	_ =	sfence.sel $0x180000  }
0x32: {  	[bflag:$0x0] =	sbarrier.arrive $0xFFFF  }
0x33: {  	p0 =	sne.s32 s1, $0x0;
	_ =	strace $0x90000047  }
0x34: {  	s0 =	sadd.s32 @!p0 $0x100000, s0;
	[bflag:$0x2] =	sbarrier.arrive $0xFFFF  }
0x35: {  	[sflag:s0] =	ssyncadd.tile.s32 @!p0 $0x1;
	_ =	shalt  }
.Lfunc_end2:
_tile_overlayer_lowered:
.L_overlay_start_2:
0x36: {  	(tag) =	ssettag $0x2  }
0x37: {  	s0 =	rddreg [dreg:$0x0];
	s2 =	stileid.u32  }
0x38: {  	s1 =	rddreg [dreg:$0x1];
	p0 =	sne.s32 s2, $0x0  }
0x39: {  	s3 =	rddreg [dreg:$0x2];
	[bflag:$0x3] =	sbarrier.arrive $0xFFFF;
	s2 =	simm.s32 @!p0 $0x1C02  }
0x3a: {  	[timem:s3], [sflag:s2] =	dma.local @!p0 [hbm:s0], s1  }
0x3b: {  	s0 =	simm.s32 @!p0 $0x2  }
0x3c: {  	_ =	swait.ge @!p0 [sflag:s0], s1  }
0x3d: {  	s1 =	ssub.s32 @!p0 $0x0, s1;
	[sflag:s0] =	ssyncset.done @!p0 $0x0  }
0x3e: {  	[sflag:s0] =	ssyncadd.s32 @!p0 s1  }
0x3f: {  	[bflag:$0x3] =	sbarrier.arrive $0xFFFF  }
0x40: {  	_ =	shalt  }

// kernel: kernel.26.cloned.1.call-start
scs
__scs_entry_jumppad:
0x0: {  	(pc) =	sbr.rel $0x88, $3  }
0x1: {  	(tag) =	ssettag $0x0;
	lr =	simm.s32 $0x1  }
0x2: {  	[smem:$0x3F21] =	sst lr;
	_ =	strace $0xD0000000  }
0x3: {  	_ = 	snop  }
0x4: {  	_ = 	snop  }
0x5: {  	_ = 	snop  }
0x6: {  	_ = 	snop  }
0x7: {  	_ = 	snop  }
__scs_overlays_trampoline_lowered:
0x8: {  	[smem:$0x3F30] =	sst s0  }
0x9: {  	[smem:$0x3F31] =	sst s1  }
0xa: {  	[smem:$0x3F32] =	sst s2  }
0xb: {  	[smem:$0x3F33] =	sst s3  }
0xc: {  	[smem:$0x3F34] =	sst s4  }
0xd: {  	[smem:$0x3F35] =	sst s5  }
0xe: {  	[smem:$0x3F36] =	sst s6  }
0xf: {  	[smem:$0x3F37] =	sst s7  }
0x10: {  	[smem:$0x3F38] =	sst s8  }
0x11: {  	[smem:$0x3F39] =	sst s9;
	s0 =	simm.s32 @!p0 $0x0  }
0x12: {  	s1 =	sld [smem:$0x3F1F];
	s0 =	simm.s32 @p0 $0x1  }
0x13: {  	[smem:$0x3F3A] =	sst s0;
	s0 =	simm.s32 @!p1 $0x0  }
0x14: {  	s2 =	sld [smem:$0x3F1E];
	s0 =	simm.s32 @p1 $0x1  }
0x15: {  	[smem:$0x3F3B] =	sst s0;
	s0 =	simm.s32 @!p2 $0x0  }
0x16: {  	s3 =	sld [smem:$0x3FDB];
	s0 =	simm.s32 @p2 $0x1  }
0x17: {  	s4 =	simm.s32 $0x1BF5;
	[smem:$0x3F3D] =	sst s0  }
0x18: {  	s0 =	sld [smem:$0x3F20];
	_ =	swait.ge [sflag:s4], $0x0  }
0x19: {  	s7 =	sld [smem:$0x3F21]  }
0x1a: {  	s8 =	sadd.s32 $0xFFFFE003, lr  }
0x1b: {  	s9 =	sadd.s32 $0xFFFFFEF7, lr;
	s5 =	simm.s32 $0xFFFFFFFF;
	p2 =	slt.u32 s8, $0xFFFFF086  }
0x1c: {  	p1 =	slt.u32 s9, $0xF7A;
	s5 =	simm.s32 @!p2 $0x0  }
0x1d: {  	s5 =	simm.s32 @p1 $0x1;
	p0 =	seq.s32 s7, s2  }
0x1e: {  	s7 =	smul.u32 @!p0 $0xF7A, s2;
	p2 =	seq.s32 @!p0 s5, $0x0  }
0x1f: {  	s9 =	smul.u32 $0xF7A, s1;
	s8 =	simm.s32 @!p0 $0x1BF5;
	p2 =	por !p2, p0  }
0x20: {  	[sflag:s8] =	ssyncset.s32 @!p0 $0xFFFFF086;
	s6 =	sadd.s32 @!p0 s3, s7;
	s7 =	simm.s32 @!p0 $0x108  }
0x21: {  	s3 =	sadd.s32 s3, s9;
	s6 =	sadd.s32 @!p0 $0x88, s6;
	s7 =	simm.s32 @p2 $0x1082  }
0x22: {  	[simem:s7], [sflag:s8] =	dma.local @!p0 [hbm:s6], $0xF7A  }
0x23: {  	s9 =	sor.u32 $0xD0000000, s2;
	s6 =	simm.s32 $0x108;
	_ =	swait.ge @!p0 [sflag:s8], $0x0  }
0x24: {  	s3 =	sadd.s32 $0x88, s3;
	s6 =	simm.s32 @!p1 $0x1082;
	[sflag:s4] =	ssyncset.s32 $0xFFFFF086  }
0x25: {  	[simem:s6], [sflag:s4] =	dma.local [hbm:s3], $0xF7A  }
0x26: {  	[smem:$0x3F21] =	sst s1;
	(tag) =	ssettag s2;
	_ =	strace s9  }
0x27: {  	s1 =	sld [smem:$0x3F31]  }
0x28: {  	s2 =	sld [smem:$0x3F32]  }
0x29: {  	s4 =	sld [smem:$0x3F34]  }
0x2a: {  	p0 =	seq.s32 s5, $0x0;
	s5 =	sld [smem:$0x3F35]  }
0x2b: {  	s6 =	sld [smem:$0x3F36]  }
0x2c: {  	s7 =	sld [smem:$0x3F37]  }
0x2d: {  	s3 =	simm.s32 $0x108;
	s8 =	sld [smem:$0x3F38]  }
0x2e: {  	s3 =	simm.s32 @!p0 $0x1082;
	s9 =	sld [smem:$0x3F39]  }
0x2f: {  	lr =	sadd.s32 s0, s3;
	s0 =	sld [smem:$0x3F30]  }
0x30: {  	s3 =	sld [smem:$0x3F33]  }
0x31: {  	[smem:$0x3F3C] =	sst s10  }
0x32: {  	s10 =	sld [smem:$0x3F3A];
	_ =	sdelay $0x3  }
0x33: {  	p0 =	seq.s32 s10, $0x1;
	s10 =	sld [smem:$0x3F3C];
	_ =	sdelay $0x3  }
0x34: {  	[smem:$0x3F3C] =	sst s10  }
0x35: {  	s10 =	sld [smem:$0x3F3B];
	_ =	sdelay $0x3  }
0x36: {  	p1 =	seq.s32 s10, $0x1;
	s10 =	sld [smem:$0x3F3C];
	_ =	sdelay $0x3  }
0x37: {  	[smem:$0x3F3C] =	sst s10  }
0x38: {  	s10 =	sld [smem:$0x3F3D]  }
0x39: {  	_ = 	snop;
	(pc) =	sbr.ind lr, $3  }
0x3a: {  	_ = 	snop  }
0x3b: {  	_ = 	snop  }
0x3c: {  	p2 =	seq.s32 s10, $0x1;
	s10 =	sld [smem:$0x3F3C]  }
0x3d: {  	_ =	shalt  }
0x3e: {  	_ =	shalt  }
0x3f: {  	_ =	shalt  }
0x40: {  	_ =	shalt  }
0x41: {  	_ =	shalt  }
0x42: {  	_ =	shalt  }
0x43: {  	_ =	shalt  }
0x44: {  	_ =	shalt  }
0x45: {  	_ =	shalt  }
0x46: {  	_ =	shalt  }
0x47: {  	_ =	shalt  }
0x48: {  	_ =	shalt  }
0x49: {  	_ =	shalt  }
0x4a: {  	_ =	shalt  }
0x4b: {  	_ =	shalt  }
0x4c: {  	_ =	shalt  }
0x4d: {  	_ =	shalt  }
0x4e: {  	_ =	shalt  }
0x4f: {  	_ =	shalt  }
0x50: {  	_ =	shalt  }
0x51: {  	_ =	shalt  }
0x52: {  	_ =	shalt  }
0x53: {  	_ =	shalt  }
0x54: {  	_ =	shalt  }
0x55: {  	_ =	shalt  }
0x56: {  	_ =	shalt  }
0x57: {  	_ =	shalt  }
0x58: {  	_ =	shalt  }
0x59: {  	_ =	shalt  }
0x5a: {  	_ =	shalt  }
0x5b: {  	_ =	shalt  }
0x5c: {  	_ =	shalt  }
0x5d: {  	_ =	shalt  }
0x5e: {  	_ =	shalt  }
0x5f: {  	_ =	shalt  }
0x60: {  	_ =	shalt  }
0x61: {  	_ =	shalt  }
0x62: {  	_ =	shalt  }
0x63: {  	_ =	shalt  }
0x64: {  	_ =	shalt  }
0x65: {  	_ =	shalt  }
0x66: {  	_ =	shalt  }
0x67: {  	_ =	shalt  }
0x68: {  	_ =	shalt  }
0x69: {  	_ =	shalt  }
0x6a: {  	_ =	shalt  }
0x6b: {  	_ =	shalt  }
0x6c: {  	_ =	shalt  }
0x6d: {  	_ =	shalt  }
0x6e: {  	_ =	shalt  }
0x6f: {  	_ =	shalt  }
0x70: {  	_ =	shalt  }
0x71: {  	_ =	shalt  }
0x72: {  	_ =	shalt  }
0x73: {  	_ =	shalt  }
0x74: {  	_ =	shalt  }
0x75: {  	_ =	shalt  }
0x76: {  	_ =	shalt  }
0x77: {  	_ =	shalt  }
0x78: {  	_ =	shalt  }
0x79: {  	_ =	shalt  }
0x7a: {  	_ =	shalt  }
0x7b: {  	_ =	shalt  }
0x7c: {  	_ =	shalt  }
0x7d: {  	_ =	shalt  }
0x7e: {  	_ =	shalt  }
0x7f: {  	_ =	shalt  }
0x80: {  	_ =	shalt  }
0x81: {  	_ =	shalt  }
0x82: {  	_ =	shalt  }
0x83: {  	_ =	shalt  }
0x84: {  	_ =	shalt  }
0x85: {  	_ =	shalt  }
0x86: {  	_ =	shalt  }
0x87: {  	_ =	shalt  }
.Lfunc_end0:
.L_simem_size_0:
called_computation.1_lowered:
.L_overlay_start_0:
0x88: {  	s2 =	sld [smem:$0x3FD9]  }
0x89: {  	s3 =	sld [smem:$0x3FFE];
	_ =	sdelay $0x1  }
0x8a: {  	s1 =	srdreg.scid  }
0x8b: {  	s0 =	sand.u32 $0x1, s1  }
0x8c: {  	s16 =	sshll.u32 s0, $0xA;
	s2 =	sadd.s32 s3, s2  }
0x8d: {  	s2 =	sadd.s32 s2, s16  }
0x8e: {  	[smem:$0x3F48] =	sst s2  }
0x8f: {  	_ = 	snop  }
0x90: {  	(tm) =	ssettm $0x1  }
0x91: {  	s17 =	sld [smem:$0x3FFB];
	_ =	sdelay $0x3  }
0x92: {  	_ =	strace s17  }
0x93: {  	s2 =	sld [smem:$0x3FFC];
	_ =	sdelay $0x3  }
0x94: {  	_ =	strace s2  }
0x95: {  	s2 =	sld [smem:$0x3FFD];
	_ =	sdelay $0x3  }
0x96: {  	_ =	strace s2  }
0x97: {  	_ =	strace $0x8FFFFFFF  }
0x98: {  	s18 =	sld [smem:$0x3FDB];
	_ =	sdelay $0x1  }
0x99: {  	s19 =	simm.s32 $_scs_section_size  }
0x9a: {  	s4 =	simm.s32 $_size__tile_overlayer_lowered;
	s5 =	simm.s32 $_tile_overlayer_lowered  }
0x9b: {  	s22 =	simm.s32 $0x1BFF;
	s21 =	sshll.u32 s5, $0x1;
	s2 =	sadd.s32 s19, s18  }
0x9c: {  	s6 =	simm.s32 $0x0;
	s20 =	sshll.u32 s4, $0x1;
	s4 =	sadd.s32 s21, s2  }
0x9d: {  	[timem:s6], [sflag:s22] =	dma.local [hbm:s4], s20  }
0x9e: {  	_ =	swait.ge [sflag:s22], s20  }
0x9f: {  	s3 =	ssub.s32 $0x0, s20;
	[sflag:s22] =	ssyncset.done $0x0  }
0xa0: {  	[sflag:s22] =	ssyncadd.s32 s3;
	_ =	sdelay $0x1  }
0xa1: {  	s23 =	simm.s32 $0x1B8B  }
0xa2: {  	_ =	swait.ge [sflag:s23], $0x1  }
0xa3: {  	[sflag:s23] =	ssyncset.done $0x0  }
0xa4: {  	s25 =	simm.s32 $0x1B8E;
	s24 =	sld [smem:$0x3FFE];
	[sflag:s23] =	ssyncadd.s32 $0xFFFFFFFF  }
0xa5: {  	s26 =	simm.s32 $execute0_lowered;
	[smem:$0x3FD2] =	sst s25  }
0xa6: {  	s4 =	sshll.u32 s26, $0x1;
	_ =	strace $0x80000049;
	[dreg:$0x1] =	wrdreg $0xFFFFFFFF  }
0xa7: {  	s28 =	simm.s32 $_size_execute0_lowered;
	s2 =	sadd.s32 s2, s4;
	[dreg:$0x0] =	wrdreg $0x0  }
0xa8: {  	s4 =	sshll.u32 s28, $0x1;
	[dreg:$0x2] =	wrdreg s2  }
0xa9: {  	[dreg:$0x3] =	wrdreg s4  }
0xaa: {  	[dreg:$0x4] =	wrdreg $0xC0  }
0xab: {  	_ =	task [dreg:s6], $0x5FFFF  }
0xac: {  	[dreg:$0x1] =	wrdreg $0xFFFFFFFF  }
0xad: {  	[dreg:$0x0] =	wrdreg $0x60  }
0xae: {  	[dreg:$0x2] =	wrdreg s24  }
0xaf: {  	[dreg:$0x3] =	wrdreg $0x9  }
0xb0: {  	_ =	task.clear_ibuf [dreg:s6], $0x4FFFF;
	_ =	strace $0x90000049  }
0xb1: {  	s29 =	simm.s32 $0x9;
	_ =	strace $0x8000004B  }
0xb2: {  	_ =	swait.ge [sflag:s29], $0x1  }
0xb3: {  	[sflag:s29] =	ssyncadd.s32 $0xFFFFFFFF  }
0xb4: {  	_ =	strace $0x9000004B  }
0xb5: {  	_ =	sfence  }
0xb6: {  	s30 =	sld [smem:$0x0];
	_ =	sdelay $0x2  }
0xb7: {  	s31 =	sshll.u32 s1, $0xD;
	s1 =	sshrl.u32 s1, $0x2  }
0xb8: {  	s3 =	sand.u32 $0x4000, s31;
	s1 =	sadd.s32 s1, s30  }
0xb9: {  	s0 =	sor.u32 s3, s0;
	s1 =	sshll.u32 s1, $0x11  }
0xba: {  	s0 =	sor.u32 s1, s0  }
0xbb: {  	s0 =	sadd.s32 $0x8F2B, s0  }
0xbc: {  	[sflag:s0] =	ssyncadd.remote.s32 $0x1  }
0xbd: {  	_ =	sfence.sel $0xFFFF  }
0xbe: {  	[dreg:$0x0] =	wrdreg $0xFFFFFFFF;
	(pc) =	sbr.abs _section_cstart, $3  }
0xbf: {  	[dreg:$0x1] =	wrdreg $0xFFFFFFFF  }
0xc0: {  	_ =	task.clear_ibuf [dreg:s6], $0x2FFFF;
	_ =	strace $0x9FFFFFFF  }
0xc1: {  	(tm) =	ssettm $0x7FFFFFFF  }
tec
execute0_lowered:
.L_overlay_start_1:
0x0: {  	(tag) =	ssettag $0x1  }
0x1: {  	s4 =	rddreg [dreg:$0x0]  }
0x2: {  	s0 =	rddreg [dreg:$0x1];
	s2 =	simm.s32 $0x0;
	s3 =	srdreg.scid  }
0x3: {  	s1 =	stileid.u32;
	s10 =	simm.s32 $0x1080;
	s11 =	simm.s32 $0x1880  }
0x4: {  	s12 =	simm.s32 $0x2080;
	s13 =	simm.s32 $0x2880;
	s14 =	simm.s32 $0x3080  }
0x5: {  	s15 =	simm.s32 $0x3880;
	s16 =	simm.s32 $0x4080;
	s17 =	simm.s32 $0x4880  }
0x6: {  	s18 =	simm.s32 $0x5080;
	s19 =	simm.s32 $0x5880;
	s20 =	simm.s32 $0x6080  }
0x7: {  	s21 =	simm.s32 $0x6880;
	s22 =	simm.s32 $0x7080;
	s23 =	simm.s32 $0x7880  }
0x8: {  	s24 =	simm.s32 $0x1;
	s25 =	simm.s32 $0x0;
	s6 =	smul.u32 $0x600, s1  }
0x9: {  	[smem:$0x7FF] =	sst s2;
	s5 =	sand.u32 $0x1, s3;
	s8 =	smul.u32 $0xC000, s1  }
0xa: {  	s3 =	sadd.s32 $0x17E00, s4;
	s7 =	smul.u32 $0x300, s5;
	s9 =	ssub.s32 $0x2, s5  }
0xb: {  	_ =	strace $0x8000004A;
	s5 =	smul.u32 $0x6000, s5;
	s31 =	sshrl.u32 s9, $0x1  }
0xc: {  	s8 =	sadd.s32 s8, s4;
	s6 =	sadd.s32 s7, s6;
	s7 =	ssub.s32 s9, s31  }
0xd: {  	v2 =	vlaneseq.u32;
	s5 =	sadd.s32 s5, s8;
	s8 =	simm.s32 $0x80;
	s6 =	sshrl.u32 s6, $0x3  }
0xe: {  	vm0 =	vmmov $0xffff;
	v1 =	vshrl.u32 v2, $0x3;
	s9 =	simm.s32 $0x880;
	s5 =	sadd.s32 $0x8EC00, s5;
	s6 =	sadd.s32 s6, s4  }
0xf: {  	v0 =	vand.u32 $0x7, v2;
	v2 =	vor.u32 $0x8, v2;
	v1 =	vmul.u32 $0x8, v1;
	s4 =	smax.u32 s7, $0x1;
	s7 =	simm.s32 $0x2;
	s6 =	sadd.s32 $0x17200, s6  }
.LBB2_1:
0x10: {  	s26 =	smov.u32 s5;
	s28 =	simm.s32 $0x0  }
.LBB2_2:
0x11: {  	s29 =	sadd.s32 s28, s6  }
0x12: {  	[tilespmem:s2], [sflag:$0x2] =	stream.linear.gather [hbm4b:s29+s2], $0x80, $0x38;
	[tilespmem:$0x8080] =	vst v63  }
0x13: {  	_ =	swait.ge [sflag:s7], $0x80  }
0x14: {  	[sflag:s7] =	ssyncset.done $0x0  }
0x15: {  	[sflag:s7] =	ssyncadd.s32 $0xFFFFFF80  }
0x16: {  	v3 =	vld [tilespmem:$0x0];
	_ =	sdelay $0x4  }
0x17: {  	v4 =	vshll.u32 v3, $0x1  }
0x18: {  	v3 =	vand.u32 $0x7, v3;
	v4 =	vand.u32 $0xFFFFFFF0, v4  }
0x19: {  	v3 =	vor.u32 v3, v4  }
0x1a: {  	v4 =	vperm.xlane v3, v0;
	_ =	sdelay $0x1  }
0x1b: {  	v3 =	vperm.xlane v3, v2;
	v4 =	vadd.s32 v1, v4;
	_ =	sdelay $0x1  }
0x1c: {  	v3 =	vadd.s32 v1, v3;
	_ =	sdelay $0x2  }
0x1d: {  	[tilespmem:s8], [sflag:$0x1] =	stream.indirect_vreg.gather [hbm4b:s3+s2], $0x80, v4, vm0, $0xb8;
	[tilespmem:$0x8080] =	vst v63  }
0x1e: {  	_ = 	snop  }
0x1f: {  	[tilespmem:s9], [sflag:$0x1] =	stream.indirect_vreg.gather [hbm4b:s3+s2], $0x80, v3, vm0, $0xb8;
	[tilespmem:$0x8080] =	vst v63  }
0x20: {  	v3 =	vld [tilespmem:$0x10];
	_ =	sdelay $0x4  }
0x21: {  	v57 =	vshll.u32 v3, $0x1  }
0x22: {  	v3 =	vand.u32 $0x7, v3;
	v4 =	vand.u32 $0xFFFFFFF0, v57  }
0x23: {  	v3 =	vor.u32 v3, v4  }
0x24: {  	v4 =	vperm.xlane v3, v0;
	_ =	sdelay $0x1  }
0x25: {  	v3 =	vperm.xlane v3, v2;
	v4 =	vadd.s32 v1, v4;
	_ =	sdelay $0x1  }
0x26: {  	v3 =	vadd.s32 v1, v3;
	_ =	sdelay $0x2  }
0x27: {  	[tilespmem:s10], [sflag:$0x1] =	stream.indirect_vreg.gather [hbm4b:s3+s2], $0x80, v4, vm0, $0xb8;
	[tilespmem:$0x8080] =	vst v63  }
0x28: {  	_ = 	snop  }
0x29: {  	[tilespmem:s11], [sflag:$0x1] =	stream.indirect_vreg.gather [hbm4b:s3+s2], $0x80, v3, vm0, $0xb8;
	[tilespmem:$0x8080] =	vst v63  }
0x2a: {  	v3 =	vld [tilespmem:$0x20];
	_ =	sdelay $0x4  }
0x2b: {  	v58 =	vshll.u32 v3, $0x1  }
0x2c: {  	v3 =	vand.u32 $0x7, v3;
	v4 =	vand.u32 $0xFFFFFFF0, v58  }
0x2d: {  	v3 =	vor.u32 v3, v4  }
0x2e: {  	v4 =	vperm.xlane v3, v0;
	_ =	sdelay $0x1  }
0x2f: {  	v3 =	vperm.xlane v3, v2;
	v4 =	vadd.s32 v1, v4;
	_ =	sdelay $0x1  }
0x30: {  	v3 =	vadd.s32 v1, v3;
	_ =	sdelay $0x2  }
0x31: {  	[tilespmem:s12], [sflag:$0x1] =	stream.indirect_vreg.gather [hbm4b:s3+s2], $0x80, v4, vm0, $0xb8;
	[tilespmem:$0x8080] =	vst v63  }
0x32: {  	_ = 	snop  }
0x33: {  	[tilespmem:s13], [sflag:$0x1] =	stream.indirect_vreg.gather [hbm4b:s3+s2], $0x80, v3, vm0, $0xb8;
	[tilespmem:$0x8080] =	vst v63  }
0x34: {  	v3 =	vld [tilespmem:$0x30];
	_ =	sdelay $0x4  }
0x35: {  	v59 =	vshll.u32 v3, $0x1  }
0x36: {  	v3 =	vand.u32 $0x7, v3;
	v4 =	vand.u32 $0xFFFFFFF0, v59  }
0x37: {  	v3 =	vor.u32 v3, v4  }
0x38: {  	v4 =	vperm.xlane v3, v0;
	_ =	sdelay $0x1  }
0x39: {  	v3 =	vperm.xlane v3, v2;
	v4 =	vadd.s32 v1, v4;
	_ =	sdelay $0x1  }
0x3a: {  	v3 =	vadd.s32 v1, v3;
	_ =	sdelay $0x2  }
0x3b: {  	[tilespmem:s14], [sflag:$0x1] =	stream.indirect_vreg.gather [hbm4b:s3+s2], $0x80, v4, vm0, $0xb8;
	[tilespmem:$0x8080] =	vst v63  }
0x3c: {  	_ = 	snop  }
0x3d: {  	[tilespmem:s15], [sflag:$0x1] =	stream.indirect_vreg.gather [hbm4b:s3+s2], $0x80, v3, vm0, $0xb8;
	[tilespmem:$0x8080] =	vst v63  }
0x3e: {  	v3 =	vld [tilespmem:$0x40];
	_ =	sdelay $0x4  }
0x3f: {  	v60 =	vshll.u32 v3, $0x1  }
0x40: {  	v3 =	vand.u32 $0x7, v3;
	v4 =	vand.u32 $0xFFFFFFF0, v60  }
0x41: {  	v3 =	vor.u32 v3, v4  }
0x42: {  	v4 =	vperm.xlane v3, v0;
	_ =	sdelay $0x1  }
0x43: {  	v3 =	vperm.xlane v3, v2;
	v4 =	vadd.s32 v1, v4;
	_ =	sdelay $0x1  }
0x44: {  	v3 =	vadd.s32 v1, v3;
	_ =	sdelay $0x2  }
0x45: {  	[tilespmem:s16], [sflag:$0x1] =	stream.indirect_vreg.gather [hbm4b:s3+s2], $0x80, v4, vm0, $0xb8;
	[tilespmem:$0x8080] =	vst v63  }
0x46: {  	_ = 	snop  }
0x47: {  	[tilespmem:s17], [sflag:$0x1] =	stream.indirect_vreg.gather [hbm4b:s3+s2], $0x80, v3, vm0, $0xb8;
	[tilespmem:$0x8080] =	vst v63  }
0x48: {  	v3 =	vld [tilespmem:$0x50];
	_ =	sdelay $0x4  }
0x49: {  	v61 =	vshll.u32 v3, $0x1  }
0x4a: {  	v3 =	vand.u32 $0x7, v3;
	v4 =	vand.u32 $0xFFFFFFF0, v61  }
0x4b: {  	v3 =	vor.u32 v3, v4  }
0x4c: {  	v4 =	vperm.xlane v3, v0;
	_ =	sdelay $0x1  }
0x4d: {  	v3 =	vperm.xlane v3, v2;
	v4 =	vadd.s32 v1, v4;
	_ =	sdelay $0x1  }
0x4e: {  	v3 =	vadd.s32 v1, v3;
	_ =	sdelay $0x2  }
0x4f: {  	[tilespmem:s18], [sflag:$0x1] =	stream.indirect_vreg.gather [hbm4b:s3+s2], $0x80, v4, vm0, $0xb8;
	[tilespmem:$0x8080] =	vst v63  }
0x50: {  	_ = 	snop  }
0x51: {  	[tilespmem:s19], [sflag:$0x1] =	stream.indirect_vreg.gather [hbm4b:s3+s2], $0x80, v3, vm0, $0xb8;
	[tilespmem:$0x8080] =	vst v63  }
0x52: {  	v3 =	vld [tilespmem:$0x60];
	_ =	sdelay $0x4  }
0x53: {  	v62 =	vshll.u32 v3, $0x1  }
0x54: {  	v3 =	vand.u32 $0x7, v3;
	v4 =	vand.u32 $0xFFFFFFF0, v62  }
0x55: {  	v3 =	vor.u32 v3, v4  }
0x56: {  	v4 =	vperm.xlane v3, v0;
	_ =	sdelay $0x1  }
0x57: {  	v3 =	vperm.xlane v3, v2;
	v4 =	vadd.s32 v1, v4;
	_ =	sdelay $0x1  }
0x58: {  	v3 =	vadd.s32 v1, v3;
	_ =	sdelay $0x2  }
0x59: {  	[tilespmem:s20], [sflag:$0x1] =	stream.indirect_vreg.gather [hbm4b:s3+s2], $0x80, v4, vm0, $0xb8;
	[tilespmem:$0x8080] =	vst v63  }
0x5a: {  	_ = 	snop  }
0x5b: {  	[tilespmem:s21], [sflag:$0x1] =	stream.indirect_vreg.gather [hbm4b:s3+s2], $0x80, v3, vm0, $0xb8;
	[tilespmem:$0x8080] =	vst v63  }
0x5c: {  	v3 =	vld [tilespmem:$0x70];
	_ =	sdelay $0x4  }
0x5d: {  	v63 =	vshll.u32 v3, $0x1  }
0x5e: {  	v3 =	vand.u32 $0x7, v3;
	v4 =	vand.u32 $0xFFFFFFF0, v63  }
0x5f: {  	v3 =	vor.u32 v3, v4  }
0x60: {  	v4 =	vperm.xlane v3, v0;
	_ =	sdelay $0x1  }
0x61: {  	v3 =	vperm.xlane v3, v2;
	v4 =	vadd.s32 v1, v4;
	_ =	sdelay $0x1  }
0x62: {  	v3 =	vadd.s32 v1, v3;
	_ =	sdelay $0x2  }
0x63: {  	[tilespmem:s22], [sflag:$0x1] =	stream.indirect_vreg.gather [hbm4b:s3+s2], $0x80, v4, vm0, $0xb8;
	[tilespmem:$0x8080] =	vst v63  }
0x64: {  	_ = 	snop  }
0x65: {  	[tilespmem:s23], [sflag:$0x1] =	stream.indirect_vreg.gather [hbm4b:s3+s2], $0x80, v3, vm0, $0xb8;
	[tilespmem:$0x8080] =	vst v63  }
0x66: {  	_ =	swait.ge [sflag:s24], $0x8000  }
0x67: {  	p0 =	sne.s32 s28, $0x50;
	[sflag:s24] =	ssyncset.done $0x0  }
.Ltmp0:
0x68: {  	[sflag:s24] =	ssyncadd.s32 $0xFFFF8000;
	(pc) =	sbr.rel @p0 .LBB2_2-.Ltmp0, $4  }
0x69: {  	[hbm4b:s26+s2] =	stream.linear.scatter [tilespmem:s8], [sflag:$0x2], $0x8000, $0x38;
	[tilespmem:$0x8080] =	vst v63  }
0x6a: {  	_ =	swait.ge [sflag:s7], $0x8000  }
0x6b: {  	[sflag:s7] =	ssyncset.done $0x0  }
0x6c: {  	s28 =	sadd.s32 $0x10, s28;
	s26 =	sadd.s32 $0x1000, s26;
	[sflag:s7] =	ssyncadd.s32 $0xFFFF8000  }
0x6d: {  	s25 =	sadd.s32 $0x1, s25  }
0x6e: {  	p0 =	sne.s32 s25, s4  }
.Ltmp1:
0x6f: {  	_ = 	snop;
	(pc) =	sbr.rel @p0 .LBB2_1-.Ltmp1, $1  }
0x70: {  	_ =	sdelay $0x3  }
0x71: {  	_ =	sfence.sel $0x180000  }
0x72: {  	[bflag:$0x0] =	sbarrier.arrive $0xFFFF  }
0x73: {  	p0 =	sne.s32 s1, $0x0;
	_ =	strace $0x9000004A  }
0x74: {  	s0 =	sadd.s32 @!p0 $0x100000, s0;
	[bflag:$0x2] =	sbarrier.arrive $0xFFFF  }
0x75: {  	[sflag:s0] =	ssyncadd.tile.s32 @!p0 $0x1;
	_ =	shalt  }
.Lfunc_end2:
_tile_overlayer_lowered:
.L_overlay_start_2:
0x76: {  	(tag) =	ssettag $0x2  }
0x77: {  	s0 =	rddreg [dreg:$0x0];
	s2 =	stileid.u32  }
0x78: {  	s1 =	rddreg [dreg:$0x1];
	p0 =	sne.s32 s2, $0x0  }
0x79: {  	s3 =	rddreg [dreg:$0x2];
	[bflag:$0x3] =	sbarrier.arrive $0xFFFF;
	s2 =	simm.s32 @!p0 $0x1C02  }
0x7a: {  	[timem:s3], [sflag:s2] =	dma.local @!p0 [hbm:s0], s1  }
0x7b: {  	s0 =	simm.s32 @!p0 $0x2  }
0x7c: {  	_ =	swait.ge @!p0 [sflag:s0], s1  }
0x7d: {  	s1 =	ssub.s32 @!p0 $0x0, s1;
	[sflag:s0] =	ssyncset.done @!p0 $0x0  }
0x7e: {  	[sflag:s0] =	ssyncadd.s32 @!p0 s1  }
0x7f: {  	[bflag:$0x3] =	sbarrier.arrive $0xFFFF  }
0x80: {  	_ =	shalt  }

// kernel: kernel.29.cloned.1.call-start
scs
__scs_entry_jumppad:
0x0: {  	(pc) =	sbr.rel $0x88, $3  }
0x1: {  	(tag) =	ssettag $0x0;
	lr =	simm.s32 $0x1  }
0x2: {  	[smem:$0x3F21] =	sst lr;
	_ =	strace $0xD0000000  }
0x3: {  	_ = 	snop  }
0x4: {  	_ = 	snop  }
0x5: {  	_ = 	snop  }
0x6: {  	_ = 	snop  }
0x7: {  	_ = 	snop  }
__scs_overlays_trampoline_lowered:
0x8: {  	[smem:$0x3F30] =	sst s0  }
0x9: {  	[smem:$0x3F31] =	sst s1  }
0xa: {  	[smem:$0x3F32] =	sst s2  }
0xb: {  	[smem:$0x3F33] =	sst s3  }
0xc: {  	[smem:$0x3F34] =	sst s4  }
0xd: {  	[smem:$0x3F35] =	sst s5  }
0xe: {  	[smem:$0x3F36] =	sst s6  }
0xf: {  	[smem:$0x3F37] =	sst s7  }
0x10: {  	[smem:$0x3F38] =	sst s8  }
0x11: {  	[smem:$0x3F39] =	sst s9;
	s0 =	simm.s32 @!p0 $0x0  }
0x12: {  	s1 =	sld [smem:$0x3F1F];
	s0 =	simm.s32 @p0 $0x1  }
0x13: {  	[smem:$0x3F3A] =	sst s0;
	s0 =	simm.s32 @!p1 $0x0  }
0x14: {  	s2 =	sld [smem:$0x3F1E];
	s0 =	simm.s32 @p1 $0x1  }
0x15: {  	[smem:$0x3F3B] =	sst s0;
	s0 =	simm.s32 @!p2 $0x0  }
0x16: {  	s3 =	sld [smem:$0x3FDB];
	s0 =	simm.s32 @p2 $0x1  }
0x17: {  	s4 =	simm.s32 $0x1BF5;
	[smem:$0x3F3D] =	sst s0  }
0x18: {  	s0 =	sld [smem:$0x3F20];
	_ =	swait.ge [sflag:s4], $0x0  }
0x19: {  	s7 =	sld [smem:$0x3F21]  }
0x1a: {  	s8 =	sadd.s32 $0xFFFFE003, lr  }
0x1b: {  	s9 =	sadd.s32 $0xFFFFFEF7, lr;
	s5 =	simm.s32 $0xFFFFFFFF;
	p2 =	slt.u32 s8, $0xFFFFF086  }
0x1c: {  	p1 =	slt.u32 s9, $0xF7A;
	s5 =	simm.s32 @!p2 $0x0  }
0x1d: {  	s5 =	simm.s32 @p1 $0x1;
	p0 =	seq.s32 s7, s2  }
0x1e: {  	s7 =	smul.u32 @!p0 $0xF7A, s2;
	p2 =	seq.s32 @!p0 s5, $0x0  }
0x1f: {  	s9 =	smul.u32 $0xF7A, s1;
	s8 =	simm.s32 @!p0 $0x1BF5;
	p2 =	por !p2, p0  }
0x20: {  	[sflag:s8] =	ssyncset.s32 @!p0 $0xFFFFF086;
	s6 =	sadd.s32 @!p0 s3, s7;
	s7 =	simm.s32 @!p0 $0x108  }
0x21: {  	s3 =	sadd.s32 s3, s9;
	s6 =	sadd.s32 @!p0 $0x88, s6;
	s7 =	simm.s32 @p2 $0x1082  }
0x22: {  	[simem:s7], [sflag:s8] =	dma.local @!p0 [hbm:s6], $0xF7A  }
0x23: {  	s9 =	sor.u32 $0xD0000000, s2;
	s6 =	simm.s32 $0x108;
	_ =	swait.ge @!p0 [sflag:s8], $0x0  }
0x24: {  	s3 =	sadd.s32 $0x88, s3;
	s6 =	simm.s32 @!p1 $0x1082;
	[sflag:s4] =	ssyncset.s32 $0xFFFFF086  }
0x25: {  	[simem:s6], [sflag:s4] =	dma.local [hbm:s3], $0xF7A  }
0x26: {  	[smem:$0x3F21] =	sst s1;
	(tag) =	ssettag s2;
	_ =	strace s9  }
0x27: {  	s1 =	sld [smem:$0x3F31]  }
0x28: {  	s2 =	sld [smem:$0x3F32]  }
0x29: {  	s4 =	sld [smem:$0x3F34]  }
0x2a: {  	p0 =	seq.s32 s5, $0x0;
	s5 =	sld [smem:$0x3F35]  }
0x2b: {  	s6 =	sld [smem:$0x3F36]  }
0x2c: {  	s7 =	sld [smem:$0x3F37]  }
0x2d: {  	s3 =	simm.s32 $0x108;
	s8 =	sld [smem:$0x3F38]  }
0x2e: {  	s3 =	simm.s32 @!p0 $0x1082;
	s9 =	sld [smem:$0x3F39]  }
0x2f: {  	lr =	sadd.s32 s0, s3;
	s0 =	sld [smem:$0x3F30]  }
0x30: {  	s3 =	sld [smem:$0x3F33]  }
0x31: {  	[smem:$0x3F3C] =	sst s10  }
0x32: {  	s10 =	sld [smem:$0x3F3A];
	_ =	sdelay $0x3  }
0x33: {  	p0 =	seq.s32 s10, $0x1;
	s10 =	sld [smem:$0x3F3C];
	_ =	sdelay $0x3  }
0x34: {  	[smem:$0x3F3C] =	sst s10  }
0x35: {  	s10 =	sld [smem:$0x3F3B];
	_ =	sdelay $0x3  }
0x36: {  	p1 =	seq.s32 s10, $0x1;
	s10 =	sld [smem:$0x3F3C];
	_ =	sdelay $0x3  }
0x37: {  	[smem:$0x3F3C] =	sst s10  }
0x38: {  	s10 =	sld [smem:$0x3F3D]  }
0x39: {  	_ = 	snop;
	(pc) =	sbr.ind lr, $3  }
0x3a: {  	_ = 	snop  }
0x3b: {  	_ = 	snop  }
0x3c: {  	p2 =	seq.s32 s10, $0x1;
	s10 =	sld [smem:$0x3F3C]  }
0x3d: {  	_ =	shalt  }
0x3e: {  	_ =	shalt  }
0x3f: {  	_ =	shalt  }
0x40: {  	_ =	shalt  }
0x41: {  	_ =	shalt  }
0x42: {  	_ =	shalt  }
0x43: {  	_ =	shalt  }
0x44: {  	_ =	shalt  }
0x45: {  	_ =	shalt  }
0x46: {  	_ =	shalt  }
0x47: {  	_ =	shalt  }
0x48: {  	_ =	shalt  }
0x49: {  	_ =	shalt  }
0x4a: {  	_ =	shalt  }
0x4b: {  	_ =	shalt  }
0x4c: {  	_ =	shalt  }
0x4d: {  	_ =	shalt  }
0x4e: {  	_ =	shalt  }
0x4f: {  	_ =	shalt  }
0x50: {  	_ =	shalt  }
0x51: {  	_ =	shalt  }
0x52: {  	_ =	shalt  }
0x53: {  	_ =	shalt  }
0x54: {  	_ =	shalt  }
0x55: {  	_ =	shalt  }
0x56: {  	_ =	shalt  }
0x57: {  	_ =	shalt  }
0x58: {  	_ =	shalt  }
0x59: {  	_ =	shalt  }
0x5a: {  	_ =	shalt  }
0x5b: {  	_ =	shalt  }
0x5c: {  	_ =	shalt  }
0x5d: {  	_ =	shalt  }
0x5e: {  	_ =	shalt  }
0x5f: {  	_ =	shalt  }
0x60: {  	_ =	shalt  }
0x61: {  	_ =	shalt  }
0x62: {  	_ =	shalt  }
0x63: {  	_ =	shalt  }
0x64: {  	_ =	shalt  }
0x65: {  	_ =	shalt  }
0x66: {  	_ =	shalt  }
0x67: {  	_ =	shalt  }
0x68: {  	_ =	shalt  }
0x69: {  	_ =	shalt  }
0x6a: {  	_ =	shalt  }
0x6b: {  	_ =	shalt  }
0x6c: {  	_ =	shalt  }
0x6d: {  	_ =	shalt  }
0x6e: {  	_ =	shalt  }
0x6f: {  	_ =	shalt  }
0x70: {  	_ =	shalt  }
0x71: {  	_ =	shalt  }
0x72: {  	_ =	shalt  }
0x73: {  	_ =	shalt  }
0x74: {  	_ =	shalt  }
0x75: {  	_ =	shalt  }
0x76: {  	_ =	shalt  }
0x77: {  	_ =	shalt  }
0x78: {  	_ =	shalt  }
0x79: {  	_ =	shalt  }
0x7a: {  	_ =	shalt  }
0x7b: {  	_ =	shalt  }
0x7c: {  	_ =	shalt  }
0x7d: {  	_ =	shalt  }
0x7e: {  	_ =	shalt  }
0x7f: {  	_ =	shalt  }
0x80: {  	_ =	shalt  }
0x81: {  	_ =	shalt  }
0x82: {  	_ =	shalt  }
0x83: {  	_ =	shalt  }
0x84: {  	_ =	shalt  }
0x85: {  	_ =	shalt  }
0x86: {  	_ =	shalt  }
0x87: {  	_ =	shalt  }
.Lfunc_end0:
.L_simem_size_0:
called_computation.2_lowered:
.L_overlay_start_0:
0x88: {  	s2 =	sld [smem:$0x3FD9]  }
0x89: {  	s3 =	sld [smem:$0x3FFE];
	_ =	sdelay $0x1  }
0x8a: {  	s1 =	srdreg.scid  }
0x8b: {  	s0 =	sand.u32 $0x1, s1  }
0x8c: {  	s16 =	sshll.u32 s0, $0xA;
	s2 =	sadd.s32 s3, s2  }
0x8d: {  	s2 =	sadd.s32 s2, s16  }
0x8e: {  	[smem:$0x3F48] =	sst s2  }
0x8f: {  	_ = 	snop  }
0x90: {  	(tm) =	ssettm $0x1  }
0x91: {  	s17 =	sld [smem:$0x3FFB];
	_ =	sdelay $0x3  }
0x92: {  	_ =	strace s17  }
0x93: {  	s2 =	sld [smem:$0x3FFC];
	_ =	sdelay $0x3  }
0x94: {  	_ =	strace s2  }
0x95: {  	s2 =	sld [smem:$0x3FFD];
	_ =	sdelay $0x3  }
0x96: {  	_ =	strace s2  }
0x97: {  	_ =	strace $0x8FFFFFFF  }
0x98: {  	s18 =	sld [smem:$0x3FDB];
	_ =	sdelay $0x1  }
0x99: {  	s19 =	simm.s32 $_scs_section_size  }
0x9a: {  	s4 =	simm.s32 $_size__tile_overlayer_lowered;
	s5 =	simm.s32 $_tile_overlayer_lowered  }
0x9b: {  	s22 =	simm.s32 $0x1BFF;
	s21 =	sshll.u32 s5, $0x1;
	s2 =	sadd.s32 s19, s18  }
0x9c: {  	s6 =	simm.s32 $0x0;
	s20 =	sshll.u32 s4, $0x1;
	s4 =	sadd.s32 s21, s2  }
0x9d: {  	[timem:s6], [sflag:s22] =	dma.local [hbm:s4], s20  }
0x9e: {  	_ =	swait.ge [sflag:s22], s20  }
0x9f: {  	s3 =	ssub.s32 $0x0, s20;
	[sflag:s22] =	ssyncset.done $0x0  }
0xa0: {  	[sflag:s22] =	ssyncadd.s32 s3;
	_ =	sdelay $0x1  }
0xa1: {  	s23 =	simm.s32 $0x1B8B  }
0xa2: {  	_ =	swait.ge [sflag:s23], $0x1  }
0xa3: {  	[sflag:s23] =	ssyncset.done $0x0  }
0xa4: {  	s25 =	simm.s32 $0x1B8E;
	s24 =	sld [smem:$0x3FFE];
	[sflag:s23] =	ssyncadd.s32 $0xFFFFFFFF  }
0xa5: {  	s26 =	simm.s32 $execute0_lowered;
	[smem:$0x3FD2] =	sst s25  }
0xa6: {  	s4 =	sshll.u32 s26, $0x1;
	_ =	strace $0x8000004C;
	[dreg:$0x1] =	wrdreg $0xFFFFFFFF  }
0xa7: {  	s28 =	simm.s32 $_size_execute0_lowered;
	s2 =	sadd.s32 s2, s4;
	[dreg:$0x0] =	wrdreg $0x0  }
0xa8: {  	s4 =	sshll.u32 s28, $0x1;
	[dreg:$0x2] =	wrdreg s2  }
0xa9: {  	[dreg:$0x3] =	wrdreg s4  }
0xaa: {  	[dreg:$0x4] =	wrdreg $0xC0  }
0xab: {  	_ =	task [dreg:s6], $0x5FFFF  }
0xac: {  	[dreg:$0x1] =	wrdreg $0xFFFFFFFF  }
0xad: {  	[dreg:$0x0] =	wrdreg $0x60  }
0xae: {  	[dreg:$0x2] =	wrdreg s24  }
0xaf: {  	[dreg:$0x3] =	wrdreg $0x9  }
0xb0: {  	_ =	task.clear_ibuf [dreg:s6], $0x4FFFF;
	_ =	strace $0x9000004C  }
0xb1: {  	s29 =	simm.s32 $0x9;
	_ =	strace $0x8000004E  }
0xb2: {  	_ =	swait.ge [sflag:s29], $0x1  }
0xb3: {  	[sflag:s29] =	ssyncadd.s32 $0xFFFFFFFF  }
0xb4: {  	_ =	strace $0x9000004E  }
0xb5: {  	_ =	sfence  }
0xb6: {  	s30 =	sld [smem:$0x0];
	_ =	sdelay $0x2  }
0xb7: {  	s31 =	sshll.u32 s1, $0xD;
	s1 =	sshrl.u32 s1, $0x2  }
0xb8: {  	s3 =	sand.u32 $0x4000, s31;
	s1 =	sadd.s32 s1, s30  }
0xb9: {  	s0 =	sor.u32 s3, s0;
	s1 =	sshll.u32 s1, $0x11  }
0xba: {  	s0 =	sor.u32 s1, s0  }
0xbb: {  	s0 =	sadd.s32 $0x8F2B, s0  }
0xbc: {  	[sflag:s0] =	ssyncadd.remote.s32 $0x1  }
0xbd: {  	_ =	sfence.sel $0xFFFF  }
0xbe: {  	[dreg:$0x0] =	wrdreg $0xFFFFFFFF;
	(pc) =	sbr.abs _section_cstart, $3  }
0xbf: {  	[dreg:$0x1] =	wrdreg $0xFFFFFFFF  }
0xc0: {  	_ =	task.clear_ibuf [dreg:s6], $0x2FFFF;
	_ =	strace $0x9FFFFFFF  }
0xc1: {  	(tm) =	ssettm $0x7FFFFFFF  }
tec
execute0_lowered:
.L_overlay_start_1:
0x0: {  	(tag) =	ssettag $0x1  }
0x1: {  	s1 =	srdreg.scid;
	s0 =	stileid.u32  }
0x2: {  	s4 =	rddreg [dreg:$0x0];
	s19 =	simm.s32 $0x880;
	s20 =	simm.s32 $0x1080  }
0x3: {  	s21 =	simm.s32 $0x1880;
	s22 =	simm.s32 $0x2080;
	s23 =	simm.s32 $0x2880  }
0x4: {  	s24 =	simm.s32 $0x3080;
	s25 =	simm.s32 $0x3880;
	s26 =	simm.s32 $0x4080  }
0x5: {  	s7 =	simm.s32 $0x80;
	s9 =	simm.s32 $0x5080;
	s10 =	simm.s32 $0x5880  }
0x6: {  	s11 =	simm.s32 $0x6080;
	s12 =	simm.s32 $0x6880;
	s1 =	sand.u32 $0x1, s1  }
0x7: {  	s13 =	simm.s32 $0x7080;
	s2 =	sshll.u32 s0, $0x8;
	s3 =	sshll.u32 s1, $0x7  }
0x8: {  	s14 =	simm.s32 $0x7880;
	s3 =	sor.u32 s3, s2;
	s2 =	simm.s32 $0x0  }
0x9: {  	s15 =	simm.s32 $0x8080;
	s16 =	simm.s32 $0x8880;
	[smem:$0x7FF] =	sst s2  }
0xa: {  	s17 =	simm.s32 $0x9080;
	_ =	strace $0x8000004D;
	[dreg:$0x4] =	wrdreg s19  }
0xb: {  	s18 =	simm.s32 $0x9880;
	s28 =	simm.s32 $0xE080;
	[dreg:$0x5] =	wrdreg s20  }
0xc: {  	s29 =	simm.s32 $0xE880;
	s30 =	simm.s32 $0xF080;
	[dreg:$0x6] =	wrdreg s21  }
0xd: {  	s31 =	simm.s32 $0xF880;
	s1 =	ssub.s32 $0x2, s1;
	[dreg:$0x7] =	wrdreg s22  }
0xe: {  	s6 =	sshrl.u32 s1, $0x1;
	s5 =	sshrl.u32 s3, $0x3;
	[dreg:$0x8] =	wrdreg s23  }
0xf: {  	s3 =	sshll.u32 s3, $0x6;
	s1 =	ssub.s32 s1, s6;
	[dreg:$0x9] =	wrdreg s24  }
0x10: {  	s6 =	simm.s32 $0x2;
	s5 =	sadd.s32 s5, s4;
	[dreg:$0xa] =	wrdreg s25  }
0x11: {  	s3 =	sadd.s32 s3, s4;
	[dreg:$0xb] =	wrdreg s26;
	s19 =	simm.s32 $0xA080  }
0x12: {  	s20 =	simm.s32 $0xA880;
	s21 =	simm.s32 $0xB080;
	s22 =	simm.s32 $0xB880  }
0x13: {  	s23 =	simm.s32 $0xC080;
	s24 =	simm.s32 $0xC880;
	s5 =	sadd.s32 $0x84800, s5  }
0x14: {  	v2 =	vlaneseq.u32;
	s25 =	simm.s32 $0xD080;
	s3 =	sadd.s32 $0x8EC00, s3;
	[dreg:$0x2] =	wrdreg s5  }
0x15: {  	vm0 =	vmmov $0xffff;
	v1 =	vshrl.u32 v2, $0x3;
	s26 =	simm.s32 $0xD880;
	[dreg:$0x3] =	wrdreg s3;
	s3 =	sadd.s32 $0x84A00, s4  }
0x16: {  	v0 =	vand.u32 $0x7, v2;
	v2 =	vor.u32 $0x8, v2;
	v1 =	vmul.u32 $0x8, v1;
	s4 =	sadd.s32 $0x84B00, s4;
	s5 =	smax.u32 s1, $0x1;
	s1 =	simm.s32 $0x1  }
.LBB2_1:
0x17: {  	s0 =	rddreg [dreg:$0x2]  }
0x18: {  	[tilespmem:s2], [sflag:$0x2] =	stream.linear.gather [hbm4b:s0+s2], $0x80, $0x38;
	[tilespmem:$0x10080] =	vst v63  }
0x19: {  	_ =	swait.ge [sflag:s6], $0x80  }
0x1a: {  	[sflag:s6] =	ssyncset.done $0x0  }
0x1b: {  	[sflag:s6] =	ssyncadd.s32 $0xFFFFFF80  }
0x1c: {  	v3 =	vld [tilespmem:$0x0];
	_ =	sdelay $0x4  }
0x1d: {  	v4 =	vshll.u32 v3, $0x2  }
0x1e: {  	v3 =	vand.u32 $0x7, v3;
	v4 =	vand.u32 $0xFFFFFFE0, v4  }
0x1f: {  	v3 =	vor.u32 v3, v4  }
0x20: {  	v4 =	vperm.xlane v3, v0;
	_ =	sdelay $0x1  }
0x21: {  	v4 =	vadd.s32 v1, v4;
	_ =	sdelay $0x1  }
0x22: {  	v3 =	vperm.xlane v3, v2;
	_ =	sdelay $0x1  }
0x23: {  	v3 =	vadd.s32 v1, v3  }
0x24: {  	[tilespmem:s7], [sflag:$0x1] =	stream.indirect_vreg.gather [hbm4b:s3+s2], $0x80, v4, vm0, $0xb8;
	[tilespmem:$0x10080] =	vst v63  }
0x25: {  	s0 =	rddreg [dreg:$0x4]  }
0x26: {  	[tilespmem:s0], [sflag:$0x1] =	stream.indirect_vreg.gather [hbm4b:s4+s2], $0x80, v4, vm0, $0xb8;
	[tilespmem:$0x10080] =	vst v63  }
0x27: {  	s8 =	rddreg [dreg:$0x5]  }
0x28: {  	[tilespmem:s8], [sflag:$0x1] =	stream.indirect_vreg.gather [hbm4b:s3+s2], $0x80, v3, vm0, $0xb8;
	[tilespmem:$0x10080] =	vst v63  }
0x29: {  	s0 =	rddreg [dreg:$0x6]  }
0x2a: {  	[tilespmem:s0], [sflag:$0x1] =	stream.indirect_vreg.gather [hbm4b:s4+s2], $0x80, v3, vm0, $0xb8;
	[tilespmem:$0x10080] =	vst v63  }
0x2b: {  	v3 =	vld [tilespmem:$0x10];
	_ =	sdelay $0x4  }
0x2c: {  	v57 =	vshll.u32 v3, $0x2  }
0x2d: {  	v3 =	vand.u32 $0x7, v3;
	v4 =	vand.u32 $0xFFFFFFE0, v57  }
0x2e: {  	v3 =	vor.u32 v3, v4  }
0x2f: {  	v4 =	vperm.xlane v3, v0;
	_ =	sdelay $0x1  }
0x30: {  	v4 =	vadd.s32 v1, v4;
	_ =	sdelay $0x1  }
0x31: {  	v3 =	vperm.xlane v3, v2;
	_ =	sdelay $0x1  }
0x32: {  	s0 =	rddreg [dreg:$0x7];
	v3 =	vadd.s32 v1, v3  }
0x33: {  	[tilespmem:s0], [sflag:$0x1] =	stream.indirect_vreg.gather [hbm4b:s3+s2], $0x80, v4, vm0, $0xb8;
	[tilespmem:$0x10080] =	vst v63  }
0x34: {  	s8 =	rddreg [dreg:$0x8]  }
0x35: {  	[tilespmem:s8], [sflag:$0x1] =	stream.indirect_vreg.gather [hbm4b:s4+s2], $0x80, v4, vm0, $0xb8;
	[tilespmem:$0x10080] =	vst v63  }
0x36: {  	s0 =	rddreg [dreg:$0x9]  }
0x37: {  	[tilespmem:s0], [sflag:$0x1] =	stream.indirect_vreg.gather [hbm4b:s3+s2], $0x80, v3, vm0, $0xb8;
	[tilespmem:$0x10080] =	vst v63  }
0x38: {  	s8 =	rddreg [dreg:$0xa]  }
0x39: {  	[tilespmem:s8], [sflag:$0x1] =	stream.indirect_vreg.gather [hbm4b:s4+s2], $0x80, v3, vm0, $0xb8;
	[tilespmem:$0x10080] =	vst v63  }
0x3a: {  	v3 =	vld [tilespmem:$0x20];
	_ =	sdelay $0x4  }
0x3b: {  	v58 =	vshll.u32 v3, $0x2  }
0x3c: {  	v3 =	vand.u32 $0x7, v3;
	v4 =	vand.u32 $0xFFFFFFE0, v58  }
0x3d: {  	v3 =	vor.u32 v3, v4  }
0x3e: {  	v4 =	vperm.xlane v3, v0;
	_ =	sdelay $0x1  }
0x3f: {  	v4 =	vadd.s32 v1, v4;
	_ =	sdelay $0x1  }
0x40: {  	v3 =	vperm.xlane v3, v2;
	_ =	sdelay $0x1  }
0x41: {  	s8 =	rddreg [dreg:$0xb];
	v3 =	vadd.s32 v1, v3  }
0x42: {  	[tilespmem:s8], [sflag:$0x1] =	stream.indirect_vreg.gather [hbm4b:s3+s2], $0x80, v4, vm0, $0xb8;
	[tilespmem:$0x10080] =	vst v63  }
0x43: {  	s8 =	simm.s32 $0x4880  }
0x44: {  	[tilespmem:s8], [sflag:$0x1] =	stream.indirect_vreg.gather [hbm4b:s4+s2], $0x80, v4, vm0, $0xb8;
	[tilespmem:$0x10080] =	vst v63  }
0x45: {  	_ = 	snop  }
0x46: {  	[tilespmem:s9], [sflag:$0x1] =	stream.indirect_vreg.gather [hbm4b:s3+s2], $0x80, v3, vm0, $0xb8;
	[tilespmem:$0x10080] =	vst v63  }
0x47: {  	_ = 	snop  }
0x48: {  	[tilespmem:s10], [sflag:$0x1] =	stream.indirect_vreg.gather [hbm4b:s4+s2], $0x80, v3, vm0, $0xb8;
	[tilespmem:$0x10080] =	vst v63  }
0x49: {  	v3 =	vld [tilespmem:$0x30];
	_ =	sdelay $0x4  }
0x4a: {  	v59 =	vshll.u32 v3, $0x2  }
0x4b: {  	v3 =	vand.u32 $0x7, v3;
	v4 =	vand.u32 $0xFFFFFFE0, v59  }
0x4c: {  	v3 =	vor.u32 v3, v4  }
0x4d: {  	v4 =	vperm.xlane v3, v0;
	_ =	sdelay $0x1  }
0x4e: {  	v4 =	vadd.s32 v1, v4;
	_ =	sdelay $0x1  }
0x4f: {  	v3 =	vperm.xlane v3, v2;
	_ =	sdelay $0x1  }
0x50: {  	v3 =	vadd.s32 v1, v3  }
0x51: {  	[tilespmem:s11], [sflag:$0x1] =	stream.indirect_vreg.gather [hbm4b:s3+s2], $0x80, v4, vm0, $0xb8;
	[tilespmem:$0x10080] =	vst v63  }
0x52: {  	_ = 	snop  }
0x53: {  	[tilespmem:s12], [sflag:$0x1] =	stream.indirect_vreg.gather [hbm4b:s4+s2], $0x80, v4, vm0, $0xb8;
	[tilespmem:$0x10080] =	vst v63  }
0x54: {  	_ = 	snop  }
0x55: {  	[tilespmem:s13], [sflag:$0x1] =	stream.indirect_vreg.gather [hbm4b:s3+s2], $0x80, v3, vm0, $0xb8;
	[tilespmem:$0x10080] =	vst v63  }
0x56: {  	_ = 	snop  }
0x57: {  	[tilespmem:s14], [sflag:$0x1] =	stream.indirect_vreg.gather [hbm4b:s4+s2], $0x80, v3, vm0, $0xb8;
	[tilespmem:$0x10080] =	vst v63  }
0x58: {  	v3 =	vld [tilespmem:$0x40];
	_ =	sdelay $0x4  }
0x59: {  	v60 =	vshll.u32 v3, $0x2  }
0x5a: {  	v3 =	vand.u32 $0x7, v3;
	v4 =	vand.u32 $0xFFFFFFE0, v60  }
0x5b: {  	v3 =	vor.u32 v3, v4  }
0x5c: {  	v4 =	vperm.xlane v3, v0;
	_ =	sdelay $0x1  }
0x5d: {  	v4 =	vadd.s32 v1, v4;
	_ =	sdelay $0x1  }
0x5e: {  	v3 =	vperm.xlane v3, v2;
	_ =	sdelay $0x1  }
0x5f: {  	v3 =	vadd.s32 v1, v3  }
0x60: {  	[tilespmem:s15], [sflag:$0x1] =	stream.indirect_vreg.gather [hbm4b:s3+s2], $0x80, v4, vm0, $0xb8;
	[tilespmem:$0x10080] =	vst v63  }
0x61: {  	_ = 	snop  }
0x62: {  	[tilespmem:s16], [sflag:$0x1] =	stream.indirect_vreg.gather [hbm4b:s4+s2], $0x80, v4, vm0, $0xb8;
	[tilespmem:$0x10080] =	vst v63  }
0x63: {  	_ = 	snop  }
0x64: {  	[tilespmem:s17], [sflag:$0x1] =	stream.indirect_vreg.gather [hbm4b:s3+s2], $0x80, v3, vm0, $0xb8;
	[tilespmem:$0x10080] =	vst v63  }
0x65: {  	_ = 	snop  }
0x66: {  	[tilespmem:s18], [sflag:$0x1] =	stream.indirect_vreg.gather [hbm4b:s4+s2], $0x80, v3, vm0, $0xb8;
	[tilespmem:$0x10080] =	vst v63  }
0x67: {  	v3 =	vld [tilespmem:$0x50];
	_ =	sdelay $0x4  }
0x68: {  	v61 =	vshll.u32 v3, $0x2  }
0x69: {  	v3 =	vand.u32 $0x7, v3;
	v4 =	vand.u32 $0xFFFFFFE0, v61  }
0x6a: {  	v3 =	vor.u32 v3, v4  }
0x6b: {  	v4 =	vperm.xlane v3, v0;
	_ =	sdelay $0x1  }
0x6c: {  	v4 =	vadd.s32 v1, v4;
	_ =	sdelay $0x1  }
0x6d: {  	v3 =	vperm.xlane v3, v2;
	_ =	sdelay $0x1  }
0x6e: {  	v3 =	vadd.s32 v1, v3  }
0x6f: {  	[tilespmem:s19], [sflag:$0x1] =	stream.indirect_vreg.gather [hbm4b:s3+s2], $0x80, v4, vm0, $0xb8;
	[tilespmem:$0x10080] =	vst v63  }
0x70: {  	_ = 	snop  }
0x71: {  	[tilespmem:s20], [sflag:$0x1] =	stream.indirect_vreg.gather [hbm4b:s4+s2], $0x80, v4, vm0, $0xb8;
	[tilespmem:$0x10080] =	vst v63  }
0x72: {  	_ = 	snop  }
0x73: {  	[tilespmem:s21], [sflag:$0x1] =	stream.indirect_vreg.gather [hbm4b:s3+s2], $0x80, v3, vm0, $0xb8;
	[tilespmem:$0x10080] =	vst v63  }
0x74: {  	_ = 	snop  }
0x75: {  	[tilespmem:s22], [sflag:$0x1] =	stream.indirect_vreg.gather [hbm4b:s4+s2], $0x80, v3, vm0, $0xb8;
	[tilespmem:$0x10080] =	vst v63  }
0x76: {  	v3 =	vld [tilespmem:$0x60];
	_ =	sdelay $0x4  }
0x77: {  	v62 =	vshll.u32 v3, $0x2  }
0x78: {  	v3 =	vand.u32 $0x7, v3;
	v4 =	vand.u32 $0xFFFFFFE0, v62  }
0x79: {  	v3 =	vor.u32 v3, v4  }
0x7a: {  	v4 =	vperm.xlane v3, v0;
	_ =	sdelay $0x1  }
0x7b: {  	v4 =	vadd.s32 v1, v4;
	_ =	sdelay $0x1  }
0x7c: {  	v3 =	vperm.xlane v3, v2;
	_ =	sdelay $0x1  }
0x7d: {  	v3 =	vadd.s32 v1, v3  }
0x7e: {  	[tilespmem:s23], [sflag:$0x1] =	stream.indirect_vreg.gather [hbm4b:s3+s2], $0x80, v4, vm0, $0xb8;
	[tilespmem:$0x10080] =	vst v63  }
0x7f: {  	_ = 	snop  }
0x80: {  	[tilespmem:s24], [sflag:$0x1] =	stream.indirect_vreg.gather [hbm4b:s4+s2], $0x80, v4, vm0, $0xb8;
	[tilespmem:$0x10080] =	vst v63  }
0x81: {  	_ = 	snop  }
0x82: {  	[tilespmem:s25], [sflag:$0x1] =	stream.indirect_vreg.gather [hbm4b:s3+s2], $0x80, v3, vm0, $0xb8;
	[tilespmem:$0x10080] =	vst v63  }
0x83: {  	_ = 	snop  }
0x84: {  	[tilespmem:s26], [sflag:$0x1] =	stream.indirect_vreg.gather [hbm4b:s4+s2], $0x80, v3, vm0, $0xb8;
	[tilespmem:$0x10080] =	vst v63  }
0x85: {  	v3 =	vld [tilespmem:$0x70];
	_ =	sdelay $0x4  }
0x86: {  	v63 =	vshll.u32 v3, $0x2  }
0x87: {  	v3 =	vand.u32 $0x7, v3;
	v4 =	vand.u32 $0xFFFFFFE0, v63  }
0x88: {  	v3 =	vor.u32 v3, v4  }
0x89: {  	v4 =	vperm.xlane v3, v0;
	_ =	sdelay $0x1  }
0x8a: {  	v4 =	vadd.s32 v1, v4;
	_ =	sdelay $0x1  }
0x8b: {  	v3 =	vperm.xlane v3, v2;
	_ =	sdelay $0x1  }
0x8c: {  	v3 =	vadd.s32 v1, v3  }
0x8d: {  	[tilespmem:s28], [sflag:$0x1] =	stream.indirect_vreg.gather [hbm4b:s3+s2], $0x80, v4, vm0, $0xb8;
	[tilespmem:$0x10080] =	vst v63  }
0x8e: {  	_ = 	snop  }
0x8f: {  	[tilespmem:s29], [sflag:$0x1] =	stream.indirect_vreg.gather [hbm4b:s4+s2], $0x80, v4, vm0, $0xb8;
	[tilespmem:$0x10080] =	vst v63  }
0x90: {  	_ = 	snop  }
0x91: {  	[tilespmem:s30], [sflag:$0x1] =	stream.indirect_vreg.gather [hbm4b:s3+s2], $0x80, v3, vm0, $0xb8;
	[tilespmem:$0x10080] =	vst v63  }
0x92: {  	_ = 	snop  }
0x93: {  	[tilespmem:s31], [sflag:$0x1] =	stream.indirect_vreg.gather [hbm4b:s4+s2], $0x80, v3, vm0, $0xb8;
	[tilespmem:$0x10080] =	vst v63  }
0x94: {  	_ =	swait.ge [sflag:s1], $0x10000  }
0x95: {  	p0 =	sne.s32 s5, $0x1;
	[sflag:s1] =	ssyncset.done $0x0  }
.Ltmp0:
0x96: {  	s8 =	rddreg [dreg:$0x3];
	[sflag:s1] =	ssyncadd.s32 $0xFFFF0000;
	(pc) =	sbr.rel @p0 .LBB2_1-.Ltmp0, $4  }
0x97: {  	[hbm4b:s8+s2] =	stream.linear.scatter [tilespmem:s7], [sflag:$0x2], $0x10000, $0x38;
	[tilespmem:$0x10080] =	vst v63  }
0x98: {  	_ =	swait.ge [sflag:s6], $0x10000  }
0x99: {  	[sflag:s6] =	ssyncset.done $0x0  }
0x9a: {  	s5 =	sadd.s32 $0xFFFFFFFF, s5;
	[sflag:s6] =	ssyncadd.s32 $0xFFFF0000  }
0x9b: {  	_ =	sfence.sel $0x180000  }
0x9c: {  	[bflag:$0x0] =	sbarrier.arrive $0xFFFF  }
0x9d: {  	_ =	strace $0x9000004D  }
0x9e: {  	s0 =	stileid.u32;
	[bflag:$0x2] =	sbarrier.arrive $0xFFFF  }
0x9f: {  	p0 =	sne.s32 s0, $0x0;
	s0 =	rddreg [dreg:$0x1]  }
0xa0: {  	s0 =	sadd.s32 @!p0 $0x100000, s0  }
0xa1: {  	[sflag:s0] =	ssyncadd.tile.s32 @!p0 $0x1;
	_ =	shalt  }
.Lfunc_end2:
_tile_overlayer_lowered:
.L_overlay_start_2:
0xa2: {  	(tag) =	ssettag $0x2  }
0xa3: {  	s0 =	rddreg [dreg:$0x0];
	s2 =	stileid.u32  }
0xa4: {  	s1 =	rddreg [dreg:$0x1];
	p0 =	sne.s32 s2, $0x0  }
0xa5: {  	s3 =	rddreg [dreg:$0x2];
	[bflag:$0x3] =	sbarrier.arrive $0xFFFF;
	s2 =	simm.s32 @!p0 $0x1C02  }
0xa6: {  	[timem:s3], [sflag:s2] =	dma.local @!p0 [hbm:s0], s1  }
0xa7: {  	s0 =	simm.s32 @!p0 $0x2  }
0xa8: {  	_ =	swait.ge @!p0 [sflag:s0], s1  }
0xa9: {  	s1 =	ssub.s32 @!p0 $0x0, s1;
	[sflag:s0] =	ssyncset.done @!p0 $0x0  }
0xaa: {  	[sflag:s0] =	ssyncadd.s32 @!p0 s1  }
0xab: {  	[bflag:$0x3] =	sbarrier.arrive $0xFFFF  }
0xac: {  	_ =	shalt  }

// kernel: kernel.32.cloned.1.call-start
scs
__scs_entry_jumppad:
0x0: {  	(pc) =	sbr.rel $0x88, $3  }
0x1: {  	(tag) =	ssettag $0x0;
	lr =	simm.s32 $0x1  }
0x2: {  	[smem:$0x3F21] =	sst lr;
	_ =	strace $0xD0000000  }
0x3: {  	_ = 	snop  }
0x4: {  	_ = 	snop  }
0x5: {  	_ = 	snop  }
0x6: {  	_ = 	snop  }
0x7: {  	_ = 	snop  }
__scs_overlays_trampoline_lowered:
0x8: {  	[smem:$0x3F30] =	sst s0  }
0x9: {  	[smem:$0x3F31] =	sst s1  }
0xa: {  	[smem:$0x3F32] =	sst s2  }
0xb: {  	[smem:$0x3F33] =	sst s3  }
0xc: {  	[smem:$0x3F34] =	sst s4  }
0xd: {  	[smem:$0x3F35] =	sst s5  }
0xe: {  	[smem:$0x3F36] =	sst s6  }
0xf: {  	[smem:$0x3F37] =	sst s7  }
0x10: {  	[smem:$0x3F38] =	sst s8  }
0x11: {  	[smem:$0x3F39] =	sst s9;
	s0 =	simm.s32 @!p0 $0x0  }
0x12: {  	s1 =	sld [smem:$0x3F1F];
	s0 =	simm.s32 @p0 $0x1  }
0x13: {  	[smem:$0x3F3A] =	sst s0;
	s0 =	simm.s32 @!p1 $0x0  }
0x14: {  	s2 =	sld [smem:$0x3F1E];
	s0 =	simm.s32 @p1 $0x1  }
0x15: {  	[smem:$0x3F3B] =	sst s0;
	s0 =	simm.s32 @!p2 $0x0  }
0x16: {  	s3 =	sld [smem:$0x3FDB];
	s0 =	simm.s32 @p2 $0x1  }
0x17: {  	s4 =	simm.s32 $0x1BF5;
	[smem:$0x3F3D] =	sst s0  }
0x18: {  	s0 =	sld [smem:$0x3F20];
	_ =	swait.ge [sflag:s4], $0x0  }
0x19: {  	s7 =	sld [smem:$0x3F21]  }
0x1a: {  	s8 =	sadd.s32 $0xFFFFE003, lr  }
0x1b: {  	s9 =	sadd.s32 $0xFFFFFEF7, lr;
	s5 =	simm.s32 $0xFFFFFFFF;
	p2 =	slt.u32 s8, $0xFFFFF086  }
0x1c: {  	p1 =	slt.u32 s9, $0xF7A;
	s5 =	simm.s32 @!p2 $0x0  }
0x1d: {  	s5 =	simm.s32 @p1 $0x1;
	p0 =	seq.s32 s7, s2  }
0x1e: {  	s7 =	smul.u32 @!p0 $0xF7A, s2;
	p2 =	seq.s32 @!p0 s5, $0x0  }
0x1f: {  	s9 =	smul.u32 $0xF7A, s1;
	s8 =	simm.s32 @!p0 $0x1BF5;
	p2 =	por !p2, p0  }
0x20: {  	[sflag:s8] =	ssyncset.s32 @!p0 $0xFFFFF086;
	s6 =	sadd.s32 @!p0 s3, s7;
	s7 =	simm.s32 @!p0 $0x108  }
0x21: {  	s3 =	sadd.s32 s3, s9;
	s6 =	sadd.s32 @!p0 $0x88, s6;
	s7 =	simm.s32 @p2 $0x1082  }
0x22: {  	[simem:s7], [sflag:s8] =	dma.local @!p0 [hbm:s6], $0xF7A  }
0x23: {  	s9 =	sor.u32 $0xD0000000, s2;
	s6 =	simm.s32 $0x108;
	_ =	swait.ge @!p0 [sflag:s8], $0x0  }
0x24: {  	s3 =	sadd.s32 $0x88, s3;
	s6 =	simm.s32 @!p1 $0x1082;
	[sflag:s4] =	ssyncset.s32 $0xFFFFF086  }
0x25: {  	[simem:s6], [sflag:s4] =	dma.local [hbm:s3], $0xF7A  }
0x26: {  	[smem:$0x3F21] =	sst s1;
	(tag) =	ssettag s2;
	_ =	strace s9  }
0x27: {  	s1 =	sld [smem:$0x3F31]  }
0x28: {  	s2 =	sld [smem:$0x3F32]  }
0x29: {  	s4 =	sld [smem:$0x3F34]  }
0x2a: {  	p0 =	seq.s32 s5, $0x0;
	s5 =	sld [smem:$0x3F35]  }
0x2b: {  	s6 =	sld [smem:$0x3F36]  }
0x2c: {  	s7 =	sld [smem:$0x3F37]  }
0x2d: {  	s3 =	simm.s32 $0x108;
	s8 =	sld [smem:$0x3F38]  }
0x2e: {  	s3 =	simm.s32 @!p0 $0x1082;
	s9 =	sld [smem:$0x3F39]  }
0x2f: {  	lr =	sadd.s32 s0, s3;
	s0 =	sld [smem:$0x3F30]  }
0x30: {  	s3 =	sld [smem:$0x3F33]  }
0x31: {  	[smem:$0x3F3C] =	sst s10  }
0x32: {  	s10 =	sld [smem:$0x3F3A];
	_ =	sdelay $0x3  }
0x33: {  	p0 =	seq.s32 s10, $0x1;
	s10 =	sld [smem:$0x3F3C];
	_ =	sdelay $0x3  }
0x34: {  	[smem:$0x3F3C] =	sst s10  }
0x35: {  	s10 =	sld [smem:$0x3F3B];
	_ =	sdelay $0x3  }
0x36: {  	p1 =	seq.s32 s10, $0x1;
	s10 =	sld [smem:$0x3F3C];
	_ =	sdelay $0x3  }
0x37: {  	[smem:$0x3F3C] =	sst s10  }
0x38: {  	s10 =	sld [smem:$0x3F3D]  }
0x39: {  	_ = 	snop;
	(pc) =	sbr.ind lr, $3  }
0x3a: {  	_ = 	snop  }
0x3b: {  	_ = 	snop  }
0x3c: {  	p2 =	seq.s32 s10, $0x1;
	s10 =	sld [smem:$0x3F3C]  }
0x3d: {  	_ =	shalt  }
0x3e: {  	_ =	shalt  }
0x3f: {  	_ =	shalt  }
0x40: {  	_ =	shalt  }
0x41: {  	_ =	shalt  }
0x42: {  	_ =	shalt  }
0x43: {  	_ =	shalt  }
0x44: {  	_ =	shalt  }
0x45: {  	_ =	shalt  }
0x46: {  	_ =	shalt  }
0x47: {  	_ =	shalt  }
0x48: {  	_ =	shalt  }
0x49: {  	_ =	shalt  }
0x4a: {  	_ =	shalt  }
0x4b: {  	_ =	shalt  }
0x4c: {  	_ =	shalt  }
0x4d: {  	_ =	shalt  }
0x4e: {  	_ =	shalt  }
0x4f: {  	_ =	shalt  }
0x50: {  	_ =	shalt  }
0x51: {  	_ =	shalt  }
0x52: {  	_ =	shalt  }
0x53: {  	_ =	shalt  }
0x54: {  	_ =	shalt  }
0x55: {  	_ =	shalt  }
0x56: {  	_ =	shalt  }
0x57: {  	_ =	shalt  }
0x58: {  	_ =	shalt  }
0x59: {  	_ =	shalt  }
0x5a: {  	_ =	shalt  }
0x5b: {  	_ =	shalt  }
0x5c: {  	_ =	shalt  }
0x5d: {  	_ =	shalt  }
0x5e: {  	_ =	shalt  }
0x5f: {  	_ =	shalt  }
0x60: {  	_ =	shalt  }
0x61: {  	_ =	shalt  }
0x62: {  	_ =	shalt  }
0x63: {  	_ =	shalt  }
0x64: {  	_ =	shalt  }
0x65: {  	_ =	shalt  }
0x66: {  	_ =	shalt  }
0x67: {  	_ =	shalt  }
0x68: {  	_ =	shalt  }
0x69: {  	_ =	shalt  }
0x6a: {  	_ =	shalt  }
0x6b: {  	_ =	shalt  }
0x6c: {  	_ =	shalt  }
0x6d: {  	_ =	shalt  }
0x6e: {  	_ =	shalt  }
0x6f: {  	_ =	shalt  }
0x70: {  	_ =	shalt  }
0x71: {  	_ =	shalt  }
0x72: {  	_ =	shalt  }
0x73: {  	_ =	shalt  }
0x74: {  	_ =	shalt  }
0x75: {  	_ =	shalt  }
0x76: {  	_ =	shalt  }
0x77: {  	_ =	shalt  }
0x78: {  	_ =	shalt  }
0x79: {  	_ =	shalt  }
0x7a: {  	_ =	shalt  }
0x7b: {  	_ =	shalt  }
0x7c: {  	_ =	shalt  }
0x7d: {  	_ =	shalt  }
0x7e: {  	_ =	shalt  }
0x7f: {  	_ =	shalt  }
0x80: {  	_ =	shalt  }
0x81: {  	_ =	shalt  }
0x82: {  	_ =	shalt  }
0x83: {  	_ =	shalt  }
0x84: {  	_ =	shalt  }
0x85: {  	_ =	shalt  }
0x86: {  	_ =	shalt  }
0x87: {  	_ =	shalt  }
.Lfunc_end0:
.L_simem_size_0:
called_computation.3_lowered:
.L_overlay_start_0:
0x88: {  	s2 =	sld [smem:$0x3FD9]  }
0x89: {  	s3 =	sld [smem:$0x3FFE];
	_ =	sdelay $0x1  }
0x8a: {  	s1 =	srdreg.scid  }
0x8b: {  	s0 =	sand.u32 $0x1, s1  }
0x8c: {  	s16 =	sshll.u32 s0, $0xA;
	s2 =	sadd.s32 s3, s2  }
0x8d: {  	s2 =	sadd.s32 s2, s16  }
0x8e: {  	[smem:$0x3F48] =	sst s2  }
0x8f: {  	_ = 	snop  }
0x90: {  	(tm) =	ssettm $0x1  }
0x91: {  	s17 =	sld [smem:$0x3FFB];
	_ =	sdelay $0x3  }
0x92: {  	_ =	strace s17  }
0x93: {  	s2 =	sld [smem:$0x3FFC];
	_ =	sdelay $0x3  }
0x94: {  	_ =	strace s2  }
0x95: {  	s2 =	sld [smem:$0x3FFD];
	_ =	sdelay $0x3  }
0x96: {  	_ =	strace s2  }
0x97: {  	_ =	strace $0x8FFFFFFF  }
0x98: {  	s18 =	sld [smem:$0x3FDB];
	_ =	sdelay $0x1  }
0x99: {  	s19 =	simm.s32 $_scs_section_size  }
0x9a: {  	s4 =	simm.s32 $_size__tile_overlayer_lowered;
	s5 =	simm.s32 $_tile_overlayer_lowered  }
0x9b: {  	s22 =	simm.s32 $0x1BFF;
	s21 =	sshll.u32 s5, $0x1;
	s2 =	sadd.s32 s19, s18  }
0x9c: {  	s6 =	simm.s32 $0x0;
	s20 =	sshll.u32 s4, $0x1;
	s4 =	sadd.s32 s21, s2  }
0x9d: {  	[timem:s6], [sflag:s22] =	dma.local [hbm:s4], s20  }
0x9e: {  	_ =	swait.ge [sflag:s22], s20  }
0x9f: {  	s3 =	ssub.s32 $0x0, s20;
	[sflag:s22] =	ssyncset.done $0x0  }
0xa0: {  	[sflag:s22] =	ssyncadd.s32 s3;
	_ =	sdelay $0x1  }
0xa1: {  	s23 =	simm.s32 $0x1B8B  }
0xa2: {  	_ =	swait.ge [sflag:s23], $0x1  }
0xa3: {  	[sflag:s23] =	ssyncset.done $0x0  }
0xa4: {  	s25 =	simm.s32 $0x1B8E;
	s24 =	sld [smem:$0x3FFE];
	[sflag:s23] =	ssyncadd.s32 $0xFFFFFFFF  }
0xa5: {  	s26 =	simm.s32 $execute0_lowered;
	[smem:$0x3FD2] =	sst s25  }
0xa6: {  	s4 =	sshll.u32 s26, $0x1;
	_ =	strace $0x8000004F;
	[dreg:$0x1] =	wrdreg $0xFFFFFFFF  }
0xa7: {  	s28 =	simm.s32 $_size_execute0_lowered;
	s2 =	sadd.s32 s2, s4;
	[dreg:$0x0] =	wrdreg $0x0  }
0xa8: {  	s4 =	sshll.u32 s28, $0x1;
	[dreg:$0x2] =	wrdreg s2  }
0xa9: {  	[dreg:$0x3] =	wrdreg s4  }
0xaa: {  	[dreg:$0x4] =	wrdreg $0xC0  }
0xab: {  	_ =	task [dreg:s6], $0x5FFFF  }
0xac: {  	[dreg:$0x1] =	wrdreg $0xFFFFFFFF  }
0xad: {  	[dreg:$0x0] =	wrdreg $0x60  }
0xae: {  	[dreg:$0x2] =	wrdreg s24  }
0xaf: {  	[dreg:$0x3] =	wrdreg $0x9  }
0xb0: {  	_ =	task.clear_ibuf [dreg:s6], $0x4FFFF;
	_ =	strace $0x9000004F  }
0xb1: {  	s29 =	simm.s32 $0x9;
	_ =	strace $0x80000051  }
0xb2: {  	_ =	swait.ge [sflag:s29], $0x1  }
0xb3: {  	[sflag:s29] =	ssyncadd.s32 $0xFFFFFFFF  }
0xb4: {  	_ =	strace $0x90000051  }
0xb5: {  	_ =	sfence  }
0xb6: {  	s30 =	sld [smem:$0x0];
	_ =	sdelay $0x2  }
0xb7: {  	s31 =	sshll.u32 s1, $0xD;
	s1 =	sshrl.u32 s1, $0x2  }
0xb8: {  	s3 =	sand.u32 $0x4000, s31;
	s1 =	sadd.s32 s1, s30  }
0xb9: {  	s0 =	sor.u32 s3, s0;
	s1 =	sshll.u32 s1, $0x11  }
0xba: {  	s0 =	sor.u32 s1, s0  }
0xbb: {  	s0 =	sadd.s32 $0x8F2B, s0  }
0xbc: {  	[sflag:s0] =	ssyncadd.remote.s32 $0x1  }
0xbd: {  	_ =	sfence.sel $0xFFFF  }
0xbe: {  	[dreg:$0x0] =	wrdreg $0xFFFFFFFF;
	(pc) =	sbr.abs _section_cstart, $3  }
0xbf: {  	[dreg:$0x1] =	wrdreg $0xFFFFFFFF  }
0xc0: {  	_ =	task.clear_ibuf [dreg:s6], $0x2FFFF;
	_ =	strace $0x9FFFFFFF  }
0xc1: {  	(tm) =	ssettm $0x7FFFFFFF  }
tec
execute0_lowered:
.L_overlay_start_1:
0x0: {  	(tag) =	ssettag $0x1  }
0x1: {  	s1 =	srdreg.scid;
	s0 =	stileid.u32  }
0x2: {  	s4 =	rddreg [dreg:$0x0];
	s19 =	simm.s32 $0x880;
	s20 =	simm.s32 $0x1080  }
0x3: {  	s21 =	simm.s32 $0x1880;
	s22 =	simm.s32 $0x2080;
	s23 =	simm.s32 $0x2880  }
0x4: {  	s24 =	simm.s32 $0x3080;
	s25 =	simm.s32 $0x3880;
	s26 =	simm.s32 $0x4080  }
0x5: {  	s7 =	simm.s32 $0x80;
	s9 =	simm.s32 $0x5080;
	s10 =	simm.s32 $0x5880  }
0x6: {  	s11 =	simm.s32 $0x6080;
	s12 =	simm.s32 $0x6880;
	s1 =	sand.u32 $0x1, s1  }
0x7: {  	s13 =	simm.s32 $0x7080;
	s2 =	sshll.u32 s0, $0x8;
	s3 =	sshll.u32 s1, $0x7  }
0x8: {  	s14 =	simm.s32 $0x7880;
	s3 =	sor.u32 s3, s2;
	s2 =	simm.s32 $0x0  }
0x9: {  	s15 =	simm.s32 $0x8080;
	s16 =	simm.s32 $0x8880;
	[smem:$0x7FF] =	sst s2  }
0xa: {  	s17 =	simm.s32 $0x9080;
	_ =	strace $0x80000050;
	[dreg:$0x4] =	wrdreg s19  }
0xb: {  	s18 =	simm.s32 $0x9880;
	s28 =	simm.s32 $0xE080;
	[dreg:$0x5] =	wrdreg s20  }
0xc: {  	s29 =	simm.s32 $0xE880;
	s30 =	simm.s32 $0xF080;
	[dreg:$0x6] =	wrdreg s21  }
0xd: {  	s31 =	simm.s32 $0xF880;
	s1 =	ssub.s32 $0x2, s1;
	[dreg:$0x7] =	wrdreg s22  }
0xe: {  	s6 =	sshrl.u32 s1, $0x1;
	s5 =	sshrl.u32 s3, $0x3;
	[dreg:$0x8] =	wrdreg s23  }
0xf: {  	s3 =	sshll.u32 s3, $0x6;
	s1 =	ssub.s32 s1, s6;
	[dreg:$0x9] =	wrdreg s24  }
0x10: {  	s6 =	simm.s32 $0x2;
	s5 =	sadd.s32 s5, s4;
	[dreg:$0xa] =	wrdreg s25  }
0x11: {  	s3 =	sadd.s32 s3, s4;
	[dreg:$0xb] =	wrdreg s26;
	s19 =	simm.s32 $0xA080  }
0x12: {  	s20 =	simm.s32 $0xA880;
	s21 =	simm.s32 $0xB080;
	s22 =	simm.s32 $0xB880  }
0x13: {  	s23 =	simm.s32 $0xC080;
	s24 =	simm.s32 $0xC880;
	s5 =	sadd.s32 $0x84800, s5  }
0x14: {  	v2 =	vlaneseq.u32;
	s25 =	simm.s32 $0xD080;
	s3 =	sadd.s32 $0x8EC00, s3;
	[dreg:$0x2] =	wrdreg s5  }
0x15: {  	vm0 =	vmmov $0xffff;
	v1 =	vshrl.u32 v2, $0x3;
	s26 =	simm.s32 $0xD880;
	[dreg:$0x3] =	wrdreg s3;
	s3 =	sadd.s32 $0x84A00, s4  }
0x16: {  	v0 =	vand.u32 $0x7, v2;
	v2 =	vor.u32 $0x8, v2;
	v1 =	vmul.u32 $0x8, v1;
	s4 =	sadd.s32 $0x84B00, s4;
	s5 =	smax.u32 s1, $0x1;
	s1 =	simm.s32 $0x1  }
.LBB2_1:
0x17: {  	s0 =	rddreg [dreg:$0x2]  }
0x18: {  	[tilespmem:s2], [sflag:$0x2] =	stream.linear.gather [hbm4b:s0+s2], $0x80, $0x38;
	[tilespmem:$0x10080] =	vst v63  }
0x19: {  	_ =	swait.ge [sflag:s6], $0x80  }
0x1a: {  	[sflag:s6] =	ssyncset.done $0x0  }
0x1b: {  	[sflag:s6] =	ssyncadd.s32 $0xFFFFFF80  }
0x1c: {  	v3 =	vld [tilespmem:$0x0];
	_ =	sdelay $0x4  }
0x1d: {  	v4 =	vshll.u32 v3, $0x2  }
0x1e: {  	v3 =	vand.u32 $0x7, v3;
	v4 =	vand.u32 $0xFFFFFFE0, v4  }
0x1f: {  	v3 =	vor.u32 v3, v4  }
0x20: {  	v4 =	vperm.xlane v3, v0;
	_ =	sdelay $0x1  }
0x21: {  	v4 =	vadd.s32 v1, v4;
	_ =	sdelay $0x1  }
0x22: {  	v3 =	vperm.xlane v3, v2;
	_ =	sdelay $0x1  }
0x23: {  	v3 =	vadd.s32 v1, v3  }
0x24: {  	[tilespmem:s7], [sflag:$0x1] =	stream.indirect_vreg.gather [hbm4b:s3+s2], $0x80, v4, vm0, $0xb8;
	[tilespmem:$0x10080] =	vst v63  }
0x25: {  	s0 =	rddreg [dreg:$0x4]  }
0x26: {  	[tilespmem:s0], [sflag:$0x1] =	stream.indirect_vreg.gather [hbm4b:s4+s2], $0x80, v4, vm0, $0xb8;
	[tilespmem:$0x10080] =	vst v63  }
0x27: {  	s8 =	rddreg [dreg:$0x5]  }
0x28: {  	[tilespmem:s8], [sflag:$0x1] =	stream.indirect_vreg.gather [hbm4b:s3+s2], $0x80, v3, vm0, $0xb8;
	[tilespmem:$0x10080] =	vst v63  }
0x29: {  	s0 =	rddreg [dreg:$0x6]  }
0x2a: {  	[tilespmem:s0], [sflag:$0x1] =	stream.indirect_vreg.gather [hbm4b:s4+s2], $0x80, v3, vm0, $0xb8;
	[tilespmem:$0x10080] =	vst v63  }
0x2b: {  	v3 =	vld [tilespmem:$0x10];
	_ =	sdelay $0x4  }
0x2c: {  	v57 =	vshll.u32 v3, $0x2  }
0x2d: {  	v3 =	vand.u32 $0x7, v3;
	v4 =	vand.u32 $0xFFFFFFE0, v57  }
0x2e: {  	v3 =	vor.u32 v3, v4  }
0x2f: {  	v4 =	vperm.xlane v3, v0;
	_ =	sdelay $0x1  }
0x30: {  	v4 =	vadd.s32 v1, v4;
	_ =	sdelay $0x1  }
0x31: {  	v3 =	vperm.xlane v3, v2;
	_ =	sdelay $0x1  }
0x32: {  	s0 =	rddreg [dreg:$0x7];
	v3 =	vadd.s32 v1, v3  }
0x33: {  	[tilespmem:s0], [sflag:$0x1] =	stream.indirect_vreg.gather [hbm4b:s3+s2], $0x80, v4, vm0, $0xb8;
	[tilespmem:$0x10080] =	vst v63  }
0x34: {  	s8 =	rddreg [dreg:$0x8]  }
0x35: {  	[tilespmem:s8], [sflag:$0x1] =	stream.indirect_vreg.gather [hbm4b:s4+s2], $0x80, v4, vm0, $0xb8;
	[tilespmem:$0x10080] =	vst v63  }
0x36: {  	s0 =	rddreg [dreg:$0x9]  }
0x37: {  	[tilespmem:s0], [sflag:$0x1] =	stream.indirect_vreg.gather [hbm4b:s3+s2], $0x80, v3, vm0, $0xb8;
	[tilespmem:$0x10080] =	vst v63  }
0x38: {  	s8 =	rddreg [dreg:$0xa]  }
0x39: {  	[tilespmem:s8], [sflag:$0x1] =	stream.indirect_vreg.gather [hbm4b:s4+s2], $0x80, v3, vm0, $0xb8;
	[tilespmem:$0x10080] =	vst v63  }
0x3a: {  	v3 =	vld [tilespmem:$0x20];
	_ =	sdelay $0x4  }
0x3b: {  	v58 =	vshll.u32 v3, $0x2  }
0x3c: {  	v3 =	vand.u32 $0x7, v3;
	v4 =	vand.u32 $0xFFFFFFE0, v58  }
0x3d: {  	v3 =	vor.u32 v3, v4  }
0x3e: {  	v4 =	vperm.xlane v3, v0;
	_ =	sdelay $0x1  }
0x3f: {  	v4 =	vadd.s32 v1, v4;
	_ =	sdelay $0x1  }
0x40: {  	v3 =	vperm.xlane v3, v2;
	_ =	sdelay $0x1  }
0x41: {  	s8 =	rddreg [dreg:$0xb];
	v3 =	vadd.s32 v1, v3  }
0x42: {  	[tilespmem:s8], [sflag:$0x1] =	stream.indirect_vreg.gather [hbm4b:s3+s2], $0x80, v4, vm0, $0xb8;
	[tilespmem:$0x10080] =	vst v63  }
0x43: {  	s8 =	simm.s32 $0x4880  }
0x44: {  	[tilespmem:s8], [sflag:$0x1] =	stream.indirect_vreg.gather [hbm4b:s4+s2], $0x80, v4, vm0, $0xb8;
	[tilespmem:$0x10080] =	vst v63  }
0x45: {  	_ = 	snop  }
0x46: {  	[tilespmem:s9], [sflag:$0x1] =	stream.indirect_vreg.gather [hbm4b:s3+s2], $0x80, v3, vm0, $0xb8;
	[tilespmem:$0x10080] =	vst v63  }
0x47: {  	_ = 	snop  }
0x48: {  	[tilespmem:s10], [sflag:$0x1] =	stream.indirect_vreg.gather [hbm4b:s4+s2], $0x80, v3, vm0, $0xb8;
	[tilespmem:$0x10080] =	vst v63  }
0x49: {  	v3 =	vld [tilespmem:$0x30];
	_ =	sdelay $0x4  }
0x4a: {  	v59 =	vshll.u32 v3, $0x2  }
0x4b: {  	v3 =	vand.u32 $0x7, v3;
	v4 =	vand.u32 $0xFFFFFFE0, v59  }
0x4c: {  	v3 =	vor.u32 v3, v4  }
0x4d: {  	v4 =	vperm.xlane v3, v0;
	_ =	sdelay $0x1  }
0x4e: {  	v4 =	vadd.s32 v1, v4;
	_ =	sdelay $0x1  }
0x4f: {  	v3 =	vperm.xlane v3, v2;
	_ =	sdelay $0x1  }
0x50: {  	v3 =	vadd.s32 v1, v3  }
0x51: {  	[tilespmem:s11], [sflag:$0x1] =	stream.indirect_vreg.gather [hbm4b:s3+s2], $0x80, v4, vm0, $0xb8;
	[tilespmem:$0x10080] =	vst v63  }
0x52: {  	_ = 	snop  }
0x53: {  	[tilespmem:s12], [sflag:$0x1] =	stream.indirect_vreg.gather [hbm4b:s4+s2], $0x80, v4, vm0, $0xb8;
	[tilespmem:$0x10080] =	vst v63  }
0x54: {  	_ = 	snop  }
0x55: {  	[tilespmem:s13], [sflag:$0x1] =	stream.indirect_vreg.gather [hbm4b:s3+s2], $0x80, v3, vm0, $0xb8;
	[tilespmem:$0x10080] =	vst v63  }
0x56: {  	_ = 	snop  }
0x57: {  	[tilespmem:s14], [sflag:$0x1] =	stream.indirect_vreg.gather [hbm4b:s4+s2], $0x80, v3, vm0, $0xb8;
	[tilespmem:$0x10080] =	vst v63  }
0x58: {  	v3 =	vld [tilespmem:$0x40];
	_ =	sdelay $0x4  }
0x59: {  	v60 =	vshll.u32 v3, $0x2  }
0x5a: {  	v3 =	vand.u32 $0x7, v3;
	v4 =	vand.u32 $0xFFFFFFE0, v60  }
0x5b: {  	v3 =	vor.u32 v3, v4  }
0x5c: {  	v4 =	vperm.xlane v3, v0;
	_ =	sdelay $0x1  }
0x5d: {  	v4 =	vadd.s32 v1, v4;
	_ =	sdelay $0x1  }
0x5e: {  	v3 =	vperm.xlane v3, v2;
	_ =	sdelay $0x1  }
0x5f: {  	v3 =	vadd.s32 v1, v3  }
0x60: {  	[tilespmem:s15], [sflag:$0x1] =	stream.indirect_vreg.gather [hbm4b:s3+s2], $0x80, v4, vm0, $0xb8;
	[tilespmem:$0x10080] =	vst v63  }
0x61: {  	_ = 	snop  }
0x62: {  	[tilespmem:s16], [sflag:$0x1] =	stream.indirect_vreg.gather [hbm4b:s4+s2], $0x80, v4, vm0, $0xb8;
	[tilespmem:$0x10080] =	vst v63  }
0x63: {  	_ = 	snop  }
0x64: {  	[tilespmem:s17], [sflag:$0x1] =	stream.indirect_vreg.gather [hbm4b:s3+s2], $0x80, v3, vm0, $0xb8;
	[tilespmem:$0x10080] =	vst v63  }
0x65: {  	_ = 	snop  }
0x66: {  	[tilespmem:s18], [sflag:$0x1] =	stream.indirect_vreg.gather [hbm4b:s4+s2], $0x80, v3, vm0, $0xb8;
	[tilespmem:$0x10080] =	vst v63  }
0x67: {  	v3 =	vld [tilespmem:$0x50];
	_ =	sdelay $0x4  }
0x68: {  	v61 =	vshll.u32 v3, $0x2  }
0x69: {  	v3 =	vand.u32 $0x7, v3;
	v4 =	vand.u32 $0xFFFFFFE0, v61  }
0x6a: {  	v3 =	vor.u32 v3, v4  }
0x6b: {  	v4 =	vperm.xlane v3, v0;
	_ =	sdelay $0x1  }
0x6c: {  	v4 =	vadd.s32 v1, v4;
	_ =	sdelay $0x1  }
0x6d: {  	v3 =	vperm.xlane v3, v2;
	_ =	sdelay $0x1  }
0x6e: {  	v3 =	vadd.s32 v1, v3  }
0x6f: {  	[tilespmem:s19], [sflag:$0x1] =	stream.indirect_vreg.gather [hbm4b:s3+s2], $0x80, v4, vm0, $0xb8;
	[tilespmem:$0x10080] =	vst v63  }
0x70: {  	_ = 	snop  }
0x71: {  	[tilespmem:s20], [sflag:$0x1] =	stream.indirect_vreg.gather [hbm4b:s4+s2], $0x80, v4, vm0, $0xb8;
	[tilespmem:$0x10080] =	vst v63  }
0x72: {  	_ = 	snop  }
0x73: {  	[tilespmem:s21], [sflag:$0x1] =	stream.indirect_vreg.gather [hbm4b:s3+s2], $0x80, v3, vm0, $0xb8;
	[tilespmem:$0x10080] =	vst v63  }
0x74: {  	_ = 	snop  }
0x75: {  	[tilespmem:s22], [sflag:$0x1] =	stream.indirect_vreg.gather [hbm4b:s4+s2], $0x80, v3, vm0, $0xb8;
	[tilespmem:$0x10080] =	vst v63  }
0x76: {  	v3 =	vld [tilespmem:$0x60];
	_ =	sdelay $0x4  }
0x77: {  	v62 =	vshll.u32 v3, $0x2  }
0x78: {  	v3 =	vand.u32 $0x7, v3;
	v4 =	vand.u32 $0xFFFFFFE0, v62  }
0x79: {  	v3 =	vor.u32 v3, v4  }
0x7a: {  	v4 =	vperm.xlane v3, v0;
	_ =	sdelay $0x1  }
0x7b: {  	v4 =	vadd.s32 v1, v4;
	_ =	sdelay $0x1  }
0x7c: {  	v3 =	vperm.xlane v3, v2;
	_ =	sdelay $0x1  }
0x7d: {  	v3 =	vadd.s32 v1, v3  }
0x7e: {  	[tilespmem:s23], [sflag:$0x1] =	stream.indirect_vreg.gather [hbm4b:s3+s2], $0x80, v4, vm0, $0xb8;
	[tilespmem:$0x10080] =	vst v63  }
0x7f: {  	_ = 	snop  }
0x80: {  	[tilespmem:s24], [sflag:$0x1] =	stream.indirect_vreg.gather [hbm4b:s4+s2], $0x80, v4, vm0, $0xb8;
	[tilespmem:$0x10080] =	vst v63  }
0x81: {  	_ = 	snop  }
0x82: {  	[tilespmem:s25], [sflag:$0x1] =	stream.indirect_vreg.gather [hbm4b:s3+s2], $0x80, v3, vm0, $0xb8;
	[tilespmem:$0x10080] =	vst v63  }
0x83: {  	_ = 	snop  }
0x84: {  	[tilespmem:s26], [sflag:$0x1] =	stream.indirect_vreg.gather [hbm4b:s4+s2], $0x80, v3, vm0, $0xb8;
	[tilespmem:$0x10080] =	vst v63  }
0x85: {  	v3 =	vld [tilespmem:$0x70];
	_ =	sdelay $0x4  }
0x86: {  	v63 =	vshll.u32 v3, $0x2  }
0x87: {  	v3 =	vand.u32 $0x7, v3;
	v4 =	vand.u32 $0xFFFFFFE0, v63  }
0x88: {  	v3 =	vor.u32 v3, v4  }
0x89: {  	v4 =	vperm.xlane v3, v0;
	_ =	sdelay $0x1  }
0x8a: {  	v4 =	vadd.s32 v1, v4;
	_ =	sdelay $0x1  }
0x8b: {  	v3 =	vperm.xlane v3, v2;
	_ =	sdelay $0x1  }
0x8c: {  	v3 =	vadd.s32 v1, v3  }
0x8d: {  	[tilespmem:s28], [sflag:$0x1] =	stream.indirect_vreg.gather [hbm4b:s3+s2], $0x80, v4, vm0, $0xb8;
	[tilespmem:$0x10080] =	vst v63  }
0x8e: {  	_ = 	snop  }
0x8f: {  	[tilespmem:s29], [sflag:$0x1] =	stream.indirect_vreg.gather [hbm4b:s4+s2], $0x80, v4, vm0, $0xb8;
	[tilespmem:$0x10080] =	vst v63  }
0x90: {  	_ = 	snop  }
0x91: {  	[tilespmem:s30], [sflag:$0x1] =	stream.indirect_vreg.gather [hbm4b:s3+s2], $0x80, v3, vm0, $0xb8;
	[tilespmem:$0x10080] =	vst v63  }
0x92: {  	_ = 	snop  }
0x93: {  	[tilespmem:s31], [sflag:$0x1] =	stream.indirect_vreg.gather [hbm4b:s4+s2], $0x80, v3, vm0, $0xb8;
	[tilespmem:$0x10080] =	vst v63  }
0x94: {  	_ =	swait.ge [sflag:s1], $0x10000  }
0x95: {  	p0 =	sne.s32 s5, $0x1;
	[sflag:s1] =	ssyncset.done $0x0  }
.Ltmp0:
0x96: {  	s8 =	rddreg [dreg:$0x3];
	[sflag:s1] =	ssyncadd.s32 $0xFFFF0000;
	(pc) =	sbr.rel @p0 .LBB2_1-.Ltmp0, $4  }
0x97: {  	[hbm4b:s8+s2] =	stream.linear.scatter [tilespmem:s7], [sflag:$0x2], $0x10000, $0x38;
	[tilespmem:$0x10080] =	vst v63  }
0x98: {  	_ =	swait.ge [sflag:s6], $0x10000  }
0x99: {  	[sflag:s6] =	ssyncset.done $0x0  }
0x9a: {  	s5 =	sadd.s32 $0xFFFFFFFF, s5;
	[sflag:s6] =	ssyncadd.s32 $0xFFFF0000  }
0x9b: {  	_ =	sfence.sel $0x180000  }
0x9c: {  	[bflag:$0x0] =	sbarrier.arrive $0xFFFF  }
0x9d: {  	_ =	strace $0x90000050  }
0x9e: {  	s0 =	stileid.u32;
	[bflag:$0x2] =	sbarrier.arrive $0xFFFF  }
0x9f: {  	p0 =	sne.s32 s0, $0x0;
	s0 =	rddreg [dreg:$0x1]  }
0xa0: {  	s0 =	sadd.s32 @!p0 $0x100000, s0  }
0xa1: {  	[sflag:s0] =	ssyncadd.tile.s32 @!p0 $0x1;
	_ =	shalt  }
.Lfunc_end2:
_tile_overlayer_lowered:
.L_overlay_start_2:
0xa2: {  	(tag) =	ssettag $0x2  }
0xa3: {  	s0 =	rddreg [dreg:$0x0];
	s2 =	stileid.u32  }
0xa4: {  	s1 =	rddreg [dreg:$0x1];
	p0 =	sne.s32 s2, $0x0  }
0xa5: {  	s3 =	rddreg [dreg:$0x2];
	[bflag:$0x3] =	sbarrier.arrive $0xFFFF;
	s2 =	simm.s32 @!p0 $0x1C02  }
0xa6: {  	[timem:s3], [sflag:s2] =	dma.local @!p0 [hbm:s0], s1  }
0xa7: {  	s0 =	simm.s32 @!p0 $0x2  }
0xa8: {  	_ =	swait.ge @!p0 [sflag:s0], s1  }
0xa9: {  	s1 =	ssub.s32 @!p0 $0x0, s1;
	[sflag:s0] =	ssyncset.done @!p0 $0x0  }
0xaa: {  	[sflag:s0] =	ssyncadd.s32 @!p0 s1  }
0xab: {  	[bflag:$0x3] =	sbarrier.arrive $0xFFFF  }
0xac: {  	_ =	shalt  }

// kernel: kernel.35.cloned.1.call-start
scs
__scs_entry_jumppad:
0x0: {  	(pc) =	sbr.rel $0x88, $3  }
0x1: {  	(tag) =	ssettag $0x0;
	lr =	simm.s32 $0x1  }
0x2: {  	[smem:$0x3F21] =	sst lr;
	_ =	strace $0xD0000000  }
0x3: {  	_ = 	snop  }
0x4: {  	_ = 	snop  }
0x5: {  	_ = 	snop  }
0x6: {  	_ = 	snop  }
0x7: {  	_ = 	snop  }
__scs_overlays_trampoline_lowered:
0x8: {  	[smem:$0x3F30] =	sst s0  }
0x9: {  	[smem:$0x3F31] =	sst s1  }
0xa: {  	[smem:$0x3F32] =	sst s2  }
0xb: {  	[smem:$0x3F33] =	sst s3  }
0xc: {  	[smem:$0x3F34] =	sst s4  }
0xd: {  	[smem:$0x3F35] =	sst s5  }
0xe: {  	[smem:$0x3F36] =	sst s6  }
0xf: {  	[smem:$0x3F37] =	sst s7  }
0x10: {  	[smem:$0x3F38] =	sst s8  }
0x11: {  	[smem:$0x3F39] =	sst s9;
	s0 =	simm.s32 @!p0 $0x0  }
0x12: {  	s1 =	sld [smem:$0x3F1F];
	s0 =	simm.s32 @p0 $0x1  }
0x13: {  	[smem:$0x3F3A] =	sst s0;
	s0 =	simm.s32 @!p1 $0x0  }
0x14: {  	s2 =	sld [smem:$0x3F1E];
	s0 =	simm.s32 @p1 $0x1  }
0x15: {  	[smem:$0x3F3B] =	sst s0;
	s0 =	simm.s32 @!p2 $0x0  }
0x16: {  	s3 =	sld [smem:$0x3FDB];
	s0 =	simm.s32 @p2 $0x1  }
0x17: {  	s4 =	simm.s32 $0x1BF5;
	[smem:$0x3F3D] =	sst s0  }
0x18: {  	s0 =	sld [smem:$0x3F20];
	_ =	swait.ge [sflag:s4], $0x0  }
0x19: {  	s7 =	sld [smem:$0x3F21]  }
0x1a: {  	s8 =	sadd.s32 $0xFFFFE003, lr  }
0x1b: {  	s9 =	sadd.s32 $0xFFFFFEF7, lr;
	s5 =	simm.s32 $0xFFFFFFFF;
	p2 =	slt.u32 s8, $0xFFFFF086  }
0x1c: {  	p1 =	slt.u32 s9, $0xF7A;
	s5 =	simm.s32 @!p2 $0x0  }
0x1d: {  	s5 =	simm.s32 @p1 $0x1;
	p0 =	seq.s32 s7, s2  }
0x1e: {  	s7 =	smul.u32 @!p0 $0xF7A, s2;
	p2 =	seq.s32 @!p0 s5, $0x0  }
0x1f: {  	s9 =	smul.u32 $0xF7A, s1;
	s8 =	simm.s32 @!p0 $0x1BF5;
	p2 =	por !p2, p0  }
0x20: {  	[sflag:s8] =	ssyncset.s32 @!p0 $0xFFFFF086;
	s6 =	sadd.s32 @!p0 s3, s7;
	s7 =	simm.s32 @!p0 $0x108  }
0x21: {  	s3 =	sadd.s32 s3, s9;
	s6 =	sadd.s32 @!p0 $0x88, s6;
	s7 =	simm.s32 @p2 $0x1082  }
0x22: {  	[simem:s7], [sflag:s8] =	dma.local @!p0 [hbm:s6], $0xF7A  }
0x23: {  	s9 =	sor.u32 $0xD0000000, s2;
	s6 =	simm.s32 $0x108;
	_ =	swait.ge @!p0 [sflag:s8], $0x0  }
0x24: {  	s3 =	sadd.s32 $0x88, s3;
	s6 =	simm.s32 @!p1 $0x1082;
	[sflag:s4] =	ssyncset.s32 $0xFFFFF086  }
0x25: {  	[simem:s6], [sflag:s4] =	dma.local [hbm:s3], $0xF7A  }
0x26: {  	[smem:$0x3F21] =	sst s1;
	(tag) =	ssettag s2;
	_ =	strace s9  }
0x27: {  	s1 =	sld [smem:$0x3F31]  }
0x28: {  	s2 =	sld [smem:$0x3F32]  }
0x29: {  	s4 =	sld [smem:$0x3F34]  }
0x2a: {  	p0 =	seq.s32 s5, $0x0;
	s5 =	sld [smem:$0x3F35]  }
0x2b: {  	s6 =	sld [smem:$0x3F36]  }
0x2c: {  	s7 =	sld [smem:$0x3F37]  }
0x2d: {  	s3 =	simm.s32 $0x108;
	s8 =	sld [smem:$0x3F38]  }
0x2e: {  	s3 =	simm.s32 @!p0 $0x1082;
	s9 =	sld [smem:$0x3F39]  }
0x2f: {  	lr =	sadd.s32 s0, s3;
	s0 =	sld [smem:$0x3F30]  }
0x30: {  	s3 =	sld [smem:$0x3F33]  }
0x31: {  	[smem:$0x3F3C] =	sst s10  }
0x32: {  	s10 =	sld [smem:$0x3F3A];
	_ =	sdelay $0x3  }
0x33: {  	p0 =	seq.s32 s10, $0x1;
	s10 =	sld [smem:$0x3F3C];
	_ =	sdelay $0x3  }
0x34: {  	[smem:$0x3F3C] =	sst s10  }
0x35: {  	s10 =	sld [smem:$0x3F3B];
	_ =	sdelay $0x3  }
0x36: {  	p1 =	seq.s32 s10, $0x1;
	s10 =	sld [smem:$0x3F3C];
	_ =	sdelay $0x3  }
0x37: {  	[smem:$0x3F3C] =	sst s10  }
0x38: {  	s10 =	sld [smem:$0x3F3D]  }
0x39: {  	_ = 	snop;
	(pc) =	sbr.ind lr, $3  }
0x3a: {  	_ = 	snop  }
0x3b: {  	_ = 	snop  }
0x3c: {  	p2 =	seq.s32 s10, $0x1;
	s10 =	sld [smem:$0x3F3C]  }
0x3d: {  	_ =	shalt  }
0x3e: {  	_ =	shalt  }
0x3f: {  	_ =	shalt  }
0x40: {  	_ =	shalt  }
0x41: {  	_ =	shalt  }
0x42: {  	_ =	shalt  }
0x43: {  	_ =	shalt  }
0x44: {  	_ =	shalt  }
0x45: {  	_ =	shalt  }
0x46: {  	_ =	shalt  }
0x47: {  	_ =	shalt  }
0x48: {  	_ =	shalt  }
0x49: {  	_ =	shalt  }
0x4a: {  	_ =	shalt  }
0x4b: {  	_ =	shalt  }
0x4c: {  	_ =	shalt  }
0x4d: {  	_ =	shalt  }
0x4e: {  	_ =	shalt  }
0x4f: {  	_ =	shalt  }
0x50: {  	_ =	shalt  }
0x51: {  	_ =	shalt  }
0x52: {  	_ =	shalt  }
0x53: {  	_ =	shalt  }
0x54: {  	_ =	shalt  }
0x55: {  	_ =	shalt  }
0x56: {  	_ =	shalt  }
0x57: {  	_ =	shalt  }
0x58: {  	_ =	shalt  }
0x59: {  	_ =	shalt  }
0x5a: {  	_ =	shalt  }
0x5b: {  	_ =	shalt  }
0x5c: {  	_ =	shalt  }
0x5d: {  	_ =	shalt  }
0x5e: {  	_ =	shalt  }
0x5f: {  	_ =	shalt  }
0x60: {  	_ =	shalt  }
0x61: {  	_ =	shalt  }
0x62: {  	_ =	shalt  }
0x63: {  	_ =	shalt  }
0x64: {  	_ =	shalt  }
0x65: {  	_ =	shalt  }
0x66: {  	_ =	shalt  }
0x67: {  	_ =	shalt  }
0x68: {  	_ =	shalt  }
0x69: {  	_ =	shalt  }
0x6a: {  	_ =	shalt  }
0x6b: {  	_ =	shalt  }
0x6c: {  	_ =	shalt  }
0x6d: {  	_ =	shalt  }
0x6e: {  	_ =	shalt  }
0x6f: {  	_ =	shalt  }
0x70: {  	_ =	shalt  }
0x71: {  	_ =	shalt  }
0x72: {  	_ =	shalt  }
0x73: {  	_ =	shalt  }
0x74: {  	_ =	shalt  }
0x75: {  	_ =	shalt  }
0x76: {  	_ =	shalt  }
0x77: {  	_ =	shalt  }
0x78: {  	_ =	shalt  }
0x79: {  	_ =	shalt  }
0x7a: {  	_ =	shalt  }
0x7b: {  	_ =	shalt  }
0x7c: {  	_ =	shalt  }
0x7d: {  	_ =	shalt  }
0x7e: {  	_ =	shalt  }
0x7f: {  	_ =	shalt  }
0x80: {  	_ =	shalt  }
0x81: {  	_ =	shalt  }
0x82: {  	_ =	shalt  }
0x83: {  	_ =	shalt  }
0x84: {  	_ =	shalt  }
0x85: {  	_ =	shalt  }
0x86: {  	_ =	shalt  }
0x87: {  	_ =	shalt  }
.Lfunc_end0:
.L_simem_size_0:
called_computation.4_lowered:
.L_overlay_start_0:
0x88: {  	s2 =	sld [smem:$0x3FD9]  }
0x89: {  	s3 =	sld [smem:$0x3FFE];
	_ =	sdelay $0x1  }
0x8a: {  	s1 =	srdreg.scid  }
0x8b: {  	s0 =	sand.u32 $0x1, s1  }
0x8c: {  	s16 =	sshll.u32 s0, $0xA;
	s2 =	sadd.s32 s3, s2  }
0x8d: {  	s2 =	sadd.s32 s2, s16  }
0x8e: {  	[smem:$0x3F48] =	sst s2  }
0x8f: {  	_ = 	snop  }
0x90: {  	(tm) =	ssettm $0x1  }
0x91: {  	s17 =	sld [smem:$0x3FFB];
	_ =	sdelay $0x3  }
0x92: {  	_ =	strace s17  }
0x93: {  	s2 =	sld [smem:$0x3FFC];
	_ =	sdelay $0x3  }
0x94: {  	_ =	strace s2  }
0x95: {  	s2 =	sld [smem:$0x3FFD];
	_ =	sdelay $0x3  }
0x96: {  	_ =	strace s2  }
0x97: {  	_ =	strace $0x8FFFFFFF  }
0x98: {  	s18 =	sld [smem:$0x3FDB];
	_ =	sdelay $0x1  }
0x99: {  	s19 =	simm.s32 $_scs_section_size  }
0x9a: {  	s4 =	simm.s32 $_size__tile_overlayer_lowered;
	s5 =	simm.s32 $_tile_overlayer_lowered  }
0x9b: {  	s22 =	simm.s32 $0x1BFF;
	s21 =	sshll.u32 s5, $0x1;
	s2 =	sadd.s32 s19, s18  }
0x9c: {  	s6 =	simm.s32 $0x0;
	s20 =	sshll.u32 s4, $0x1;
	s4 =	sadd.s32 s21, s2  }
0x9d: {  	[timem:s6], [sflag:s22] =	dma.local [hbm:s4], s20  }
0x9e: {  	_ =	swait.ge [sflag:s22], s20  }
0x9f: {  	s3 =	ssub.s32 $0x0, s20;
	[sflag:s22] =	ssyncset.done $0x0  }
0xa0: {  	[sflag:s22] =	ssyncadd.s32 s3;
	_ =	sdelay $0x1  }
0xa1: {  	s23 =	simm.s32 $0x1B8B  }
0xa2: {  	_ =	swait.ge [sflag:s23], $0x1  }
0xa3: {  	[sflag:s23] =	ssyncset.done $0x0  }
0xa4: {  	s25 =	simm.s32 $0x1B8E;
	s24 =	sld [smem:$0x3FFE];
	[sflag:s23] =	ssyncadd.s32 $0xFFFFFFFF  }
0xa5: {  	s26 =	simm.s32 $execute0_lowered;
	[smem:$0x3FD2] =	sst s25  }
0xa6: {  	s4 =	sshll.u32 s26, $0x1;
	_ =	strace $0x80000052;
	[dreg:$0x1] =	wrdreg $0xFFFFFFFF  }
0xa7: {  	s28 =	simm.s32 $_size_execute0_lowered;
	s2 =	sadd.s32 s2, s4;
	[dreg:$0x0] =	wrdreg $0x0  }
0xa8: {  	s4 =	sshll.u32 s28, $0x1;
	[dreg:$0x2] =	wrdreg s2  }
0xa9: {  	[dreg:$0x3] =	wrdreg s4  }
0xaa: {  	[dreg:$0x4] =	wrdreg $0xC0  }
0xab: {  	_ =	task [dreg:s6], $0x5FFFF  }
0xac: {  	[dreg:$0x1] =	wrdreg $0xFFFFFFFF  }
0xad: {  	[dreg:$0x0] =	wrdreg $0x60  }
0xae: {  	[dreg:$0x2] =	wrdreg s24  }
0xaf: {  	[dreg:$0x3] =	wrdreg $0x9  }
0xb0: {  	_ =	task.clear_ibuf [dreg:s6], $0x4FFFF;
	_ =	strace $0x90000052  }
0xb1: {  	s29 =	simm.s32 $0x9;
	_ =	strace $0x80000054  }
0xb2: {  	_ =	swait.ge [sflag:s29], $0x1  }
0xb3: {  	[sflag:s29] =	ssyncadd.s32 $0xFFFFFFFF  }
0xb4: {  	_ =	strace $0x90000054  }
0xb5: {  	_ =	sfence  }
0xb6: {  	s30 =	sld [smem:$0x0];
	_ =	sdelay $0x2  }
0xb7: {  	s31 =	sshll.u32 s1, $0xD;
	s1 =	sshrl.u32 s1, $0x2  }
0xb8: {  	s3 =	sand.u32 $0x4000, s31;
	s1 =	sadd.s32 s1, s30  }
0xb9: {  	s0 =	sor.u32 s3, s0;
	s1 =	sshll.u32 s1, $0x11  }
0xba: {  	s0 =	sor.u32 s1, s0  }
0xbb: {  	s0 =	sadd.s32 $0x8F2B, s0  }
0xbc: {  	[sflag:s0] =	ssyncadd.remote.s32 $0x1  }
0xbd: {  	_ =	sfence.sel $0xFFFF  }
0xbe: {  	[dreg:$0x0] =	wrdreg $0xFFFFFFFF;
	(pc) =	sbr.abs _section_cstart, $3  }
0xbf: {  	[dreg:$0x1] =	wrdreg $0xFFFFFFFF  }
0xc0: {  	_ =	task.clear_ibuf [dreg:s6], $0x2FFFF;
	_ =	strace $0x9FFFFFFF  }
0xc1: {  	(tm) =	ssettm $0x7FFFFFFF  }
tec
execute0_lowered:
.L_overlay_start_1:
0x0: {  	(tag) =	ssettag $0x1  }
0x1: {  	s4 =	rddreg [dreg:$0x0]  }
0x2: {  	s0 =	rddreg [dreg:$0x1];
	s2 =	simm.s32 $0x0;
	s3 =	srdreg.scid  }
0x3: {  	s1 =	stileid.u32;
	s10 =	simm.s32 $0x1080;
	s11 =	simm.s32 $0x1880  }
0x4: {  	s12 =	simm.s32 $0x2080;
	s13 =	simm.s32 $0x2880;
	s14 =	simm.s32 $0x3080  }
0x5: {  	s15 =	simm.s32 $0x3880;
	s16 =	simm.s32 $0x4080;
	s17 =	simm.s32 $0x4880  }
0x6: {  	s18 =	simm.s32 $0x5080;
	s19 =	simm.s32 $0x5880;
	s20 =	simm.s32 $0x6080  }
0x7: {  	s21 =	simm.s32 $0x6880;
	s22 =	simm.s32 $0x7080;
	s23 =	simm.s32 $0x7880  }
0x8: {  	s24 =	simm.s32 $0x1;
	s25 =	simm.s32 $0x0;
	s6 =	smul.u32 $0x600, s1  }
0x9: {  	[smem:$0x7FF] =	sst s2;
	s5 =	sand.u32 $0x1, s3;
	s8 =	smul.u32 $0xC000, s1  }
0xa: {  	s3 =	sadd.s32 $0xEC00, s4;
	s7 =	smul.u32 $0x300, s5;
	s9 =	ssub.s32 $0x2, s5  }
0xb: {  	_ =	strace $0x80000053;
	s5 =	smul.u32 $0x6000, s5;
	s31 =	sshrl.u32 s9, $0x1  }
0xc: {  	s8 =	sadd.s32 s8, s4;
	s6 =	sadd.s32 s7, s6;
	s7 =	ssub.s32 s9, s31  }
0xd: {  	v2 =	vlaneseq.u32;
	s5 =	sadd.s32 s5, s8;
	s8 =	simm.s32 $0x80;
	s6 =	sshrl.u32 s6, $0x3  }
0xe: {  	vm0 =	vmmov $0xffff;
	v1 =	vshrl.u32 v2, $0x3;
	s9 =	simm.s32 $0x880;
	s5 =	sadd.s32 $0x8EC00, s5;
	s6 =	sadd.s32 s6, s4  }
0xf: {  	v0 =	vand.u32 $0x7, v2;
	v2 =	vor.u32 $0x8, v2;
	v1 =	vmul.u32 $0x8, v1;
	s4 =	smax.u32 s7, $0x1;
	s7 =	simm.s32 $0x2;
	s6 =	sadd.s32 $0x17200, s6  }
.LBB2_1:
0x10: {  	s26 =	smov.u32 s5;
	s28 =	simm.s32 $0x0  }
.LBB2_2:
0x11: {  	s29 =	sadd.s32 s28, s6  }
0x12: {  	[tilespmem:s2], [sflag:$0x2] =	stream.linear.gather [hbm4b:s29+s2], $0x80, $0x38;
	[tilespmem:$0x8080] =	vst v63  }
0x13: {  	_ =	swait.ge [sflag:s7], $0x80  }
0x14: {  	[sflag:s7] =	ssyncset.done $0x0  }
0x15: {  	[sflag:s7] =	ssyncadd.s32 $0xFFFFFF80  }
0x16: {  	v3 =	vld [tilespmem:$0x0];
	_ =	sdelay $0x4  }
0x17: {  	v4 =	vshll.u32 v3, $0x1  }
0x18: {  	v3 =	vand.u32 $0x7, v3;
	v4 =	vand.u32 $0xFFFFFFF0, v4  }
0x19: {  	v3 =	vor.u32 v3, v4  }
0x1a: {  	v4 =	vperm.xlane v3, v0;
	_ =	sdelay $0x1  }
0x1b: {  	v3 =	vperm.xlane v3, v2;
	v4 =	vadd.s32 v1, v4;
	_ =	sdelay $0x1  }
0x1c: {  	v3 =	vadd.s32 v1, v3;
	_ =	sdelay $0x2  }
0x1d: {  	[tilespmem:s8], [sflag:$0x1] =	stream.indirect_vreg.gather [hbm4b:s3+s2], $0x80, v4, vm0, $0xb8;
	[tilespmem:$0x8080] =	vst v63  }
0x1e: {  	_ = 	snop  }
0x1f: {  	[tilespmem:s9], [sflag:$0x1] =	stream.indirect_vreg.gather [hbm4b:s3+s2], $0x80, v3, vm0, $0xb8;
	[tilespmem:$0x8080] =	vst v63  }
0x20: {  	v3 =	vld [tilespmem:$0x10];
	_ =	sdelay $0x4  }
0x21: {  	v57 =	vshll.u32 v3, $0x1  }
0x22: {  	v3 =	vand.u32 $0x7, v3;
	v4 =	vand.u32 $0xFFFFFFF0, v57  }
0x23: {  	v3 =	vor.u32 v3, v4  }
0x24: {  	v4 =	vperm.xlane v3, v0;
	_ =	sdelay $0x1  }
0x25: {  	v3 =	vperm.xlane v3, v2;
	v4 =	vadd.s32 v1, v4;
	_ =	sdelay $0x1  }
0x26: {  	v3 =	vadd.s32 v1, v3;
	_ =	sdelay $0x2  }
0x27: {  	[tilespmem:s10], [sflag:$0x1] =	stream.indirect_vreg.gather [hbm4b:s3+s2], $0x80, v4, vm0, $0xb8;
	[tilespmem:$0x8080] =	vst v63  }
0x28: {  	_ = 	snop  }
0x29: {  	[tilespmem:s11], [sflag:$0x1] =	stream.indirect_vreg.gather [hbm4b:s3+s2], $0x80, v3, vm0, $0xb8;
	[tilespmem:$0x8080] =	vst v63  }
0x2a: {  	v3 =	vld [tilespmem:$0x20];
	_ =	sdelay $0x4  }
0x2b: {  	v58 =	vshll.u32 v3, $0x1  }
0x2c: {  	v3 =	vand.u32 $0x7, v3;
	v4 =	vand.u32 $0xFFFFFFF0, v58  }
0x2d: {  	v3 =	vor.u32 v3, v4  }
0x2e: {  	v4 =	vperm.xlane v3, v0;
	_ =	sdelay $0x1  }
0x2f: {  	v3 =	vperm.xlane v3, v2;
	v4 =	vadd.s32 v1, v4;
	_ =	sdelay $0x1  }
0x30: {  	v3 =	vadd.s32 v1, v3;
	_ =	sdelay $0x2  }
0x31: {  	[tilespmem:s12], [sflag:$0x1] =	stream.indirect_vreg.gather [hbm4b:s3+s2], $0x80, v4, vm0, $0xb8;
	[tilespmem:$0x8080] =	vst v63  }
0x32: {  	_ = 	snop  }
0x33: {  	[tilespmem:s13], [sflag:$0x1] =	stream.indirect_vreg.gather [hbm4b:s3+s2], $0x80, v3, vm0, $0xb8;
	[tilespmem:$0x8080] =	vst v63  }
0x34: {  	v3 =	vld [tilespmem:$0x30];
	_ =	sdelay $0x4  }
0x35: {  	v59 =	vshll.u32 v3, $0x1  }
0x36: {  	v3 =	vand.u32 $0x7, v3;
	v4 =	vand.u32 $0xFFFFFFF0, v59  }
0x37: {  	v3 =	vor.u32 v3, v4  }
0x38: {  	v4 =	vperm.xlane v3, v0;
	_ =	sdelay $0x1  }
0x39: {  	v3 =	vperm.xlane v3, v2;
	v4 =	vadd.s32 v1, v4;
	_ =	sdelay $0x1  }
0x3a: {  	v3 =	vadd.s32 v1, v3;
	_ =	sdelay $0x2  }
0x3b: {  	[tilespmem:s14], [sflag:$0x1] =	stream.indirect_vreg.gather [hbm4b:s3+s2], $0x80, v4, vm0, $0xb8;
	[tilespmem:$0x8080] =	vst v63  }
0x3c: {  	_ = 	snop  }
0x3d: {  	[tilespmem:s15], [sflag:$0x1] =	stream.indirect_vreg.gather [hbm4b:s3+s2], $0x80, v3, vm0, $0xb8;
	[tilespmem:$0x8080] =	vst v63  }
0x3e: {  	v3 =	vld [tilespmem:$0x40];
	_ =	sdelay $0x4  }
0x3f: {  	v60 =	vshll.u32 v3, $0x1  }
0x40: {  	v3 =	vand.u32 $0x7, v3;
	v4 =	vand.u32 $0xFFFFFFF0, v60  }
0x41: {  	v3 =	vor.u32 v3, v4  }
0x42: {  	v4 =	vperm.xlane v3, v0;
	_ =	sdelay $0x1  }
0x43: {  	v3 =	vperm.xlane v3, v2;
	v4 =	vadd.s32 v1, v4;
	_ =	sdelay $0x1  }
0x44: {  	v3 =	vadd.s32 v1, v3;
	_ =	sdelay $0x2  }
0x45: {  	[tilespmem:s16], [sflag:$0x1] =	stream.indirect_vreg.gather [hbm4b:s3+s2], $0x80, v4, vm0, $0xb8;
	[tilespmem:$0x8080] =	vst v63  }
0x46: {  	_ = 	snop  }
0x47: {  	[tilespmem:s17], [sflag:$0x1] =	stream.indirect_vreg.gather [hbm4b:s3+s2], $0x80, v3, vm0, $0xb8;
	[tilespmem:$0x8080] =	vst v63  }
0x48: {  	v3 =	vld [tilespmem:$0x50];
	_ =	sdelay $0x4  }
0x49: {  	v61 =	vshll.u32 v3, $0x1  }
0x4a: {  	v3 =	vand.u32 $0x7, v3;
	v4 =	vand.u32 $0xFFFFFFF0, v61  }
0x4b: {  	v3 =	vor.u32 v3, v4  }
0x4c: {  	v4 =	vperm.xlane v3, v0;
	_ =	sdelay $0x1  }
0x4d: {  	v3 =	vperm.xlane v3, v2;
	v4 =	vadd.s32 v1, v4;
	_ =	sdelay $0x1  }
0x4e: {  	v3 =	vadd.s32 v1, v3;
	_ =	sdelay $0x2  }
0x4f: {  	[tilespmem:s18], [sflag:$0x1] =	stream.indirect_vreg.gather [hbm4b:s3+s2], $0x80, v4, vm0, $0xb8;
	[tilespmem:$0x8080] =	vst v63  }
0x50: {  	_ = 	snop  }
0x51: {  	[tilespmem:s19], [sflag:$0x1] =	stream.indirect_vreg.gather [hbm4b:s3+s2], $0x80, v3, vm0, $0xb8;
	[tilespmem:$0x8080] =	vst v63  }
0x52: {  	v3 =	vld [tilespmem:$0x60];
	_ =	sdelay $0x4  }
0x53: {  	v62 =	vshll.u32 v3, $0x1  }
0x54: {  	v3 =	vand.u32 $0x7, v3;
	v4 =	vand.u32 $0xFFFFFFF0, v62  }
0x55: {  	v3 =	vor.u32 v3, v4  }
0x56: {  	v4 =	vperm.xlane v3, v0;
	_ =	sdelay $0x1  }
0x57: {  	v3 =	vperm.xlane v3, v2;
	v4 =	vadd.s32 v1, v4;
	_ =	sdelay $0x1  }
0x58: {  	v3 =	vadd.s32 v1, v3;
	_ =	sdelay $0x2  }
0x59: {  	[tilespmem:s20], [sflag:$0x1] =	stream.indirect_vreg.gather [hbm4b:s3+s2], $0x80, v4, vm0, $0xb8;
	[tilespmem:$0x8080] =	vst v63  }
0x5a: {  	_ = 	snop  }
0x5b: {  	[tilespmem:s21], [sflag:$0x1] =	stream.indirect_vreg.gather [hbm4b:s3+s2], $0x80, v3, vm0, $0xb8;
	[tilespmem:$0x8080] =	vst v63  }
0x5c: {  	v3 =	vld [tilespmem:$0x70];
	_ =	sdelay $0x4  }
0x5d: {  	v63 =	vshll.u32 v3, $0x1  }
0x5e: {  	v3 =	vand.u32 $0x7, v3;
	v4 =	vand.u32 $0xFFFFFFF0, v63  }
0x5f: {  	v3 =	vor.u32 v3, v4  }
0x60: {  	v4 =	vperm.xlane v3, v0;
	_ =	sdelay $0x1  }
0x61: {  	v3 =	vperm.xlane v3, v2;
	v4 =	vadd.s32 v1, v4;
	_ =	sdelay $0x1  }
0x62: {  	v3 =	vadd.s32 v1, v3;
	_ =	sdelay $0x2  }
0x63: {  	[tilespmem:s22], [sflag:$0x1] =	stream.indirect_vreg.gather [hbm4b:s3+s2], $0x80, v4, vm0, $0xb8;
	[tilespmem:$0x8080] =	vst v63  }
0x64: {  	_ = 	snop  }
0x65: {  	[tilespmem:s23], [sflag:$0x1] =	stream.indirect_vreg.gather [hbm4b:s3+s2], $0x80, v3, vm0, $0xb8;
	[tilespmem:$0x8080] =	vst v63  }
0x66: {  	_ =	swait.ge [sflag:s24], $0x8000  }
0x67: {  	p0 =	sne.s32 s28, $0x50;
	[sflag:s24] =	ssyncset.done $0x0  }
.Ltmp0:
0x68: {  	[sflag:s24] =	ssyncadd.s32 $0xFFFF8000;
	(pc) =	sbr.rel @p0 .LBB2_2-.Ltmp0, $4  }
0x69: {  	[hbm4b:s26+s2] =	stream.linear.scatter [tilespmem:s8], [sflag:$0x2], $0x8000, $0x38;
	[tilespmem:$0x8080] =	vst v63  }
0x6a: {  	_ =	swait.ge [sflag:s7], $0x8000  }
0x6b: {  	[sflag:s7] =	ssyncset.done $0x0  }
0x6c: {  	s28 =	sadd.s32 $0x10, s28;
	s26 =	sadd.s32 $0x1000, s26;
	[sflag:s7] =	ssyncadd.s32 $0xFFFF8000  }
0x6d: {  	s25 =	sadd.s32 $0x1, s25  }
0x6e: {  	p0 =	sne.s32 s25, s4  }
.Ltmp1:
0x6f: {  	_ = 	snop;
	(pc) =	sbr.rel @p0 .LBB2_1-.Ltmp1, $1  }
0x70: {  	_ =	sdelay $0x3  }
0x71: {  	_ =	sfence.sel $0x180000  }
0x72: {  	[bflag:$0x0] =	sbarrier.arrive $0xFFFF  }
0x73: {  	p0 =	sne.s32 s1, $0x0;
	_ =	strace $0x90000053  }
0x74: {  	s0 =	sadd.s32 @!p0 $0x100000, s0;
	[bflag:$0x2] =	sbarrier.arrive $0xFFFF  }
0x75: {  	[sflag:s0] =	ssyncadd.tile.s32 @!p0 $0x1;
	_ =	shalt  }
.Lfunc_end2:
_tile_overlayer_lowered:
.L_overlay_start_2:
0x76: {  	(tag) =	ssettag $0x2  }
0x77: {  	s0 =	rddreg [dreg:$0x0];
	s2 =	stileid.u32  }
0x78: {  	s1 =	rddreg [dreg:$0x1];
	p0 =	sne.s32 s2, $0x0  }
0x79: {  	s3 =	rddreg [dreg:$0x2];
	[bflag:$0x3] =	sbarrier.arrive $0xFFFF;
	s2 =	simm.s32 @!p0 $0x1C02  }
0x7a: {  	[timem:s3], [sflag:s2] =	dma.local @!p0 [hbm:s0], s1  }
0x7b: {  	s0 =	simm.s32 @!p0 $0x2  }
0x7c: {  	_ =	swait.ge @!p0 [sflag:s0], s1  }
0x7d: {  	s1 =	ssub.s32 @!p0 $0x0, s1;
	[sflag:s0] =	ssyncset.done @!p0 $0x0  }
0x7e: {  	[sflag:s0] =	ssyncadd.s32 @!p0 s1  }
0x7f: {  	[bflag:$0x3] =	sbarrier.arrive $0xFFFF  }
0x80: {  	_ =	shalt  }

// kernel: kernel.38.cloned.1.call-start
scs
__scs_entry_jumppad:
0x0: {  	(pc) =	sbr.rel $0x88, $3  }
0x1: {  	(tag) =	ssettag $0x0;
	lr =	simm.s32 $0x1  }
0x2: {  	[smem:$0x3F21] =	sst lr;
	_ =	strace $0xD0000000  }
0x3: {  	_ = 	snop  }
0x4: {  	_ = 	snop  }
0x5: {  	_ = 	snop  }
0x6: {  	_ = 	snop  }
0x7: {  	_ = 	snop  }
__scs_overlays_trampoline_lowered:
0x8: {  	[smem:$0x3F30] =	sst s0  }
0x9: {  	[smem:$0x3F31] =	sst s1  }
0xa: {  	[smem:$0x3F32] =	sst s2  }
0xb: {  	[smem:$0x3F33] =	sst s3  }
0xc: {  	[smem:$0x3F34] =	sst s4  }
0xd: {  	[smem:$0x3F35] =	sst s5  }
0xe: {  	[smem:$0x3F36] =	sst s6  }
0xf: {  	[smem:$0x3F37] =	sst s7  }
0x10: {  	[smem:$0x3F38] =	sst s8  }
0x11: {  	[smem:$0x3F39] =	sst s9;
	s0 =	simm.s32 @!p0 $0x0  }
0x12: {  	s1 =	sld [smem:$0x3F1F];
	s0 =	simm.s32 @p0 $0x1  }
0x13: {  	[smem:$0x3F3A] =	sst s0;
	s0 =	simm.s32 @!p1 $0x0  }
0x14: {  	s2 =	sld [smem:$0x3F1E];
	s0 =	simm.s32 @p1 $0x1  }
0x15: {  	[smem:$0x3F3B] =	sst s0;
	s0 =	simm.s32 @!p2 $0x0  }
0x16: {  	s3 =	sld [smem:$0x3FDB];
	s0 =	simm.s32 @p2 $0x1  }
0x17: {  	s4 =	simm.s32 $0x1BF5;
	[smem:$0x3F3D] =	sst s0  }
0x18: {  	s0 =	sld [smem:$0x3F20];
	_ =	swait.ge [sflag:s4], $0x0  }
0x19: {  	s7 =	sld [smem:$0x3F21]  }
0x1a: {  	s8 =	sadd.s32 $0xFFFFE003, lr  }
0x1b: {  	s9 =	sadd.s32 $0xFFFFFEF7, lr;
	s5 =	simm.s32 $0xFFFFFFFF;
	p2 =	slt.u32 s8, $0xFFFFF086  }
0x1c: {  	p1 =	slt.u32 s9, $0xF7A;
	s5 =	simm.s32 @!p2 $0x0  }
0x1d: {  	s5 =	simm.s32 @p1 $0x1;
	p0 =	seq.s32 s7, s2  }
0x1e: {  	s7 =	smul.u32 @!p0 $0xF7A, s2;
	p2 =	seq.s32 @!p0 s5, $0x0  }
0x1f: {  	s9 =	smul.u32 $0xF7A, s1;
	s8 =	simm.s32 @!p0 $0x1BF5;
	p2 =	por !p2, p0  }
0x20: {  	[sflag:s8] =	ssyncset.s32 @!p0 $0xFFFFF086;
	s6 =	sadd.s32 @!p0 s3, s7;
	s7 =	simm.s32 @!p0 $0x108  }
0x21: {  	s3 =	sadd.s32 s3, s9;
	s6 =	sadd.s32 @!p0 $0x88, s6;
	s7 =	simm.s32 @p2 $0x1082  }
0x22: {  	[simem:s7], [sflag:s8] =	dma.local @!p0 [hbm:s6], $0xF7A  }
0x23: {  	s9 =	sor.u32 $0xD0000000, s2;
	s6 =	simm.s32 $0x108;
	_ =	swait.ge @!p0 [sflag:s8], $0x0  }
0x24: {  	s3 =	sadd.s32 $0x88, s3;
	s6 =	simm.s32 @!p1 $0x1082;
	[sflag:s4] =	ssyncset.s32 $0xFFFFF086  }
0x25: {  	[simem:s6], [sflag:s4] =	dma.local [hbm:s3], $0xF7A  }
0x26: {  	[smem:$0x3F21] =	sst s1;
	(tag) =	ssettag s2;
	_ =	strace s9  }
0x27: {  	s1 =	sld [smem:$0x3F31]  }
0x28: {  	s2 =	sld [smem:$0x3F32]  }
0x29: {  	s4 =	sld [smem:$0x3F34]  }
0x2a: {  	p0 =	seq.s32 s5, $0x0;
	s5 =	sld [smem:$0x3F35]  }
0x2b: {  	s6 =	sld [smem:$0x3F36]  }
0x2c: {  	s7 =	sld [smem:$0x3F37]  }
0x2d: {  	s3 =	simm.s32 $0x108;
	s8 =	sld [smem:$0x3F38]  }
0x2e: {  	s3 =	simm.s32 @!p0 $0x1082;
	s9 =	sld [smem:$0x3F39]  }
0x2f: {  	lr =	sadd.s32 s0, s3;
	s0 =	sld [smem:$0x3F30]  }
0x30: {  	s3 =	sld [smem:$0x3F33]  }
0x31: {  	[smem:$0x3F3C] =	sst s10  }
0x32: {  	s10 =	sld [smem:$0x3F3A];
	_ =	sdelay $0x3  }
0x33: {  	p0 =	seq.s32 s10, $0x1;
	s10 =	sld [smem:$0x3F3C];
	_ =	sdelay $0x3  }
0x34: {  	[smem:$0x3F3C] =	sst s10  }
0x35: {  	s10 =	sld [smem:$0x3F3B];
	_ =	sdelay $0x3  }
0x36: {  	p1 =	seq.s32 s10, $0x1;
	s10 =	sld [smem:$0x3F3C];
	_ =	sdelay $0x3  }
0x37: {  	[smem:$0x3F3C] =	sst s10  }
0x38: {  	s10 =	sld [smem:$0x3F3D]  }
0x39: {  	_ = 	snop;
	(pc) =	sbr.ind lr, $3  }
0x3a: {  	_ = 	snop  }
0x3b: {  	_ = 	snop  }
0x3c: {  	p2 =	seq.s32 s10, $0x1;
	s10 =	sld [smem:$0x3F3C]  }
0x3d: {  	_ =	shalt  }
0x3e: {  	_ =	shalt  }
0x3f: {  	_ =	shalt  }
0x40: {  	_ =	shalt  }
0x41: {  	_ =	shalt  }
0x42: {  	_ =	shalt  }
0x43: {  	_ =	shalt  }
0x44: {  	_ =	shalt  }
0x45: {  	_ =	shalt  }
0x46: {  	_ =	shalt  }
0x47: {  	_ =	shalt  }
0x48: {  	_ =	shalt  }
0x49: {  	_ =	shalt  }
0x4a: {  	_ =	shalt  }
0x4b: {  	_ =	shalt  }
0x4c: {  	_ =	shalt  }
0x4d: {  	_ =	shalt  }
0x4e: {  	_ =	shalt  }
0x4f: {  	_ =	shalt  }
0x50: {  	_ =	shalt  }
0x51: {  	_ =	shalt  }
0x52: {  	_ =	shalt  }
0x53: {  	_ =	shalt  }
0x54: {  	_ =	shalt  }
0x55: {  	_ =	shalt  }
0x56: {  	_ =	shalt  }
0x57: {  	_ =	shalt  }
0x58: {  	_ =	shalt  }
0x59: {  	_ =	shalt  }
0x5a: {  	_ =	shalt  }
0x5b: {  	_ =	shalt  }
0x5c: {  	_ =	shalt  }
0x5d: {  	_ =	shalt  }
0x5e: {  	_ =	shalt  }
0x5f: {  	_ =	shalt  }
0x60: {  	_ =	shalt  }
0x61: {  	_ =	shalt  }
0x62: {  	_ =	shalt  }
0x63: {  	_ =	shalt  }
0x64: {  	_ =	shalt  }
0x65: {  	_ =	shalt  }
0x66: {  	_ =	shalt  }
0x67: {  	_ =	shalt  }
0x68: {  	_ =	shalt  }
0x69: {  	_ =	shalt  }
0x6a: {  	_ =	shalt  }
0x6b: {  	_ =	shalt  }
0x6c: {  	_ =	shalt  }
0x6d: {  	_ =	shalt  }
0x6e: {  	_ =	shalt  }
0x6f: {  	_ =	shalt  }
0x70: {  	_ =	shalt  }
0x71: {  	_ =	shalt  }
0x72: {  	_ =	shalt  }
0x73: {  	_ =	shalt  }
0x74: {  	_ =	shalt  }
0x75: {  	_ =	shalt  }
0x76: {  	_ =	shalt  }
0x77: {  	_ =	shalt  }
0x78: {  	_ =	shalt  }
0x79: {  	_ =	shalt  }
0x7a: {  	_ =	shalt  }
0x7b: {  	_ =	shalt  }
0x7c: {  	_ =	shalt  }
0x7d: {  	_ =	shalt  }
0x7e: {  	_ =	shalt  }
0x7f: {  	_ =	shalt  }
0x80: {  	_ =	shalt  }
0x81: {  	_ =	shalt  }
0x82: {  	_ =	shalt  }
0x83: {  	_ =	shalt  }
0x84: {  	_ =	shalt  }
0x85: {  	_ =	shalt  }
0x86: {  	_ =	shalt  }
0x87: {  	_ =	shalt  }
.Lfunc_end0:
.L_simem_size_0:
called_computation.5_lowered:
.L_overlay_start_0:
0x88: {  	s2 =	sld [smem:$0x3FD9]  }
0x89: {  	s3 =	sld [smem:$0x3FFE];
	_ =	sdelay $0x1  }
0x8a: {  	s1 =	srdreg.scid  }
0x8b: {  	s0 =	sand.u32 $0x1, s1  }
0x8c: {  	s16 =	sshll.u32 s0, $0xA;
	s2 =	sadd.s32 s3, s2  }
0x8d: {  	s2 =	sadd.s32 s2, s16  }
0x8e: {  	[smem:$0x3F48] =	sst s2  }
0x8f: {  	_ = 	snop  }
0x90: {  	(tm) =	ssettm $0x1  }
0x91: {  	s17 =	sld [smem:$0x3FFB];
	_ =	sdelay $0x3  }
0x92: {  	_ =	strace s17  }
0x93: {  	s2 =	sld [smem:$0x3FFC];
	_ =	sdelay $0x3  }
0x94: {  	_ =	strace s2  }
0x95: {  	s2 =	sld [smem:$0x3FFD];
	_ =	sdelay $0x3  }
0x96: {  	_ =	strace s2  }
0x97: {  	_ =	strace $0x8FFFFFFF  }
0x98: {  	s18 =	sld [smem:$0x3FDB];
	_ =	sdelay $0x1  }
0x99: {  	s19 =	simm.s32 $_scs_section_size  }
0x9a: {  	s4 =	simm.s32 $_size__tile_overlayer_lowered;
	s5 =	simm.s32 $_tile_overlayer_lowered  }
0x9b: {  	s22 =	simm.s32 $0x1BFF;
	s21 =	sshll.u32 s5, $0x1;
	s2 =	sadd.s32 s19, s18  }
0x9c: {  	s6 =	simm.s32 $0x0;
	s20 =	sshll.u32 s4, $0x1;
	s4 =	sadd.s32 s21, s2  }
0x9d: {  	[timem:s6], [sflag:s22] =	dma.local [hbm:s4], s20  }
0x9e: {  	_ =	swait.ge [sflag:s22], s20  }
0x9f: {  	s3 =	ssub.s32 $0x0, s20;
	[sflag:s22] =	ssyncset.done $0x0  }
0xa0: {  	[sflag:s22] =	ssyncadd.s32 s3;
	_ =	sdelay $0x1  }
0xa1: {  	s23 =	simm.s32 $0x1B8B  }
0xa2: {  	_ =	swait.ge [sflag:s23], $0x1  }
0xa3: {  	[sflag:s23] =	ssyncset.done $0x0  }
0xa4: {  	s25 =	simm.s32 $0x1B8E;
	s24 =	sld [smem:$0x3FFE];
	[sflag:s23] =	ssyncadd.s32 $0xFFFFFFFF  }
0xa5: {  	s26 =	simm.s32 $execute0_lowered;
	[smem:$0x3FD2] =	sst s25  }
0xa6: {  	s4 =	sshll.u32 s26, $0x1;
	_ =	strace $0x80000055;
	[dreg:$0x1] =	wrdreg $0xFFFFFFFF  }
0xa7: {  	s28 =	simm.s32 $_size_execute0_lowered;
	s2 =	sadd.s32 s2, s4;
	[dreg:$0x0] =	wrdreg $0x0  }
0xa8: {  	s4 =	sshll.u32 s28, $0x1;
	[dreg:$0x2] =	wrdreg s2  }
0xa9: {  	[dreg:$0x3] =	wrdreg s4  }
0xaa: {  	[dreg:$0x4] =	wrdreg $0xC0  }
0xab: {  	_ =	task [dreg:s6], $0x5FFFF  }
0xac: {  	[dreg:$0x1] =	wrdreg $0xFFFFFFFF  }
0xad: {  	[dreg:$0x0] =	wrdreg $0x60  }
0xae: {  	[dreg:$0x2] =	wrdreg s24  }
0xaf: {  	[dreg:$0x3] =	wrdreg $0x9  }
0xb0: {  	_ =	task.clear_ibuf [dreg:s6], $0x4FFFF;
	_ =	strace $0x90000055  }
0xb1: {  	s29 =	simm.s32 $0x9;
	_ =	strace $0x80000057  }
0xb2: {  	_ =	swait.ge [sflag:s29], $0x1  }
0xb3: {  	[sflag:s29] =	ssyncadd.s32 $0xFFFFFFFF  }
0xb4: {  	_ =	strace $0x90000057  }
0xb5: {  	_ =	sfence  }
0xb6: {  	s30 =	sld [smem:$0x0];
	_ =	sdelay $0x2  }
0xb7: {  	s31 =	sshll.u32 s1, $0xD;
	s1 =	sshrl.u32 s1, $0x2  }
0xb8: {  	s3 =	sand.u32 $0x4000, s31;
	s1 =	sadd.s32 s1, s30  }
0xb9: {  	s0 =	sor.u32 s3, s0;
	s1 =	sshll.u32 s1, $0x11  }
0xba: {  	s0 =	sor.u32 s1, s0  }
0xbb: {  	s0 =	sadd.s32 $0x8F2B, s0  }
0xbc: {  	[sflag:s0] =	ssyncadd.remote.s32 $0x1  }
0xbd: {  	_ =	sfence.sel $0xFFFF  }
0xbe: {  	[dreg:$0x0] =	wrdreg $0xFFFFFFFF;
	(pc) =	sbr.abs _section_cstart, $3  }
0xbf: {  	[dreg:$0x1] =	wrdreg $0xFFFFFFFF  }
0xc0: {  	_ =	task.clear_ibuf [dreg:s6], $0x2FFFF;
	_ =	strace $0x9FFFFFFF  }
0xc1: {  	(tm) =	ssettm $0x7FFFFFFF  }
tec
execute0_lowered:
.L_overlay_start_1:
0x0: {  	(tag) =	ssettag $0x1  }
0x1: {  	s4 =	rddreg [dreg:$0x0]  }
0x2: {  	s0 =	rddreg [dreg:$0x1];
	s2 =	simm.s32 $0x0;
	s1 =	stileid.u32  }
0x3: {  	s3 =	srdreg.scid;
	s10 =	simm.s32 $0x0;
	s6 =	smul.u32 $0x3B00, s1  }
0x4: {  	[smem:$0x7FF] =	sst s2;
	s5 =	sand.u32 $0x1, s3;
	s8 =	smul.u32 $0x3B000, s1  }
0x5: {  	s3 =	sadd.s32 $0xEC00, s4;
	s7 =	smul.u32 $0x1D80, s5;
	s9 =	ssub.s32 $0x2, s5  }
0x6: {  	_ =	strace $0x80000056;
	s5 =	smul.u32 $0x1D800, s5;
	s31 =	sshrl.u32 s9, $0x1  }
0x7: {  	s8 =	sadd.s32 s8, s4;
	s6 =	sadd.s32 s7, s6;
	s7 =	ssub.s32 s9, s31  }
0x8: {  	s5 =	sadd.s32 s5, s8;
	s8 =	simm.s32 $0x80;
	s6 =	sshrl.u32 s6, $0x3  }
0x9: {  	s9 =	simm.s32 $0x1;
	s5 =	sadd.s32 $0x8EC00, s5;
	s6 =	sadd.s32 s6, s4  }
0xa: {  	s4 =	smax.u32 s7, $0x1;
	s7 =	simm.s32 $0x2;
	s6 =	sadd.s32 $0x87600, s6  }
.LBB2_1:
0xb: {  	s11 =	sadd.s32 $0x0, s6  }
0xc: {  	[tilespmem:s2], [sflag:$0x2] =	stream.linear.gather [hbm4b:s11+s2], $0x80, $0x38;
	[tilespmem:$0x4080] =	vst v63  }
0xd: {  	_ =	swait.ge [sflag:s7], $0x80  }
0xe: {  	[sflag:s7] =	ssyncset.done $0x0  }
0xf: {  	[sflag:s7] =	ssyncadd.s32 $0xFFFFFF80  }
0x10: {  	[tilespmem:s8], [sflag:$0x1] =	stream.indirect.gather [hbm4b:s3+s8], $0x80, s2, s8, $0xb8;
	[tilespmem:$0x4080] =	vst v63  }
0x11: {  	_ =	swait.ge [sflag:s9], $0x4000  }
0x12: {  	[sflag:s9] =	ssyncset.done $0x0  }
0x13: {  	[sflag:s9] =	ssyncadd.s32 $0xFFFFC000  }
0x14: {  	[hbm4b:s5+s2] =	stream.linear.scatter [tilespmem:s8], [sflag:$0x2], $0x4000, $0x38;
	[tilespmem:$0x4080] =	vst v63  }
0x15: {  	s12 =	simm.s32 $0x10;
	_ =	swait.ge [sflag:s7], $0x4000  }
0x16: {  	s13 =	simm.s32 $0x20;
	s11 =	sadd.s32 $0x800, s5;
	[sflag:s7] =	ssyncset.done $0x0  }
.LBB2_2:
0x17: {  	s14 =	sadd.s32 s12, s6  }
0x18: {  	[sflag:s7] =	ssyncadd.s32 $0xFFFFC000;
	s12 =	smov.u32 s13;
	s15 =	sadd.s32 $0x10, s13  }
0x19: {  	[tilespmem:s2], [sflag:$0x2] =	stream.linear.gather [hbm4b:s14+s2], $0x80, $0x38;
	[tilespmem:$0x4080] =	vst v63  }
0x1a: {  	p0 =	sne.s32 s13, $0x3A0;
	_ =	swait.ge [sflag:s7], $0x80  }
0x1b: {  	[sflag:s7] =	ssyncset.done $0x0  }
0x1c: {  	[sflag:s7] =	ssyncadd.s32 $0xFFFFFF80  }
0x1d: {  	[tilespmem:s8], [sflag:$0x1] =	stream.indirect.gather [hbm4b:s3+s8], $0x80, s2, s8, $0xb8;
	[tilespmem:$0x4080] =	vst v63  }
0x1e: {  	_ =	swait.ge [sflag:s9], $0x4000  }
.Ltmp0:
0x1f: {  	[sflag:s9] =	ssyncset.done $0x0;
	(pc) =	sbr.rel @p0 .LBB2_2-.Ltmp0, $4  }
0x20: {  	[sflag:s9] =	ssyncadd.s32 $0xFFFFC000  }
0x21: {  	[hbm4b:s11+s2] =	stream.linear.scatter [tilespmem:s8], [sflag:$0x2], $0x4000, $0x38;
	[tilespmem:$0x4080] =	vst v63  }
0x22: {  	_ =	swait.ge [sflag:s7], $0x4000  }
0x23: {  	s13 =	smov.u32 s15;
	s11 =	sadd.s32 $0x800, s11;
	[sflag:s7] =	ssyncset.done $0x0  }
0x24: {  	s12 =	sadd.s32 s12, s6;
	[sflag:s7] =	ssyncadd.s32 $0xFFFFC000  }
0x25: {  	[tilespmem:s2], [sflag:$0x2] =	stream.linear.gather [hbm4b:s12+s2], $0x80, $0x38;
	[tilespmem:$0x4080] =	vst v63  }
0x26: {  	_ =	swait.ge [sflag:s7], $0x80  }
0x27: {  	[sflag:s7] =	ssyncset.done $0x0  }
0x28: {  	[sflag:s7] =	ssyncadd.s32 $0xFFFFFF80  }
0x29: {  	[tilespmem:s8], [sflag:$0x1] =	stream.indirect.gather [hbm4b:s3+s8], $0x80, s2, s8, $0xb8;
	[tilespmem:$0x4080] =	vst v63  }
0x2a: {  	s10 =	sadd.s32 $0x1, s10;
	_ =	swait.ge [sflag:s9], $0x4000  }
0x2b: {  	p0 =	sne.s32 s10, s4;
	[sflag:s9] =	ssyncset.done $0x0  }
.Ltmp1:
0x2c: {  	[sflag:s9] =	ssyncadd.s32 $0xFFFFC000;
	(pc) =	sbr.rel @p0 .LBB2_1-.Ltmp1, $4  }
0x2d: {  	[hbm4b:s11+s2] =	stream.linear.scatter [tilespmem:s8], [sflag:$0x2], $0x4000, $0x38;
	[tilespmem:$0x4080] =	vst v63  }
0x2e: {  	_ =	swait.ge [sflag:s7], $0x4000  }
0x2f: {  	[sflag:s7] =	ssyncset.done $0x0  }
0x30: {  	[sflag:s7] =	ssyncadd.s32 $0xFFFFC000  }
0x31: {  	_ =	sfence.sel $0x180000  }
0x32: {  	[bflag:$0x0] =	sbarrier.arrive $0xFFFF  }
0x33: {  	p0 =	sne.s32 s1, $0x0;
	_ =	strace $0x90000056  }
0x34: {  	s0 =	sadd.s32 @!p0 $0x100000, s0;
	[bflag:$0x2] =	sbarrier.arrive $0xFFFF  }
0x35: {  	[sflag:s0] =	ssyncadd.tile.s32 @!p0 $0x1;
	_ =	shalt  }
.Lfunc_end2:
_tile_overlayer_lowered:
.L_overlay_start_2:
0x36: {  	(tag) =	ssettag $0x2  }
0x37: {  	s0 =	rddreg [dreg:$0x0];
	s2 =	stileid.u32  }
0x38: {  	s1 =	rddreg [dreg:$0x1];
	p0 =	sne.s32 s2, $0x0  }
0x39: {  	s3 =	rddreg [dreg:$0x2];
	[bflag:$0x3] =	sbarrier.arrive $0xFFFF;
	s2 =	simm.s32 @!p0 $0x1C02  }
0x3a: {  	[timem:s3], [sflag:s2] =	dma.local @!p0 [hbm:s0], s1  }
0x3b: {  	s0 =	simm.s32 @!p0 $0x2  }
0x3c: {  	_ =	swait.ge @!p0 [sflag:s0], s1  }
0x3d: {  	s1 =	ssub.s32 @!p0 $0x0, s1;
	[sflag:s0] =	ssyncset.done @!p0 $0x0  }
0x3e: {  	[sflag:s0] =	ssyncadd.s32 @!p0 s1  }
0x3f: {  	[bflag:$0x3] =	sbarrier.arrive $0xFFFF  }
0x40: {  	_ =	shalt  }

</sc_bundles>
